<compile_context>
chip_gen: v7x
topology: tpu7x:2x2x1
jax: 0.10.2.dev20260603
libtpu: 0.0.44.dev20260713+nightly
codegen_flags: <defaults>
</compile_context>

<pallas_src>
import functools

import jax
import jax.numpy as jnp
from jax import lax
from jax.experimental import pallas as pl
from jax.experimental.pallas import tpu as pltpu
from jax.experimental.pallas import tpu_sc as plsc

NEG_SLOPE = 0.2
EPS_BN = 1e-5

_L = 16
_NSUB = 16
_NCORE = 2
_NW = _NSUB * _NCORE
_CH = 96


def _tc_pre(x, Wsat, bsat, Wnei, bnei, Wfa, Wfb, bfus, W1, asrc, adst):
    n, h = x.shape[0], W1.shape[0]

    def body(x_r, wsat_r, bsat_r, wnei_r, bnei_r, wfa_r, wfb_r, bfus_r,
             w1_r, as_r, ad_r, h0_r, z_r, zs_r, zd_r):
        xv = x_r[...]
        sat = jnp.maximum(xv @ wsat_r[...] + bsat_r[...], 0.0)
        nei = jnp.maximum(xv @ wnei_r[...] + bnei_r[...], 0.0)
        gl = sat @ wfa_r[...] + nei @ wfb_r[...] + bfus_r[...]
        gate = 1.0 / (1.0 + jnp.exp(-gl))
        h0 = gate * sat + (1.0 - gate) * nei
        z = h0 @ w1_r[...]
        h0_r[...] = h0
        z_r[...] = z
        zs_r[...] = z @ as_r[...]
        zd_r[...] = z @ ad_r[...]

    return pl.pallas_call(
        body,
        out_shape=(
            jax.ShapeDtypeStruct((n, h), jnp.float32),
            jax.ShapeDtypeStruct((n, h), jnp.float32),
            jax.ShapeDtypeStruct((n, 1), jnp.float32),
            jax.ShapeDtypeStruct((n, 1), jnp.float32),
        ),
    )(x, Wsat, bsat, Wnei, bnei, Wfa, Wfb, bfus, W1, asrc, adst)


def _tc_mid(num, den, h0, bc, g, be, W2, asrc, adst):
    n, h = h0.shape

    def body(num_r, den_r, h0_r, bc_r, g_r, be_r, w2_r, as_r, ad_r,
             h1_r, z_r, zs_r, zd_r):
        s = num_r[0, :n, :] + num_r[1, :n, :]
        d = den_r[0, :n, :] + den_r[1, :n, :]
        gat = s / (d + 1e-16) + bc_r[...]
        mu = jnp.mean(gat, axis=0, keepdims=True)
        var = jnp.mean((gat - mu) ** 2, axis=0, keepdims=True)
        bn = g_r[...] * (gat - mu) * lax.rsqrt(var + EPS_BN) + be_r[...]
        h1 = jnp.maximum(bn, 0.0) + h0_r[...]
        z = h1 @ w2_r[...]
        h1_r[...] = h1
        z_r[...] = z
        zs_r[...] = z @ as_r[...]
        zd_r[...] = z @ ad_r[...]

    return pl.pallas_call(
        body,
        out_shape=(
            jax.ShapeDtypeStruct((n, h), jnp.float32),
            jax.ShapeDtypeStruct((n, h), jnp.float32),
            jax.ShapeDtypeStruct((n, 1), jnp.float32),
            jax.ShapeDtypeStruct((n, 1), jnp.float32),
        ),
    )(num, den, h0, bc, g, be, W2, asrc, adst)


def _tc_post(num, den, h1, bc, g, be, Wf1, bf1, Wf2, bf2):
    n, h = h1.shape
    out_d = Wf2.shape[1]

    def body(num_r, den_r, h1_r, bc_r, g_r, be_r, wf1_r, bf1_r, wf2_r, bf2_r,
             out_r):
        s = num_r[0, :n, :] + num_r[1, :n, :]
        d = den_r[0, :n, :] + den_r[1, :n, :]
        gat = s / (d + 1e-16) + bc_r[...]
        mu = jnp.mean(gat, axis=0, keepdims=True)
        var = jnp.mean((gat - mu) ** 2, axis=0, keepdims=True)
        bn = g_r[...] * (gat - mu) * lax.rsqrt(var + EPS_BN) + be_r[...]
        hh = jnp.maximum(bn, 0.0) + h1_r[...]
        hh = jnp.maximum(hh @ wf1_r[...] + bf1_r[...], 0.0)
        out_r[...] = hh @ wf2_r[...] + bf2_r[...]

    return pl.pallas_call(
        body,
        out_shape=jax.ShapeDtypeStruct((n, out_d), jnp.float32),
    )(num, den, h1, bc, g, be, Wf1, bf1, Wf2, bf2)


def _sc_gat(z, zs_pad, zd_pad, src, dst, n_acc, e_pad):
    h = z.shape[1]
    epw = e_pad // _NW
    nch = epw // _CH
    rpt = n_acc // _NSUB
    nrb = 8
    bs = rpt // nrb
    mesh = plsc.VectorSubcoreMesh(core_axis_name="c", subcore_axis_name="s")

    @functools.partial(
        pl.kernel,
        out_type=(
            jax.ShapeDtypeStruct((_NCORE, n_acc, h), jnp.float32),
            jax.ShapeDtypeStruct((_NCORE, n_acc), jnp.float32),
        ),
        mesh=mesh,
        compiler_params=pltpu.CompilerParams(needs_layout_passes=False),
        scratch_types=[
            pltpu.VMEM((n_acc,), jnp.float32),
            pltpu.VMEM((n_acc,), jnp.float32),
            pltpu.VMEM((_CH,), jnp.int32),
            pltpu.VMEM((_CH,), jnp.int32),
            pltpu.VMEM((_CH,), jnp.int32),
            pltpu.VMEM((_CH,), jnp.int32),
            pltpu.VMEM((_CH,), jnp.int32),
            pltpu.VMEM((_CH,), jnp.int32),
            pltpu.VMEM((_CH,), jnp.float32),
            pltpu.VMEM((_CH,), jnp.float32),
            pltpu.VMEM((_CH, h), jnp.float32),
            pltpu.VMEM((_CH, h), jnp.float32),
            pltpu.VMEM_SHARED((n_acc, h), jnp.float32),
            pltpu.VMEM_SHARED((n_acc,), jnp.float32),
            pltpu.VMEM((rpt,), jnp.float32),
            pltpu.SemaphoreType.DMA,
            pltpu.SemaphoreType.DMA,
            pltpu.SemaphoreType.DMA,
            pltpu.SemaphoreType.DMA,
            pltpu.SemaphoreType.DMA,
            pltpu.SemaphoreType.DMA,
        ],
    )
    def k(z_hbm, zs_hbm, zd_hbm, src_hbm, dst_hbm, num_hbm, den_hbm,
          zs_v, zd_v, sidx_a, sidx_b, didx_a, didx_b, dsc_a, dsc_b, ee_a, ee_b,
          rows_a, rows_b, acc, den_sh, red_v, gsem_a, gsem_b, isem_a, isem_b,
          ssem_a, ssem_b):
        cid = lax.axis_index("c")
        sid = lax.axis_index("s")
        wid = cid * _NSUB + sid
        zeros16 = jnp.zeros((_L,), jnp.float32)
        rows = rows_a

        def zrow(i, _):
            for j in range(h // _L):
                rows[i, pl.ds(j * _L, _L)] = zeros16
            return 0
        lax.fori_loop(0, _CH, zrow, 0)
        for b in range(nrb):
            pltpu.sync_copy(rows.at[pl.ds(0, bs)],
                            acc.at[pl.ds(sid * rpt + b * bs, bs)])

        def zred(i, _):
            red_v[pl.ds(i * _L, _L)] = zeros16
            return 0
        lax.fori_loop(0, rpt // _L, zred, 0)
        pltpu.sync_copy(red_v, den_sh.at[pl.ds(sid * rpt, rpt)])

        pltpu.sync_copy(zs_hbm, zs_v)
        pltpu.sync_copy(zd_hbm, zd_v)
        plsc.subcore_barrier()

        ebase = wid * epw

        def chunk_off(c):
            return ebase + jnp.minimum(c, nch - 1) * _CH

        def half(c, bufs):
            (sidx_p, didx_p, dsc_p, ee_p, rows_p, gsem_p, isem_p, ssem_p,
             sidx_q, didx_q, dsc_q, ee_q, rows_q, gsem_q, isem_q, ssem_q) = bufs
            pltpu.make_async_copy(
                src_hbm.at[pl.ds(ebase, _CH)], sidx_q, isem_q).wait()
            pltpu.make_async_copy(
                dst_hbm.at[pl.ds(ebase, _CH)], didx_q, isem_q).wait()

            @pl.when(c >= 1)
            def _():
                pltpu.make_async_copy(
                    ee_q, den_sh.at[dsc_q], ssem_q).wait()
                pltpu.make_async_copy(
                    rows_q, acc.at[dsc_q], ssem_q).wait()

            pltpu.async_copy(z_hbm.at[sidx_q], rows_q, gsem_q)
            for i in range(_CH // _L):
                s16 = sidx_p[pl.ds(i * _L, _L)]
                d16 = didx_p[pl.ds(i * _L, _L)]
                dsc_p[pl.ds(i * _L, _L)] = d16
                v = plsc.load_gather(zs_v, [s16]) + plsc.load_gather(zd_v, [d16])
                v = jnp.where(v >= 0.0, v, v * NEG_SLOPE)
                ee_p[pl.ds(i * _L, _L)] = jnp.exp(v)
            pltpu.async_copy(ee_p, den_sh.at[dsc_p], ssem_p, add=True)
            pltpu.make_async_copy(z_hbm.at[sidx_p], rows_p, gsem_p).wait()
            pltpu.async_copy(
                src_hbm.at[pl.ds(chunk_off(c + 2), _CH)], sidx_p, isem_p)
            pltpu.async_copy(
                dst_hbm.at[pl.ds(chunk_off(c + 2), _CH)], didx_p, isem_p)

            @plsc.parallel_loop(0, _CH, step=1, unroll=8)
            def scale(r):
                ev = plsc.load_gather(ee_p, [jnp.full((_L,), r, jnp.int32)])
                for j in range(h // _L):
                    rows_p[r, pl.ds(j * _L, _L)] = (
                        rows_p[r, pl.ds(j * _L, _L)] * ev)

            pltpu.async_copy(rows_p, acc.at[dsc_p], ssem_p, add=True)

        bufs_a = (sidx_a, didx_a, dsc_a, ee_a, rows_a, gsem_a, isem_a, ssem_a,
                  sidx_b, didx_b, dsc_b, ee_b, rows_b, gsem_b, isem_b, ssem_b)
        bufs_b = bufs_a[8:] + bufs_a[:8]

        pltpu.sync_copy(src_hbm.at[pl.ds(ebase, _CH)], sidx_a)
        pltpu.sync_copy(dst_hbm.at[pl.ds(ebase, _CH)], didx_a)
        pltpu.async_copy(z_hbm.at[sidx_a], rows_a, gsem_a)
        pltpu.async_copy(src_hbm.at[pl.ds(ebase + _CH, _CH)], sidx_b, isem_b)
        pltpu.async_copy(dst_hbm.at[pl.ds(ebase + _CH, _CH)], didx_b, isem_b)

        def pair(i, _):
            half(2 * i, bufs_a)
            half(2 * i + 1, bufs_b)
            return 0
        lax.fori_loop(0, nch // 2, pair, 0)

        pltpu.make_async_copy(z_hbm.at[sidx_a], rows_a, gsem_a).wait()
        pltpu.make_async_copy(
            src_hbm.at[pl.ds(ebase, _CH)], sidx_b, isem_b).wait()
        pltpu.make_async_copy(
            dst_hbm.at[pl.ds(ebase, _CH)], didx_b, isem_b).wait()
        pltpu.make_async_copy(ee_b, den_sh.at[dsc_b], ssem_b).wait()
        pltpu.make_async_copy(rows_b, acc.at[dsc_b], ssem_b).wait()

        plsc.subcore_barrier()

        pltpu.sync_copy(acc.at[pl.ds(sid * rpt, rpt)],
                        num_hbm.at[cid, pl.ds(sid * rpt, rpt)])
        pltpu.sync_copy(den_sh.at[pl.ds(sid * rpt, rpt)],
                        den_hbm.at[cid, pl.ds(sid * rpt, rpt)])

    return k(z, zs_pad, zd_pad, src, dst)


def kernel(x, W_sat, b_sat, W_nei, b_nei, W_fus, b_fus, W1, a_src1, a_dst1,
           bc1, g1, be1, W2, a_src2, a_dst2, bc2, g2, be2, Wf1, bf1, Wf2, bf2,
           edge_index):
    n, d_in = x.shape
    sat_d = W_sat.shape[0]
    h = W_sat.shape[1]
    e = edge_index.shape[1]

    e_tot = e + n
    e_pad = -(-e_tot // (2 * _NW * _CH)) * (2 * _NW * _CH)
    n_acc = -(-(n + 1) // 1024) * 1024

    Wsat_f = jnp.concatenate(
        [W_sat, jnp.zeros((d_in - sat_d, h), jnp.float32)], axis=0)
    Wnei_f = jnp.concatenate(
        [jnp.zeros((sat_d, h), jnp.float32), W_nei], axis=0)
    Wfa, Wfb = W_fus[:h], W_fus[h:]
    r2 = lambda v: v.reshape(1, -1)
    c2 = lambda v: v.reshape(-1, 1)

    si = jnp.arange(n, dtype=edge_index.dtype)
    pi = jnp.arange(e_pad - e_tot, dtype=edge_index.dtype)
    src = jnp.concatenate([edge_index[0], si, pi % n])
    dst = jnp.concatenate([edge_index[1], si, n + pi % (n_acc - n)])

    padv = lambda v: jnp.pad(v[:, 0], (0, n_acc - n))

    h0, z1, zs1, zd1 = _tc_pre(x, Wsat_f, r2(b_sat), Wnei_f, r2(b_nei),
                               Wfa, Wfb, r2(b_fus), W1, c2(a_src1), c2(a_dst1))
    num1, den1 = _sc_gat(z1, padv(zs1), padv(zd1), src, dst, n_acc, e_pad)
    h1, z2, zs2, zd2 = _tc_mid(num1, den1.reshape(_NCORE, n_acc, 1), h0,
                               r2(bc1), r2(g1), r2(be1), W2,
                               c2(a_src2), c2(a_dst2))
    num2, den2 = _sc_gat(z2, padv(zs2), padv(zd2), src, dst, n_acc, e_pad)
    return _tc_post(num2, den2.reshape(_NCORE, n_acc, 1), h1,
                    r2(bc2), r2(g2), r2(be2), Wf1, r2(bf1), Wf2, r2(bf2))

# --- scband reference (transcript-rebuilt; emitter-appended) ---
"""Pipeline reference for scband-stage2-gnn-9019431321967 (READ-ONLY COPY).

The authoritative reference and input builder live on the scoring server;
editing this copy changes nothing except your own understanding.
"""

import jax, jax.numpy as jnp
import numpy as np

N = 10000
E = 320000
D_IN = 128
SAT = 64
H = 128
OUT = 64
NEG_SLOPE = 0.2
EPS_BN = 1e-5


def setup_inputs(seed: int = 0):
    key = jax.random.key(seed)
    ks = jax.random.split(key, 16)
    p = lambda k, s: jax.random.normal(k, s, jnp.float32) * 0.1
    return {
        "x": jax.random.normal(ks[0], (N, D_IN), jnp.float32),
        "W_sat": p(ks[1], (SAT, H)), "b_sat": jnp.zeros((H,), jnp.float32),
        "W_nei": p(ks[2], (D_IN - SAT, H)), "b_nei": jnp.zeros((H,), jnp.float32),
        "W_fus": p(ks[3], (2 * H, 1)), "b_fus": jnp.zeros((1,), jnp.float32),
        "W1": p(ks[4], (H, H)), "a_src1": p(ks[5], (H,)), "a_dst1": p(ks[6], (H,)), "bc1": jnp.zeros((H,), jnp.float32),
        "g1": jnp.ones((H,), jnp.float32), "be1": jnp.zeros((H,), jnp.float32),
        "W2": p(ks[7], (H, H)), "a_src2": p(ks[8], (H,)), "a_dst2": p(ks[9], (H,)), "bc2": jnp.zeros((H,), jnp.float32),
        "g2": jnp.ones((H,), jnp.float32), "be2": jnp.zeros((H,), jnp.float32),
        "Wf1": p(ks[10], (H, H)), "bf1": jnp.zeros((H,), jnp.float32),
        "Wf2": p(ks[11], (H, OUT)), "bf2": jnp.zeros((OUT,), jnp.float32),
        "edge_index": jax.random.randint(ks[12], (2, E), 0, N, dtype=jnp.int32),
    }


def _gat(h, src, dst, W, a_src, a_dst, b):
    n = h.shape[0]
    z = h @ W
    e = jax.nn.leaky_relu(jnp.take(z @ a_src, src) + jnp.take(z @ a_dst, dst), NEG_SLOPE)
    emax = jax.ops.segment_max(e, dst, num_segments=n)
    emax = jnp.where(jnp.isfinite(emax), emax, 0.0)
    ee = jnp.exp(e - jnp.take(emax, dst))
    denom = jax.ops.segment_sum(ee, dst, num_segments=n)
    alpha = ee / (jnp.take(denom, dst) + 1e-16)
    out = jax.ops.segment_sum(jnp.take(z, src, axis=0) * alpha[:, None], dst, num_segments=n)
    return out + b


def _bn(x, g, b):
    mu = jnp.mean(x, axis=0)
    var = jnp.var(x, axis=0)
    return g * (x - mu) * jax.lax.rsqrt(var + EPS_BN) + b


def _forward(x, W_sat, b_sat, W_nei, b_nei, W_fus, b_fus, W1, a_src1, a_dst1, bc1, g1, be1, W2, a_src2, a_dst2, bc2, g2, be2, Wf1, bf1, Wf2, bf2, edge_index):
    n = x.shape[0]
    si = jnp.arange(n, dtype=edge_index.dtype)
    src = jnp.concatenate([edge_index[0], si])
    dst = jnp.concatenate([edge_index[1], si])
    sat = jax.nn.relu(x[:, :SAT] @ W_sat + b_sat)
    nei = jax.nn.relu(x[:, SAT:] @ W_nei + b_nei)
    gate = jax.nn.sigmoid(jnp.concatenate([sat, nei], axis=1) @ W_fus + b_fus)
    h = gate * sat + (1.0 - gate) * nei
    res = h
    h = jax.nn.relu(_bn(_gat(h, src, dst, W1, a_src1, a_dst1, bc1), g1, be1)) + res
    res = h
    h = jax.nn.relu(_bn(_gat(h, src, dst, W2, a_src2, a_dst2, bc2), g2, be2)) + res
    h = jax.nn.relu(h @ Wf1 + bf1)
    return h @ Wf2 + bf2


def reference(x, W_sat, b_sat, W_nei, b_nei, W_fus, b_fus, W1, a_src1, a_dst1, bc1, g1, be1, W2, a_src2, a_dst2, bc2, g2, be2, Wf1, bf1, Wf2, bf2, edge_index):
    return _forward(x, W_sat, b_sat, W_nei, b_nei, W_fus, b_fus, W1, a_src1, a_dst1, bc1, g1, be1, W2, a_src2, a_dst2, bc2, g2, be2, Wf1, bf1, Wf2, bf2, edge_index)

if __name__ == "__main__":
    import jax
    _d = setup_inputs()
    print(jax.jit(kernel)(*tuple(_d.values())))

</pallas_src>

<mosaic_0001>
#map = affine_map<(d0, d1) -> (0, 0)>
#map1 = affine_map<(d0, d1) -> (0)>
#map2 = affine_map<(d0, d1) -> (0, 0, 0)>
module attributes {stable_mosaic.version = 14 : i64} {
  func.func @k(%arg0: i32, %arg1: i32, %arg2: memref<10000x128xf32, #tpu.memory_space<hbm>>, %arg3: memref<10240xf32, #tpu.memory_space<hbm>>, %arg4: memref<10240xf32, #tpu.memory_space<hbm>>, %arg5: memref<331776xi32, #tpu.memory_space<hbm>>, %arg6: memref<331776xi32, #tpu.memory_space<hbm>>, %arg7: memref<2x10240x128xf32, #tpu.memory_space<hbm>>, %arg8: memref<2x10240xf32, #tpu.memory_space<hbm>>, %arg9: memref<10240xf32, #tpu.memory_space<vmem>>, %arg10: memref<10240xf32, #tpu.memory_space<vmem>>, %arg11: memref<96xi32, #tpu.memory_space<vmem>>, %arg12: memref<96xi32, #tpu.memory_space<vmem>>, %arg13: memref<96xi32, #tpu.memory_space<vmem>>, %arg14: memref<96xi32, #tpu.memory_space<vmem>>, %arg15: memref<96xi32, #tpu.memory_space<vmem>>, %arg16: memref<96xi32, #tpu.memory_space<vmem>>, %arg17: memref<96xf32, #tpu.memory_space<vmem>>, %arg18: memref<96xf32, #tpu.memory_space<vmem>>, %arg19: memref<96x128xf32, #tpu.memory_space<vmem>>, %arg20: memref<96x128xf32, #tpu.memory_space<vmem>>, %arg21: memref<10240x128xf32, #tpu.memory_space<vmem_shared>>, %arg22: memref<10240xf32, #tpu.memory_space<vmem_shared>>, %arg23: memref<640xf32, #tpu.memory_space<vmem>>, %arg24: memref<!tpu.dma_semaphore, #tpu.memory_space<semaphore_mem>>, %arg25: memref<!tpu.dma_semaphore, #tpu.memory_space<semaphore_mem>>, %arg26: memref<!tpu.dma_semaphore, #tpu.memory_space<semaphore_mem>>, %arg27: memref<!tpu.dma_semaphore, #tpu.memory_space<semaphore_mem>>, %arg28: memref<!tpu.dma_semaphore, #tpu.memory_space<semaphore_mem>>, %arg29: memref<!tpu.dma_semaphore, #tpu.memory_space<semaphore_mem>>) attributes {dimension_semantics = [#tpu.dimension_semantics<core_parallel>, #tpu.dimension_semantics<subcore_parallel>], iteration_bounds = array<i64: 2, 16>, scalar_prefetch = 0 : i64, scratch_operands = 21 : i64, tpu.core_type = #tpu.core_type<sc_vector_subcore>, window_params = [{transform_indices = #map}, {transform_indices = #map1}, {transform_indices = #map1}, {transform_indices = #map1}, {transform_indices = #map1}, {transform_indices = #map2}, {transform_indices = #map}]} {
    %mul3A = arith.constant 16 : i32
    %mul3A_0 = arith.muli %arg0, %mul3A : i32
    %add3A = arith.addi %mul3A_0, %arg1 : i32
    %broadcast_in_dim3A = arith.constant 0.000000e+00 : f32
    %broadcast_in_dim3A_1 = vector.broadcast %broadcast_in_dim3A : f32 to vector<16xf32>
    %scan3A = arith.constant 0 : i32
    %scan3A_2 = arith.constant 0 : i32
    %scan3A_3 = arith.constant 96 : i32
    %scan3A_4 = arith.addi %scan3A_2, %scan3A_3 : i32
    %scan3A_5 = arith.constant 1 : i32
    %scan3A_6 = scf.for %scan3A_88 = %scan3A_2 to %scan3A_4 step %scan3A_5 iter_args(%scan3A_89 = %scan3A) -> (i32)  : i32 {
      %swap3A = arith.index_cast %scan3A_88 : i32 to index
      %swap3A_90 = arith.constant 0 : index
      %swap3A_91 = tpu.vector_load %arg19[%swap3A, %swap3A_90] {strides = array<i32>} : memref<96x128xf32, #tpu.memory_space<vmem>>, vector<16xf32>,
      tpu.vector_store %arg19[%swap3A, %swap3A_90], %broadcast_in_dim3A_1 {strides = array<i32>} : memref<96x128xf32, #tpu.memory_space<vmem>>, vector<16xf32>,
      %swap3A_92 = arith.index_cast %scan3A_88 : i32 to index
      %swap3A_93 = arith.constant 16 : index
      %swap3A_94 = tpu.vector_load %arg19[%swap3A_92, %swap3A_93] {strides = array<i32>} : memref<96x128xf32, #tpu.memory_space<vmem>>, vector<16xf32>,
      tpu.vector_store %arg19[%swap3A_92, %swap3A_93], %broadcast_in_dim3A_1 {strides = array<i32>} : memref<96x128xf32, #tpu.memory_space<vmem>>, vector<16xf32>,
      %swap3A_95 = arith.index_cast %scan3A_88 : i32 to index
      %swap3A_96 = arith.constant 32 : index
      %swap3A_97 = tpu.vector_load %arg19[%swap3A_95, %swap3A_96] {strides = array<i32>} : memref<96x128xf32, #tpu.memory_space<vmem>>, vector<16xf32>,
      tpu.vector_store %arg19[%swap3A_95, %swap3A_96], %broadcast_in_dim3A_1 {strides = array<i32>} : memref<96x128xf32, #tpu.memory_space<vmem>>, vector<16xf32>,
      %swap3A_98 = arith.index_cast %scan3A_88 : i32 to index
      %swap3A_99 = arith.constant 48 : index
      %swap3A_100 = tpu.vector_load %arg19[%swap3A_98, %swap3A_99] {strides = array<i32>} : memref<96x128xf32, #tpu.memory_space<vmem>>, vector<16xf32>,
      tpu.vector_store %arg19[%swap3A_98, %swap3A_99], %broadcast_in_dim3A_1 {strides = array<i32>} : memref<96x128xf32, #tpu.memory_space<vmem>>, vector<16xf32>,
      %swap3A_101 = arith.index_cast %scan3A_88 : i32 to index
      %swap3A_102 = arith.constant 64 : index
      %swap3A_103 = tpu.vector_load %arg19[%swap3A_101, %swap3A_102] {strides = array<i32>} : memref<96x128xf32, #tpu.memory_space<vmem>>, vector<16xf32>,
      tpu.vector_store %arg19[%swap3A_101, %swap3A_102], %broadcast_in_dim3A_1 {strides = array<i32>} : memref<96x128xf32, #tpu.memory_space<vmem>>, vector<16xf32>,
      %swap3A_104 = arith.index_cast %scan3A_88 : i32 to index
      %swap3A_105 = arith.constant 80 : index
      %swap3A_106 = tpu.vector_load %arg19[%swap3A_104, %swap3A_105] {strides = array<i32>} : memref<96x128xf32, #tpu.memory_space<vmem>>, vector<16xf32>,
      tpu.vector_store %arg19[%swap3A_104, %swap3A_105], %broadcast_in_dim3A_1 {strides = array<i32>} : memref<96x128xf32, #tpu.memory_space<vmem>>, vector<16xf32>,
      %swap3A_107 = arith.index_cast %scan3A_88 : i32 to index
      %swap3A_108 = arith.constant 96 : index
      %swap3A_109 = tpu.vector_load %arg19[%swap3A_107, %swap3A_108] {strides = array<i32>} : memref<96x128xf32, #tpu.memory_space<vmem>>, vector<16xf32>,
      tpu.vector_store %arg19[%swap3A_107, %swap3A_108], %broadcast_in_dim3A_1 {strides = array<i32>} : memref<96x128xf32, #tpu.memory_space<vmem>>, vector<16xf32>,
      %swap3A_110 = arith.index_cast %scan3A_88 : i32 to index
      %swap3A_111 = arith.constant 112 : index
      %swap3A_112 = tpu.vector_load %arg19[%swap3A_110, %swap3A_111] {strides = array<i32>} : memref<96x128xf32, #tpu.memory_space<vmem>>, vector<16xf32>,
      tpu.vector_store %arg19[%swap3A_110, %swap3A_111], %broadcast_in_dim3A_1 {strides = array<i32>} : memref<96x128xf32, #tpu.memory_space<vmem>>, vector<16xf32>,
      %scan3A_113 = arith.constant 0 : i32
      scf.yield %scan3A_113 : i32
    }
    %scan3A_7 = arith.constant 96 : i32
    %mul3A_8 = arith.constant 640 : i32
    %mul3A_9 = arith.muli %arg1, %mul3A_8 : i32
    %add3A_10 = arith.constant 0 : i32
    %add3A_11 = arith.addi %mul3A_9, %add3A_10 : i32
    "tpu.region"() ({
      %run_scoped3A = tpu.sem_alloc : memref<!tpu.dma_semaphore, #tpu.memory_space<semaphore_mem>>
      %dma_start3A_88 = arith.constant 0 : i32
      %dma_start3A_89 = arith.constant 0 : i32
      %dma_start3A_90 = tpu.memref_slice %arg19[%dma_start3A_88, %dma_start3A_89] : memref<96x128xf32, #tpu.memory_space<vmem>> -> memref<80x128xf32, #tpu.memory_space<vmem>>
      %dma_start3A_91 = arith.constant 0 : i32
      %dma_start3A_92 = tpu.memref_slice %arg21[%add3A_11, %dma_start3A_91] : memref<10240x128xf32, #tpu.memory_space<vmem_shared>> -> memref<80x128xf32, #tpu.memory_space<vmem_shared>>
      %dma_start3A_93 = arith.constant 0 : i32
      %dma_start3A_94 = tpu.memref_slice %arg21[%add3A_11, %dma_start3A_93] : memref<10240x128xf32, #tpu.memory_space<vmem_shared>> -> memref<80x128xf32, #tpu.memory_space<vmem_shared>>
      %dma_start3A_95 = arith.constant 0 : i32
      %dma_start3A_96 = arith.constant 0 : i32
      %dma_start3A_97 = tpu.memref_slice %arg19[%dma_start3A_95, %dma_start3A_96] : memref<96x128xf32, #tpu.memory_space<vmem>> -> memref<80x128xf32, #tpu.memory_space<vmem>>
      tpu.enqueue_dma source(%dma_start3A_97 : memref<80x128xf32, #tpu.memory_space<vmem>>) target(%dma_start3A_94 : memref<80x128xf32, #tpu.memory_space<vmem_shared>>) target_semaphore(%run_scoped3A : memref<!tpu.dma_semaphore, #tpu.memory_space<semaphore_mem>>)
      %dma_wait3A_98 = arith.constant 0 : i32
      %dma_wait3A_99 = arith.constant 0 : i32
      %dma_wait3A_100 = tpu.memref_slice %arg19[%dma_wait3A_98, %dma_wait3A_99] : memref<96x128xf32, #tpu.memory_space<vmem>> -> memref<80x128xf32, #tpu.memory_space<vmem>>
      %dma_wait3A_101 = arith.constant 0 : i32
      %dma_wait3A_102 = tpu.memref_slice %arg21[%add3A_11, %dma_wait3A_101] : memref<10240x128xf32, #tpu.memory_space<vmem_shared>> -> memref<80x128xf32, #tpu.memory_space<vmem_shared>>
      %dma_wait3A_103 = arith.constant 0 : i32
      %dma_wait3A_104 = tpu.memref_slice %arg21[%add3A_11, %dma_wait3A_103] : memref<10240x128xf32, #tpu.memory_space<vmem_shared>> -> memref<80x128xf32, #tpu.memory_space<vmem_shared>>
      %dma_wait3A_105 = arith.constant 0 : i32
      %dma_wait3A_106 = arith.constant 0 : i32
      %dma_wait3A_107 = tpu.memref_slice %arg19[%dma_wait3A_105, %dma_wait3A_106] : memref<96x128xf32, #tpu.memory_space<vmem>> -> memref<80x128xf32, #tpu.memory_space<vmem>>
      tpu.wait_dma2 semaphore(%run_scoped3A : memref<!tpu.dma_semaphore, #tpu.memory_space<semaphore_mem>>) src(%dma_wait3A_107 : memref<80x128xf32, #tpu.memory_space<vmem>>) dst(%dma_wait3A_104 : memref<80x128xf32, #tpu.memory_space<vmem_shared>>)
      tpu.yield
    }) : () -> ()
    %mul3A_12 = arith.constant 640 : i32
    %mul3A_13 = arith.muli %arg1, %mul3A_12 : i32
    %add3A_14 = arith.constant 80 : i32
    %add3A_15 = arith.addi %mul3A_13, %add3A_14 : i32
    "tpu.region"() ({
      %run_scoped3A = tpu.sem_alloc : memref<!tpu.dma_semaphore, #tpu.memory_space<semaphore_mem>>
      %dma_start3A_88 = arith.constant 0 : i32
      %dma_start3A_89 = arith.constant 0 : i32
      %dma_start3A_90 = tpu.memref_slice %arg19[%dma_start3A_88, %dma_start3A_89] : memref<96x128xf32, #tpu.memory_space<vmem>> -> memref<80x128xf32, #tpu.memory_space<vmem>>
      %dma_start3A_91 = arith.constant 0 : i32
      %dma_start3A_92 = tpu.memref_slice %arg21[%add3A_15, %dma_start3A_91] : memref<10240x128xf32, #tpu.memory_space<vmem_shared>> -> memref<80x128xf32, #tpu.memory_space<vmem_shared>>
      %dma_start3A_93 = arith.constant 0 : i32
      %dma_start3A_94 = tpu.memref_slice %arg21[%add3A_15, %dma_start3A_93] : memref<10240x128xf32, #tpu.memory_space<vmem_shared>> -> memref<80x128xf32, #tpu.memory_space<vmem_shared>>
      %dma_start3A_95 = arith.constant 0 : i32
      %dma_start3A_96 = arith.constant 0 : i32
      %dma_start3A_97 = tpu.memref_slice %arg19[%dma_start3A_95, %dma_start3A_96] : memref<96x128xf32, #tpu.memory_space<vmem>> -> memref<80x128xf32, #tpu.memory_space<vmem>>
      tpu.enqueue_dma source(%dma_start3A_97 : memref<80x128xf32, #tpu.memory_space<vmem>>) target(%dma_start3A_94 : memref<80x128xf32, #tpu.memory_space<vmem_shared>>) target_semaphore(%run_scoped3A : memref<!tpu.dma_semaphore, #tpu.memory_space<semaphore_mem>>)
      %dma_wait3A_98 = arith.constant 0 : i32
      %dma_wait3A_99 = arith.constant 0 : i32
      %dma_wait3A_100 = tpu.memref_slice %arg19[%dma_wait3A_98, %dma_wait3A_99] : memref<96x128xf32, #tpu.memory_space<vmem>> -> memref<80x128xf32, #tpu.memory_space<vmem>>
      %dma_wait3A_101 = arith.constant 0 : i32
      %dma_wait3A_102 = tpu.memref_slice %arg21[%add3A_15, %dma_wait3A_101] : memref<10240x128xf32, #tpu.memory_space<vmem_shared>> -> memref<80x128xf32, #tpu.memory_space<vmem_shared>>
      %dma_wait3A_103 = arith.constant 0 : i32
      %dma_wait3A_104 = tpu.memref_slice %arg21[%add3A_15, %dma_wait3A_103] : memref<10240x128xf32, #tpu.memory_space<vmem_shared>> -> memref<80x128xf32, #tpu.memory_space<vmem_shared>>
      %dma_wait3A_105 = arith.constant 0 : i32
      %dma_wait3A_106 = arith.constant 0 : i32
      %dma_wait3A_107 = tpu.memref_slice %arg19[%dma_wait3A_105, %dma_wait3A_106] : memref<96x128xf32, #tpu.memory_space<vmem>> -> memref<80x128xf32, #tpu.memory_space<vmem>>
      tpu.wait_dma2 semaphore(%run_scoped3A : memref<!tpu.dma_semaphore, #tpu.memory_space<semaphore_mem>>) src(%dma_wait3A_107 : memref<80x128xf32, #tpu.memory_space<vmem>>) dst(%dma_wait3A_104 : memref<80x128xf32, #tpu.memory_space<vmem_shared>>)
      tpu.yield
    }) : () -> ()
    %mul3A_16 = arith.constant 640 : i32
    %mul3A_17 = arith.muli %arg1, %mul3A_16 : i32
    %add3A_18 = arith.constant 160 : i32
    %add3A_19 = arith.addi %mul3A_17, %add3A_18 : i32
    "tpu.region"() ({
      %run_scoped3A = tpu.sem_alloc : memref<!tpu.dma_semaphore, #tpu.memory_space<semaphore_mem>>
      %dma_start3A_88 = arith.constant 0 : i32
      %dma_start3A_89 = arith.constant 0 : i32
      %dma_start3A_90 = tpu.memref_slice %arg19[%dma_start3A_88, %dma_start3A_89] : memref<96x128xf32, #tpu.memory_space<vmem>> -> memref<80x128xf32, #tpu.memory_space<vmem>>
      %dma_start3A_91 = arith.constant 0 : i32
      %dma_start3A_92 = tpu.memref_slice %arg21[%add3A_19, %dma_start3A_91] : memref<10240x128xf32, #tpu.memory_space<vmem_shared>> -> memref<80x128xf32, #tpu.memory_space<vmem_shared>>
      %dma_start3A_93 = arith.constant 0 : i32
      %dma_start3A_94 = tpu.memref_slice %arg21[%add3A_19, %dma_start3A_93] : memref<10240x128xf32, #tpu.memory_space<vmem_shared>> -> memref<80x128xf32, #tpu.memory_space<vmem_shared>>
      %dma_start3A_95 = arith.constant 0 : i32
      %dma_start3A_96 = arith.constant 0 : i32
      %dma_start3A_97 = tpu.memref_slice %arg19[%dma_start3A_95, %dma_start3A_96] : memref<96x128xf32, #tpu.memory_space<vmem>> -> memref<80x128xf32, #tpu.memory_space<vmem>>
      tpu.enqueue_dma source(%dma_start3A_97 : memref<80x128xf32, #tpu.memory_space<vmem>>) target(%dma_start3A_94 : memref<80x128xf32, #tpu.memory_space<vmem_shared>>) target_semaphore(%run_scoped3A : memref<!tpu.dma_semaphore, #tpu.memory_space<semaphore_mem>>)
      %dma_wait3A_98 = arith.constant 0 : i32
      %dma_wait3A_99 = arith.constant 0 : i32
      %dma_wait3A_100 = tpu.memref_slice %arg19[%dma_wait3A_98, %dma_wait3A_99] : memref<96x128xf32, #tpu.memory_space<vmem>> -> memref<80x128xf32, #tpu.memory_space<vmem>>
      %dma_wait3A_101 = arith.constant 0 : i32
      %dma_wait3A_102 = tpu.memref_slice %arg21[%add3A_19, %dma_wait3A_101] : memref<10240x128xf32, #tpu.memory_space<vmem_shared>> -> memref<80x128xf32, #tpu.memory_space<vmem_shared>>
      %dma_wait3A_103 = arith.constant 0 : i32
      %dma_wait3A_104 = tpu.memref_slice %arg21[%add3A_19, %dma_wait3A_103] : memref<10240x128xf32, #tpu.memory_space<vmem_shared>> -> memref<80x128xf32, #tpu.memory_space<vmem_shared>>
      %dma_wait3A_105 = arith.constant 0 : i32
      %dma_wait3A_106 = arith.constant 0 : i32
      %dma_wait3A_107 = tpu.memref_slice %arg19[%dma_wait3A_105, %dma_wait3A_106] : memref<96x128xf32, #tpu.memory_space<vmem>> -> memref<80x128xf32, #tpu.memory_space<vmem>>
      tpu.wait_dma2 semaphore(%run_scoped3A : memref<!tpu.dma_semaphore, #tpu.memory_space<semaphore_mem>>) src(%dma_wait3A_107 : memref<80x128xf32, #tpu.memory_space<vmem>>) dst(%dma_wait3A_104 : memref<80x128xf32, #tpu.memory_space<vmem_shared>>)
      tpu.yield
    }) : () -> ()
    %mul3A_20 = arith.constant 640 : i32
    %mul3A_21 = arith.muli %arg1, %mul3A_20 : i32
    %add3A_22 = arith.constant 240 : i32
    %add3A_23 = arith.addi %mul3A_21, %add3A_22 : i32
    "tpu.region"() ({
      %run_scoped3A = tpu.sem_alloc : memref<!tpu.dma_semaphore, #tpu.memory_space<semaphore_mem>>
      %dma_start3A_88 = arith.constant 0 : i32
      %dma_start3A_89 = arith.constant 0 : i32
      %dma_start3A_90 = tpu.memref_slice %arg19[%dma_start3A_88, %dma_start3A_89] : memref<96x128xf32, #tpu.memory_space<vmem>> -> memref<80x128xf32, #tpu.memory_space<vmem>>
      %dma_start3A_91 = arith.constant 0 : i32
      %dma_start3A_92 = tpu.memref_slice %arg21[%add3A_23, %dma_start3A_91] : memref<10240x128xf32, #tpu.memory_space<vmem_shared>> -> memref<80x128xf32, #tpu.memory_space<vmem_shared>>
      %dma_start3A_93 = arith.constant 0 : i32
      %dma_start3A_94 = tpu.memref_slice %arg21[%add3A_23, %dma_start3A_93] : memref<10240x128xf32, #tpu.memory_space<vmem_shared>> -> memref<80x128xf32, #tpu.memory_space<vmem_shared>>
      %dma_start3A_95 = arith.constant 0 : i32
      %dma_start3A_96 = arith.constant 0 : i32
      %dma_start3A_97 = tpu.memref_slice %arg19[%dma_start3A_95, %dma_start3A_96] : memref<96x128xf32, #tpu.memory_space<vmem>> -> memref<80x128xf32, #tpu.memory_space<vmem>>
      tpu.enqueue_dma source(%dma_start3A_97 : memref<80x128xf32, #tpu.memory_space<vmem>>) target(%dma_start3A_94 : memref<80x128xf32, #tpu.memory_space<vmem_shared>>) target_semaphore(%run_scoped3A : memref<!tpu.dma_semaphore, #tpu.memory_space<semaphore_mem>>)
      %dma_wait3A_98 = arith.constant 0 : i32
      %dma_wait3A_99 = arith.constant 0 : i32
      %dma_wait3A_100 = tpu.memref_slice %arg19[%dma_wait3A_98, %dma_wait3A_99] : memref<96x128xf32, #tpu.memory_space<vmem>> -> memref<80x128xf32, #tpu.memory_space<vmem>>
      %dma_wait3A_101 = arith.constant 0 : i32
      %dma_wait3A_102 = tpu.memref_slice %arg21[%add3A_23, %dma_wait3A_101] : memref<10240x128xf32, #tpu.memory_space<vmem_shared>> -> memref<80x128xf32, #tpu.memory_space<vmem_shared>>
      %dma_wait3A_103 = arith.constant 0 : i32
      %dma_wait3A_104 = tpu.memref_slice %arg21[%add3A_23, %dma_wait3A_103] : memref<10240x128xf32, #tpu.memory_space<vmem_shared>> -> memref<80x128xf32, #tpu.memory_space<vmem_shared>>
      %dma_wait3A_105 = arith.constant 0 : i32
      %dma_wait3A_106 = arith.constant 0 : i32
      %dma_wait3A_107 = tpu.memref_slice %arg19[%dma_wait3A_105, %dma_wait3A_106] : memref<96x128xf32, #tpu.memory_space<vmem>> -> memref<80x128xf32, #tpu.memory_space<vmem>>
      tpu.wait_dma2 semaphore(%run_scoped3A : memref<!tpu.dma_semaphore, #tpu.memory_space<semaphore_mem>>) src(%dma_wait3A_107 : memref<80x128xf32, #tpu.memory_space<vmem>>) dst(%dma_wait3A_104 : memref<80x128xf32, #tpu.memory_space<vmem_shared>>)
      tpu.yield
    }) : () -> ()
    %mul3A_24 = arith.constant 640 : i32
    %mul3A_25 = arith.muli %arg1, %mul3A_24 : i32
    %add3A_26 = arith.constant 320 : i32
    %add3A_27 = arith.addi %mul3A_25, %add3A_26 : i32
    "tpu.region"() ({
      %run_scoped3A = tpu.sem_alloc : memref<!tpu.dma_semaphore, #tpu.memory_space<semaphore_mem>>
      %dma_start3A_88 = arith.constant 0 : i32
      %dma_start3A_89 = arith.constant 0 : i32
      %dma_start3A_90 = tpu.memref_slice %arg19[%dma_start3A_88, %dma_start3A_89] : memref<96x128xf32, #tpu.memory_space<vmem>> -> memref<80x128xf32, #tpu.memory_space<vmem>>
      %dma_start3A_91 = arith.constant 0 : i32
      %dma_start3A_92 = tpu.memref_slice %arg21[%add3A_27, %dma_start3A_91] : memref<10240x128xf32, #tpu.memory_space<vmem_shared>> -> memref<80x128xf32, #tpu.memory_space<vmem_shared>>
      %dma_start3A_93 = arith.constant 0 : i32
      %dma_start3A_94 = tpu.memref_slice %arg21[%add3A_27, %dma_start3A_93] : memref<10240x128xf32, #tpu.memory_space<vmem_shared>> -> memref<80x128xf32, #tpu.memory_space<vmem_shared>>
      %dma_start3A_95 = arith.constant 0 : i32
      %dma_start3A_96 = arith.constant 0 : i32
      %dma_start3A_97 = tpu.memref_slice %arg19[%dma_start3A_95, %dma_start3A_96] : memref<96x128xf32, #tpu.memory_space<vmem>> -> memref<80x128xf32, #tpu.memory_space<vmem>>
      tpu.enqueue_dma source(%dma_start3A_97 : memref<80x128xf32, #tpu.memory_space<vmem>>) target(%dma_start3A_94 : memref<80x128xf32, #tpu.memory_space<vmem_shared>>) target_semaphore(%run_scoped3A : memref<!tpu.dma_semaphore, #tpu.memory_space<semaphore_mem>>)
      %dma_wait3A_98 = arith.constant 0 : i32
      %dma_wait3A_99 = arith.constant 0 : i32
      %dma_wait3A_100 = tpu.memref_slice %arg19[%dma_wait3A_98, %dma_wait3A_99] : memref<96x128xf32, #tpu.memory_space<vmem>> -> memref<80x128xf32, #tpu.memory_space<vmem>>
      %dma_wait3A_101 = arith.constant 0 : i32
      %dma_wait3A_102 = tpu.memref_slice %arg21[%add3A_27, %dma_wait3A_101] : memref<10240x128xf32, #tpu.memory_space<vmem_shared>> -> memref<80x128xf32, #tpu.memory_space<vmem_shared>>
      %dma_wait3A_103 = arith.constant 0 : i32
      %dma_wait3A_104 = tpu.memref_slice %arg21[%add3A_27, %dma_wait3A_103] : memref<10240x128xf32, #tpu.memory_space<vmem_shared>> -> memref<80x128xf32, #tpu.memory_space<vmem_shared>>
      %dma_wait3A_105 = arith.constant 0 : i32
      %dma_wait3A_106 = arith.constant 0 : i32
      %dma_wait3A_107 = tpu.memref_slice %arg19[%dma_wait3A_105, %dma_wait3A_106] : memref<96x128xf32, #tpu.memory_space<vmem>> -> memref<80x128xf32, #tpu.memory_space<vmem>>
      tpu.wait_dma2 semaphore(%run_scoped3A : memref<!tpu.dma_semaphore, #tpu.memory_space<semaphore_mem>>) src(%dma_wait3A_107 : memref<80x128xf32, #tpu.memory_space<vmem>>) dst(%dma_wait3A_104 : memref<80x128xf32, #tpu.memory_space<vmem_shared>>)
      tpu.yield
    }) : () -> ()
    %mul3A_28 = arith.constant 640 : i32
    %mul3A_29 = arith.muli %arg1, %mul3A_28 : i32
    %add3A_30 = arith.constant 400 : i32
    %add3A_31 = arith.addi %mul3A_29, %add3A_30 : i32
    "tpu.region"() ({
      %run_scoped3A = tpu.sem_alloc : memref<!tpu.dma_semaphore, #tpu.memory_space<semaphore_mem>>
      %dma_start3A_88 = arith.constant 0 : i32
      %dma_start3A_89 = arith.constant 0 : i32
      %dma_start3A_90 = tpu.memref_slice %arg19[%dma_start3A_88, %dma_start3A_89] : memref<96x128xf32, #tpu.memory_space<vmem>> -> memref<80x128xf32, #tpu.memory_space<vmem>>
      %dma_start3A_91 = arith.constant 0 : i32
      %dma_start3A_92 = tpu.memref_slice %arg21[%add3A_31, %dma_start3A_91] : memref<10240x128xf32, #tpu.memory_space<vmem_shared>> -> memref<80x128xf32, #tpu.memory_space<vmem_shared>>
      %dma_start3A_93 = arith.constant 0 : i32
      %dma_start3A_94 = tpu.memref_slice %arg21[%add3A_31, %dma_start3A_93] : memref<10240x128xf32, #tpu.memory_space<vmem_shared>> -> memref<80x128xf32, #tpu.memory_space<vmem_shared>>
      %dma_start3A_95 = arith.constant 0 : i32
      %dma_start3A_96 = arith.constant 0 : i32
      %dma_start3A_97 = tpu.memref_slice %arg19[%dma_start3A_95, %dma_start3A_96] : memref<96x128xf32, #tpu.memory_space<vmem>> -> memref<80x128xf32, #tpu.memory_space<vmem>>
      tpu.enqueue_dma source(%dma_start3A_97 : memref<80x128xf32, #tpu.memory_space<vmem>>) target(%dma_start3A_94 : memref<80x128xf32, #tpu.memory_space<vmem_shared>>) target_semaphore(%run_scoped3A : memref<!tpu.dma_semaphore, #tpu.memory_space<semaphore_mem>>)
      %dma_wait3A_98 = arith.constant 0 : i32
      %dma_wait3A_99 = arith.constant 0 : i32
      %dma_wait3A_100 = tpu.memref_slice %arg19[%dma_wait3A_98, %dma_wait3A_99] : memref<96x128xf32, #tpu.memory_space<vmem>> -> memref<80x128xf32, #tpu.memory_space<vmem>>
      %dma_wait3A_101 = arith.constant 0 : i32
      %dma_wait3A_102 = tpu.memref_slice %arg21[%add3A_31, %dma_wait3A_101] : memref<10240x128xf32, #tpu.memory_space<vmem_shared>> -> memref<80x128xf32, #tpu.memory_space<vmem_shared>>
      %dma_wait3A_103 = arith.constant 0 : i32
      %dma_wait3A_104 = tpu.memref_slice %arg21[%add3A_31, %dma_wait3A_103] : memref<10240x128xf32, #tpu.memory_space<vmem_shared>> -> memref<80x128xf32, #tpu.memory_space<vmem_shared>>
      %dma_wait3A_105 = arith.constant 0 : i32
      %dma_wait3A_106 = arith.constant 0 : i32
      %dma_wait3A_107 = tpu.memref_slice %arg19[%dma_wait3A_105, %dma_wait3A_106] : memref<96x128xf32, #tpu.memory_space<vmem>> -> memref<80x128xf32, #tpu.memory_space<vmem>>
      tpu.wait_dma2 semaphore(%run_scoped3A : memref<!tpu.dma_semaphore, #tpu.memory_space<semaphore_mem>>) src(%dma_wait3A_107 : memref<80x128xf32, #tpu.memory_space<vmem>>) dst(%dma_wait3A_104 : memref<80x128xf32, #tpu.memory_space<vmem_shared>>)
      tpu.yield
    }) : () -> ()
    %mul3A_32 = arith.constant 640 : i32
    %mul3A_33 = arith.muli %arg1, %mul3A_32 : i32
    %add3A_34 = arith.constant 480 : i32
    %add3A_35 = arith.addi %mul3A_33, %add3A_34 : i32
    "tpu.region"() ({
      %run_scoped3A = tpu.sem_alloc : memref<!tpu.dma_semaphore, #tpu.memory_space<semaphore_mem>>
      %dma_start3A_88 = arith.constant 0 : i32
      %dma_start3A_89 = arith.constant 0 : i32
      %dma_start3A_90 = tpu.memref_slice %arg19[%dma_start3A_88, %dma_start3A_89] : memref<96x128xf32, #tpu.memory_space<vmem>> -> memref<80x128xf32, #tpu.memory_space<vmem>>
      %dma_start3A_91 = arith.constant 0 : i32
      %dma_start3A_92 = tpu.memref_slice %arg21[%add3A_35, %dma_start3A_91] : memref<10240x128xf32, #tpu.memory_space<vmem_shared>> -> memref<80x128xf32, #tpu.memory_space<vmem_shared>>
      %dma_start3A_93 = arith.constant 0 : i32
      %dma_start3A_94 = tpu.memref_slice %arg21[%add3A_35, %dma_start3A_93] : memref<10240x128xf32, #tpu.memory_space<vmem_shared>> -> memref<80x128xf32, #tpu.memory_space<vmem_shared>>
      %dma_start3A_95 = arith.constant 0 : i32
      %dma_start3A_96 = arith.constant 0 : i32
      %dma_start3A_97 = tpu.memref_slice %arg19[%dma_start3A_95, %dma_start3A_96] : memref<96x128xf32, #tpu.memory_space<vmem>> -> memref<80x128xf32, #tpu.memory_space<vmem>>
      tpu.enqueue_dma source(%dma_start3A_97 : memref<80x128xf32, #tpu.memory_space<vmem>>) target(%dma_start3A_94 : memref<80x128xf32, #tpu.memory_space<vmem_shared>>) target_semaphore(%run_scoped3A : memref<!tpu.dma_semaphore, #tpu.memory_space<semaphore_mem>>)
      %dma_wait3A_98 = arith.constant 0 : i32
      %dma_wait3A_99 = arith.constant 0 : i32
      %dma_wait3A_100 = tpu.memref_slice %arg19[%dma_wait3A_98, %dma_wait3A_99] : memref<96x128xf32, #tpu.memory_space<vmem>> -> memref<80x128xf32, #tpu.memory_space<vmem>>
      %dma_wait3A_101 = arith.constant 0 : i32
      %dma_wait3A_102 = tpu.memref_slice %arg21[%add3A_35, %dma_wait3A_101] : memref<10240x128xf32, #tpu.memory_space<vmem_shared>> -> memref<80x128xf32, #tpu.memory_space<vmem_shared>>
      %dma_wait3A_103 = arith.constant 0 : i32
      %dma_wait3A_104 = tpu.memref_slice %arg21[%add3A_35, %dma_wait3A_103] : memref<10240x128xf32, #tpu.memory_space<vmem_shared>> -> memref<80x128xf32, #tpu.memory_space<vmem_shared>>
      %dma_wait3A_105 = arith.constant 0 : i32
      %dma_wait3A_106 = arith.constant 0 : i32
      %dma_wait3A_107 = tpu.memref_slice %arg19[%dma_wait3A_105, %dma_wait3A_106] : memref<96x128xf32, #tpu.memory_space<vmem>> -> memref<80x128xf32, #tpu.memory_space<vmem>>
      tpu.wait_dma2 semaphore(%run_scoped3A : memref<!tpu.dma_semaphore, #tpu.memory_space<semaphore_mem>>) src(%dma_wait3A_107 : memref<80x128xf32, #tpu.memory_space<vmem>>) dst(%dma_wait3A_104 : memref<80x128xf32, #tpu.memory_space<vmem_shared>>)
      tpu.yield
    }) : () -> ()
    %mul3A_36 = arith.constant 640 : i32
    %mul3A_37 = arith.muli %arg1, %mul3A_36 : i32
    %add3A_38 = arith.constant 560 : i32
    %add3A_39 = arith.addi %mul3A_37, %add3A_38 : i32
    "tpu.region"() ({
      %run_scoped3A = tpu.sem_alloc : memref<!tpu.dma_semaphore, #tpu.memory_space<semaphore_mem>>
      %dma_start3A_88 = arith.constant 0 : i32
      %dma_start3A_89 = arith.constant 0 : i32
      %dma_start3A_90 = tpu.memref_slice %arg19[%dma_start3A_88, %dma_start3A_89] : memref<96x128xf32, #tpu.memory_space<vmem>> -> memref<80x128xf32, #tpu.memory_space<vmem>>
      %dma_start3A_91 = arith.constant 0 : i32
      %dma_start3A_92 = tpu.memref_slice %arg21[%add3A_39, %dma_start3A_91] : memref<10240x128xf32, #tpu.memory_space<vmem_shared>> -> memref<80x128xf32, #tpu.memory_space<vmem_shared>>
      %dma_start3A_93 = arith.constant 0 : i32
      %dma_start3A_94 = tpu.memref_slice %arg21[%add3A_39, %dma_start3A_93] : memref<10240x128xf32, #tpu.memory_space<vmem_shared>> -> memref<80x128xf32, #tpu.memory_space<vmem_shared>>
      %dma_start3A_95 = arith.constant 0 : i32
      %dma_start3A_96 = arith.constant 0 : i32
      %dma_start3A_97 = tpu.memref_slice %arg19[%dma_start3A_95, %dma_start3A_96] : memref<96x128xf32, #tpu.memory_space<vmem>> -> memref<80x128xf32, #tpu.memory_space<vmem>>
      tpu.enqueue_dma source(%dma_start3A_97 : memref<80x128xf32, #tpu.memory_space<vmem>>) target(%dma_start3A_94 : memref<80x128xf32, #tpu.memory_space<vmem_shared>>) target_semaphore(%run_scoped3A : memref<!tpu.dma_semaphore, #tpu.memory_space<semaphore_mem>>)
      %dma_wait3A_98 = arith.constant 0 : i32
      %dma_wait3A_99 = arith.constant 0 : i32
      %dma_wait3A_100 = tpu.memref_slice %arg19[%dma_wait3A_98, %dma_wait3A_99] : memref<96x128xf32, #tpu.memory_space<vmem>> -> memref<80x128xf32, #tpu.memory_space<vmem>>
      %dma_wait3A_101 = arith.constant 0 : i32
      %dma_wait3A_102 = tpu.memref_slice %arg21[%add3A_39, %dma_wait3A_101] : memref<10240x128xf32, #tpu.memory_space<vmem_shared>> -> memref<80x128xf32, #tpu.memory_space<vmem_shared>>
      %dma_wait3A_103 = arith.constant 0 : i32
      %dma_wait3A_104 = tpu.memref_slice %arg21[%add3A_39, %dma_wait3A_103] : memref<10240x128xf32, #tpu.memory_space<vmem_shared>> -> memref<80x128xf32, #tpu.memory_space<vmem_shared>>
      %dma_wait3A_105 = arith.constant 0 : i32
      %dma_wait3A_106 = arith.constant 0 : i32
      %dma_wait3A_107 = tpu.memref_slice %arg19[%dma_wait3A_105, %dma_wait3A_106] : memref<96x128xf32, #tpu.memory_space<vmem>> -> memref<80x128xf32, #tpu.memory_space<vmem>>
      tpu.wait_dma2 semaphore(%run_scoped3A : memref<!tpu.dma_semaphore, #tpu.memory_space<semaphore_mem>>) src(%dma_wait3A_107 : memref<80x128xf32, #tpu.memory_space<vmem>>) dst(%dma_wait3A_104 : memref<80x128xf32, #tpu.memory_space<vmem_shared>>)
      tpu.yield
    }) : () -> ()
    %scan3A_40 = arith.constant 0 : i32
    %scan3A_41 = arith.constant 0 : i32
    %scan3A_42 = arith.constant 40 : i32
    %scan3A_43 = arith.addi %scan3A_41, %scan3A_42 : i32
    %scan3A_44 = arith.constant 1 : i32
    %scan3A_45 = scf.for %scan3A_88 = %scan3A_41 to %scan3A_43 step %scan3A_44 iter_args(%scan3A_89 = %scan3A_40) -> (i32)  : i32 {
      %mul3A_90 = arith.constant 16 : i32
      %mul3A_91 = arith.muli %scan3A_88, %mul3A_90 : i32
      %swap3A = arith.index_cast %mul3A_91 : i32 to index
      %swap3A_92 = tpu.vector_load %arg23[%swap3A] {strides = array<i32>} : memref<640xf32, #tpu.memory_space<vmem>>, vector<16xf32>,
      tpu.vector_store %arg23[%swap3A], %broadcast_in_dim3A_1 {strides = array<i32>} : memref<640xf32, #tpu.memory_space<vmem>>, vector<16xf32>,
      %scan3A_93 = arith.constant 0 : i32
      scf.yield %scan3A_93 : i32
    }
    %scan3A_46 = arith.constant 40 : i32
    %mul3A_47 = arith.constant 640 : i32
    %mul3A_48 = arith.muli %arg1, %mul3A_47 : i32
    "tpu.region"() ({
      %run_scoped3A = tpu.sem_alloc : memref<!tpu.dma_semaphore, #tpu.memory_space<semaphore_mem>>
      %dma_start3A_88 = tpu.memref_slice %arg22[%mul3A_48] : memref<10240xf32, #tpu.memory_space<vmem_shared>> -> memref<640xf32, #tpu.memory_space<vmem_shared>>
      %dma_start3A_89 = tpu.memref_slice %arg22[%mul3A_48] : memref<10240xf32, #tpu.memory_space<vmem_shared>> -> memref<640xf32, #tpu.memory_space<vmem_shared>>
      tpu.enqueue_dma source(%arg23 : memref<640xf32, #tpu.memory_space<vmem>>) target(%dma_start3A_89 : memref<640xf32, #tpu.memory_space<vmem_shared>>) target_semaphore(%run_scoped3A : memref<!tpu.dma_semaphore, #tpu.memory_space<semaphore_mem>>)
      %dma_wait3A_90 = tpu.memref_slice %arg22[%mul3A_48] : memref<10240xf32, #tpu.memory_space<vmem_shared>> -> memref<640xf32, #tpu.memory_space<vmem_shared>>
      %dma_wait3A_91 = tpu.memref_slice %arg22[%mul3A_48] : memref<10240xf32, #tpu.memory_space<vmem_shared>> -> memref<640xf32, #tpu.memory_space<vmem_shared>>
      tpu.wait_dma2 semaphore(%run_scoped3A : memref<!tpu.dma_semaphore, #tpu.memory_space<semaphore_mem>>) src(%arg23 : memref<640xf32, #tpu.memory_space<vmem>>) dst(%dma_wait3A_91 : memref<640xf32, #tpu.memory_space<vmem_shared>>)
      tpu.yield
    }) : () -> ()
    "tpu.region"() ({
      %run_scoped3A = tpu.sem_alloc : memref<!tpu.dma_semaphore, #tpu.memory_space<semaphore_mem>>
      tpu.enqueue_dma source(%arg3 : memref<10240xf32, #tpu.memory_space<hbm>>) target(%arg9 : memref<10240xf32, #tpu.memory_space<vmem>>) target_semaphore(%run_scoped3A : memref<!tpu.dma_semaphore, #tpu.memory_space<semaphore_mem>>)
      tpu.wait_dma2 semaphore(%run_scoped3A : memref<!tpu.dma_semaphore, #tpu.memory_space<semaphore_mem>>) src(%arg3 : memref<10240xf32, #tpu.memory_space<hbm>>) dst(%arg9 : memref<10240xf32, #tpu.memory_space<vmem>>)
      tpu.yield
    }) : () -> ()
    "tpu.region"() ({
      %run_scoped3A = tpu.sem_alloc : memref<!tpu.dma_semaphore, #tpu.memory_space<semaphore_mem>>
      tpu.enqueue_dma source(%arg4 : memref<10240xf32, #tpu.memory_space<hbm>>) target(%arg10 : memref<10240xf32, #tpu.memory_space<vmem>>) target_semaphore(%run_scoped3A : memref<!tpu.dma_semaphore, #tpu.memory_space<semaphore_mem>>)
      tpu.wait_dma2 semaphore(%run_scoped3A : memref<!tpu.dma_semaphore, #tpu.memory_space<semaphore_mem>>) src(%arg4 : memref<10240xf32, #tpu.memory_space<hbm>>) dst(%arg10 : memref<10240xf32, #tpu.memory_space<vmem>>)
      tpu.yield
    }) : () -> ()
    %barrier3A = arith.constant 0 : index
    tpu.barrier barrier_id(%barrier3A)
    %mul3A_49 = arith.constant 10368 : i32
    %mul3A_50 = arith.muli %add3A, %mul3A_49 : i32
    "tpu.region"() ({
      %run_scoped3A = tpu.sem_alloc : memref<!tpu.dma_semaphore, #tpu.memory_space<semaphore_mem>>
      %dma_start3A_88 = tpu.memref_slice %arg5[%mul3A_50] : memref<331776xi32, #tpu.memory_space<hbm>> -> memref<96xi32, #tpu.memory_space<hbm>>
      %dma_start3A_89 = tpu.memref_slice %arg5[%mul3A_50] : memref<331776xi32, #tpu.memory_space<hbm>> -> memref<96xi32, #tpu.memory_space<hbm>>
      tpu.enqueue_dma source(%dma_start3A_89 : memref<96xi32, #tpu.memory_space<hbm>>) target(%arg11 : memref<96xi32, #tpu.memory_space<vmem>>) target_semaphore(%run_scoped3A : memref<!tpu.dma_semaphore, #tpu.memory_space<semaphore_mem>>)
      %dma_wait3A_90 = tpu.memref_slice %arg5[%mul3A_50] : memref<331776xi32, #tpu.memory_space<hbm>> -> memref<96xi32, #tpu.memory_space<hbm>>
      %dma_wait3A_91 = tpu.memref_slice %arg5[%mul3A_50] : memref<331776xi32, #tpu.memory_space<hbm>> -> memref<96xi32, #tpu.memory_space<hbm>>
      tpu.wait_dma2 semaphore(%run_scoped3A : memref<!tpu.dma_semaphore, #tpu.memory_space<semaphore_mem>>) src(%dma_wait3A_91 : memref<96xi32, #tpu.memory_space<hbm>>) dst(%arg11 : memref<96xi32, #tpu.memory_space<vmem>>)
      tpu.yield
    }) : () -> ()
    "tpu.region"() ({
      %run_scoped3A = tpu.sem_alloc : memref<!tpu.dma_semaphore, #tpu.memory_space<semaphore_mem>>
      %dma_start3A_88 = tpu.memref_slice %arg6[%mul3A_50] : memref<331776xi32, #tpu.memory_space<hbm>> -> memref<96xi32, #tpu.memory_space<hbm>>
      %dma_start3A_89 = tpu.memref_slice %arg6[%mul3A_50] : memref<331776xi32, #tpu.memory_space<hbm>> -> memref<96xi32, #tpu.memory_space<hbm>>
      tpu.enqueue_dma source(%dma_start3A_89 : memref<96xi32, #tpu.memory_space<hbm>>) target(%arg13 : memref<96xi32, #tpu.memory_space<vmem>>) target_semaphore(%run_scoped3A : memref<!tpu.dma_semaphore, #tpu.memory_space<semaphore_mem>>)
      %dma_wait3A_90 = tpu.memref_slice %arg6[%mul3A_50] : memref<331776xi32, #tpu.memory_space<hbm>> -> memref<96xi32, #tpu.memory_space<hbm>>
      %dma_wait3A_91 = tpu.memref_slice %arg6[%mul3A_50] : memref<331776xi32, #tpu.memory_space<hbm>> -> memref<96xi32, #tpu.memory_space<hbm>>
      tpu.wait_dma2 semaphore(%run_scoped3A : memref<!tpu.dma_semaphore, #tpu.memory_space<semaphore_mem>>) src(%dma_wait3A_91 : memref<96xi32, #tpu.memory_space<hbm>>) dst(%arg13 : memref<96xi32, #tpu.memory_space<vmem>>)
      tpu.yield
    }) : () -> ()
    %dma_start3A = arith.constant 0 : i32
    %dma_start3A_51 = arith.constant 0 : i32
    %dma_start3A_52 = tpu.memref_slice %arg2[%dma_start3A, %dma_start3A_51] : memref<10000x128xf32, #tpu.memory_space<hbm>> -> memref<10000x128xf32, #tpu.memory_space<hbm>>
    tpu.enqueue_indirect_dma source(%dma_start3A_52 : memref<10000x128xf32, #tpu.memory_space<hbm>>) target(%arg19 : memref<96x128xf32, #tpu.memory_space<vmem>>) offsets(%arg11 : memref<96xi32, #tpu.memory_space<vmem>>) semaphore(%arg24 : memref<!tpu.dma_semaphore, #tpu.memory_space<semaphore_mem>>)
    %add3A_53 = arith.constant 96 : i32
    %add3A_54 = arith.addi %mul3A_50, %add3A_53 : i32
    %dma_start3A_55 = tpu.memref_slice %arg5[%add3A_54] : memref<331776xi32, #tpu.memory_space<hbm>> -> memref<96xi32, #tpu.memory_space<hbm>>
    %dma_start3A_56 = tpu.memref_slice %arg5[%add3A_54] : memref<331776xi32, #tpu.memory_space<hbm>> -> memref<96xi32, #tpu.memory_space<hbm>>
    tpu.enqueue_dma source(%dma_start3A_56 : memref<96xi32, #tpu.memory_space<hbm>>) target(%arg12 : memref<96xi32, #tpu.memory_space<vmem>>) target_semaphore(%arg27 : memref<!tpu.dma_semaphore, #tpu.memory_space<semaphore_mem>>)
    %add3A_57 = arith.constant 96 : i32
    %add3A_58 = arith.addi %mul3A_50, %add3A_57 : i32
    %dma_start3A_59 = tpu.memref_slice %arg6[%add3A_58] : memref<331776xi32, #tpu.memory_space<hbm>> -> memref<96xi32, #tpu.memory_space<hbm>>
    %dma_start3A_60 = tpu.memref_slice %arg6[%add3A_58] : memref<331776xi32, #tpu.memory_space<hbm>> -> memref<96xi32, #tpu.memory_space<hbm>>
    tpu.enqueue_dma source(%dma_start3A_60 : memref<96xi32, #tpu.memory_space<hbm>>) target(%arg14 : memref<96xi32, #tpu.memory_space<vmem>>) target_semaphore(%arg27 : memref<!tpu.dma_semaphore, #tpu.memory_space<semaphore_mem>>)
    %scan3A_61 = arith.constant 0 : i32
    %scan3A_62 = arith.constant 0 : i32
    %scan3A_63 = arith.constant 54 : i32
    %scan3A_64 = arith.addi %scan3A_62, %scan3A_63 : i32
    %scan3A_65 = arith.constant 1 : i32
    %scan3A_66 = scf.for %scan3A_88 = %scan3A_62 to %scan3A_64 step %scan3A_65 iter_args(%scan3A_89 = %scan3A_61) -> (i32)  : i32 {
      %mul3A_90 = arith.constant 2 : i32
      %mul3A_91 = arith.muli %mul3A_90, %scan3A_88 : i32
      %dma_wait3A_92 = tpu.memref_slice %arg5[%mul3A_50] : memref<331776xi32, #tpu.memory_space<hbm>> -> memref<96xi32, #tpu.memory_space<hbm>>
      %dma_wait3A_93 = tpu.memref_slice %arg5[%mul3A_50] : memref<331776xi32, #tpu.memory_space<hbm>> -> memref<96xi32, #tpu.memory_space<hbm>>
      tpu.wait_dma2 semaphore(%arg27 : memref<!tpu.dma_semaphore, #tpu.memory_space<semaphore_mem>>) src(%dma_wait3A_93 : memref<96xi32, #tpu.memory_space<hbm>>) dst(%arg12 : memref<96xi32, #tpu.memory_space<vmem>>)
      %dma_wait3A_94 = tpu.memref_slice %arg6[%mul3A_50] : memref<331776xi32, #tpu.memory_space<hbm>> -> memref<96xi32, #tpu.memory_space<hbm>>
      %dma_wait3A_95 = tpu.memref_slice %arg6[%mul3A_50] : memref<331776xi32, #tpu.memory_space<hbm>> -> memref<96xi32, #tpu.memory_space<hbm>>
      tpu.wait_dma2 semaphore(%arg27 : memref<!tpu.dma_semaphore, #tpu.memory_space<semaphore_mem>>) src(%dma_wait3A_95 : memref<96xi32, #tpu.memory_space<hbm>>) dst(%arg14 : memref<96xi32, #tpu.memory_space<vmem>>)
      %ge3A = arith.constant 1 : i32
      %ge3A_96 = arith.cmpi sge, %mul3A_91, %ge3A : i32
      %convert_element_type3A = arith.extui %ge3A_96 : i1 to i32
      %cond3A = arith.constant 0 : i32
      %cond3A_97 = arith.cmpi ne, %convert_element_type3A, %cond3A : i32
      scf.if %cond3A_97 {
        %dma_wait3A_397 = arith.constant 0 : i32
        %dma_wait3A_398 = tpu.memref_slice %arg22[%dma_wait3A_397] : memref<10240xf32, #tpu.memory_space<vmem_shared>> -> memref<10240xf32, #tpu.memory_space<vmem_shared>>
        tpu.wait_indirect_dma semaphore(%arg29 : memref<!tpu.dma_semaphore, #tpu.memory_space<semaphore_mem>>) src(%arg18 : memref<96xf32, #tpu.memory_space<vmem>>) dst(%dma_wait3A_398 : memref<10240xf32, #tpu.memory_space<vmem_shared>>)
        %dma_wait3A_399 = arith.constant 0 : i32
        %dma_wait3A_400 = arith.constant 0 : i32
        %dma_wait3A_401 = tpu.memref_slice %arg21[%dma_wait3A_399, %dma_wait3A_400] : memref<10240x128xf32, #tpu.memory_space<vmem_shared>> -> memref<10240x128xf32, #tpu.memory_space<vmem_shared>>
        tpu.wait_indirect_dma semaphore(%arg29 : memref<!tpu.dma_semaphore, #tpu.memory_space<semaphore_mem>>) src(%arg20 : memref<96x128xf32, #tpu.memory_space<vmem>>) dst(%dma_wait3A_401 : memref<10240x128xf32, #tpu.memory_space<vmem_shared>>)
      } else {
      }
      %dma_start3A_98 = arith.constant 0 : i32
      %dma_start3A_99 = arith.constant 0 : i32
      %dma_start3A_100 = tpu.memref_slice %arg2[%dma_start3A_98, %dma_start3A_99] : memref<10000x128xf32, #tpu.memory_space<hbm>> -> memref<10000x128xf32, #tpu.memory_space<hbm>>
      tpu.enqueue_indirect_dma source(%dma_start3A_100 : memref<10000x128xf32, #tpu.memory_space<hbm>>) target(%arg20 : memref<96x128xf32, #tpu.memory_space<vmem>>) offsets(%arg12 : memref<96xi32, #tpu.memory_space<vmem>>) semaphore(%arg25 : memref<!tpu.dma_semaphore, #tpu.memory_space<semaphore_mem>>)
      %get3A = arith.constant 0 : index
      %get3A_101 = tpu.vector_load %arg11[%get3A] {strides = array<i32>} : memref<96xi32, #tpu.memory_space<vmem>>, vector<16xi32>,
      %get3A_102 = arith.constant 0 : index
      %get3A_103 = tpu.vector_load %arg13[%get3A_102] {strides = array<i32>} : memref<96xi32, #tpu.memory_space<vmem>>, vector<16xi32>,
      %swap3A = arith.constant 0 : index
      %swap3A_104 = tpu.vector_load %arg15[%swap3A] {strides = array<i32>} : memref<96xi32, #tpu.memory_space<vmem>>, vector<16xi32>,
      tpu.vector_store %arg15[%swap3A], %get3A_103 {strides = array<i32>} : memref<96xi32, #tpu.memory_space<vmem>>, vector<16xi32>,
      %gather3A = tpu.vector_load_idx %arg9[%get3A_101] : memref<10240xf32, #tpu.memory_space<vmem>>[vector<16xi32>], vector<16xf32>,
      %gather3A_105 = tpu.vector_load_idx %arg10[%get3A_103] : memref<10240xf32, #tpu.memory_space<vmem>>[vector<16xi32>], vector<16xf32>,
      %add3A_106 = arith.addf %gather3A, %gather3A_105 : vector<16xf32>
      %ge3A_107 = arith.constant 0.000000e+00 : f32
      %ge3A_108 = vector.broadcast %ge3A_107 : f32 to vector<16xf32>
      %ge3A_109 = arith.cmpf oge, %add3A_106, %ge3A_108 : vector<16xf32>
      %mul3A_110 = arith.constant 2.000000e-01 : f32
      %mul3A_111 = vector.broadcast %mul3A_110 : f32 to vector<16xf32>
      %mul3A_112 = arith.mulf %add3A_106, %mul3A_111 : vector<16xf32>
      %select_n3A = arith.select %ge3A_109, %add3A_106, %mul3A_112 : vector<16xi1>, vector<16xf32>
      %exp3A = math.exp %select_n3A : vector<16xf32>
      %swap3A_113 = arith.constant 0 : index
      %swap3A_114 = tpu.vector_load %arg17[%swap3A_113] {strides = array<i32>} : memref<96xf32, #tpu.memory_space<vmem>>, vector<16xf32>,
      tpu.vector_store %arg17[%swap3A_113], %exp3A {strides = array<i32>} : memref<96xf32, #tpu.memory_space<vmem>>, vector<16xf32>,
      %get3A_115 = arith.constant 16 : index
      %get3A_116 = tpu.vector_load %arg11[%get3A_115] {strides = array<i32>} : memref<96xi32, #tpu.memory_space<vmem>>, vector<16xi32>,
      %get3A_117 = arith.constant 16 : index
      %get3A_118 = tpu.vector_load %arg13[%get3A_117] {strides = array<i32>} : memref<96xi32, #tpu.memory_space<vmem>>, vector<16xi32>,
      %swap3A_119 = arith.constant 16 : index
      %swap3A_120 = tpu.vector_load %arg15[%swap3A_119] {strides = array<i32>} : memref<96xi32, #tpu.memory_space<vmem>>, vector<16xi32>,
      tpu.vector_store %arg15[%swap3A_119], %get3A_118 {strides = array<i32>} : memref<96xi32, #tpu.memory_space<vmem>>, vector<16xi32>,
      %gather3A_121 = tpu.vector_load_idx %arg9[%get3A_116] : memref<10240xf32, #tpu.memory_space<vmem>>[vector<16xi32>], vector<16xf32>,
      %gather3A_122 = tpu.vector_load_idx %arg10[%get3A_118] : memref<10240xf32, #tpu.memory_space<vmem>>[vector<16xi32>], vector<16xf32>,
      %add3A_123 = arith.addf %gather3A_121, %gather3A_122 : vector<16xf32>
      %ge3A_124 = arith.constant 0.000000e+00 : f32
      %ge3A_125 = vector.broadcast %ge3A_124 : f32 to vector<16xf32>
      %ge3A_126 = arith.cmpf oge, %add3A_123, %ge3A_125 : vector<16xf32>
      %mul3A_127 = arith.constant 2.000000e-01 : f32
      %mul3A_128 = vector.broadcast %mul3A_127 : f32 to vector<16xf32>
      %mul3A_129 = arith.mulf %add3A_123, %mul3A_128 : vector<16xf32>
      %select_n3A_130 = arith.select %ge3A_126, %add3A_123, %mul3A_129 : vector<16xi1>, vector<16xf32>
      %exp3A_131 = math.exp %select_n3A_130 : vector<16xf32>
      %swap3A_132 = arith.constant 16 : index
      %swap3A_133 = tpu.vector_load %arg17[%swap3A_132] {strides = array<i32>} : memref<96xf32, #tpu.memory_space<vmem>>, vector<16xf32>,
      tpu.vector_store %arg17[%swap3A_132], %exp3A_131 {strides = array<i32>} : memref<96xf32, #tpu.memory_space<vmem>>, vector<16xf32>,
      %get3A_134 = arith.constant 32 : index
      %get3A_135 = tpu.vector_load %arg11[%get3A_134] {strides = array<i32>} : memref<96xi32, #tpu.memory_space<vmem>>, vector<16xi32>,
      %get3A_136 = arith.constant 32 : index
      %get3A_137 = tpu.vector_load %arg13[%get3A_136] {strides = array<i32>} : memref<96xi32, #tpu.memory_space<vmem>>, vector<16xi32>,
      %swap3A_138 = arith.constant 32 : index
      %swap3A_139 = tpu.vector_load %arg15[%swap3A_138] {strides = array<i32>} : memref<96xi32, #tpu.memory_space<vmem>>, vector<16xi32>,
      tpu.vector_store %arg15[%swap3A_138], %get3A_137 {strides = array<i32>} : memref<96xi32, #tpu.memory_space<vmem>>, vector<16xi32>,
      %gather3A_140 = tpu.vector_load_idx %arg9[%get3A_135] : memref<10240xf32, #tpu.memory_space<vmem>>[vector<16xi32>], vector<16xf32>,
      %gather3A_141 = tpu.vector_load_idx %arg10[%get3A_137] : memref<10240xf32, #tpu.memory_space<vmem>>[vector<16xi32>], vector<16xf32>,
      %add3A_142 = arith.addf %gather3A_140, %gather3A_141 : vector<16xf32>
      %ge3A_143 = arith.constant 0.000000e+00 : f32
      %ge3A_144 = vector.broadcast %ge3A_143 : f32 to vector<16xf32>
      %ge3A_145 = arith.cmpf oge, %add3A_142, %ge3A_144 : vector<16xf32>
      %mul3A_146 = arith.constant 2.000000e-01 : f32
      %mul3A_147 = vector.broadcast %mul3A_146 : f32 to vector<16xf32>
      %mul3A_148 = arith.mulf %add3A_142, %mul3A_147 : vector<16xf32>
      %select_n3A_149 = arith.select %ge3A_145, %add3A_142, %mul3A_148 : vector<16xi1>, vector<16xf32>
      %exp3A_150 = math.exp %select_n3A_149 : vector<16xf32>
      %swap3A_151 = arith.constant 32 : index
      %swap3A_152 = tpu.vector_load %arg17[%swap3A_151] {strides = array<i32>} : memref<96xf32, #tpu.memory_space<vmem>>, vector<16xf32>,
      tpu.vector_store %arg17[%swap3A_151], %exp3A_150 {strides = array<i32>} : memref<96xf32, #tpu.memory_space<vmem>>, vector<16xf32>,
      %get3A_153 = arith.constant 48 : index
      %get3A_154 = tpu.vector_load %arg11[%get3A_153] {strides = array<i32>} : memref<96xi32, #tpu.memory_space<vmem>>, vector<16xi32>,
      %get3A_155 = arith.constant 48 : index
      %get3A_156 = tpu.vector_load %arg13[%get3A_155] {strides = array<i32>} : memref<96xi32, #tpu.memory_space<vmem>>, vector<16xi32>,
      %swap3A_157 = arith.constant 48 : index
      %swap3A_158 = tpu.vector_load %arg15[%swap3A_157] {strides = array<i32>} : memref<96xi32, #tpu.memory_space<vmem>>, vector<16xi32>,
      tpu.vector_store %arg15[%swap3A_157], %get3A_156 {strides = array<i32>} : memref<96xi32, #tpu.memory_space<vmem>>, vector<16xi32>,
      %gather3A_159 = tpu.vector_load_idx %arg9[%get3A_154] : memref<10240xf32, #tpu.memory_space<vmem>>[vector<16xi32>], vector<16xf32>,
      %gather3A_160 = tpu.vector_load_idx %arg10[%get3A_156] : memref<10240xf32, #tpu.memory_space<vmem>>[vector<16xi32>], vector<16xf32>,
      %add3A_161 = arith.addf %gather3A_159, %gather3A_160 : vector<16xf32>
      %ge3A_162 = arith.constant 0.000000e+00 : f32
      %ge3A_163 = vector.broadcast %ge3A_162 : f32 to vector<16xf32>
      %ge3A_164 = arith.cmpf oge, %add3A_161, %ge3A_163 : vector<16xf32>
      %mul3A_165 = arith.constant 2.000000e-01 : f32
      %mul3A_166 = vector.broadcast %mul3A_165 : f32 to vector<16xf32>
      %mul3A_167 = arith.mulf %add3A_161, %mul3A_166 : vector<16xf32>
      %select_n3A_168 = arith.select %ge3A_164, %add3A_161, %mul3A_167 : vector<16xi1>, vector<16xf32>
      %exp3A_169 = math.exp %select_n3A_168 : vector<16xf32>
      %swap3A_170 = arith.constant 48 : index
      %swap3A_171 = tpu.vector_load %arg17[%swap3A_170] {strides = array<i32>} : memref<96xf32, #tpu.memory_space<vmem>>, vector<16xf32>,
      tpu.vector_store %arg17[%swap3A_170], %exp3A_169 {strides = array<i32>} : memref<96xf32, #tpu.memory_space<vmem>>, vector<16xf32>,
      %get3A_172 = arith.constant 64 : index
      %get3A_173 = tpu.vector_load %arg11[%get3A_172] {strides = array<i32>} : memref<96xi32, #tpu.memory_space<vmem>>, vector<16xi32>,
      %get3A_174 = arith.constant 64 : index
      %get3A_175 = tpu.vector_load %arg13[%get3A_174] {strides = array<i32>} : memref<96xi32, #tpu.memory_space<vmem>>, vector<16xi32>,
      %swap3A_176 = arith.constant 64 : index
      %swap3A_177 = tpu.vector_load %arg15[%swap3A_176] {strides = array<i32>} : memref<96xi32, #tpu.memory_space<vmem>>, vector<16xi32>,
      tpu.vector_store %arg15[%swap3A_176], %get3A_175 {strides = array<i32>} : memref<96xi32, #tpu.memory_space<vmem>>, vector<16xi32>,
      %gather3A_178 = tpu.vector_load_idx %arg9[%get3A_173] : memref<10240xf32, #tpu.memory_space<vmem>>[vector<16xi32>], vector<16xf32>,
      %gather3A_179 = tpu.vector_load_idx %arg10[%get3A_175] : memref<10240xf32, #tpu.memory_space<vmem>>[vector<16xi32>], vector<16xf32>,
      %add3A_180 = arith.addf %gather3A_178, %gather3A_179 : vector<16xf32>
      %ge3A_181 = arith.constant 0.000000e+00 : f32
      %ge3A_182 = vector.broadcast %ge3A_181 : f32 to vector<16xf32>
      %ge3A_183 = arith.cmpf oge, %add3A_180, %ge3A_182 : vector<16xf32>
      %mul3A_184 = arith.constant 2.000000e-01 : f32
      %mul3A_185 = vector.broadcast %mul3A_184 : f32 to vector<16xf32>
      %mul3A_186 = arith.mulf %add3A_180, %mul3A_185 : vector<16xf32>
      %select_n3A_187 = arith.select %ge3A_183, %add3A_180, %mul3A_186 : vector<16xi1>, vector<16xf32>
      %exp3A_188 = math.exp %select_n3A_187 : vector<16xf32>
      %swap3A_189 = arith.constant 64 : index
      %swap3A_190 = tpu.vector_load %arg17[%swap3A_189] {strides = array<i32>} : memref<96xf32, #tpu.memory_space<vmem>>, vector<16xf32>,
      tpu.vector_store %arg17[%swap3A_189], %exp3A_188 {strides = array<i32>} : memref<96xf32, #tpu.memory_space<vmem>>, vector<16xf32>,
      %get3A_191 = arith.constant 80 : index
      %get3A_192 = tpu.vector_load %arg11[%get3A_191] {strides = array<i32>} : memref<96xi32, #tpu.memory_space<vmem>>, vector<16xi32>,
      %get3A_193 = arith.constant 80 : index
      %get3A_194 = tpu.vector_load %arg13[%get3A_193] {strides = array<i32>} : memref<96xi32, #tpu.memory_space<vmem>>, vector<16xi32>,
      %swap3A_195 = arith.constant 80 : index
      %swap3A_196 = tpu.vector_load %arg15[%swap3A_195] {strides = array<i32>} : memref<96xi32, #tpu.memory_space<vmem>>, vector<16xi32>,
      tpu.vector_store %arg15[%swap3A_195], %get3A_194 {strides = array<i32>} : memref<96xi32, #tpu.memory_space<vmem>>, vector<16xi32>,
      %gather3A_197 = tpu.vector_load_idx %arg9[%get3A_192] : memref<10240xf32, #tpu.memory_space<vmem>>[vector<16xi32>], vector<16xf32>,
      %gather3A_198 = tpu.vector_load_idx %arg10[%get3A_194] : memref<10240xf32, #tpu.memory_space<vmem>>[vector<16xi32>], vector<16xf32>,
      %add3A_199 = arith.addf %gather3A_197, %gather3A_198 : vector<16xf32>
      %ge3A_200 = arith.constant 0.000000e+00 : f32
      %ge3A_201 = vector.broadcast %ge3A_200 : f32 to vector<16xf32>
      %ge3A_202 = arith.cmpf oge, %add3A_199, %ge3A_201 : vector<16xf32>
      %mul3A_203 = arith.constant 2.000000e-01 : f32
      %mul3A_204 = vector.broadcast %mul3A_203 : f32 to vector<16xf32>
      %mul3A_205 = arith.mulf %add3A_199, %mul3A_204 : vector<16xf32>
      %select_n3A_206 = arith.select %ge3A_202, %add3A_199, %mul3A_205 : vector<16xi1>, vector<16xf32>
      %exp3A_207 = math.exp %select_n3A_206 : vector<16xf32>
      %swap3A_208 = arith.constant 80 : index
      %swap3A_209 = tpu.vector_load %arg17[%swap3A_208] {strides = array<i32>} : memref<96xf32, #tpu.memory_space<vmem>>, vector<16xf32>,
      tpu.vector_store %arg17[%swap3A_208], %exp3A_207 {strides = array<i32>} : memref<96xf32, #tpu.memory_space<vmem>>, vector<16xf32>,
      %dma_start3A_210 = arith.constant 0 : i32
      %dma_start3A_211 = tpu.memref_slice %arg22[%dma_start3A_210] : memref<10240xf32, #tpu.memory_space<vmem_shared>> -> memref<10240xf32, #tpu.memory_space<vmem_shared>>
      tpu.enqueue_indirect_dma source(%arg17 : memref<96xf32, #tpu.memory_space<vmem>>) target(%dma_start3A_211 : memref<10240xf32, #tpu.memory_space<vmem_shared>>) offsets(%arg15 : memref<96xi32, #tpu.memory_space<vmem>>) semaphore(%arg28 : memref<!tpu.dma_semaphore, #tpu.memory_space<semaphore_mem>>) {add = true}
      %dma_wait3A_212 = arith.constant 0 : i32
      %dma_wait3A_213 = arith.constant 0 : i32
      %dma_wait3A_214 = tpu.memref_slice %arg2[%dma_wait3A_212, %dma_wait3A_213] : memref<10000x128xf32, #tpu.memory_space<hbm>> -> memref<10000x128xf32, #tpu.memory_space<hbm>>
      tpu.wait_indirect_dma semaphore(%arg24 : memref<!tpu.dma_semaphore, #tpu.memory_space<semaphore_mem>>) src(%dma_wait3A_214 : memref<10000x128xf32, #tpu.memory_space<hbm>>) dst(%arg19 : memref<96x128xf32, #tpu.memory_space<vmem>>)
      %add3A_215 = arith.constant 2 : i32
      %add3A_216 = arith.addi %mul3A_91, %add3A_215 : i32
      %min3A = arith.constant 107 : i32
      %min3A_217 = arith.minsi %add3A_216, %min3A : i32
      %mul3A_218 = arith.constant 96 : i32
      %mul3A_219 = arith.muli %min3A_217, %mul3A_218 : i32
      %add3A_220 = arith.addi %mul3A_50, %mul3A_219 : i32
      %dma_start3A_221 = tpu.memref_slice %arg5[%add3A_220] : memref<331776xi32, #tpu.memory_space<hbm>> -> memref<96xi32, #tpu.memory_space<hbm>>
      %dma_start3A_222 = tpu.memref_slice %arg5[%add3A_220] : memref<331776xi32, #tpu.memory_space<hbm>> -> memref<96xi32, #tpu.memory_space<hbm>>
      tpu.enqueue_dma source(%dma_start3A_222 : memref<96xi32, #tpu.memory_space<hbm>>) target(%arg11 : memref<96xi32, #tpu.memory_space<vmem>>) target_semaphore(%arg26 : memref<!tpu.dma_semaphore, #tpu.memory_space<semaphore_mem>>)
      %add3A_223 = arith.constant 2 : i32
      %add3A_224 = arith.addi %mul3A_91, %add3A_223 : i32
      %min3A_225 = arith.constant 107 : i32
      %min3A_226 = arith.minsi %add3A_224, %min3A_225 : i32
      %mul3A_227 = arith.constant 96 : i32
      %mul3A_228 = arith.muli %min3A_226, %mul3A_227 : i32
      %add3A_229 = arith.addi %mul3A_50, %mul3A_228 : i32
      %dma_start3A_230 = tpu.memref_slice %arg6[%add3A_229] : memref<331776xi32, #tpu.memory_space<hbm>> -> memref<96xi32, #tpu.memory_space<hbm>>
      %dma_start3A_231 = tpu.memref_slice %arg6[%add3A_229] : memref<331776xi32, #tpu.memory_space<hbm>> -> memref<96xi32, #tpu.memory_space<hbm>>
      tpu.enqueue_dma source(%dma_start3A_231 : memref<96xi32, #tpu.memory_space<hbm>>) target(%arg13 : memref<96xi32, #tpu.memory_space<vmem>>) target_semaphore(%arg26 : memref<!tpu.dma_semaphore, #tpu.memory_space<semaphore_mem>>)
      %parallel_loop3A = arith.constant 0 : i32
      %parallel_loop3A_232 = arith.constant 96 : i32
      %parallel_loop3A_233 = arith.constant 1 : i32
      scf.for %parallel_loop3A_397 = %parallel_loop3A to %parallel_loop3A_232 step %parallel_loop3A_233  : i32 {
        %parallel_loop3A_398 = vector.broadcast %parallel_loop3A_397 : i32 to vector<16xi32>
        %parallel_loop3A_399 = tpu.vector_load_idx %arg17[%parallel_loop3A_398] : memref<96xf32, #tpu.memory_space<vmem>>[vector<16xi32>], vector<16xf32>,
        %parallel_loop3A_400 = arith.index_cast %parallel_loop3A_397 : i32 to index
        %parallel_loop3A_401 = arith.constant 0 : index
        %parallel_loop3A_402 = tpu.vector_load %arg19[%parallel_loop3A_400, %parallel_loop3A_401] {strides = array<i32>} : memref<96x128xf32, #tpu.memory_space<vmem>>, vector<16xf32>,
        %parallel_loop3A_403 = arith.mulf %parallel_loop3A_402, %parallel_loop3A_399 : vector<16xf32>
        %parallel_loop3A_404 = arith.index_cast %parallel_loop3A_397 : i32 to index
        %parallel_loop3A_405 = arith.constant 0 : index
        %parallel_loop3A_406 = tpu.vector_load %arg19[%parallel_loop3A_404, %parallel_loop3A_405] {strides = array<i32>} : memref<96x128xf32, #tpu.memory_space<vmem>>, vector<16xf32>,
        tpu.vector_store %arg19[%parallel_loop3A_404, %parallel_loop3A_405], %parallel_loop3A_403 {strides = array<i32>} : memref<96x128xf32, #tpu.memory_space<vmem>>, vector<16xf32>,
        %parallel_loop3A_407 = arith.index_cast %parallel_loop3A_397 : i32 to index
        %parallel_loop3A_408 = arith.constant 16 : index
        %parallel_loop3A_409 = tpu.vector_load %arg19[%parallel_loop3A_407, %parallel_loop3A_408] {strides = array<i32>} : memref<96x128xf32, #tpu.memory_space<vmem>>, vector<16xf32>,
        %parallel_loop3A_410 = arith.mulf %parallel_loop3A_409, %parallel_loop3A_399 : vector<16xf32>
        %parallel_loop3A_411 = arith.index_cast %parallel_loop3A_397 : i32 to index
        %parallel_loop3A_412 = arith.constant 16 : index
        %parallel_loop3A_413 = tpu.vector_load %arg19[%parallel_loop3A_411, %parallel_loop3A_412] {strides = array<i32>} : memref<96x128xf32, #tpu.memory_space<vmem>>, vector<16xf32>,
        tpu.vector_store %arg19[%parallel_loop3A_411, %parallel_loop3A_412], %parallel_loop3A_410 {strides = array<i32>} : memref<96x128xf32, #tpu.memory_space<vmem>>, vector<16xf32>,
        %parallel_loop3A_414 = arith.index_cast %parallel_loop3A_397 : i32 to index
        %parallel_loop3A_415 = arith.constant 32 : index
        %parallel_loop3A_416 = tpu.vector_load %arg19[%parallel_loop3A_414, %parallel_loop3A_415] {strides = array<i32>} : memref<96x128xf32, #tpu.memory_space<vmem>>, vector<16xf32>,
        %parallel_loop3A_417 = arith.mulf %parallel_loop3A_416, %parallel_loop3A_399 : vector<16xf32>
        %parallel_loop3A_418 = arith.index_cast %parallel_loop3A_397 : i32 to index
        %parallel_loop3A_419 = arith.constant 32 : index
        %parallel_loop3A_420 = tpu.vector_load %arg19[%parallel_loop3A_418, %parallel_loop3A_419] {strides = array<i32>} : memref<96x128xf32, #tpu.memory_space<vmem>>, vector<16xf32>,
        tpu.vector_store %arg19[%parallel_loop3A_418, %parallel_loop3A_419], %parallel_loop3A_417 {strides = array<i32>} : memref<96x128xf32, #tpu.memory_space<vmem>>, vector<16xf32>,
        %parallel_loop3A_421 = arith.index_cast %parallel_loop3A_397 : i32 to index
        %parallel_loop3A_422 = arith.constant 48 : index
        %parallel_loop3A_423 = tpu.vector_load %arg19[%parallel_loop3A_421, %parallel_loop3A_422] {strides = array<i32>} : memref<96x128xf32, #tpu.memory_space<vmem>>, vector<16xf32>,
        %parallel_loop3A_424 = arith.mulf %parallel_loop3A_423, %parallel_loop3A_399 : vector<16xf32>
        %parallel_loop3A_425 = arith.index_cast %parallel_loop3A_397 : i32 to index
        %parallel_loop3A_426 = arith.constant 48 : index
        %parallel_loop3A_427 = tpu.vector_load %arg19[%parallel_loop3A_425, %parallel_loop3A_426] {strides = array<i32>} : memref<96x128xf32, #tpu.memory_space<vmem>>, vector<16xf32>,
        tpu.vector_store %arg19[%parallel_loop3A_425, %parallel_loop3A_426], %parallel_loop3A_424 {strides = array<i32>} : memref<96x128xf32, #tpu.memory_space<vmem>>, vector<16xf32>,
        %parallel_loop3A_428 = arith.index_cast %parallel_loop3A_397 : i32 to index
        %parallel_loop3A_429 = arith.constant 64 : index
        %parallel_loop3A_430 = tpu.vector_load %arg19[%parallel_loop3A_428, %parallel_loop3A_429] {strides = array<i32>} : memref<96x128xf32, #tpu.memory_space<vmem>>, vector<16xf32>,
        %parallel_loop3A_431 = arith.mulf %parallel_loop3A_430, %parallel_loop3A_399 : vector<16xf32>
        %parallel_loop3A_432 = arith.index_cast %parallel_loop3A_397 : i32 to index
        %parallel_loop3A_433 = arith.constant 64 : index
        %parallel_loop3A_434 = tpu.vector_load %arg19[%parallel_loop3A_432, %parallel_loop3A_433] {strides = array<i32>} : memref<96x128xf32, #tpu.memory_space<vmem>>, vector<16xf32>,
        tpu.vector_store %arg19[%parallel_loop3A_432, %parallel_loop3A_433], %parallel_loop3A_431 {strides = array<i32>} : memref<96x128xf32, #tpu.memory_space<vmem>>, vector<16xf32>,
        %parallel_loop3A_435 = arith.index_cast %parallel_loop3A_397 : i32 to index
        %parallel_loop3A_436 = arith.constant 80 : index
        %parallel_loop3A_437 = tpu.vector_load %arg19[%parallel_loop3A_435, %parallel_loop3A_436] {strides = array<i32>} : memref<96x128xf32, #tpu.memory_space<vmem>>, vector<16xf32>,
        %parallel_loop3A_438 = arith.mulf %parallel_loop3A_437, %parallel_loop3A_399 : vector<16xf32>
        %parallel_loop3A_439 = arith.index_cast %parallel_loop3A_397 : i32 to index
        %parallel_loop3A_440 = arith.constant 80 : index
        %parallel_loop3A_441 = tpu.vector_load %arg19[%parallel_loop3A_439, %parallel_loop3A_440] {strides = array<i32>} : memref<96x128xf32, #tpu.memory_space<vmem>>, vector<16xf32>,
        tpu.vector_store %arg19[%parallel_loop3A_439, %parallel_loop3A_440], %parallel_loop3A_438 {strides = array<i32>} : memref<96x128xf32, #tpu.memory_space<vmem>>, vector<16xf32>,
        %parallel_loop3A_442 = arith.index_cast %parallel_loop3A_397 : i32 to index
        %parallel_loop3A_443 = arith.constant 96 : index
        %parallel_loop3A_444 = tpu.vector_load %arg19[%parallel_loop3A_442, %parallel_loop3A_443] {strides = array<i32>} : memref<96x128xf32, #tpu.memory_space<vmem>>, vector<16xf32>,
        %parallel_loop3A_445 = arith.mulf %parallel_loop3A_444, %parallel_loop3A_399 : vector<16xf32>
        %parallel_loop3A_446 = arith.index_cast %parallel_loop3A_397 : i32 to index
        %parallel_loop3A_447 = arith.constant 96 : index
        %parallel_loop3A_448 = tpu.vector_load %arg19[%parallel_loop3A_446, %parallel_loop3A_447] {strides = array<i32>} : memref<96x128xf32, #tpu.memory_space<vmem>>, vector<16xf32>,
        tpu.vector_store %arg19[%parallel_loop3A_446, %parallel_loop3A_447], %parallel_loop3A_445 {strides = array<i32>} : memref<96x128xf32, #tpu.memory_space<vmem>>, vector<16xf32>,
        %parallel_loop3A_449 = arith.index_cast %parallel_loop3A_397 : i32 to index
        %parallel_loop3A_450 = arith.constant 112 : index
        %parallel_loop3A_451 = tpu.vector_load %arg19[%parallel_loop3A_449, %parallel_loop3A_450] {strides = array<i32>} : memref<96x128xf32, #tpu.memory_space<vmem>>, vector<16xf32>,
        %parallel_loop3A_452 = arith.mulf %parallel_loop3A_451, %parallel_loop3A_399 : vector<16xf32>
        %parallel_loop3A_453 = arith.index_cast %parallel_loop3A_397 : i32 to index
        %parallel_loop3A_454 = arith.constant 112 : index
        %parallel_loop3A_455 = tpu.vector_load %arg19[%parallel_loop3A_453, %parallel_loop3A_454] {strides = array<i32>} : memref<96x128xf32, #tpu.memory_space<vmem>>, vector<16xf32>,
        tpu.vector_store %arg19[%parallel_loop3A_453, %parallel_loop3A_454], %parallel_loop3A_452 {strides = array<i32>} : memref<96x128xf32, #tpu.memory_space<vmem>>, vector<16xf32>,
      } {sc.loop_unroll_factor = 8 : i64, sc.parallel_access}
      %dma_start3A_234 = arith.constant 0 : i32
      %dma_start3A_235 = arith.constant 0 : i32
      %dma_start3A_236 = tpu.memref_slice %arg21[%dma_start3A_234, %dma_start3A_235] : memref<10240x128xf32, #tpu.memory_space<vmem_shared>> -> memref<10240x128xf32, #tpu.memory_space<vmem_shared>>
      tpu.enqueue_indirect_dma source(%arg19 : memref<96x128xf32, #tpu.memory_space<vmem>>) target(%dma_start3A_236 : memref<10240x128xf32, #tpu.memory_space<vmem_shared>>) offsets(%arg15 : memref<96xi32, #tpu.memory_space<vmem>>) semaphore(%arg28 : memref<!tpu.dma_semaphore, #tpu.memory_space<semaphore_mem>>) {add = true}
      %mul3A_237 = arith.constant 2 : i32
      %mul3A_238 = arith.muli %mul3A_237, %scan3A_88 : i32
      %add3A_239 = arith.constant 1 : i32
      %add3A_240 = arith.addi %mul3A_238, %add3A_239 : i32
      %dma_wait3A_241 = tpu.memref_slice %arg5[%mul3A_50] : memref<331776xi32, #tpu.memory_space<hbm>> -> memref<96xi32, #tpu.memory_space<hbm>>
      %dma_wait3A_242 = tpu.memref_slice %arg5[%mul3A_50] : memref<331776xi32, #tpu.memory_space<hbm>> -> memref<96xi32, #tpu.memory_space<hbm>>
      tpu.wait_dma2 semaphore(%arg26 : memref<!tpu.dma_semaphore, #tpu.memory_space<semaphore_mem>>) src(%dma_wait3A_242 : memref<96xi32, #tpu.memory_space<hbm>>) dst(%arg11 : memref<96xi32, #tpu.memory_space<vmem>>)
      %dma_wait3A_243 = tpu.memref_slice %arg6[%mul3A_50] : memref<331776xi32, #tpu.memory_space<hbm>> -> memref<96xi32, #tpu.memory_space<hbm>>
      %dma_wait3A_244 = tpu.memref_slice %arg6[%mul3A_50] : memref<331776xi32, #tpu.memory_space<hbm>> -> memref<96xi32, #tpu.memory_space<hbm>>
      tpu.wait_dma2 semaphore(%arg26 : memref<!tpu.dma_semaphore, #tpu.memory_space<semaphore_mem>>) src(%dma_wait3A_244 : memref<96xi32, #tpu.memory_space<hbm>>) dst(%arg13 : memref<96xi32, #tpu.memory_space<vmem>>)
      %ge3A_245 = arith.constant 1 : i32
      %ge3A_246 = arith.cmpi sge, %add3A_240, %ge3A_245 : i32
      %convert_element_type3A_247 = arith.extui %ge3A_246 : i1 to i32
      %cond3A_248 = arith.constant 0 : i32
      %cond3A_249 = arith.cmpi ne, %convert_element_type3A_247, %cond3A_248 : i32
      scf.if %cond3A_249 {
        %dma_wait3A_397 = arith.constant 0 : i32
        %dma_wait3A_398 = tpu.memref_slice %arg22[%dma_wait3A_397] : memref<10240xf32, #tpu.memory_space<vmem_shared>> -> memref<10240xf32, #tpu.memory_space<vmem_shared>>
        tpu.wait_indirect_dma semaphore(%arg28 : memref<!tpu.dma_semaphore, #tpu.memory_space<semaphore_mem>>) src(%arg17 : memref<96xf32, #tpu.memory_space<vmem>>) dst(%dma_wait3A_398 : memref<10240xf32, #tpu.memory_space<vmem_shared>>)
        %dma_wait3A_399 = arith.constant 0 : i32
        %dma_wait3A_400 = arith.constant 0 : i32
        %dma_wait3A_401 = tpu.memref_slice %arg21[%dma_wait3A_399, %dma_wait3A_400] : memref<10240x128xf32, #tpu.memory_space<vmem_shared>> -> memref<10240x128xf32, #tpu.memory_space<vmem_shared>>
        tpu.wait_indirect_dma semaphore(%arg28 : memref<!tpu.dma_semaphore, #tpu.memory_space<semaphore_mem>>) src(%arg19 : memref<96x128xf32, #tpu.memory_space<vmem>>) dst(%dma_wait3A_401 : memref<10240x128xf32, #tpu.memory_space<vmem_shared>>)
      } else {
      }
      %dma_start3A_250 = arith.constant 0 : i32
      %dma_start3A_251 = arith.constant 0 : i32
      %dma_start3A_252 = tpu.memref_slice %arg2[%dma_start3A_250, %dma_start3A_251] : memref<10000x128xf32, #tpu.memory_space<hbm>> -> memref<10000x128xf32, #tpu.memory_space<hbm>>
      tpu.enqueue_indirect_dma source(%dma_start3A_252 : memref<10000x128xf32, #tpu.memory_space<hbm>>) target(%arg19 : memref<96x128xf32, #tpu.memory_space<vmem>>) offsets(%arg11 : memref<96xi32, #tpu.memory_space<vmem>>) semaphore(%arg24 : memref<!tpu.dma_semaphore, #tpu.memory_space<semaphore_mem>>)
      %get3A_253 = arith.constant 0 : index
      %get3A_254 = tpu.vector_load %arg12[%get3A_253] {strides = array<i32>} : memref<96xi32, #tpu.memory_space<vmem>>, vector<16xi32>,
      %get3A_255 = arith.constant 0 : index
      %get3A_256 = tpu.vector_load %arg14[%get3A_255] {strides = array<i32>} : memref<96xi32, #tpu.memory_space<vmem>>, vector<16xi32>,
      %swap3A_257 = arith.constant 0 : index
      %swap3A_258 = tpu.vector_load %arg16[%swap3A_257] {strides = array<i32>} : memref<96xi32, #tpu.memory_space<vmem>>, vector<16xi32>,
      tpu.vector_store %arg16[%swap3A_257], %get3A_256 {strides = array<i32>} : memref<96xi32, #tpu.memory_space<vmem>>, vector<16xi32>,
      %gather3A_259 = tpu.vector_load_idx %arg9[%get3A_254] : memref<10240xf32, #tpu.memory_space<vmem>>[vector<16xi32>], vector<16xf32>,
      %gather3A_260 = tpu.vector_load_idx %arg10[%get3A_256] : memref<10240xf32, #tpu.memory_space<vmem>>[vector<16xi32>], vector<16xf32>,
      %add3A_261 = arith.addf %gather3A_259, %gather3A_260 : vector<16xf32>
      %ge3A_262 = arith.constant 0.000000e+00 : f32
      %ge3A_263 = vector.broadcast %ge3A_262 : f32 to vector<16xf32>
      %ge3A_264 = arith.cmpf oge, %add3A_261, %ge3A_263 : vector<16xf32>
      %mul3A_265 = arith.constant 2.000000e-01 : f32
      %mul3A_266 = vector.broadcast %mul3A_265 : f32 to vector<16xf32>
      %mul3A_267 = arith.mulf %add3A_261, %mul3A_266 : vector<16xf32>
      %select_n3A_268 = arith.select %ge3A_264, %add3A_261, %mul3A_267 : vector<16xi1>, vector<16xf32>
      %exp3A_269 = math.exp %select_n3A_268 : vector<16xf32>
      %swap3A_270 = arith.constant 0 : index
      %swap3A_271 = tpu.vector_load %arg18[%swap3A_270] {strides = array<i32>} : memref<96xf32, #tpu.memory_space<vmem>>, vector<16xf32>,
      tpu.vector_store %arg18[%swap3A_270], %exp3A_269 {strides = array<i32>} : memref<96xf32, #tpu.memory_space<vmem>>, vector<16xf32>,
      %get3A_272 = arith.constant 16 : index
      %get3A_273 = tpu.vector_load %arg12[%get3A_272] {strides = array<i32>} : memref<96xi32, #tpu.memory_space<vmem>>, vector<16xi32>,
      %get3A_274 = arith.constant 16 : index
      %get3A_275 = tpu.vector_load %arg14[%get3A_274] {strides = array<i32>} : memref<96xi32, #tpu.memory_space<vmem>>, vector<16xi32>,
      %swap3A_276 = arith.constant 16 : index
      %swap3A_277 = tpu.vector_load %arg16[%swap3A_276] {strides = array<i32>} : memref<96xi32, #tpu.memory_space<vmem>>, vector<16xi32>,
      tpu.vector_store %arg16[%swap3A_276], %get3A_275 {strides = array<i32>} : memref<96xi32, #tpu.memory_space<vmem>>, vector<16xi32>,
      %gather3A_278 = tpu.vector_load_idx %arg9[%get3A_273] : memref<10240xf32, #tpu.memory_space<vmem>>[vector<16xi32>], vector<16xf32>,
      %gather3A_279 = tpu.vector_load_idx %arg10[%get3A_275] : memref<10240xf32, #tpu.memory_space<vmem>>[vector<16xi32>], vector<16xf32>,
      %add3A_280 = arith.addf %gather3A_278, %gather3A_279 : vector<16xf32>
      %ge3A_281 = arith.constant 0.000000e+00 : f32
      %ge3A_282 = vector.broadcast %ge3A_281 : f32 to vector<16xf32>
      %ge3A_283 = arith.cmpf oge, %add3A_280, %ge3A_282 : vector<16xf32>
      %mul3A_284 = arith.constant 2.000000e-01 : f32
      %mul3A_285 = vector.broadcast %mul3A_284 : f32 to vector<16xf32>
      %mul3A_286 = arith.mulf %add3A_280, %mul3A_285 : vector<16xf32>
      %select_n3A_287 = arith.select %ge3A_283, %add3A_280, %mul3A_286 : vector<16xi1>, vector<16xf32>
      %exp3A_288 = math.exp %select_n3A_287 : vector<16xf32>
      %swap3A_289 = arith.constant 16 : index
      %swap3A_290 = tpu.vector_load %arg18[%swap3A_289] {strides = array<i32>} : memref<96xf32, #tpu.memory_space<vmem>>, vector<16xf32>,
      tpu.vector_store %arg18[%swap3A_289], %exp3A_288 {strides = array<i32>} : memref<96xf32, #tpu.memory_space<vmem>>, vector<16xf32>,
      %get3A_291 = arith.constant 32 : index
      %get3A_292 = tpu.vector_load %arg12[%get3A_291] {strides = array<i32>} : memref<96xi32, #tpu.memory_space<vmem>>, vector<16xi32>,
      %get3A_293 = arith.constant 32 : index
      %get3A_294 = tpu.vector_load %arg14[%get3A_293] {strides = array<i32>} : memref<96xi32, #tpu.memory_space<vmem>>, vector<16xi32>,
      %swap3A_295 = arith.constant 32 : index
      %swap3A_296 = tpu.vector_load %arg16[%swap3A_295] {strides = array<i32>} : memref<96xi32, #tpu.memory_space<vmem>>, vector<16xi32>,
      tpu.vector_store %arg16[%swap3A_295], %get3A_294 {strides = array<i32>} : memref<96xi32, #tpu.memory_space<vmem>>, vector<16xi32>,
      %gather3A_297 = tpu.vector_load_idx %arg9[%get3A_292] : memref<10240xf32, #tpu.memory_space<vmem>>[vector<16xi32>], vector<16xf32>,
      %gather3A_298 = tpu.vector_load_idx %arg10[%get3A_294] : memref<10240xf32, #tpu.memory_space<vmem>>[vector<16xi32>], vector<16xf32>,
      %add3A_299 = arith.addf %gather3A_297, %gather3A_298 : vector<16xf32>
      %ge3A_300 = arith.constant 0.000000e+00 : f32
      %ge3A_301 = vector.broadcast %ge3A_300 : f32 to vector<16xf32>
      %ge3A_302 = arith.cmpf oge, %add3A_299, %ge3A_301 : vector<16xf32>
      %mul3A_303 = arith.constant 2.000000e-01 : f32
      %mul3A_304 = vector.broadcast %mul3A_303 : f32 to vector<16xf32>
      %mul3A_305 = arith.mulf %add3A_299, %mul3A_304 : vector<16xf32>
      %select_n3A_306 = arith.select %ge3A_302, %add3A_299, %mul3A_305 : vector<16xi1>, vector<16xf32>
      %exp3A_307 = math.exp %select_n3A_306 : vector<16xf32>
      %swap3A_308 = arith.constant 32 : index
      %swap3A_309 = tpu.vector_load %arg18[%swap3A_308] {strides = array<i32>} : memref<96xf32, #tpu.memory_space<vmem>>, vector<16xf32>,
      tpu.vector_store %arg18[%swap3A_308], %exp3A_307 {strides = array<i32>} : memref<96xf32, #tpu.memory_space<vmem>>, vector<16xf32>,
      %get3A_310 = arith.constant 48 : index
      %get3A_311 = tpu.vector_load %arg12[%get3A_310] {strides = array<i32>} : memref<96xi32, #tpu.memory_space<vmem>>, vector<16xi32>,
      %get3A_312 = arith.constant 48 : index
      %get3A_313 = tpu.vector_load %arg14[%get3A_312] {strides = array<i32>} : memref<96xi32, #tpu.memory_space<vmem>>, vector<16xi32>,
      %swap3A_314 = arith.constant 48 : index
      %swap3A_315 = tpu.vector_load %arg16[%swap3A_314] {strides = array<i32>} : memref<96xi32, #tpu.memory_space<vmem>>, vector<16xi32>,
      tpu.vector_store %arg16[%swap3A_314], %get3A_313 {strides = array<i32>} : memref<96xi32, #tpu.memory_space<vmem>>, vector<16xi32>,
      %gather3A_316 = tpu.vector_load_idx %arg9[%get3A_311] : memref<10240xf32, #tpu.memory_space<vmem>>[vector<16xi32>], vector<16xf32>,
      %gather3A_317 = tpu.vector_load_idx %arg10[%get3A_313] : memref<10240xf32, #tpu.memory_space<vmem>>[vector<16xi32>], vector<16xf32>,
      %add3A_318 = arith.addf %gather3A_316, %gather3A_317 : vector<16xf32>
      %ge3A_319 = arith.constant 0.000000e+00 : f32
      %ge3A_320 = vector.broadcast %ge3A_319 : f32 to vector<16xf32>
      %ge3A_321 = arith.cmpf oge, %add3A_318, %ge3A_320 : vector<16xf32>
      %mul3A_322 = arith.constant 2.000000e-01 : f32
      %mul3A_323 = vector.broadcast %mul3A_322 : f32 to vector<16xf32>
      %mul3A_324 = arith.mulf %add3A_318, %mul3A_323 : vector<16xf32>
      %select_n3A_325 = arith.select %ge3A_321, %add3A_318, %mul3A_324 : vector<16xi1>, vector<16xf32>
      %exp3A_326 = math.exp %select_n3A_325 : vector<16xf32>
      %swap3A_327 = arith.constant 48 : index
      %swap3A_328 = tpu.vector_load %arg18[%swap3A_327] {strides = array<i32>} : memref<96xf32, #tpu.memory_space<vmem>>, vector<16xf32>,
      tpu.vector_store %arg18[%swap3A_327], %exp3A_326 {strides = array<i32>} : memref<96xf32, #tpu.memory_space<vmem>>, vector<16xf32>,
      %get3A_329 = arith.constant 64 : index
      %get3A_330 = tpu.vector_load %arg12[%get3A_329] {strides = array<i32>} : memref<96xi32, #tpu.memory_space<vmem>>, vector<16xi32>,
      %get3A_331 = arith.constant 64 : index
      %get3A_332 = tpu.vector_load %arg14[%get3A_331] {strides = array<i32>} : memref<96xi32, #tpu.memory_space<vmem>>, vector<16xi32>,
      %swap3A_333 = arith.constant 64 : index
      %swap3A_334 = tpu.vector_load %arg16[%swap3A_333] {strides = array<i32>} : memref<96xi32, #tpu.memory_space<vmem>>, vector<16xi32>,
      tpu.vector_store %arg16[%swap3A_333], %get3A_332 {strides = array<i32>} : memref<96xi32, #tpu.memory_space<vmem>>, vector<16xi32>,
      %gather3A_335 = tpu.vector_load_idx %arg9[%get3A_330] : memref<10240xf32, #tpu.memory_space<vmem>>[vector<16xi32>], vector<16xf32>,
      %gather3A_336 = tpu.vector_load_idx %arg10[%get3A_332] : memref<10240xf32, #tpu.memory_space<vmem>>[vector<16xi32>], vector<16xf32>,
      %add3A_337 = arith.addf %gather3A_335, %gather3A_336 : vector<16xf32>
      %ge3A_338 = arith.constant 0.000000e+00 : f32
      %ge3A_339 = vector.broadcast %ge3A_338 : f32 to vector<16xf32>
      %ge3A_340 = arith.cmpf oge, %add3A_337, %ge3A_339 : vector<16xf32>
      %mul3A_341 = arith.constant 2.000000e-01 : f32
      %mul3A_342 = vector.broadcast %mul3A_341 : f32 to vector<16xf32>
      %mul3A_343 = arith.mulf %add3A_337, %mul3A_342 : vector<16xf32>
      %select_n3A_344 = arith.select %ge3A_340, %add3A_337, %mul3A_343 : vector<16xi1>, vector<16xf32>
      %exp3A_345 = math.exp %select_n3A_344 : vector<16xf32>
      %swap3A_346 = arith.constant 64 : index
      %swap3A_347 = tpu.vector_load %arg18[%swap3A_346] {strides = array<i32>} : memref<96xf32, #tpu.memory_space<vmem>>, vector<16xf32>,
      tpu.vector_store %arg18[%swap3A_346], %exp3A_345 {strides = array<i32>} : memref<96xf32, #tpu.memory_space<vmem>>, vector<16xf32>,
      %get3A_348 = arith.constant 80 : index
      %get3A_349 = tpu.vector_load %arg12[%get3A_348] {strides = array<i32>} : memref<96xi32, #tpu.memory_space<vmem>>, vector<16xi32>,
      %get3A_350 = arith.constant 80 : index
      %get3A_351 = tpu.vector_load %arg14[%get3A_350] {strides = array<i32>} : memref<96xi32, #tpu.memory_space<vmem>>, vector<16xi32>,
      %swap3A_352 = arith.constant 80 : index
      %swap3A_353 = tpu.vector_load %arg16[%swap3A_352] {strides = array<i32>} : memref<96xi32, #tpu.memory_space<vmem>>, vector<16xi32>,
      tpu.vector_store %arg16[%swap3A_352], %get3A_351 {strides = array<i32>} : memref<96xi32, #tpu.memory_space<vmem>>, vector<16xi32>,
      %gather3A_354 = tpu.vector_load_idx %arg9[%get3A_349] : memref<10240xf32, #tpu.memory_space<vmem>>[vector<16xi32>], vector<16xf32>,
      %gather3A_355 = tpu.vector_load_idx %arg10[%get3A_351] : memref<10240xf32, #tpu.memory_space<vmem>>[vector<16xi32>], vector<16xf32>,
      %add3A_356 = arith.addf %gather3A_354, %gather3A_355 : vector<16xf32>
      %ge3A_357 = arith.constant 0.000000e+00 : f32
      %ge3A_358 = vector.broadcast %ge3A_357 : f32 to vector<16xf32>
      %ge3A_359 = arith.cmpf oge, %add3A_356, %ge3A_358 : vector<16xf32>
      %mul3A_360 = arith.constant 2.000000e-01 : f32
      %mul3A_361 = vector.broadcast %mul3A_360 : f32 to vector<16xf32>
      %mul3A_362 = arith.mulf %add3A_356, %mul3A_361 : vector<16xf32>
      %select_n3A_363 = arith.select %ge3A_359, %add3A_356, %mul3A_362 : vector<16xi1>, vector<16xf32>
      %exp3A_364 = math.exp %select_n3A_363 : vector<16xf32>
      %swap3A_365 = arith.constant 80 : index
      %swap3A_366 = tpu.vector_load %arg18[%swap3A_365] {strides = array<i32>} : memref<96xf32, #tpu.memory_space<vmem>>, vector<16xf32>,
      tpu.vector_store %arg18[%swap3A_365], %exp3A_364 {strides = array<i32>} : memref<96xf32, #tpu.memory_space<vmem>>, vector<16xf32>,
      %dma_start3A_367 = arith.constant 0 : i32
      %dma_start3A_368 = tpu.memref_slice %arg22[%dma_start3A_367] : memref<10240xf32, #tpu.memory_space<vmem_shared>> -> memref<10240xf32, #tpu.memory_space<vmem_shared>>
      tpu.enqueue_indirect_dma source(%arg18 : memref<96xf32, #tpu.memory_space<vmem>>) target(%dma_start3A_368 : memref<10240xf32, #tpu.memory_space<vmem_shared>>) offsets(%arg16 : memref<96xi32, #tpu.memory_space<vmem>>) semaphore(%arg29 : memref<!tpu.dma_semaphore, #tpu.memory_space<semaphore_mem>>) {add = true}
      %dma_wait3A_369 = arith.constant 0 : i32
      %dma_wait3A_370 = arith.constant 0 : i32
      %dma_wait3A_371 = tpu.memref_slice %arg2[%dma_wait3A_369, %dma_wait3A_370] : memref<10000x128xf32, #tpu.memory_space<hbm>> -> memref<10000x128xf32, #tpu.memory_space<hbm>>
      tpu.wait_indirect_dma semaphore(%arg25 : memref<!tpu.dma_semaphore, #tpu.memory_space<semaphore_mem>>) src(%dma_wait3A_371 : memref<10000x128xf32, #tpu.memory_space<hbm>>) dst(%arg20 : memref<96x128xf32, #tpu.memory_space<vmem>>)
      %add3A_372 = arith.constant 2 : i32
      %add3A_373 = arith.addi %add3A_240, %add3A_372 : i32
      %min3A_374 = arith.constant 107 : i32
      %min3A_375 = arith.minsi %add3A_373, %min3A_374 : i32
      %mul3A_376 = arith.constant 96 : i32
      %mul3A_377 = arith.muli %min3A_375, %mul3A_376 : i32
      %add3A_378 = arith.addi %mul3A_50, %mul3A_377 : i32
      %dma_start3A_379 = tpu.memref_slice %arg5[%add3A_378] : memref<331776xi32, #tpu.memory_space<hbm>> -> memref<96xi32, #tpu.memory_space<hbm>>
      %dma_start3A_380 = tpu.memref_slice %arg5[%add3A_378] : memref<331776xi32, #tpu.memory_space<hbm>> -> memref<96xi32, #tpu.memory_space<hbm>>
      tpu.enqueue_dma source(%dma_start3A_380 : memref<96xi32, #tpu.memory_space<hbm>>) target(%arg12 : memref<96xi32, #tpu.memory_space<vmem>>) target_semaphore(%arg27 : memref<!tpu.dma_semaphore, #tpu.memory_space<semaphore_mem>>)
      %add3A_381 = arith.constant 2 : i32
      %add3A_382 = arith.addi %add3A_240, %add3A_381 : i32
      %min3A_383 = arith.constant 107 : i32
      %min3A_384 = arith.minsi %add3A_382, %min3A_383 : i32
      %mul3A_385 = arith.constant 96 : i32
      %mul3A_386 = arith.muli %min3A_384, %mul3A_385 : i32
      %add3A_387 = arith.addi %mul3A_50, %mul3A_386 : i32
      %dma_start3A_388 = tpu.memref_slice %arg6[%add3A_387] : memref<331776xi32, #tpu.memory_space<hbm>> -> memref<96xi32, #tpu.memory_space<hbm>>
      %dma_start3A_389 = tpu.memref_slice %arg6[%add3A_387] : memref<331776xi32, #tpu.memory_space<hbm>> -> memref<96xi32, #tpu.memory_space<hbm>>
      tpu.enqueue_dma source(%dma_start3A_389 : memref<96xi32, #tpu.memory_space<hbm>>) target(%arg14 : memref<96xi32, #tpu.memory_space<vmem>>) target_semaphore(%arg27 : memref<!tpu.dma_semaphore, #tpu.memory_space<semaphore_mem>>)
      %parallel_loop3A_390 = arith.constant 0 : i32
      %parallel_loop3A_391 = arith.constant 96 : i32
      %parallel_loop3A_392 = arith.constant 1 : i32
      scf.for %parallel_loop3A_397 = %parallel_loop3A_390 to %parallel_loop3A_391 step %parallel_loop3A_392  : i32 {
        %parallel_loop3A_398 = vector.broadcast %parallel_loop3A_397 : i32 to vector<16xi32>
        %parallel_loop3A_399 = tpu.vector_load_idx %arg18[%parallel_loop3A_398] : memref<96xf32, #tpu.memory_space<vmem>>[vector<16xi32>], vector<16xf32>,
        %parallel_loop3A_400 = arith.index_cast %parallel_loop3A_397 : i32 to index
        %parallel_loop3A_401 = arith.constant 0 : index
        %parallel_loop3A_402 = tpu.vector_load %arg20[%parallel_loop3A_400, %parallel_loop3A_401] {strides = array<i32>} : memref<96x128xf32, #tpu.memory_space<vmem>>, vector<16xf32>,
        %parallel_loop3A_403 = arith.mulf %parallel_loop3A_402, %parallel_loop3A_399 : vector<16xf32>
        %parallel_loop3A_404 = arith.index_cast %parallel_loop3A_397 : i32 to index
        %parallel_loop3A_405 = arith.constant 0 : index
        %parallel_loop3A_406 = tpu.vector_load %arg20[%parallel_loop3A_404, %parallel_loop3A_405] {strides = array<i32>} : memref<96x128xf32, #tpu.memory_space<vmem>>, vector<16xf32>,
        tpu.vector_store %arg20[%parallel_loop3A_404, %parallel_loop3A_405], %parallel_loop3A_403 {strides = array<i32>} : memref<96x128xf32, #tpu.memory_space<vmem>>, vector<16xf32>,
        %parallel_loop3A_407 = arith.index_cast %parallel_loop3A_397 : i32 to index
        %parallel_loop3A_408 = arith.constant 16 : index
        %parallel_loop3A_409 = tpu.vector_load %arg20[%parallel_loop3A_407, %parallel_loop3A_408] {strides = array<i32>} : memref<96x128xf32, #tpu.memory_space<vmem>>, vector<16xf32>,
        %parallel_loop3A_410 = arith.mulf %parallel_loop3A_409, %parallel_loop3A_399 : vector<16xf32>
        %parallel_loop3A_411 = arith.index_cast %parallel_loop3A_397 : i32 to index
        %parallel_loop3A_412 = arith.constant 16 : index
        %parallel_loop3A_413 = tpu.vector_load %arg20[%parallel_loop3A_411, %parallel_loop3A_412] {strides = array<i32>} : memref<96x128xf32, #tpu.memory_space<vmem>>, vector<16xf32>,
        tpu.vector_store %arg20[%parallel_loop3A_411, %parallel_loop3A_412], %parallel_loop3A_410 {strides = array<i32>} : memref<96x128xf32, #tpu.memory_space<vmem>>, vector<16xf32>,
        %parallel_loop3A_414 = arith.index_cast %parallel_loop3A_397 : i32 to index
        %parallel_loop3A_415 = arith.constant 32 : index
        %parallel_loop3A_416 = tpu.vector_load %arg20[%parallel_loop3A_414, %parallel_loop3A_415] {strides = array<i32>} : memref<96x128xf32, #tpu.memory_space<vmem>>, vector<16xf32>,
        %parallel_loop3A_417 = arith.mulf %parallel_loop3A_416, %parallel_loop3A_399 : vector<16xf32>
        %parallel_loop3A_418 = arith.index_cast %parallel_loop3A_397 : i32 to index
        %parallel_loop3A_419 = arith.constant 32 : index
        %parallel_loop3A_420 = tpu.vector_load %arg20[%parallel_loop3A_418, %parallel_loop3A_419] {strides = array<i32>} : memref<96x128xf32, #tpu.memory_space<vmem>>, vector<16xf32>,
        tpu.vector_store %arg20[%parallel_loop3A_418, %parallel_loop3A_419], %parallel_loop3A_417 {strides = array<i32>} : memref<96x128xf32, #tpu.memory_space<vmem>>, vector<16xf32>,
        %parallel_loop3A_421 = arith.index_cast %parallel_loop3A_397 : i32 to index
        %parallel_loop3A_422 = arith.constant 48 : index
        %parallel_loop3A_423 = tpu.vector_load %arg20[%parallel_loop3A_421, %parallel_loop3A_422] {strides = array<i32>} : memref<96x128xf32, #tpu.memory_space<vmem>>, vector<16xf32>,
        %parallel_loop3A_424 = arith.mulf %parallel_loop3A_423, %parallel_loop3A_399 : vector<16xf32>
        %parallel_loop3A_425 = arith.index_cast %parallel_loop3A_397 : i32 to index
        %parallel_loop3A_426 = arith.constant 48 : index
        %parallel_loop3A_427 = tpu.vector_load %arg20[%parallel_loop3A_425, %parallel_loop3A_426] {strides = array<i32>} : memref<96x128xf32, #tpu.memory_space<vmem>>, vector<16xf32>,
        tpu.vector_store %arg20[%parallel_loop3A_425, %parallel_loop3A_426], %parallel_loop3A_424 {strides = array<i32>} : memref<96x128xf32, #tpu.memory_space<vmem>>, vector<16xf32>,
        %parallel_loop3A_428 = arith.index_cast %parallel_loop3A_397 : i32 to index
        %parallel_loop3A_429 = arith.constant 64 : index
        %parallel_loop3A_430 = tpu.vector_load %arg20[%parallel_loop3A_428, %parallel_loop3A_429] {strides = array<i32>} : memref<96x128xf32, #tpu.memory_space<vmem>>, vector<16xf32>,
        %parallel_loop3A_431 = arith.mulf %parallel_loop3A_430, %parallel_loop3A_399 : vector<16xf32>
        %parallel_loop3A_432 = arith.index_cast %parallel_loop3A_397 : i32 to index
        %parallel_loop3A_433 = arith.constant 64 : index
        %parallel_loop3A_434 = tpu.vector_load %arg20[%parallel_loop3A_432, %parallel_loop3A_433] {strides = array<i32>} : memref<96x128xf32, #tpu.memory_space<vmem>>, vector<16xf32>,
        tpu.vector_store %arg20[%parallel_loop3A_432, %parallel_loop3A_433], %parallel_loop3A_431 {strides = array<i32>} : memref<96x128xf32, #tpu.memory_space<vmem>>, vector<16xf32>,
        %parallel_loop3A_435 = arith.index_cast %parallel_loop3A_397 : i32 to index
        %parallel_loop3A_436 = arith.constant 80 : index
        %parallel_loop3A_437 = tpu.vector_load %arg20[%parallel_loop3A_435, %parallel_loop3A_436] {strides = array<i32>} : memref<96x128xf32, #tpu.memory_space<vmem>>, vector<16xf32>,
        %parallel_loop3A_438 = arith.mulf %parallel_loop3A_437, %parallel_loop3A_399 : vector<16xf32>
        %parallel_loop3A_439 = arith.index_cast %parallel_loop3A_397 : i32 to index
        %parallel_loop3A_440 = arith.constant 80 : index
        %parallel_loop3A_441 = tpu.vector_load %arg20[%parallel_loop3A_439, %parallel_loop3A_440] {strides = array<i32>} : memref<96x128xf32, #tpu.memory_space<vmem>>, vector<16xf32>,
        tpu.vector_store %arg20[%parallel_loop3A_439, %parallel_loop3A_440], %parallel_loop3A_438 {strides = array<i32>} : memref<96x128xf32, #tpu.memory_space<vmem>>, vector<16xf32>,
        %parallel_loop3A_442 = arith.index_cast %parallel_loop3A_397 : i32 to index
        %parallel_loop3A_443 = arith.constant 96 : index
        %parallel_loop3A_444 = tpu.vector_load %arg20[%parallel_loop3A_442, %parallel_loop3A_443] {strides = array<i32>} : memref<96x128xf32, #tpu.memory_space<vmem>>, vector<16xf32>,
        %parallel_loop3A_445 = arith.mulf %parallel_loop3A_444, %parallel_loop3A_399 : vector<16xf32>
        %parallel_loop3A_446 = arith.index_cast %parallel_loop3A_397 : i32 to index
        %parallel_loop3A_447 = arith.constant 96 : index
        %parallel_loop3A_448 = tpu.vector_load %arg20[%parallel_loop3A_446, %parallel_loop3A_447] {strides = array<i32>} : memref<96x128xf32, #tpu.memory_space<vmem>>, vector<16xf32>,
        tpu.vector_store %arg20[%parallel_loop3A_446, %parallel_loop3A_447], %parallel_loop3A_445 {strides = array<i32>} : memref<96x128xf32, #tpu.memory_space<vmem>>, vector<16xf32>,
        %parallel_loop3A_449 = arith.index_cast %parallel_loop3A_397 : i32 to index
        %parallel_loop3A_450 = arith.constant 112 : index
        %parallel_loop3A_451 = tpu.vector_load %arg20[%parallel_loop3A_449, %parallel_loop3A_450] {strides = array<i32>} : memref<96x128xf32, #tpu.memory_space<vmem>>, vector<16xf32>,
        %parallel_loop3A_452 = arith.mulf %parallel_loop3A_451, %parallel_loop3A_399 : vector<16xf32>
        %parallel_loop3A_453 = arith.index_cast %parallel_loop3A_397 : i32 to index
        %parallel_loop3A_454 = arith.constant 112 : index
        %parallel_loop3A_455 = tpu.vector_load %arg20[%parallel_loop3A_453, %parallel_loop3A_454] {strides = array<i32>} : memref<96x128xf32, #tpu.memory_space<vmem>>, vector<16xf32>,
        tpu.vector_store %arg20[%parallel_loop3A_453, %parallel_loop3A_454], %parallel_loop3A_452 {strides = array<i32>} : memref<96x128xf32, #tpu.memory_space<vmem>>, vector<16xf32>,
      } {sc.loop_unroll_factor = 8 : i64, sc.parallel_access}
      %dma_start3A_393 = arith.constant 0 : i32
      %dma_start3A_394 = arith.constant 0 : i32
      %dma_start3A_395 = tpu.memref_slice %arg21[%dma_start3A_393, %dma_start3A_394] : memref<10240x128xf32, #tpu.memory_space<vmem_shared>> -> memref<10240x128xf32, #tpu.memory_space<vmem_shared>>
      tpu.enqueue_indirect_dma source(%arg20 : memref<96x128xf32, #tpu.memory_space<vmem>>) target(%dma_start3A_395 : memref<10240x128xf32, #tpu.memory_space<vmem_shared>>) offsets(%arg16 : memref<96xi32, #tpu.memory_space<vmem>>) semaphore(%arg29 : memref<!tpu.dma_semaphore, #tpu.memory_space<semaphore_mem>>) {add = true}
      %scan3A_396 = arith.constant 0 : i32
      scf.yield %scan3A_396 : i32
    }
    %scan3A_67 = arith.constant 54 : i32
    %dma_wait3A = arith.constant 0 : i32
    %dma_wait3A_68 = arith.constant 0 : i32
    %dma_wait3A_69 = tpu.memref_slice %arg2[%dma_wait3A, %dma_wait3A_68] : memref<10000x128xf32, #tpu.memory_space<hbm>> -> memref<10000x128xf32, #tpu.memory_space<hbm>>
    tpu.wait_indirect_dma semaphore(%arg24 : memref<!tpu.dma_semaphore, #tpu.memory_space<semaphore_mem>>) src(%dma_wait3A_69 : memref<10000x128xf32, #tpu.memory_space<hbm>>) dst(%arg19 : memref<96x128xf32, #tpu.memory_space<vmem>>)
    %dma_wait3A_70 = tpu.memref_slice %arg5[%mul3A_50] : memref<331776xi32, #tpu.memory_space<hbm>> -> memref<96xi32, #tpu.memory_space<hbm>>
    %dma_wait3A_71 = tpu.memref_slice %arg5[%mul3A_50] : memref<331776xi32, #tpu.memory_space<hbm>> -> memref<96xi32, #tpu.memory_space<hbm>>
    tpu.wait_dma2 semaphore(%arg27 : memref<!tpu.dma_semaphore, #tpu.memory_space<semaphore_mem>>) src(%dma_wait3A_71 : memref<96xi32, #tpu.memory_space<hbm>>) dst(%arg12 : memref<96xi32, #tpu.memory_space<vmem>>)
    %dma_wait3A_72 = tpu.memref_slice %arg6[%mul3A_50] : memref<331776xi32, #tpu.memory_space<hbm>> -> memref<96xi32, #tpu.memory_space<hbm>>
    %dma_wait3A_73 = tpu.memref_slice %arg6[%mul3A_50] : memref<331776xi32, #tpu.memory_space<hbm>> -> memref<96xi32, #tpu.memory_space<hbm>>
    tpu.wait_dma2 semaphore(%arg27 : memref<!tpu.dma_semaphore, #tpu.memory_space<semaphore_mem>>) src(%dma_wait3A_73 : memref<96xi32, #tpu.memory_space<hbm>>) dst(%arg14 : memref<96xi32, #tpu.memory_space<vmem>>)
    %dma_wait3A_74 = arith.constant 0 : i32
    %dma_wait3A_75 = tpu.memref_slice %arg22[%dma_wait3A_74] : memref<10240xf32, #tpu.memory_space<vmem_shared>> -> memref<10240xf32, #tpu.memory_space<vmem_shared>>
    tpu.wait_indirect_dma semaphore(%arg29 : memref<!tpu.dma_semaphore, #tpu.memory_space<semaphore_mem>>) src(%arg18 : memref<96xf32, #tpu.memory_space<vmem>>) dst(%dma_wait3A_75 : memref<10240xf32, #tpu.memory_space<vmem_shared>>)
    %dma_wait3A_76 = arith.constant 0 : i32
    %dma_wait3A_77 = arith.constant 0 : i32
    %dma_wait3A_78 = tpu.memref_slice %arg21[%dma_wait3A_76, %dma_wait3A_77] : memref<10240x128xf32, #tpu.memory_space<vmem_shared>> -> memref<10240x128xf32, #tpu.memory_space<vmem_shared>>
    tpu.wait_indirect_dma semaphore(%arg29 : memref<!tpu.dma_semaphore, #tpu.memory_space<semaphore_mem>>) src(%arg20 : memref<96x128xf32, #tpu.memory_space<vmem>>) dst(%dma_wait3A_78 : memref<10240x128xf32, #tpu.memory_space<vmem_shared>>)
    %barrier3A_79 = arith.constant 0 : index
    tpu.barrier barrier_id(%barrier3A_79)
    %mul3A_80 = arith.constant 640 : i32
    %mul3A_81 = arith.muli %arg1, %mul3A_80 : i32
    %mul3A_82 = arith.constant 640 : i32
    %mul3A_83 = arith.muli %arg1, %mul3A_82 : i32
    "tpu.region"() ({
      %run_scoped3A = tpu.sem_alloc : memref<!tpu.dma_semaphore, #tpu.memory_space<semaphore_mem>>
      %dma_start3A_88 = arith.constant 0 : i32
      %dma_start3A_89 = tpu.memref_slice %arg7[%arg0, %mul3A_83, %dma_start3A_88] : memref<2x10240x128xf32, #tpu.memory_space<hbm>> -> memref<1x640x128xf32, #tpu.memory_space<hbm>>
      %dma_start3A_90 = tpu.memref_squeeze %dma_start3A_89 : memref<1x640x128xf32, #tpu.memory_space<hbm>> -> memref<640x128xf32, #tpu.memory_space<hbm>>
      %dma_start3A_91 = arith.constant 0 : i32
      %dma_start3A_92 = tpu.memref_slice %arg21[%mul3A_81, %dma_start3A_91] : memref<10240x128xf32, #tpu.memory_space<vmem_shared>> -> memref<640x128xf32, #tpu.memory_space<vmem_shared>>
      tpu.enqueue_dma source(%dma_start3A_92 : memref<640x128xf32, #tpu.memory_space<vmem_shared>>) target(%dma_start3A_90 : memref<640x128xf32, #tpu.memory_space<hbm>>) target_semaphore(%run_scoped3A : memref<!tpu.dma_semaphore, #tpu.memory_space<semaphore_mem>>)
      %dma_wait3A_93 = arith.constant 0 : i32
      %dma_wait3A_94 = tpu.memref_slice %arg7[%arg0, %mul3A_83, %dma_wait3A_93] : memref<2x10240x128xf32, #tpu.memory_space<hbm>> -> memref<1x640x128xf32, #tpu.memory_space<hbm>>
      %dma_wait3A_95 = tpu.memref_squeeze %dma_wait3A_94 : memref<1x640x128xf32, #tpu.memory_space<hbm>> -> memref<640x128xf32, #tpu.memory_space<hbm>>
      %dma_wait3A_96 = arith.constant 0 : i32
      %dma_wait3A_97 = tpu.memref_slice %arg21[%mul3A_81, %dma_wait3A_96] : memref<10240x128xf32, #tpu.memory_space<vmem_shared>> -> memref<640x128xf32, #tpu.memory_space<vmem_shared>>
      tpu.wait_dma2 semaphore(%run_scoped3A : memref<!tpu.dma_semaphore, #tpu.memory_space<semaphore_mem>>) src(%dma_wait3A_97 : memref<640x128xf32, #tpu.memory_space<vmem_shared>>) dst(%dma_wait3A_95 : memref<640x128xf32, #tpu.memory_space<hbm>>)
      tpu.yield
    }) : () -> ()
    %mul3A_84 = arith.constant 640 : i32
    %mul3A_85 = arith.muli %arg1, %mul3A_84 : i32
    %mul3A_86 = arith.constant 640 : i32
    %mul3A_87 = arith.muli %arg1, %mul3A_86 : i32
    "tpu.region"() ({
      %run_scoped3A = tpu.sem_alloc : memref<!tpu.dma_semaphore, #tpu.memory_space<semaphore_mem>>
      %dma_start3A_88 = tpu.memref_slice %arg8[%arg0, %mul3A_87] : memref<2x10240xf32, #tpu.memory_space<hbm>> -> memref<1x640xf32, #tpu.memory_space<hbm>>
      %dma_start3A_89 = tpu.memref_squeeze %dma_start3A_88 : memref<1x640xf32, #tpu.memory_space<hbm>> -> memref<640xf32, #tpu.memory_space<hbm>>
      %dma_start3A_90 = tpu.memref_slice %arg22[%mul3A_85] : memref<10240xf32, #tpu.memory_space<vmem_shared>> -> memref<640xf32, #tpu.memory_space<vmem_shared>>
      tpu.enqueue_dma source(%dma_start3A_90 : memref<640xf32, #tpu.memory_space<vmem_shared>>) target(%dma_start3A_89 : memref<640xf32, #tpu.memory_space<hbm>>) target_semaphore(%run_scoped3A : memref<!tpu.dma_semaphore, #tpu.memory_space<semaphore_mem>>)
      %dma_wait3A_91 = tpu.memref_slice %arg8[%arg0, %mul3A_87] : memref<2x10240xf32, #tpu.memory_space<hbm>> -> memref<1x640xf32, #tpu.memory_space<hbm>>
      %dma_wait3A_92 = tpu.memref_squeeze %dma_wait3A_91 : memref<1x640xf32, #tpu.memory_space<hbm>> -> memref<640xf32, #tpu.memory_space<hbm>>
      %dma_wait3A_93 = tpu.memref_slice %arg22[%mul3A_85] : memref<10240xf32, #tpu.memory_space<vmem_shared>> -> memref<640xf32, #tpu.memory_space<vmem_shared>>
      tpu.wait_dma2 semaphore(%run_scoped3A : memref<!tpu.dma_semaphore, #tpu.memory_space<semaphore_mem>>) src(%dma_wait3A_93 : memref<640xf32, #tpu.memory_space<vmem_shared>>) dst(%dma_wait3A_92 : memref<640xf32, #tpu.memory_space<hbm>>)
      tpu.yield
    }) : () -> ()
    return
  }
}

#map = affine_map<(d0, d1) -> (0, 0)>
#map1 = affine_map<(d0, d1) -> (0)>
#map2 = affine_map<(d0, d1) -> (0, 0, 0)>
module attributes {stable_mosaic.version = 14 : i64} {
  func.func @k(%arg0: i32, %arg1: i32, %arg2: memref<10000x128xf32, #tpu.memory_space<hbm>>, %arg3: memref<10240xf32, #tpu.memory_space<hbm>>, %arg4: memref<10240xf32, #tpu.memory_space<hbm>>, %arg5: memref<331776xi32, #tpu.memory_space<hbm>>, %arg6: memref<331776xi32, #tpu.memory_space<hbm>>, %arg7: memref<2x10240x128xf32, #tpu.memory_space<hbm>>, %arg8: memref<2x10240xf32, #tpu.memory_space<hbm>>, %arg9: memref<10240xf32, #tpu.memory_space<vmem>>, %arg10: memref<10240xf32, #tpu.memory_space<vmem>>, %arg11: memref<96xi32, #tpu.memory_space<vmem>>, %arg12: memref<96xi32, #tpu.memory_space<vmem>>, %arg13: memref<96xi32, #tpu.memory_space<vmem>>, %arg14: memref<96xi32, #tpu.memory_space<vmem>>, %arg15: memref<96xi32, #tpu.memory_space<vmem>>, %arg16: memref<96xi32, #tpu.memory_space<vmem>>, %arg17: memref<96xf32, #tpu.memory_space<vmem>>, %arg18: memref<96xf32, #tpu.memory_space<vmem>>, %arg19: memref<96x128xf32, #tpu.memory_space<vmem>>, %arg20: memref<96x128xf32, #tpu.memory_space<vmem>>, %arg21: memref<10240x128xf32, #tpu.memory_space<vmem_shared>>, %arg22: memref<10240xf32, #tpu.memory_space<vmem_shared>>, %arg23: memref<640xf32, #tpu.memory_space<vmem>>, %arg24: memref<!tpu.dma_semaphore, #tpu.memory_space<semaphore_mem>>, %arg25: memref<!tpu.dma_semaphore, #tpu.memory_space<semaphore_mem>>, %arg26: memref<!tpu.dma_semaphore, #tpu.memory_space<semaphore_mem>>, %arg27: memref<!tpu.dma_semaphore, #tpu.memory_space<semaphore_mem>>, %arg28: memref<!tpu.dma_semaphore, #tpu.memory_space<semaphore_mem>>, %arg29: memref<!tpu.dma_semaphore, #tpu.memory_space<semaphore_mem>>) attributes {dimension_semantics = [#tpu.dimension_semantics<core_parallel>, #tpu.dimension_semantics<subcore_parallel>], iteration_bounds = array<i64: 2, 16>, scalar_prefetch = 0 : i64, scratch_operands = 21 : i64, tpu.core_type = #tpu.core_type<sc_vector_subcore>, window_params = [{transform_indices = #map}, {transform_indices = #map1}, {transform_indices = #map1}, {transform_indices = #map1}, {transform_indices = #map1}, {transform_indices = #map2}, {transform_indices = #map}]} {
    %mul3A = arith.constant 16 : i32
    %mul3A_0 = arith.muli %arg0, %mul3A : i32
    %add3A = arith.addi %mul3A_0, %arg1 : i32
    %broadcast_in_dim3A = arith.constant 0.000000e+00 : f32
    %broadcast_in_dim3A_1 = vector.broadcast %broadcast_in_dim3A : f32 to vector<16xf32>
    %scan3A = arith.constant 0 : i32
    %scan3A_2 = arith.constant 0 : i32
    %scan3A_3 = arith.constant 96 : i32
    %scan3A_4 = arith.addi %scan3A_2, %scan3A_3 : i32
    %scan3A_5 = arith.constant 1 : i32
    %scan3A_6 = scf.for %scan3A_88 = %scan3A_2 to %scan3A_4 step %scan3A_5 iter_args(%scan3A_89 = %scan3A) -> (i32)  : i32 {
      %swap3A = arith.index_cast %scan3A_88 : i32 to index
      %swap3A_90 = arith.constant 0 : index
      %swap3A_91 = tpu.vector_load %arg19[%swap3A, %swap3A_90] {strides = array<i32>} : memref<96x128xf32, #tpu.memory_space<vmem>>, vector<16xf32>,
      tpu.vector_store %arg19[%swap3A, %swap3A_90], %broadcast_in_dim3A_1 {strides = array<i32>} : memref<96x128xf32, #tpu.memory_space<vmem>>, vector<16xf32>,
      %swap3A_92 = arith.index_cast %scan3A_88 : i32 to index
      %swap3A_93 = arith.constant 16 : index
      %swap3A_94 = tpu.vector_load %arg19[%swap3A_92, %swap3A_93] {strides = array<i32>} : memref<96x128xf32, #tpu.memory_space<vmem>>, vector<16xf32>,
      tpu.vector_store %arg19[%swap3A_92, %swap3A_93], %broadcast_in_dim3A_1 {strides = array<i32>} : memref<96x128xf32, #tpu.memory_space<vmem>>, vector<16xf32>,
      %swap3A_95 = arith.index_cast %scan3A_88 : i32 to index
      %swap3A_96 = arith.constant 32 : index
      %swap3A_97 = tpu.vector_load %arg19[%swap3A_95, %swap3A_96] {strides = array<i32>} : memref<96x128xf32, #tpu.memory_space<vmem>>, vector<16xf32>,
      tpu.vector_store %arg19[%swap3A_95, %swap3A_96], %broadcast_in_dim3A_1 {strides = array<i32>} : memref<96x128xf32, #tpu.memory_space<vmem>>, vector<16xf32>,
      %swap3A_98 = arith.index_cast %scan3A_88 : i32 to index
      %swap3A_99 = arith.constant 48 : index
      %swap3A_100 = tpu.vector_load %arg19[%swap3A_98, %swap3A_99] {strides = array<i32>} : memref<96x128xf32, #tpu.memory_space<vmem>>, vector<16xf32>,
      tpu.vector_store %arg19[%swap3A_98, %swap3A_99], %broadcast_in_dim3A_1 {strides = array<i32>} : memref<96x128xf32, #tpu.memory_space<vmem>>, vector<16xf32>,
      %swap3A_101 = arith.index_cast %scan3A_88 : i32 to index
      %swap3A_102 = arith.constant 64 : index
      %swap3A_103 = tpu.vector_load %arg19[%swap3A_101, %swap3A_102] {strides = array<i32>} : memref<96x128xf32, #tpu.memory_space<vmem>>, vector<16xf32>,
      tpu.vector_store %arg19[%swap3A_101, %swap3A_102], %broadcast_in_dim3A_1 {strides = array<i32>} : memref<96x128xf32, #tpu.memory_space<vmem>>, vector<16xf32>,
      %swap3A_104 = arith.index_cast %scan3A_88 : i32 to index
      %swap3A_105 = arith.constant 80 : index
      %swap3A_106 = tpu.vector_load %arg19[%swap3A_104, %swap3A_105] {strides = array<i32>} : memref<96x128xf32, #tpu.memory_space<vmem>>, vector<16xf32>,
      tpu.vector_store %arg19[%swap3A_104, %swap3A_105], %broadcast_in_dim3A_1 {strides = array<i32>} : memref<96x128xf32, #tpu.memory_space<vmem>>, vector<16xf32>,
      %swap3A_107 = arith.index_cast %scan3A_88 : i32 to index
      %swap3A_108 = arith.constant 96 : index
      %swap3A_109 = tpu.vector_load %arg19[%swap3A_107, %swap3A_108] {strides = array<i32>} : memref<96x128xf32, #tpu.memory_space<vmem>>, vector<16xf32>,
      tpu.vector_store %arg19[%swap3A_107, %swap3A_108], %broadcast_in_dim3A_1 {strides = array<i32>} : memref<96x128xf32, #tpu.memory_space<vmem>>, vector<16xf32>,
      %swap3A_110 = arith.index_cast %scan3A_88 : i32 to index
      %swap3A_111 = arith.constant 112 : index
      %swap3A_112 = tpu.vector_load %arg19[%swap3A_110, %swap3A_111] {strides = array<i32>} : memref<96x128xf32, #tpu.memory_space<vmem>>, vector<16xf32>,
      tpu.vector_store %arg19[%swap3A_110, %swap3A_111], %broadcast_in_dim3A_1 {strides = array<i32>} : memref<96x128xf32, #tpu.memory_space<vmem>>, vector<16xf32>,
      %scan3A_113 = arith.constant 0 : i32
      scf.yield %scan3A_113 : i32
    }
    %scan3A_7 = arith.constant 96 : i32
    %mul3A_8 = arith.constant 640 : i32
    %mul3A_9 = arith.muli %arg1, %mul3A_8 : i32
    %add3A_10 = arith.constant 0 : i32
    %add3A_11 = arith.addi %mul3A_9, %add3A_10 : i32
    "tpu.region"() ({
      %run_scoped3A = tpu.sem_alloc : memref<!tpu.dma_semaphore, #tpu.memory_space<semaphore_mem>>
      %dma_start3A_88 = arith.constant 0 : i32
      %dma_start3A_89 = arith.constant 0 : i32
      %dma_start3A_90 = tpu.memref_slice %arg19[%dma_start3A_88, %dma_start3A_89] : memref<96x128xf32, #tpu.memory_space<vmem>> -> memref<80x128xf32, #tpu.memory_space<vmem>>
      %dma_start3A_91 = arith.constant 0 : i32
      %dma_start3A_92 = tpu.memref_slice %arg21[%add3A_11, %dma_start3A_91] : memref<10240x128xf32, #tpu.memory_space<vmem_shared>> -> memref<80x128xf32, #tpu.memory_space<vmem_shared>>
      %dma_start3A_93 = arith.constant 0 : i32
      %dma_start3A_94 = tpu.memref_slice %arg21[%add3A_11, %dma_start3A_93] : memref<10240x128xf32, #tpu.memory_space<vmem_shared>> -> memref<80x128xf32, #tpu.memory_space<vmem_shared>>
      %dma_start3A_95 = arith.constant 0 : i32
      %dma_start3A_96 = arith.constant 0 : i32
      %dma_start3A_97 = tpu.memref_slice %arg19[%dma_start3A_95, %dma_start3A_96] : memref<96x128xf32, #tpu.memory_space<vmem>> -> memref<80x128xf32, #tpu.memory_space<vmem>>
      tpu.enqueue_dma source(%dma_start3A_97 : memref<80x128xf32, #tpu.memory_space<vmem>>) target(%dma_start3A_94 : memref<80x128xf32, #tpu.memory_space<vmem_shared>>) target_semaphore(%run_scoped3A : memref<!tpu.dma_semaphore, #tpu.memory_space<semaphore_mem>>)
      %dma_wait3A_98 = arith.constant 0 : i32
      %dma_wait3A_99 = arith.constant 0 : i32
      %dma_wait3A_100 = tpu.memref_slice %arg19[%dma_wait3A_98, %dma_wait3A_99] : memref<96x128xf32, #tpu.memory_space<vmem>> -> memref<80x128xf32, #tpu.memory_space<vmem>>
      %dma_wait3A_101 = arith.constant 0 : i32
      %dma_wait3A_102 = tpu.memref_slice %arg21[%add3A_11, %dma_wait3A_101] : memref<10240x128xf32, #tpu.memory_space<vmem_shared>> -> memref<80x128xf32, #tpu.memory_space<vmem_shared>>
      %dma_wait3A_103 = arith.constant 0 : i32
      %dma_wait3A_104 = tpu.memref_slice %arg21[%add3A_11, %dma_wait3A_103] : memref<10240x128xf32, #tpu.memory_space<vmem_shared>> -> memref<80x128xf32, #tpu.memory_space<vmem_shared>>
      %dma_wait3A_105 = arith.constant 0 : i32
      %dma_wait3A_106 = arith.constant 0 : i32
      %dma_wait3A_107 = tpu.memref_slice %arg19[%dma_wait3A_105, %dma_wait3A_106] : memref<96x128xf32, #tpu.memory_space<vmem>> -> memref<80x128xf32, #tpu.memory_space<vmem>>
      tpu.wait_dma2 semaphore(%run_scoped3A : memref<!tpu.dma_semaphore, #tpu.memory_space<semaphore_mem>>) src(%dma_wait3A_107 : memref<80x128xf32, #tpu.memory_space<vmem>>) dst(%dma_wait3A_104 : memref<80x128xf32, #tpu.memory_space<vmem_shared>>)
      tpu.yield
    }) : () -> ()
    %mul3A_12 = arith.constant 640 : i32
    %mul3A_13 = arith.muli %arg1, %mul3A_12 : i32
    %add3A_14 = arith.constant 80 : i32
    %add3A_15 = arith.addi %mul3A_13, %add3A_14 : i32
    "tpu.region"() ({
      %run_scoped3A = tpu.sem_alloc : memref<!tpu.dma_semaphore, #tpu.memory_space<semaphore_mem>>
      %dma_start3A_88 = arith.constant 0 : i32
      %dma_start3A_89 = arith.constant 0 : i32
      %dma_start3A_90 = tpu.memref_slice %arg19[%dma_start3A_88, %dma_start3A_89] : memref<96x128xf32, #tpu.memory_space<vmem>> -> memref<80x128xf32, #tpu.memory_space<vmem>>
      %dma_start3A_91 = arith.constant 0 : i32
      %dma_start3A_92 = tpu.memref_slice %arg21[%add3A_15, %dma_start3A_91] : memref<10240x128xf32, #tpu.memory_space<vmem_shared>> -> memref<80x128xf32, #tpu.memory_space<vmem_shared>>
      %dma_start3A_93 = arith.constant 0 : i32
      %dma_start3A_94 = tpu.memref_slice %arg21[%add3A_15, %dma_start3A_93] : memref<10240x128xf32, #tpu.memory_space<vmem_shared>> -> memref<80x128xf32, #tpu.memory_space<vmem_shared>>
      %dma_start3A_95 = arith.constant 0 : i32
      %dma_start3A_96 = arith.constant 0 : i32
      %dma_start3A_97 = tpu.memref_slice %arg19[%dma_start3A_95, %dma_start3A_96] : memref<96x128xf32, #tpu.memory_space<vmem>> -> memref<80x128xf32, #tpu.memory_space<vmem>>
      tpu.enqueue_dma source(%dma_start3A_97 : memref<80x128xf32, #tpu.memory_space<vmem>>) target(%dma_start3A_94 : memref<80x128xf32, #tpu.memory_space<vmem_shared>>) target_semaphore(%run_scoped3A : memref<!tpu.dma_semaphore, #tpu.memory_space<semaphore_mem>>)
      %dma_wait3A_98 = arith.constant 0 : i32
      %dma_wait3A_99 = arith.constant 0 : i32
      %dma_wait3A_100 = tpu.memref_slice %arg19[%dma_wait3A_98, %dma_wait3A_99] : memref<96x128xf32, #tpu.memory_space<vmem>> -> memref<80x128xf32, #tpu.memory_space<vmem>>
      %dma_wait3A_101 = arith.constant 0 : i32
      %dma_wait3A_102 = tpu.memref_slice %arg21[%add3A_15, %dma_wait3A_101] : memref<10240x128xf32, #tpu.memory_space<vmem_shared>> -> memref<80x128xf32, #tpu.memory_space<vmem_shared>>
      %dma_wait3A_103 = arith.constant 0 : i32
      %dma_wait3A_104 = tpu.memref_slice %arg21[%add3A_15, %dma_wait3A_103] : memref<10240x128xf32, #tpu.memory_space<vmem_shared>> -> memref<80x128xf32, #tpu.memory_space<vmem_shared>>
      %dma_wait3A_105 = arith.constant 0 : i32
      %dma_wait3A_106 = arith.constant 0 : i32
      %dma_wait3A_107 = tpu.memref_slice %arg19[%dma_wait3A_105, %dma_wait3A_106] : memref<96x128xf32, #tpu.memory_space<vmem>> -> memref<80x128xf32, #tpu.memory_space<vmem>>
      tpu.wait_dma2 semaphore(%run_scoped3A : memref<!tpu.dma_semaphore, #tpu.memory_space<semaphore_mem>>) src(%dma_wait3A_107 : memref<80x128xf32, #tpu.memory_space<vmem>>) dst(%dma_wait3A_104 : memref<80x128xf32, #tpu.memory_space<vmem_shared>>)
      tpu.yield
    }) : () -> ()
    %mul3A_16 = arith.constant 640 : i32
    %mul3A_17 = arith.muli %arg1, %mul3A_16 : i32
    %add3A_18 = arith.constant 160 : i32
    %add3A_19 = arith.addi %mul3A_17, %add3A_18 : i32
    "tpu.region"() ({
      %run_scoped3A = tpu.sem_alloc : memref<!tpu.dma_semaphore, #tpu.memory_space<semaphore_mem>>
      %dma_start3A_88 = arith.constant 0 : i32
      %dma_start3A_89 = arith.constant 0 : i32
      %dma_start3A_90 = tpu.memref_slice %arg19[%dma_start3A_88, %dma_start3A_89] : memref<96x128xf32, #tpu.memory_space<vmem>> -> memref<80x128xf32, #tpu.memory_space<vmem>>
      %dma_start3A_91 = arith.constant 0 : i32
      %dma_start3A_92 = tpu.memref_slice %arg21[%add3A_19, %dma_start3A_91] : memref<10240x128xf32, #tpu.memory_space<vmem_shared>> -> memref<80x128xf32, #tpu.memory_space<vmem_shared>>
      %dma_start3A_93 = arith.constant 0 : i32
      %dma_start3A_94 = tpu.memref_slice %arg21[%add3A_19, %dma_start3A_93] : memref<10240x128xf32, #tpu.memory_space<vmem_shared>> -> memref<80x128xf32, #tpu.memory_space<vmem_shared>>
      %dma_start3A_95 = arith.constant 0 : i32
      %dma_start3A_96 = arith.constant 0 : i32
      %dma_start3A_97 = tpu.memref_slice %arg19[%dma_start3A_95, %dma_start3A_96] : memref<96x128xf32, #tpu.memory_space<vmem>> -> memref<80x128xf32, #tpu.memory_space<vmem>>
      tpu.enqueue_dma source(%dma_start3A_97 : memref<80x128xf32, #tpu.memory_space<vmem>>) target(%dma_start3A_94 : memref<80x128xf32, #tpu.memory_space<vmem_shared>>) target_semaphore(%run_scoped3A : memref<!tpu.dma_semaphore, #tpu.memory_space<semaphore_mem>>)
      %dma_wait3A_98 = arith.constant 0 : i32
      %dma_wait3A_99 = arith.constant 0 : i32
      %dma_wait3A_100 = tpu.memref_slice %arg19[%dma_wait3A_98, %dma_wait3A_99] : memref<96x128xf32, #tpu.memory_space<vmem>> -> memref<80x128xf32, #tpu.memory_space<vmem>>
      %dma_wait3A_101 = arith.constant 0 : i32
      %dma_wait3A_102 = tpu.memref_slice %arg21[%add3A_19, %dma_wait3A_101] : memref<10240x128xf32, #tpu.memory_space<vmem_shared>> -> memref<80x128xf32, #tpu.memory_space<vmem_shared>>
      %dma_wait3A_103 = arith.constant 0 : i32
      %dma_wait3A_104 = tpu.memref_slice %arg21[%add3A_19, %dma_wait3A_103] : memref<10240x128xf32, #tpu.memory_space<vmem_shared>> -> memref<80x128xf32, #tpu.memory_space<vmem_shared>>
      %dma_wait3A_105 = arith.constant 0 : i32
      %dma_wait3A_106 = arith.constant 0 : i32
      %dma_wait3A_107 = tpu.memref_slice %arg19[%dma_wait3A_105, %dma_wait3A_106] : memref<96x128xf32, #tpu.memory_space<vmem>> -> memref<80x128xf32, #tpu.memory_space<vmem>>
      tpu.wait_dma2 semaphore(%run_scoped3A : memref<!tpu.dma_semaphore, #tpu.memory_space<semaphore_mem>>) src(%dma_wait3A_107 : memref<80x128xf32, #tpu.memory_space<vmem>>) dst(%dma_wait3A_104 : memref<80x128xf32, #tpu.memory_space<vmem_shared>>)
      tpu.yield
    }) : () -> ()
    %mul3A_20 = arith.constant 640 : i32
    %mul3A_21 = arith.muli %arg1, %mul3A_20 : i32
    %add3A_22 = arith.constant 240 : i32
    %add3A_23 = arith.addi %mul3A_21, %add3A_22 : i32
    "tpu.region"() ({
      %run_scoped3A = tpu.sem_alloc : memref<!tpu.dma_semaphore, #tpu.memory_space<semaphore_mem>>
      %dma_start3A_88 = arith.constant 0 : i32
      %dma_start3A_89 = arith.constant 0 : i32
      %dma_start3A_90 = tpu.memref_slice %arg19[%dma_start3A_88, %dma_start3A_89] : memref<96x128xf32, #tpu.memory_space<vmem>> -> memref<80x128xf32, #tpu.memory_space<vmem>>
      %dma_start3A_91 = arith.constant 0 : i32
      %dma_start3A_92 = tpu.memref_slice %arg21[%add3A_23, %dma_start3A_91] : memref<10240x128xf32, #tpu.memory_space<vmem_shared>> -> memref<80x128xf32, #tpu.memory_space<vmem_shared>>
      %dma_start3A_93 = arith.constant 0 : i32
      %dma_start3A_94 = tpu.memref_slice %arg21[%add3A_23, %dma_start3A_93] : memref<10240x128xf32, #tpu.memory_space<vmem_shared>> -> memref<80x128xf32, #tpu.memory_space<vmem_shared>>
      %dma_start3A_95 = arith.constant 0 : i32
      %dma_start3A_96 = arith.constant 0 : i32
      %dma_start3A_97 = tpu.memref_slice %arg19[%dma_start3A_95, %dma_start3A_96] : memref<96x128xf32, #tpu.memory_space<vmem>> -> memref<80x128xf32, #tpu.memory_space<vmem>>
      tpu.enqueue_dma source(%dma_start3A_97 : memref<80x128xf32, #tpu.memory_space<vmem>>) target(%dma_start3A_94 : memref<80x128xf32, #tpu.memory_space<vmem_shared>>) target_semaphore(%run_scoped3A : memref<!tpu.dma_semaphore, #tpu.memory_space<semaphore_mem>>)
      %dma_wait3A_98 = arith.constant 0 : i32
      %dma_wait3A_99 = arith.constant 0 : i32
      %dma_wait3A_100 = tpu.memref_slice %arg19[%dma_wait3A_98, %dma_wait3A_99] : memref<96x128xf32, #tpu.memory_space<vmem>> -> memref<80x128xf32, #tpu.memory_space<vmem>>
      %dma_wait3A_101 = arith.constant 0 : i32
      %dma_wait3A_102 = tpu.memref_slice %arg21[%add3A_23, %dma_wait3A_101] : memref<10240x128xf32, #tpu.memory_space<vmem_shared>> -> memref<80x128xf32, #tpu.memory_space<vmem_shared>>
      %dma_wait3A_103 = arith.constant 0 : i32
      %dma_wait3A_104 = tpu.memref_slice %arg21[%add3A_23, %dma_wait3A_103] : memref<10240x128xf32, #tpu.memory_space<vmem_shared>> -> memref<80x128xf32, #tpu.memory_space<vmem_shared>>
      %dma_wait3A_105 = arith.constant 0 : i32
      %dma_wait3A_106 = arith.constant 0 : i32
      %dma_wait3A_107 = tpu.memref_slice %arg19[%dma_wait3A_105, %dma_wait3A_106] : memref<96x128xf32, #tpu.memory_space<vmem>> -> memref<80x128xf32, #tpu.memory_space<vmem>>
      tpu.wait_dma2 semaphore(%run_scoped3A : memref<!tpu.dma_semaphore, #tpu.memory_space<semaphore_mem>>) src(%dma_wait3A_107 : memref<80x128xf32, #tpu.memory_space<vmem>>) dst(%dma_wait3A_104 : memref<80x128xf32, #tpu.memory_space<vmem_shared>>)
      tpu.yield
    }) : () -> ()
    %mul3A_24 = arith.constant 640 : i32
    %mul3A_25 = arith.muli %arg1, %mul3A_24 : i32
    %add3A_26 = arith.constant 320 : i32
    %add3A_27 = arith.addi %mul3A_25, %add3A_26 : i32
    "tpu.region"() ({
      %run_scoped3A = tpu.sem_alloc : memref<!tpu.dma_semaphore, #tpu.memory_space<semaphore_mem>>
      %dma_start3A_88 = arith.constant 0 : i32
      %dma_start3A_89 = arith.constant 0 : i32
      %dma_start3A_90 = tpu.memref_slice %arg19[%dma_start3A_88, %dma_start3A_89] : memref<96x128xf32, #tpu.memory_space<vmem>> -> memref<80x128xf32, #tpu.memory_space<vmem>>
      %dma_start3A_91 = arith.constant 0 : i32
      %dma_start3A_92 = tpu.memref_slice %arg21[%add3A_27, %dma_start3A_91] : memref<10240x128xf32, #tpu.memory_space<vmem_shared>> -> memref<80x128xf32, #tpu.memory_space<vmem_shared>>
      %dma_start3A_93 = arith.constant 0 : i32
      %dma_start3A_94 = tpu.memref_slice %arg21[%add3A_27, %dma_start3A_93] : memref<10240x128xf32, #tpu.memory_space<vmem_shared>> -> memref<80x128xf32, #tpu.memory_space<vmem_shared>>
      %dma_start3A_95 = arith.constant 0 : i32
      %dma_start3A_96 = arith.constant 0 : i32
      %dma_start3A_97 = tpu.memref_slice %arg19[%dma_start3A_95, %dma_start3A_96] : memref<96x128xf32, #tpu.memory_space<vmem>> -> memref<80x128xf32, #tpu.memory_space<vmem>>
      tpu.enqueue_dma source(%dma_start3A_97 : memref<80x128xf32, #tpu.memory_space<vmem>>) target(%dma_start3A_94 : memref<80x128xf32, #tpu.memory_space<vmem_shared>>) target_semaphore(%run_scoped3A : memref<!tpu.dma_semaphore, #tpu.memory_space<semaphore_mem>>)
      %dma_wait3A_98 = arith.constant 0 : i32
      %dma_wait3A_99 = arith.constant 0 : i32
      %dma_wait3A_100 = tpu.memref_slice %arg19[%dma_wait3A_98, %dma_wait3A_99] : memref<96x128xf32, #tpu.memory_space<vmem>> -> memref<80x128xf32, #tpu.memory_space<vmem>>
      %dma_wait3A_101 = arith.constant 0 : i32
      %dma_wait3A_102 = tpu.memref_slice %arg21[%add3A_27, %dma_wait3A_101] : memref<10240x128xf32, #tpu.memory_space<vmem_shared>> -> memref<80x128xf32, #tpu.memory_space<vmem_shared>>
      %dma_wait3A_103 = arith.constant 0 : i32
      %dma_wait3A_104 = tpu.memref_slice %arg21[%add3A_27, %dma_wait3A_103] : memref<10240x128xf32, #tpu.memory_space<vmem_shared>> -> memref<80x128xf32, #tpu.memory_space<vmem_shared>>
      %dma_wait3A_105 = arith.constant 0 : i32
      %dma_wait3A_106 = arith.constant 0 : i32
      %dma_wait3A_107 = tpu.memref_slice %arg19[%dma_wait3A_105, %dma_wait3A_106] : memref<96x128xf32, #tpu.memory_space<vmem>> -> memref<80x128xf32, #tpu.memory_space<vmem>>
      tpu.wait_dma2 semaphore(%run_scoped3A : memref<!tpu.dma_semaphore, #tpu.memory_space<semaphore_mem>>) src(%dma_wait3A_107 : memref<80x128xf32, #tpu.memory_space<vmem>>) dst(%dma_wait3A_104 : memref<80x128xf32, #tpu.memory_space<vmem_shared>>)
      tpu.yield
    }) : () -> ()
    %mul3A_28 = arith.constant 640 : i32
    %mul3A_29 = arith.muli %arg1, %mul3A_28 : i32
    %add3A_30 = arith.constant 400 : i32
    %add3A_31 = arith.addi %mul3A_29, %add3A_30 : i32
    "tpu.region"() ({
      %run_scoped3A = tpu.sem_alloc : memref<!tpu.dma_semaphore, #tpu.memory_space<semaphore_mem>>
      %dma_start3A_88 = arith.constant 0 : i32
      %dma_start3A_89 = arith.constant 0 : i32
      %dma_start3A_90 = tpu.memref_slice %arg19[%dma_start3A_88, %dma_start3A_89] : memref<96x128xf32, #tpu.memory_space<vmem>> -> memref<80x128xf32, #tpu.memory_space<vmem>>
      %dma_start3A_91 = arith.constant 0 : i32
      %dma_start3A_92 = tpu.memref_slice %arg21[%add3A_31, %dma_start3A_91] : memref<10240x128xf32, #tpu.memory_space<vmem_shared>> -> memref<80x128xf32, #tpu.memory_space<vmem_shared>>
      %dma_start3A_93 = arith.constant 0 : i32
      %dma_start3A_94 = tpu.memref_slice %arg21[%add3A_31, %dma_start3A_93] : memref<10240x128xf32, #tpu.memory_space<vmem_shared>> -> memref<80x128xf32, #tpu.memory_space<vmem_shared>>
      %dma_start3A_95 = arith.constant 0 : i32
      %dma_start3A_96 = arith.constant 0 : i32
      %dma_start3A_97 = tpu.memref_slice %arg19[%dma_start3A_95, %dma_start3A_96] : memref<96x128xf32, #tpu.memory_space<vmem>> -> memref<80x128xf32, #tpu.memory_space<vmem>>
      tpu.enqueue_dma source(%dma_start3A_97 : memref<80x128xf32, #tpu.memory_space<vmem>>) target(%dma_start3A_94 : memref<80x128xf32, #tpu.memory_space<vmem_shared>>) target_semaphore(%run_scoped3A : memref<!tpu.dma_semaphore, #tpu.memory_space<semaphore_mem>>)
      %dma_wait3A_98 = arith.constant 0 : i32
      %dma_wait3A_99 = arith.constant 0 : i32
      %dma_wait3A_100 = tpu.memref_slice %arg19[%dma_wait3A_98, %dma_wait3A_99] : memref<96x128xf32, #tpu.memory_space<vmem>> -> memref<80x128xf32, #tpu.memory_space<vmem>>
      %dma_wait3A_101 = arith.constant 0 : i32
      %dma_wait3A_102 = tpu.memref_slice %arg21[%add3A_31, %dma_wait3A_101] : memref<10240x128xf32, #tpu.memory_space<vmem_shared>> -> memref<80x128xf32, #tpu.memory_space<vmem_shared>>
      %dma_wait3A_103 = arith.constant 0 : i32
      %dma_wait3A_104 = tpu.memref_slice %arg21[%add3A_31, %dma_wait3A_103] : memref<10240x128xf32, #tpu.memory_space<vmem_shared>> -> memref<80x128xf32, #tpu.memory_space<vmem_shared>>
      %dma_wait3A_105 = arith.constant 0 : i32
      %dma_wait3A_106 = arith.constant 0 : i32
      %dma_wait3A_107 = tpu.memref_slice %arg19[%dma_wait3A_105, %dma_wait3A_106] : memref<96x128xf32, #tpu.memory_space<vmem>> -> memref<80x128xf32, #tpu.memory_space<vmem>>
      tpu.wait_dma2 semaphore(%run_scoped3A : memref<!tpu.dma_semaphore, #tpu.memory_space<semaphore_mem>>) src(%dma_wait3A_107 : memref<80x128xf32, #tpu.memory_space<vmem>>) dst(%dma_wait3A_104 : memref<80x128xf32, #tpu.memory_space<vmem_shared>>)
      tpu.yield
    }) : () -> ()
    %mul3A_32 = arith.constant 640 : i32
    %mul3A_33 = arith.muli %arg1, %mul3A_32 : i32
    %add3A_34 = arith.constant 480 : i32
    %add3A_35 = arith.addi %mul3A_33, %add3A_34 : i32
    "tpu.region"() ({
      %run_scoped3A = tpu.sem_alloc : memref<!tpu.dma_semaphore, #tpu.memory_space<semaphore_mem>>
      %dma_start3A_88 = arith.constant 0 : i32
      %dma_start3A_89 = arith.constant 0 : i32
      %dma_start3A_90 = tpu.memref_slice %arg19[%dma_start3A_88, %dma_start3A_89] : memref<96x128xf32, #tpu.memory_space<vmem>> -> memref<80x128xf32, #tpu.memory_space<vmem>>
      %dma_start3A_91 = arith.constant 0 : i32
      %dma_start3A_92 = tpu.memref_slice %arg21[%add3A_35, %dma_start3A_91] : memref<10240x128xf32, #tpu.memory_space<vmem_shared>> -> memref<80x128xf32, #tpu.memory_space<vmem_shared>>
      %dma_start3A_93 = arith.constant 0 : i32
      %dma_start3A_94 = tpu.memref_slice %arg21[%add3A_35, %dma_start3A_93] : memref<10240x128xf32, #tpu.memory_space<vmem_shared>> -> memref<80x128xf32, #tpu.memory_space<vmem_shared>>
      %dma_start3A_95 = arith.constant 0 : i32
      %dma_start3A_96 = arith.constant 0 : i32
      %dma_start3A_97 = tpu.memref_slice %arg19[%dma_start3A_95, %dma_start3A_96] : memref<96x128xf32, #tpu.memory_space<vmem>> -> memref<80x128xf32, #tpu.memory_space<vmem>>
      tpu.enqueue_dma source(%dma_start3A_97 : memref<80x128xf32, #tpu.memory_space<vmem>>) target(%dma_start3A_94 : memref<80x128xf32, #tpu.memory_space<vmem_shared>>) target_semaphore(%run_scoped3A : memref<!tpu.dma_semaphore, #tpu.memory_space<semaphore_mem>>)
      %dma_wait3A_98 = arith.constant 0 : i32
      %dma_wait3A_99 = arith.constant 0 : i32
      %dma_wait3A_100 = tpu.memref_slice %arg19[%dma_wait3A_98, %dma_wait3A_99] : memref<96x128xf32, #tpu.memory_space<vmem>> -> memref<80x128xf32, #tpu.memory_space<vmem>>
      %dma_wait3A_101 = arith.constant 0 : i32
      %dma_wait3A_102 = tpu.memref_slice %arg21[%add3A_35, %dma_wait3A_101] : memref<10240x128xf32, #tpu.memory_space<vmem_shared>> -> memref<80x128xf32, #tpu.memory_space<vmem_shared>>
      %dma_wait3A_103 = arith.constant 0 : i32
      %dma_wait3A_104 = tpu.memref_slice %arg21[%add3A_35, %dma_wait3A_103] : memref<10240x128xf32, #tpu.memory_space<vmem_shared>> -> memref<80x128xf32, #tpu.memory_space<vmem_shared>>
      %dma_wait3A_105 = arith.constant 0 : i32
      %dma_wait3A_106 = arith.constant 0 : i32
      %dma_wait3A_107 = tpu.memref_slice %arg19[%dma_wait3A_105, %dma_wait3A_106] : memref<96x128xf32, #tpu.memory_space<vmem>> -> memref<80x128xf32, #tpu.memory_space<vmem>>
      tpu.wait_dma2 semaphore(%run_scoped3A : memref<!tpu.dma_semaphore, #tpu.memory_space<semaphore_mem>>) src(%dma_wait3A_107 : memref<80x128xf32, #tpu.memory_space<vmem>>) dst(%dma_wait3A_104 : memref<80x128xf32, #tpu.memory_space<vmem_shared>>)
      tpu.yield
    }) : () -> ()
    %mul3A_36 = arith.constant 640 : i32
    %mul3A_37 = arith.muli %arg1, %mul3A_36 : i32
    %add3A_38 = arith.constant 560 : i32
    %add3A_39 = arith.addi %mul3A_37, %add3A_38 : i32
    "tpu.region"() ({
      %run_scoped3A = tpu.sem_alloc : memref<!tpu.dma_semaphore, #tpu.memory_space<semaphore_mem>>
      %dma_start3A_88 = arith.constant 0 : i32
      %dma_start3A_89 = arith.constant 0 : i32
      %dma_start3A_90 = tpu.memref_slice %arg19[%dma_start3A_88, %dma_start3A_89] : memref<96x128xf32, #tpu.memory_space<vmem>> -> memref<80x128xf32, #tpu.memory_space<vmem>>
      %dma_start3A_91 = arith.constant 0 : i32
      %dma_start3A_92 = tpu.memref_slice %arg21[%add3A_39, %dma_start3A_91] : memref<10240x128xf32, #tpu.memory_space<vmem_shared>> -> memref<80x128xf32, #tpu.memory_space<vmem_shared>>
      %dma_start3A_93 = arith.constant 0 : i32
      %dma_start3A_94 = tpu.memref_slice %arg21[%add3A_39, %dma_start3A_93] : memref<10240x128xf32, #tpu.memory_space<vmem_shared>> -> memref<80x128xf32, #tpu.memory_space<vmem_shared>>
      %dma_start3A_95 = arith.constant 0 : i32
      %dma_start3A_96 = arith.constant 0 : i32
      %dma_start3A_97 = tpu.memref_slice %arg19[%dma_start3A_95, %dma_start3A_96] : memref<96x128xf32, #tpu.memory_space<vmem>> -> memref<80x128xf32, #tpu.memory_space<vmem>>
      tpu.enqueue_dma source(%dma_start3A_97 : memref<80x128xf32, #tpu.memory_space<vmem>>) target(%dma_start3A_94 : memref<80x128xf32, #tpu.memory_space<vmem_shared>>) target_semaphore(%run_scoped3A : memref<!tpu.dma_semaphore, #tpu.memory_space<semaphore_mem>>)
      %dma_wait3A_98 = arith.constant 0 : i32
      %dma_wait3A_99 = arith.constant 0 : i32
      %dma_wait3A_100 = tpu.memref_slice %arg19[%dma_wait3A_98, %dma_wait3A_99] : memref<96x128xf32, #tpu.memory_space<vmem>> -> memref<80x128xf32, #tpu.memory_space<vmem>>
      %dma_wait3A_101 = arith.constant 0 : i32
      %dma_wait3A_102 = tpu.memref_slice %arg21[%add3A_39, %dma_wait3A_101] : memref<10240x128xf32, #tpu.memory_space<vmem_shared>> -> memref<80x128xf32, #tpu.memory_space<vmem_shared>>
      %dma_wait3A_103 = arith.constant 0 : i32
      %dma_wait3A_104 = tpu.memref_slice %arg21[%add3A_39, %dma_wait3A_103] : memref<10240x128xf32, #tpu.memory_space<vmem_shared>> -> memref<80x128xf32, #tpu.memory_space<vmem_shared>>
      %dma_wait3A_105 = arith.constant 0 : i32
      %dma_wait3A_106 = arith.constant 0 : i32
      %dma_wait3A_107 = tpu.memref_slice %arg19[%dma_wait3A_105, %dma_wait3A_106] : memref<96x128xf32, #tpu.memory_space<vmem>> -> memref<80x128xf32, #tpu.memory_space<vmem>>
      tpu.wait_dma2 semaphore(%run_scoped3A : memref<!tpu.dma_semaphore, #tpu.memory_space<semaphore_mem>>) src(%dma_wait3A_107 : memref<80x128xf32, #tpu.memory_space<vmem>>) dst(%dma_wait3A_104 : memref<80x128xf32, #tpu.memory_space<vmem_shared>>)
      tpu.yield
    }) : () -> ()
    %scan3A_40 = arith.constant 0 : i32
    %scan3A_41 = arith.constant 0 : i32
    %scan3A_42 = arith.constant 40 : i32
    %scan3A_43 = arith.addi %scan3A_41, %scan3A_42 : i32
    %scan3A_44 = arith.constant 1 : i32
    %scan3A_45 = scf.for %scan3A_88 = %scan3A_41 to %scan3A_43 step %scan3A_44 iter_args(%scan3A_89 = %scan3A_40) -> (i32)  : i32 {
      %mul3A_90 = arith.constant 16 : i32
      %mul3A_91 = arith.muli %scan3A_88, %mul3A_90 : i32
      %swap3A = arith.index_cast %mul3A_91 : i32 to index
      %swap3A_92 = tpu.vector_load %arg23[%swap3A] {strides = array<i32>} : memref<640xf32, #tpu.memory_space<vmem>>, vector<16xf32>,
      tpu.vector_store %arg23[%swap3A], %broadcast_in_dim3A_1 {strides = array<i32>} : memref<640xf32, #tpu.memory_space<vmem>>, vector<16xf32>,
      %scan3A_93 = arith.constant 0 : i32
      scf.yield %scan3A_93 : i32
    }
    %scan3A_46 = arith.constant 40 : i32
    %mul3A_47 = arith.constant 640 : i32
    %mul3A_48 = arith.muli %arg1, %mul3A_47 : i32
    "tpu.region"() ({
      %run_scoped3A = tpu.sem_alloc : memref<!tpu.dma_semaphore, #tpu.memory_space<semaphore_mem>>
      %dma_start3A_88 = tpu.memref_slice %arg22[%mul3A_48] : memref<10240xf32, #tpu.memory_space<vmem_shared>> -> memref<640xf32, #tpu.memory_space<vmem_shared>>
      %dma_start3A_89 = tpu.memref_slice %arg22[%mul3A_48] : memref<10240xf32, #tpu.memory_space<vmem_shared>> -> memref<640xf32, #tpu.memory_space<vmem_shared>>
      tpu.enqueue_dma source(%arg23 : memref<640xf32, #tpu.memory_space<vmem>>) target(%dma_start3A_89 : memref<640xf32, #tpu.memory_space<vmem_shared>>) target_semaphore(%run_scoped3A : memref<!tpu.dma_semaphore, #tpu.memory_space<semaphore_mem>>)
      %dma_wait3A_90 = tpu.memref_slice %arg22[%mul3A_48] : memref<10240xf32, #tpu.memory_space<vmem_shared>> -> memref<640xf32, #tpu.memory_space<vmem_shared>>
      %dma_wait3A_91 = tpu.memref_slice %arg22[%mul3A_48] : memref<10240xf32, #tpu.memory_space<vmem_shared>> -> memref<640xf32, #tpu.memory_space<vmem_shared>>
      tpu.wait_dma2 semaphore(%run_scoped3A : memref<!tpu.dma_semaphore, #tpu.memory_space<semaphore_mem>>) src(%arg23 : memref<640xf32, #tpu.memory_space<vmem>>) dst(%dma_wait3A_91 : memref<640xf32, #tpu.memory_space<vmem_shared>>)
      tpu.yield
    }) : () -> ()
    "tpu.region"() ({
      %run_scoped3A = tpu.sem_alloc : memref<!tpu.dma_semaphore, #tpu.memory_space<semaphore_mem>>
      tpu.enqueue_dma source(%arg3 : memref<10240xf32, #tpu.memory_space<hbm>>) target(%arg9 : memref<10240xf32, #tpu.memory_space<vmem>>) target_semaphore(%run_scoped3A : memref<!tpu.dma_semaphore, #tpu.memory_space<semaphore_mem>>)
      tpu.wait_dma2 semaphore(%run_scoped3A : memref<!tpu.dma_semaphore, #tpu.memory_space<semaphore_mem>>) src(%arg3 : memref<10240xf32, #tpu.memory_space<hbm>>) dst(%arg9 : memref<10240xf32, #tpu.memory_space<vmem>>)
      tpu.yield
    }) : () -> ()
    "tpu.region"() ({
      %run_scoped3A = tpu.sem_alloc : memref<!tpu.dma_semaphore, #tpu.memory_space<semaphore_mem>>
      tpu.enqueue_dma source(%arg4 : memref<10240xf32, #tpu.memory_space<hbm>>) target(%arg10 : memref<10240xf32, #tpu.memory_space<vmem>>) target_semaphore(%run_scoped3A : memref<!tpu.dma_semaphore, #tpu.memory_space<semaphore_mem>>)
      tpu.wait_dma2 semaphore(%run_scoped3A : memref<!tpu.dma_semaphore, #tpu.memory_space<semaphore_mem>>) src(%arg4 : memref<10240xf32, #tpu.memory_space<hbm>>) dst(%arg10 : memref<10240xf32, #tpu.memory_space<vmem>>)
      tpu.yield
    }) : () -> ()
    %barrier3A = arith.constant 0 : index
    tpu.barrier barrier_id(%barrier3A)
    %mul3A_49 = arith.constant 10368 : i32
    %mul3A_50 = arith.muli %add3A, %mul3A_49 : i32
    "tpu.region"() ({
      %run_scoped3A = tpu.sem_alloc : memref<!tpu.dma_semaphore, #tpu.memory_space<semaphore_mem>>
      %dma_start3A_88 = tpu.memref_slice %arg5[%mul3A_50] : memref<331776xi32, #tpu.memory_space<hbm>> -> memref<96xi32, #tpu.memory_space<hbm>>
      %dma_start3A_89 = tpu.memref_slice %arg5[%mul3A_50] : memref<331776xi32, #tpu.memory_space<hbm>> -> memref<96xi32, #tpu.memory_space<hbm>>
      tpu.enqueue_dma source(%dma_start3A_89 : memref<96xi32, #tpu.memory_space<hbm>>) target(%arg11 : memref<96xi32, #tpu.memory_space<vmem>>) target_semaphore(%run_scoped3A : memref<!tpu.dma_semaphore, #tpu.memory_space<semaphore_mem>>)
      %dma_wait3A_90 = tpu.memref_slice %arg5[%mul3A_50] : memref<331776xi32, #tpu.memory_space<hbm>> -> memref<96xi32, #tpu.memory_space<hbm>>
      %dma_wait3A_91 = tpu.memref_slice %arg5[%mul3A_50] : memref<331776xi32, #tpu.memory_space<hbm>> -> memref<96xi32, #tpu.memory_space<hbm>>
      tpu.wait_dma2 semaphore(%run_scoped3A : memref<!tpu.dma_semaphore, #tpu.memory_space<semaphore_mem>>) src(%dma_wait3A_91 : memref<96xi32, #tpu.memory_space<hbm>>) dst(%arg11 : memref<96xi32, #tpu.memory_space<vmem>>)
      tpu.yield
    }) : () -> ()
    "tpu.region"() ({
      %run_scoped3A = tpu.sem_alloc : memref<!tpu.dma_semaphore, #tpu.memory_space<semaphore_mem>>
      %dma_start3A_88 = tpu.memref_slice %arg6[%mul3A_50] : memref<331776xi32, #tpu.memory_space<hbm>> -> memref<96xi32, #tpu.memory_space<hbm>>
      %dma_start3A_89 = tpu.memref_slice %arg6[%mul3A_50] : memref<331776xi32, #tpu.memory_space<hbm>> -> memref<96xi32, #tpu.memory_space<hbm>>
      tpu.enqueue_dma source(%dma_start3A_89 : memref<96xi32, #tpu.memory_space<hbm>>) target(%arg13 : memref<96xi32, #tpu.memory_space<vmem>>) target_semaphore(%run_scoped3A : memref<!tpu.dma_semaphore, #tpu.memory_space<semaphore_mem>>)
      %dma_wait3A_90 = tpu.memref_slice %arg6[%mul3A_50] : memref<331776xi32, #tpu.memory_space<hbm>> -> memref<96xi32, #tpu.memory_space<hbm>>
      %dma_wait3A_91 = tpu.memref_slice %arg6[%mul3A_50] : memref<331776xi32, #tpu.memory_space<hbm>> -> memref<96xi32, #tpu.memory_space<hbm>>
      tpu.wait_dma2 semaphore(%run_scoped3A : memref<!tpu.dma_semaphore, #tpu.memory_space<semaphore_mem>>) src(%dma_wait3A_91 : memref<96xi32, #tpu.memory_space<hbm>>) dst(%arg13 : memref<96xi32, #tpu.memory_space<vmem>>)
      tpu.yield
    }) : () -> ()
    %dma_start3A = arith.constant 0 : i32
    %dma_start3A_51 = arith.constant 0 : i32
    %dma_start3A_52 = tpu.memref_slice %arg2[%dma_start3A, %dma_start3A_51] : memref<10000x128xf32, #tpu.memory_space<hbm>> -> memref<10000x128xf32, #tpu.memory_space<hbm>>
    tpu.enqueue_indirect_dma source(%dma_start3A_52 : memref<10000x128xf32, #tpu.memory_space<hbm>>) target(%arg19 : memref<96x128xf32, #tpu.memory_space<vmem>>) offsets(%arg11 : memref<96xi32, #tpu.memory_space<vmem>>) semaphore(%arg24 : memref<!tpu.dma_semaphore, #tpu.memory_space<semaphore_mem>>)
    %add3A_53 = arith.constant 96 : i32
    %add3A_54 = arith.addi %mul3A_50, %add3A_53 : i32
    %dma_start3A_55 = tpu.memref_slice %arg5[%add3A_54] : memref<331776xi32, #tpu.memory_space<hbm>> -> memref<96xi32, #tpu.memory_space<hbm>>
    %dma_start3A_56 = tpu.memref_slice %arg5[%add3A_54] : memref<331776xi32, #tpu.memory_space<hbm>> -> memref<96xi32, #tpu.memory_space<hbm>>
    tpu.enqueue_dma source(%dma_start3A_56 : memref<96xi32, #tpu.memory_space<hbm>>) target(%arg12 : memref<96xi32, #tpu.memory_space<vmem>>) target_semaphore(%arg27 : memref<!tpu.dma_semaphore, #tpu.memory_space<semaphore_mem>>)
    %add3A_57 = arith.constant 96 : i32
    %add3A_58 = arith.addi %mul3A_50, %add3A_57 : i32
    %dma_start3A_59 = tpu.memref_slice %arg6[%add3A_58] : memref<331776xi32, #tpu.memory_space<hbm>> -> memref<96xi32, #tpu.memory_space<hbm>>
    %dma_start3A_60 = tpu.memref_slice %arg6[%add3A_58] : memref<331776xi32, #tpu.memory_space<hbm>> -> memref<96xi32, #tpu.memory_space<hbm>>
    tpu.enqueue_dma source(%dma_start3A_60 : memref<96xi32, #tpu.memory_space<hbm>>) target(%arg14 : memref<96xi32, #tpu.memory_space<vmem>>) target_semaphore(%arg27 : memref<!tpu.dma_semaphore, #tpu.memory_space<semaphore_mem>>)
    %scan3A_61 = arith.constant 0 : i32
    %scan3A_62 = arith.constant 0 : i32
    %scan3A_63 = arith.constant 54 : i32
    %scan3A_64 = arith.addi %scan3A_62, %scan3A_63 : i32
    %scan3A_65 = arith.constant 1 : i32
    %scan3A_66 = scf.for %scan3A_88 = %scan3A_62 to %scan3A_64 step %scan3A_65 iter_args(%scan3A_89 = %scan3A_61) -> (i32)  : i32 {
      %mul3A_90 = arith.constant 2 : i32
      %mul3A_91 = arith.muli %mul3A_90, %scan3A_88 : i32
      %dma_wait3A_92 = tpu.memref_slice %arg5[%mul3A_50] : memref<331776xi32, #tpu.memory_space<hbm>> -> memref<96xi32, #tpu.memory_space<hbm>>
      %dma_wait3A_93 = tpu.memref_slice %arg5[%mul3A_50] : memref<331776xi32, #tpu.memory_space<hbm>> -> memref<96xi32, #tpu.memory_space<hbm>>
      tpu.wait_dma2 semaphore(%arg27 : memref<!tpu.dma_semaphore, #tpu.memory_space<semaphore_mem>>) src(%dma_wait3A_93 : memref<96xi32, #tpu.memory_space<hbm>>) dst(%arg12 : memref<96xi32, #tpu.memory_space<vmem>>)
      %dma_wait3A_94 = tpu.memref_slice %arg6[%mul3A_50] : memref<331776xi32, #tpu.memory_space<hbm>> -> memref<96xi32, #tpu.memory_space<hbm>>
      %dma_wait3A_95 = tpu.memref_slice %arg6[%mul3A_50] : memref<331776xi32, #tpu.memory_space<hbm>> -> memref<96xi32, #tpu.memory_space<hbm>>
      tpu.wait_dma2 semaphore(%arg27 : memref<!tpu.dma_semaphore, #tpu.memory_space<semaphore_mem>>) src(%dma_wait3A_95 : memref<96xi32, #tpu.memory_space<hbm>>) dst(%arg14 : memref<96xi32, #tpu.memory_space<vmem>>)
      %ge3A = arith.constant 1 : i32
      %ge3A_96 = arith.cmpi sge, %mul3A_91, %ge3A : i32
      %convert_element_type3A = arith.extui %ge3A_96 : i1 to i32
      %cond3A = arith.constant 0 : i32
      %cond3A_97 = arith.cmpi ne, %convert_element_type3A, %cond3A : i32
      scf.if %cond3A_97 {
        %dma_wait3A_397 = arith.constant 0 : i32
        %dma_wait3A_398 = tpu.memref_slice %arg22[%dma_wait3A_397] : memref<10240xf32, #tpu.memory_space<vmem_shared>> -> memref<10240xf32, #tpu.memory_space<vmem_shared>>
        tpu.wait_indirect_dma semaphore(%arg29 : memref<!tpu.dma_semaphore, #tpu.memory_space<semaphore_mem>>) src(%arg18 : memref<96xf32, #tpu.memory_space<vmem>>) dst(%dma_wait3A_398 : memref<10240xf32, #tpu.memory_space<vmem_shared>>)
        %dma_wait3A_399 = arith.constant 0 : i32
        %dma_wait3A_400 = arith.constant 0 : i32
        %dma_wait3A_401 = tpu.memref_slice %arg21[%dma_wait3A_399, %dma_wait3A_400] : memref<10240x128xf32, #tpu.memory_space<vmem_shared>> -> memref<10240x128xf32, #tpu.memory_space<vmem_shared>>
        tpu.wait_indirect_dma semaphore(%arg29 : memref<!tpu.dma_semaphore, #tpu.memory_space<semaphore_mem>>) src(%arg20 : memref<96x128xf32, #tpu.memory_space<vmem>>) dst(%dma_wait3A_401 : memref<10240x128xf32, #tpu.memory_space<vmem_shared>>)
      } else {
      }
      %dma_start3A_98 = arith.constant 0 : i32
      %dma_start3A_99 = arith.constant 0 : i32
      %dma_start3A_100 = tpu.memref_slice %arg2[%dma_start3A_98, %dma_start3A_99] : memref<10000x128xf32, #tpu.memory_space<hbm>> -> memref<10000x128xf32, #tpu.memory_space<hbm>>
      tpu.enqueue_indirect_dma source(%dma_start3A_100 : memref<10000x128xf32, #tpu.memory_space<hbm>>) target(%arg20 : memref<96x128xf32, #tpu.memory_space<vmem>>) offsets(%arg12 : memref<96xi32, #tpu.memory_space<vmem>>) semaphore(%arg25 : memref<!tpu.dma_semaphore, #tpu.memory_space<semaphore_mem>>)
      %get3A = arith.constant 0 : index
      %get3A_101 = tpu.vector_load %arg11[%get3A] {strides = array<i32>} : memref<96xi32, #tpu.memory_space<vmem>>, vector<16xi32>,
      %get3A_102 = arith.constant 0 : index
      %get3A_103 = tpu.vector_load %arg13[%get3A_102] {strides = array<i32>} : memref<96xi32, #tpu.memory_space<vmem>>, vector<16xi32>,
      %swap3A = arith.constant 0 : index
      %swap3A_104 = tpu.vector_load %arg15[%swap3A] {strides = array<i32>} : memref<96xi32, #tpu.memory_space<vmem>>, vector<16xi32>,
      tpu.vector_store %arg15[%swap3A], %get3A_103 {strides = array<i32>} : memref<96xi32, #tpu.memory_space<vmem>>, vector<16xi32>,
      %gather3A = tpu.vector_load_idx %arg9[%get3A_101] : memref<10240xf32, #tpu.memory_space<vmem>>[vector<16xi32>], vector<16xf32>,
      %gather3A_105 = tpu.vector_load_idx %arg10[%get3A_103] : memref<10240xf32, #tpu.memory_space<vmem>>[vector<16xi32>], vector<16xf32>,
      %add3A_106 = arith.addf %gather3A, %gather3A_105 : vector<16xf32>
      %ge3A_107 = arith.constant 0.000000e+00 : f32
      %ge3A_108 = vector.broadcast %ge3A_107 : f32 to vector<16xf32>
      %ge3A_109 = arith.cmpf oge, %add3A_106, %ge3A_108 : vector<16xf32>
      %mul3A_110 = arith.constant 2.000000e-01 : f32
      %mul3A_111 = vector.broadcast %mul3A_110 : f32 to vector<16xf32>
      %mul3A_112 = arith.mulf %add3A_106, %mul3A_111 : vector<16xf32>
      %select_n3A = arith.select %ge3A_109, %add3A_106, %mul3A_112 : vector<16xi1>, vector<16xf32>
      %exp3A = math.exp %select_n3A : vector<16xf32>
      %swap3A_113 = arith.constant 0 : index
      %swap3A_114 = tpu.vector_load %arg17[%swap3A_113] {strides = array<i32>} : memref<96xf32, #tpu.memory_space<vmem>>, vector<16xf32>,
      tpu.vector_store %arg17[%swap3A_113], %exp3A {strides = array<i32>} : memref<96xf32, #tpu.memory_space<vmem>>, vector<16xf32>,
      %get3A_115 = arith.constant 16 : index
      %get3A_116 = tpu.vector_load %arg11[%get3A_115] {strides = array<i32>} : memref<96xi32, #tpu.memory_space<vmem>>, vector<16xi32>,
      %get3A_117 = arith.constant 16 : index
      %get3A_118 = tpu.vector_load %arg13[%get3A_117] {strides = array<i32>} : memref<96xi32, #tpu.memory_space<vmem>>, vector<16xi32>,
      %swap3A_119 = arith.constant 16 : index
      %swap3A_120 = tpu.vector_load %arg15[%swap3A_119] {strides = array<i32>} : memref<96xi32, #tpu.memory_space<vmem>>, vector<16xi32>,
      tpu.vector_store %arg15[%swap3A_119], %get3A_118 {strides = array<i32>} : memref<96xi32, #tpu.memory_space<vmem>>, vector<16xi32>,
      %gather3A_121 = tpu.vector_load_idx %arg9[%get3A_116] : memref<10240xf32, #tpu.memory_space<vmem>>[vector<16xi32>], vector<16xf32>,
      %gather3A_122 = tpu.vector_load_idx %arg10[%get3A_118] : memref<10240xf32, #tpu.memory_space<vmem>>[vector<16xi32>], vector<16xf32>,
      %add3A_123 = arith.addf %gather3A_121, %gather3A_122 : vector<16xf32>
      %ge3A_124 = arith.constant 0.000000e+00 : f32
      %ge3A_125 = vector.broadcast %ge3A_124 : f32 to vector<16xf32>
      %ge3A_126 = arith.cmpf oge, %add3A_123, %ge3A_125 : vector<16xf32>
      %mul3A_127 = arith.constant 2.000000e-01 : f32
      %mul3A_128 = vector.broadcast %mul3A_127 : f32 to vector<16xf32>
      %mul3A_129 = arith.mulf %add3A_123, %mul3A_128 : vector<16xf32>
      %select_n3A_130 = arith.select %ge3A_126, %add3A_123, %mul3A_129 : vector<16xi1>, vector<16xf32>
      %exp3A_131 = math.exp %select_n3A_130 : vector<16xf32>
      %swap3A_132 = arith.constant 16 : index
      %swap3A_133 = tpu.vector_load %arg17[%swap3A_132] {strides = array<i32>} : memref<96xf32, #tpu.memory_space<vmem>>, vector<16xf32>,
      tpu.vector_store %arg17[%swap3A_132], %exp3A_131 {strides = array<i32>} : memref<96xf32, #tpu.memory_space<vmem>>, vector<16xf32>,
      %get3A_134 = arith.constant 32 : index
      %get3A_135 = tpu.vector_load %arg11[%get3A_134] {strides = array<i32>} : memref<96xi32, #tpu.memory_space<vmem>>, vector<16xi32>,
      %get3A_136 = arith.constant 32 : index
      %get3A_137 = tpu.vector_load %arg13[%get3A_136] {strides = array<i32>} : memref<96xi32, #tpu.memory_space<vmem>>, vector<16xi32>,
      %swap3A_138 = arith.constant 32 : index
      %swap3A_139 = tpu.vector_load %arg15[%swap3A_138] {strides = array<i32>} : memref<96xi32, #tpu.memory_space<vmem>>, vector<16xi32>,
      tpu.vector_store %arg15[%swap3A_138], %get3A_137 {strides = array<i32>} : memref<96xi32, #tpu.memory_space<vmem>>, vector<16xi32>,
      %gather3A_140 = tpu.vector_load_idx %arg9[%get3A_135] : memref<10240xf32, #tpu.memory_space<vmem>>[vector<16xi32>], vector<16xf32>,
      %gather3A_141 = tpu.vector_load_idx %arg10[%get3A_137] : memref<10240xf32, #tpu.memory_space<vmem>>[vector<16xi32>], vector<16xf32>,
      %add3A_142 = arith.addf %gather3A_140, %gather3A_141 : vector<16xf32>
      %ge3A_143 = arith.constant 0.000000e+00 : f32
      %ge3A_144 = vector.broadcast %ge3A_143 : f32 to vector<16xf32>
      %ge3A_145 = arith.cmpf oge, %add3A_142, %ge3A_144 : vector<16xf32>
      %mul3A_146 = arith.constant 2.000000e-01 : f32
      %mul3A_147 = vector.broadcast %mul3A_146 : f32 to vector<16xf32>
      %mul3A_148 = arith.mulf %add3A_142, %mul3A_147 : vector<16xf32>
      %select_n3A_149 = arith.select %ge3A_145, %add3A_142, %mul3A_148 : vector<16xi1>, vector<16xf32>
      %exp3A_150 = math.exp %select_n3A_149 : vector<16xf32>
      %swap3A_151 = arith.constant 32 : index
      %swap3A_152 = tpu.vector_load %arg17[%swap3A_151] {strides = array<i32>} : memref<96xf32, #tpu.memory_space<vmem>>, vector<16xf32>,
      tpu.vector_store %arg17[%swap3A_151], %exp3A_150 {strides = array<i32>} : memref<96xf32, #tpu.memory_space<vmem>>, vector<16xf32>,
      %get3A_153 = arith.constant 48 : index
      %get3A_154 = tpu.vector_load %arg11[%get3A_153] {strides = array<i32>} : memref<96xi32, #tpu.memory_space<vmem>>, vector<16xi32>,
      %get3A_155 = arith.constant 48 : index
      %get3A_156 = tpu.vector_load %arg13[%get3A_155] {strides = array<i32>} : memref<96xi32, #tpu.memory_space<vmem>>, vector<16xi32>,
      %swap3A_157 = arith.constant 48 : index
      %swap3A_158 = tpu.vector_load %arg15[%swap3A_157] {strides = array<i32>} : memref<96xi32, #tpu.memory_space<vmem>>, vector<16xi32>,
      tpu.vector_store %arg15[%swap3A_157], %get3A_156 {strides = array<i32>} : memref<96xi32, #tpu.memory_space<vmem>>, vector<16xi32>,
      %gather3A_159 = tpu.vector_load_idx %arg9[%get3A_154] : memref<10240xf32, #tpu.memory_space<vmem>>[vector<16xi32>], vector<16xf32>,
      %gather3A_160 = tpu.vector_load_idx %arg10[%get3A_156] : memref<10240xf32, #tpu.memory_space<vmem>>[vector<16xi32>], vector<16xf32>,
      %add3A_161 = arith.addf %gather3A_159, %gather3A_160 : vector<16xf32>
      %ge3A_162 = arith.constant 0.000000e+00 : f32
      %ge3A_163 = vector.broadcast %ge3A_162 : f32 to vector<16xf32>
      %ge3A_164 = arith.cmpf oge, %add3A_161, %ge3A_163 : vector<16xf32>
      %mul3A_165 = arith.constant 2.000000e-01 : f32
      %mul3A_166 = vector.broadcast %mul3A_165 : f32 to vector<16xf32>
      %mul3A_167 = arith.mulf %add3A_161, %mul3A_166 : vector<16xf32>
      %select_n3A_168 = arith.select %ge3A_164, %add3A_161, %mul3A_167 : vector<16xi1>, vector<16xf32>
      %exp3A_169 = math.exp %select_n3A_168 : vector<16xf32>
      %swap3A_170 = arith.constant 48 : index
      %swap3A_171 = tpu.vector_load %arg17[%swap3A_170] {strides = array<i32>} : memref<96xf32, #tpu.memory_space<vmem>>, vector<16xf32>,
      tpu.vector_store %arg17[%swap3A_170], %exp3A_169 {strides = array<i32>} : memref<96xf32, #tpu.memory_space<vmem>>, vector<16xf32>,
      %get3A_172 = arith.constant 64 : index
      %get3A_173 = tpu.vector_load %arg11[%get3A_172] {strides = array<i32>} : memref<96xi32, #tpu.memory_space<vmem>>, vector<16xi32>,
      %get3A_174 = arith.constant 64 : index
      %get3A_175 = tpu.vector_load %arg13[%get3A_174] {strides = array<i32>} : memref<96xi32, #tpu.memory_space<vmem>>, vector<16xi32>,
      %swap3A_176 = arith.constant 64 : index
      %swap3A_177 = tpu.vector_load %arg15[%swap3A_176] {strides = array<i32>} : memref<96xi32, #tpu.memory_space<vmem>>, vector<16xi32>,
      tpu.vector_store %arg15[%swap3A_176], %get3A_175 {strides = array<i32>} : memref<96xi32, #tpu.memory_space<vmem>>, vector<16xi32>,
      %gather3A_178 = tpu.vector_load_idx %arg9[%get3A_173] : memref<10240xf32, #tpu.memory_space<vmem>>[vector<16xi32>], vector<16xf32>,
      %gather3A_179 = tpu.vector_load_idx %arg10[%get3A_175] : memref<10240xf32, #tpu.memory_space<vmem>>[vector<16xi32>], vector<16xf32>,
      %add3A_180 = arith.addf %gather3A_178, %gather3A_179 : vector<16xf32>
      %ge3A_181 = arith.constant 0.000000e+00 : f32
      %ge3A_182 = vector.broadcast %ge3A_181 : f32 to vector<16xf32>
      %ge3A_183 = arith.cmpf oge, %add3A_180, %ge3A_182 : vector<16xf32>
      %mul3A_184 = arith.constant 2.000000e-01 : f32
      %mul3A_185 = vector.broadcast %mul3A_184 : f32 to vector<16xf32>
      %mul3A_186 = arith.mulf %add3A_180, %mul3A_185 : vector<16xf32>
      %select_n3A_187 = arith.select %ge3A_183, %add3A_180, %mul3A_186 : vector<16xi1>, vector<16xf32>
      %exp3A_188 = math.exp %select_n3A_187 : vector<16xf32>
      %swap3A_189 = arith.constant 64 : index
      %swap3A_190 = tpu.vector_load %arg17[%swap3A_189] {strides = array<i32>} : memref<96xf32, #tpu.memory_space<vmem>>, vector<16xf32>,
      tpu.vector_store %arg17[%swap3A_189], %exp3A_188 {strides = array<i32>} : memref<96xf32, #tpu.memory_space<vmem>>, vector<16xf32>,
      %get3A_191 = arith.constant 80 : index
      %get3A_192 = tpu.vector_load %arg11[%get3A_191] {strides = array<i32>} : memref<96xi32, #tpu.memory_space<vmem>>, vector<16xi32>,
      %get3A_193 = arith.constant 80 : index
      %get3A_194 = tpu.vector_load %arg13[%get3A_193] {strides = array<i32>} : memref<96xi32, #tpu.memory_space<vmem>>, vector<16xi32>,
      %swap3A_195 = arith.constant 80 : index
      %swap3A_196 = tpu.vector_load %arg15[%swap3A_195] {strides = array<i32>} : memref<96xi32, #tpu.memory_space<vmem>>, vector<16xi32>,
      tpu.vector_store %arg15[%swap3A_195], %get3A_194 {strides = array<i32>} : memref<96xi32, #tpu.memory_space<vmem>>, vector<16xi32>,
      %gather3A_197 = tpu.vector_load_idx %arg9[%get3A_192] : memref<10240xf32, #tpu.memory_space<vmem>>[vector<16xi32>], vector<16xf32>,
      %gather3A_198 = tpu.vector_load_idx %arg10[%get3A_194] : memref<10240xf32, #tpu.memory_space<vmem>>[vector<16xi32>], vector<16xf32>,
      %add3A_199 = arith.addf %gather3A_197, %gather3A_198 : vector<16xf32>
      %ge3A_200 = arith.constant 0.000000e+00 : f32
      %ge3A_201 = vector.broadcast %ge3A_200 : f32 to vector<16xf32>
      %ge3A_202 = arith.cmpf oge, %add3A_199, %ge3A_201 : vector<16xf32>
      %mul3A_203 = arith.constant 2.000000e-01 : f32
      %mul3A_204 = vector.broadcast %mul3A_203 : f32 to vector<16xf32>
      %mul3A_205 = arith.mulf %add3A_199, %mul3A_204 : vector<16xf32>
      %select_n3A_206 = arith.select %ge3A_202, %add3A_199, %mul3A_205 : vector<16xi1>, vector<16xf32>
      %exp3A_207 = math.exp %select_n3A_206 : vector<16xf32>
      %swap3A_208 = arith.constant 80 : index
      %swap3A_209 = tpu.vector_load %arg17[%swap3A_208] {strides = array<i32>} : memref<96xf32, #tpu.memory_space<vmem>>, vector<16xf32>,
      tpu.vector_store %arg17[%swap3A_208], %exp3A_207 {strides = array<i32>} : memref<96xf32, #tpu.memory_space<vmem>>, vector<16xf32>,
      %dma_start3A_210 = arith.constant 0 : i32
      %dma_start3A_211 = tpu.memref_slice %arg22[%dma_start3A_210] : memref<10240xf32, #tpu.memory_space<vmem_shared>> -> memref<10240xf32, #tpu.memory_space<vmem_shared>>
      tpu.enqueue_indirect_dma source(%arg17 : memref<96xf32, #tpu.memory_space<vmem>>) target(%dma_start3A_211 : memref<10240xf32, #tpu.memory_space<vmem_shared>>) offsets(%arg15 : memref<96xi32, #tpu.memory_space<vmem>>) semaphore(%arg28 : memref<!tpu.dma_semaphore, #tpu.memory_space<semaphore_mem>>) {add = true}
      %dma_wait3A_212 = arith.constant 0 : i32
      %dma_wait3A_213 = arith.constant 0 : i32
      %dma_wait3A_214 = tpu.memref_slice %arg2[%dma_wait3A_212, %dma_wait3A_213] : memref<10000x128xf32, #tpu.memory_space<hbm>> -> memref<10000x128xf32, #tpu.memory_space<hbm>>
      tpu.wait_indirect_dma semaphore(%arg24 : memref<!tpu.dma_semaphore, #tpu.memory_space<semaphore_mem>>) src(%dma_wait3A_214 : memref<10000x128xf32, #tpu.memory_space<hbm>>) dst(%arg19 : memref<96x128xf32, #tpu.memory_space<vmem>>)
      %add3A_215 = arith.constant 2 : i32
      %add3A_216 = arith.addi %mul3A_91, %add3A_215 : i32
      %min3A = arith.constant 107 : i32
      %min3A_217 = arith.minsi %add3A_216, %min3A : i32
      %mul3A_218 = arith.constant 96 : i32
      %mul3A_219 = arith.muli %min3A_217, %mul3A_218 : i32
      %add3A_220 = arith.addi %mul3A_50, %mul3A_219 : i32
      %dma_start3A_221 = tpu.memref_slice %arg5[%add3A_220] : memref<331776xi32, #tpu.memory_space<hbm>> -> memref<96xi32, #tpu.memory_space<hbm>>
      %dma_start3A_222 = tpu.memref_slice %arg5[%add3A_220] : memref<331776xi32, #tpu.memory_space<hbm>> -> memref<96xi32, #tpu.memory_space<hbm>>
      tpu.enqueue_dma source(%dma_start3A_222 : memref<96xi32, #tpu.memory_space<hbm>>) target(%arg11 : memref<96xi32, #tpu.memory_space<vmem>>) target_semaphore(%arg26 : memref<!tpu.dma_semaphore, #tpu.memory_space<semaphore_mem>>)
      %add3A_223 = arith.constant 2 : i32
      %add3A_224 = arith.addi %mul3A_91, %add3A_223 : i32
      %min3A_225 = arith.constant 107 : i32
      %min3A_226 = arith.minsi %add3A_224, %min3A_225 : i32
      %mul3A_227 = arith.constant 96 : i32
      %mul3A_228 = arith.muli %min3A_226, %mul3A_227 : i32
      %add3A_229 = arith.addi %mul3A_50, %mul3A_228 : i32
      %dma_start3A_230 = tpu.memref_slice %arg6[%add3A_229] : memref<331776xi32, #tpu.memory_space<hbm>> -> memref<96xi32, #tpu.memory_space<hbm>>
      %dma_start3A_231 = tpu.memref_slice %arg6[%add3A_229] : memref<331776xi32, #tpu.memory_space<hbm>> -> memref<96xi32, #tpu.memory_space<hbm>>
      tpu.enqueue_dma source(%dma_start3A_231 : memref<96xi32, #tpu.memory_space<hbm>>) target(%arg13 : memref<96xi32, #tpu.memory_space<vmem>>) target_semaphore(%arg26 : memref<!tpu.dma_semaphore, #tpu.memory_space<semaphore_mem>>)
      %parallel_loop3A = arith.constant 0 : i32
      %parallel_loop3A_232 = arith.constant 96 : i32
      %parallel_loop3A_233 = arith.constant 1 : i32
      scf.for %parallel_loop3A_397 = %parallel_loop3A to %parallel_loop3A_232 step %parallel_loop3A_233  : i32 {
        %parallel_loop3A_398 = vector.broadcast %parallel_loop3A_397 : i32 to vector<16xi32>
        %parallel_loop3A_399 = tpu.vector_load_idx %arg17[%parallel_loop3A_398] : memref<96xf32, #tpu.memory_space<vmem>>[vector<16xi32>], vector<16xf32>,
        %parallel_loop3A_400 = arith.index_cast %parallel_loop3A_397 : i32 to index
        %parallel_loop3A_401 = arith.constant 0 : index
        %parallel_loop3A_402 = tpu.vector_load %arg19[%parallel_loop3A_400, %parallel_loop3A_401] {strides = array<i32>} : memref<96x128xf32, #tpu.memory_space<vmem>>, vector<16xf32>,
        %parallel_loop3A_403 = arith.mulf %parallel_loop3A_402, %parallel_loop3A_399 : vector<16xf32>
        %parallel_loop3A_404 = arith.index_cast %parallel_loop3A_397 : i32 to index
        %parallel_loop3A_405 = arith.constant 0 : index
        %parallel_loop3A_406 = tpu.vector_load %arg19[%parallel_loop3A_404, %parallel_loop3A_405] {strides = array<i32>} : memref<96x128xf32, #tpu.memory_space<vmem>>, vector<16xf32>,
        tpu.vector_store %arg19[%parallel_loop3A_404, %parallel_loop3A_405], %parallel_loop3A_403 {strides = array<i32>} : memref<96x128xf32, #tpu.memory_space<vmem>>, vector<16xf32>,
        %parallel_loop3A_407 = arith.index_cast %parallel_loop3A_397 : i32 to index
        %parallel_loop3A_408 = arith.constant 16 : index
        %parallel_loop3A_409 = tpu.vector_load %arg19[%parallel_loop3A_407, %parallel_loop3A_408] {strides = array<i32>} : memref<96x128xf32, #tpu.memory_space<vmem>>, vector<16xf32>,
        %parallel_loop3A_410 = arith.mulf %parallel_loop3A_409, %parallel_loop3A_399 : vector<16xf32>
        %parallel_loop3A_411 = arith.index_cast %parallel_loop3A_397 : i32 to index
        %parallel_loop3A_412 = arith.constant 16 : index
        %parallel_loop3A_413 = tpu.vector_load %arg19[%parallel_loop3A_411, %parallel_loop3A_412] {strides = array<i32>} : memref<96x128xf32, #tpu.memory_space<vmem>>, vector<16xf32>,
        tpu.vector_store %arg19[%parallel_loop3A_411, %parallel_loop3A_412], %parallel_loop3A_410 {strides = array<i32>} : memref<96x128xf32, #tpu.memory_space<vmem>>, vector<16xf32>,
        %parallel_loop3A_414 = arith.index_cast %parallel_loop3A_397 : i32 to index
        %parallel_loop3A_415 = arith.constant 32 : index
        %parallel_loop3A_416 = tpu.vector_load %arg19[%parallel_loop3A_414, %parallel_loop3A_415] {strides = array<i32>} : memref<96x128xf32, #tpu.memory_space<vmem>>, vector<16xf32>,
        %parallel_loop3A_417 = arith.mulf %parallel_loop3A_416, %parallel_loop3A_399 : vector<16xf32>
        %parallel_loop3A_418 = arith.index_cast %parallel_loop3A_397 : i32 to index
        %parallel_loop3A_419 = arith.constant 32 : index
        %parallel_loop3A_420 = tpu.vector_load %arg19[%parallel_loop3A_418, %parallel_loop3A_419] {strides = array<i32>} : memref<96x128xf32, #tpu.memory_space<vmem>>, vector<16xf32>,
        tpu.vector_store %arg19[%parallel_loop3A_418, %parallel_loop3A_419], %parallel_loop3A_417 {strides = array<i32>} : memref<96x128xf32, #tpu.memory_space<vmem>>, vector<16xf32>,
        %parallel_loop3A_421 = arith.index_cast %parallel_loop3A_397 : i32 to index
        %parallel_loop3A_422 = arith.constant 48 : index
        %parallel_loop3A_423 = tpu.vector_load %arg19[%parallel_loop3A_421, %parallel_loop3A_422] {strides = array<i32>} : memref<96x128xf32, #tpu.memory_space<vmem>>, vector<16xf32>,
        %parallel_loop3A_424 = arith.mulf %parallel_loop3A_423, %parallel_loop3A_399 : vector<16xf32>
        %parallel_loop3A_425 = arith.index_cast %parallel_loop3A_397 : i32 to index
        %parallel_loop3A_426 = arith.constant 48 : index
        %parallel_loop3A_427 = tpu.vector_load %arg19[%parallel_loop3A_425, %parallel_loop3A_426] {strides = array<i32>} : memref<96x128xf32, #tpu.memory_space<vmem>>, vector<16xf32>,
        tpu.vector_store %arg19[%parallel_loop3A_425, %parallel_loop3A_426], %parallel_loop3A_424 {strides = array<i32>} : memref<96x128xf32, #tpu.memory_space<vmem>>, vector<16xf32>,
        %parallel_loop3A_428 = arith.index_cast %parallel_loop3A_397 : i32 to index
        %parallel_loop3A_429 = arith.constant 64 : index
        %parallel_loop3A_430 = tpu.vector_load %arg19[%parallel_loop3A_428, %parallel_loop3A_429] {strides = array<i32>} : memref<96x128xf32, #tpu.memory_space<vmem>>, vector<16xf32>,
        %parallel_loop3A_431 = arith.mulf %parallel_loop3A_430, %parallel_loop3A_399 : vector<16xf32>
        %parallel_loop3A_432 = arith.index_cast %parallel_loop3A_397 : i32 to index
        %parallel_loop3A_433 = arith.constant 64 : index
        %parallel_loop3A_434 = tpu.vector_load %arg19[%parallel_loop3A_432, %parallel_loop3A_433] {strides = array<i32>} : memref<96x128xf32, #tpu.memory_space<vmem>>, vector<16xf32>,
        tpu.vector_store %arg19[%parallel_loop3A_432, %parallel_loop3A_433], %parallel_loop3A_431 {strides = array<i32>} : memref<96x128xf32, #tpu.memory_space<vmem>>, vector<16xf32>,
        %parallel_loop3A_435 = arith.index_cast %parallel_loop3A_397 : i32 to index
        %parallel_loop3A_436 = arith.constant 80 : index
        %parallel_loop3A_437 = tpu.vector_load %arg19[%parallel_loop3A_435, %parallel_loop3A_436] {strides = array<i32>} : memref<96x128xf32, #tpu.memory_space<vmem>>, vector<16xf32>,
        %parallel_loop3A_438 = arith.mulf %parallel_loop3A_437, %parallel_loop3A_399 : vector<16xf32>
        %parallel_loop3A_439 = arith.index_cast %parallel_loop3A_397 : i32 to index
        %parallel_loop3A_440 = arith.constant 80 : index
        %parallel_loop3A_441 = tpu.vector_load %arg19[%parallel_loop3A_439, %parallel_loop3A_440] {strides = array<i32>} : memref<96x128xf32, #tpu.memory_space<vmem>>, vector<16xf32>,
        tpu.vector_store %arg19[%parallel_loop3A_439, %parallel_loop3A_440], %parallel_loop3A_438 {strides = array<i32>} : memref<96x128xf32, #tpu.memory_space<vmem>>, vector<16xf32>,
        %parallel_loop3A_442 = arith.index_cast %parallel_loop3A_397 : i32 to index
        %parallel_loop3A_443 = arith.constant 96 : index
        %parallel_loop3A_444 = tpu.vector_load %arg19[%parallel_loop3A_442, %parallel_loop3A_443] {strides = array<i32>} : memref<96x128xf32, #tpu.memory_space<vmem>>, vector<16xf32>,
        %parallel_loop3A_445 = arith.mulf %parallel_loop3A_444, %parallel_loop3A_399 : vector<16xf32>
        %parallel_loop3A_446 = arith.index_cast %parallel_loop3A_397 : i32 to index
        %parallel_loop3A_447 = arith.constant 96 : index
        %parallel_loop3A_448 = tpu.vector_load %arg19[%parallel_loop3A_446, %parallel_loop3A_447] {strides = array<i32>} : memref<96x128xf32, #tpu.memory_space<vmem>>, vector<16xf32>,
        tpu.vector_store %arg19[%parallel_loop3A_446, %parallel_loop3A_447], %parallel_loop3A_445 {strides = array<i32>} : memref<96x128xf32, #tpu.memory_space<vmem>>, vector<16xf32>,
        %parallel_loop3A_449 = arith.index_cast %parallel_loop3A_397 : i32 to index
        %parallel_loop3A_450 = arith.constant 112 : index
        %parallel_loop3A_451 = tpu.vector_load %arg19[%parallel_loop3A_449, %parallel_loop3A_450] {strides = array<i32>} : memref<96x128xf32, #tpu.memory_space<vmem>>, vector<16xf32>,
        %parallel_loop3A_452 = arith.mulf %parallel_loop3A_451, %parallel_loop3A_399 : vector<16xf32>
        %parallel_loop3A_453 = arith.index_cast %parallel_loop3A_397 : i32 to index
        %parallel_loop3A_454 = arith.constant 112 : index
        %parallel_loop3A_455 = tpu.vector_load %arg19[%parallel_loop3A_453, %parallel_loop3A_454] {strides = array<i32>} : memref<96x128xf32, #tpu.memory_space<vmem>>, vector<16xf32>,
        tpu.vector_store %arg19[%parallel_loop3A_453, %parallel_loop3A_454], %parallel_loop3A_452 {strides = array<i32>} : memref<96x128xf32, #tpu.memory_space<vmem>>, vector<16xf32>,
      } {sc.loop_unroll_factor = 8 : i64, sc.parallel_access}
      %dma_start3A_234 = arith.constant 0 : i32
      %dma_start3A_235 = arith.constant 0 : i32
      %dma_start3A_236 = tpu.memref_slice %arg21[%dma_start3A_234, %dma_start3A_235] : memref<10240x128xf32, #tpu.memory_space<vmem_shared>> -> memref<10240x128xf32, #tpu.memory_space<vmem_shared>>
      tpu.enqueue_indirect_dma source(%arg19 : memref<96x128xf32, #tpu.memory_space<vmem>>) target(%dma_start3A_236 : memref<10240x128xf32, #tpu.memory_space<vmem_shared>>) offsets(%arg15 : memref<96xi32, #tpu.memory_space<vmem>>) semaphore(%arg28 : memref<!tpu.dma_semaphore, #tpu.memory_space<semaphore_mem>>) {add = true}
      %mul3A_237 = arith.constant 2 : i32
      %mul3A_238 = arith.muli %mul3A_237, %scan3A_88 : i32
      %add3A_239 = arith.constant 1 : i32
      %add3A_240 = arith.addi %mul3A_238, %add3A_239 : i32
      %dma_wait3A_241 = tpu.memref_slice %arg5[%mul3A_50] : memref<331776xi32, #tpu.memory_space<hbm>> -> memref<96xi32, #tpu.memory_space<hbm>>
      %dma_wait3A_242 = tpu.memref_slice %arg5[%mul3A_50] : memref<331776xi32, #tpu.memory_space<hbm>> -> memref<96xi32, #tpu.memory_space<hbm>>
      tpu.wait_dma2 semaphore(%arg26 : memref<!tpu.dma_semaphore, #tpu.memory_space<semaphore_mem>>) src(%dma_wait3A_242 : memref<96xi32, #tpu.memory_space<hbm>>) dst(%arg11 : memref<96xi32, #tpu.memory_space<vmem>>)
      %dma_wait3A_243 = tpu.memref_slice %arg6[%mul3A_50] : memref<331776xi32, #tpu.memory_space<hbm>> -> memref<96xi32, #tpu.memory_space<hbm>>
      %dma_wait3A_244 = tpu.memref_slice %arg6[%mul3A_50] : memref<331776xi32, #tpu.memory_space<hbm>> -> memref<96xi32, #tpu.memory_space<hbm>>
      tpu.wait_dma2 semaphore(%arg26 : memref<!tpu.dma_semaphore, #tpu.memory_space<semaphore_mem>>) src(%dma_wait3A_244 : memref<96xi32, #tpu.memory_space<hbm>>) dst(%arg13 : memref<96xi32, #tpu.memory_space<vmem>>)
      %ge3A_245 = arith.constant 1 : i32
      %ge3A_246 = arith.cmpi sge, %add3A_240, %ge3A_245 : i32
      %convert_element_type3A_247 = arith.extui %ge3A_246 : i1 to i32
      %cond3A_248 = arith.constant 0 : i32
      %cond3A_249 = arith.cmpi ne, %convert_element_type3A_247, %cond3A_248 : i32
      scf.if %cond3A_249 {
        %dma_wait3A_397 = arith.constant 0 : i32
        %dma_wait3A_398 = tpu.memref_slice %arg22[%dma_wait3A_397] : memref<10240xf32, #tpu.memory_space<vmem_shared>> -> memref<10240xf32, #tpu.memory_space<vmem_shared>>
        tpu.wait_indirect_dma semaphore(%arg28 : memref<!tpu.dma_semaphore, #tpu.memory_space<semaphore_mem>>) src(%arg17 : memref<96xf32, #tpu.memory_space<vmem>>) dst(%dma_wait3A_398 : memref<10240xf32, #tpu.memory_space<vmem_shared>>)
        %dma_wait3A_399 = arith.constant 0 : i32
        %dma_wait3A_400 = arith.constant 0 : i32
        %dma_wait3A_401 = tpu.memref_slice %arg21[%dma_wait3A_399, %dma_wait3A_400] : memref<10240x128xf32, #tpu.memory_space<vmem_shared>> -> memref<10240x128xf32, #tpu.memory_space<vmem_shared>>
        tpu.wait_indirect_dma semaphore(%arg28 : memref<!tpu.dma_semaphore, #tpu.memory_space<semaphore_mem>>) src(%arg19 : memref<96x128xf32, #tpu.memory_space<vmem>>) dst(%dma_wait3A_401 : memref<10240x128xf32, #tpu.memory_space<vmem_shared>>)
      } else {
      }
      %dma_start3A_250 = arith.constant 0 : i32
      %dma_start3A_251 = arith.constant 0 : i32
      %dma_start3A_252 = tpu.memref_slice %arg2[%dma_start3A_250, %dma_start3A_251] : memref<10000x128xf32, #tpu.memory_space<hbm>> -> memref<10000x128xf32, #tpu.memory_space<hbm>>
      tpu.enqueue_indirect_dma source(%dma_start3A_252 : memref<10000x128xf32, #tpu.memory_space<hbm>>) target(%arg19 : memref<96x128xf32, #tpu.memory_space<vmem>>) offsets(%arg11 : memref<96xi32, #tpu.memory_space<vmem>>) semaphore(%arg24 : memref<!tpu.dma_semaphore, #tpu.memory_space<semaphore_mem>>)
      %get3A_253 = arith.constant 0 : index
      %get3A_254 = tpu.vector_load %arg12[%get3A_253] {strides = array<i32>} : memref<96xi32, #tpu.memory_space<vmem>>, vector<16xi32>,
      %get3A_255 = arith.constant 0 : index
      %get3A_256 = tpu.vector_load %arg14[%get3A_255] {strides = array<i32>} : memref<96xi32, #tpu.memory_space<vmem>>, vector<16xi32>,
      %swap3A_257 = arith.constant 0 : index
      %swap3A_258 = tpu.vector_load %arg16[%swap3A_257] {strides = array<i32>} : memref<96xi32, #tpu.memory_space<vmem>>, vector<16xi32>,
      tpu.vector_store %arg16[%swap3A_257], %get3A_256 {strides = array<i32>} : memref<96xi32, #tpu.memory_space<vmem>>, vector<16xi32>,
      %gather3A_259 = tpu.vector_load_idx %arg9[%get3A_254] : memref<10240xf32, #tpu.memory_space<vmem>>[vector<16xi32>], vector<16xf32>,
      %gather3A_260 = tpu.vector_load_idx %arg10[%get3A_256] : memref<10240xf32, #tpu.memory_space<vmem>>[vector<16xi32>], vector<16xf32>,
      %add3A_261 = arith.addf %gather3A_259, %gather3A_260 : vector<16xf32>
      %ge3A_262 = arith.constant 0.000000e+00 : f32
      %ge3A_263 = vector.broadcast %ge3A_262 : f32 to vector<16xf32>
      %ge3A_264 = arith.cmpf oge, %add3A_261, %ge3A_263 : vector<16xf32>
      %mul3A_265 = arith.constant 2.000000e-01 : f32
      %mul3A_266 = vector.broadcast %mul3A_265 : f32 to vector<16xf32>
      %mul3A_267 = arith.mulf %add3A_261, %mul3A_266 : vector<16xf32>
      %select_n3A_268 = arith.select %ge3A_264, %add3A_261, %mul3A_267 : vector<16xi1>, vector<16xf32>
      %exp3A_269 = math.exp %select_n3A_268 : vector<16xf32>
      %swap3A_270 = arith.constant 0 : index
      %swap3A_271 = tpu.vector_load %arg18[%swap3A_270] {strides = array<i32>} : memref<96xf32, #tpu.memory_space<vmem>>, vector<16xf32>,
      tpu.vector_store %arg18[%swap3A_270], %exp3A_269 {strides = array<i32>} : memref<96xf32, #tpu.memory_space<vmem>>, vector<16xf32>,
      %get3A_272 = arith.constant 16 : index
      %get3A_273 = tpu.vector_load %arg12[%get3A_272] {strides = array<i32>} : memref<96xi32, #tpu.memory_space<vmem>>, vector<16xi32>,
      %get3A_274 = arith.constant 16 : index
      %get3A_275 = tpu.vector_load %arg14[%get3A_274] {strides = array<i32>} : memref<96xi32, #tpu.memory_space<vmem>>, vector<16xi32>,
      %swap3A_276 = arith.constant 16 : index
      %swap3A_277 = tpu.vector_load %arg16[%swap3A_276] {strides = array<i32>} : memref<96xi32, #tpu.memory_space<vmem>>, vector<16xi32>,
      tpu.vector_store %arg16[%swap3A_276], %get3A_275 {strides = array<i32>} : memref<96xi32, #tpu.memory_space<vmem>>, vector<16xi32>,
      %gather3A_278 = tpu.vector_load_idx %arg9[%get3A_273] : memref<10240xf32, #tpu.memory_space<vmem>>[vector<16xi32>], vector<16xf32>,
      %gather3A_279 = tpu.vector_load_idx %arg10[%get3A_275] : memref<10240xf32, #tpu.memory_space<vmem>>[vector<16xi32>], vector<16xf32>,
      %add3A_280 = arith.addf %gather3A_278, %gather3A_279 : vector<16xf32>
      %ge3A_281 = arith.constant 0.000000e+00 : f32
      %ge3A_282 = vector.broadcast %ge3A_281 : f32 to vector<16xf32>
      %ge3A_283 = arith.cmpf oge, %add3A_280, %ge3A_282 : vector<16xf32>
      %mul3A_284 = arith.constant 2.000000e-01 : f32
      %mul3A_285 = vector.broadcast %mul3A_284 : f32 to vector<16xf32>
      %mul3A_286 = arith.mulf %add3A_280, %mul3A_285 : vector<16xf32>
      %select_n3A_287 = arith.select %ge3A_283, %add3A_280, %mul3A_286 : vector<16xi1>, vector<16xf32>
      %exp3A_288 = math.exp %select_n3A_287 : vector<16xf32>
      %swap3A_289 = arith.constant 16 : index
      %swap3A_290 = tpu.vector_load %arg18[%swap3A_289] {strides = array<i32>} : memref<96xf32, #tpu.memory_space<vmem>>, vector<16xf32>,
      tpu.vector_store %arg18[%swap3A_289], %exp3A_288 {strides = array<i32>} : memref<96xf32, #tpu.memory_space<vmem>>, vector<16xf32>,
      %get3A_291 = arith.constant 32 : index
      %get3A_292 = tpu.vector_load %arg12[%get3A_291] {strides = array<i32>} : memref<96xi32, #tpu.memory_space<vmem>>, vector<16xi32>,
      %get3A_293 = arith.constant 32 : index
      %get3A_294 = tpu.vector_load %arg14[%get3A_293] {strides = array<i32>} : memref<96xi32, #tpu.memory_space<vmem>>, vector<16xi32>,
      %swap3A_295 = arith.constant 32 : index
      %swap3A_296 = tpu.vector_load %arg16[%swap3A_295] {strides = array<i32>} : memref<96xi32, #tpu.memory_space<vmem>>, vector<16xi32>,
      tpu.vector_store %arg16[%swap3A_295], %get3A_294 {strides = array<i32>} : memref<96xi32, #tpu.memory_space<vmem>>, vector<16xi32>,
      %gather3A_297 = tpu.vector_load_idx %arg9[%get3A_292] : memref<10240xf32, #tpu.memory_space<vmem>>[vector<16xi32>], vector<16xf32>,
      %gather3A_298 = tpu.vector_load_idx %arg10[%get3A_294] : memref<10240xf32, #tpu.memory_space<vmem>>[vector<16xi32>], vector<16xf32>,
      %add3A_299 = arith.addf %gather3A_297, %gather3A_298 : vector<16xf32>
      %ge3A_300 = arith.constant 0.000000e+00 : f32
      %ge3A_301 = vector.broadcast %ge3A_300 : f32 to vector<16xf32>
      %ge3A_302 = arith.cmpf oge, %add3A_299, %ge3A_301 : vector<16xf32>
      %mul3A_303 = arith.constant 2.000000e-01 : f32
      %mul3A_304 = vector.broadcast %mul3A_303 : f32 to vector<16xf32>
      %mul3A_305 = arith.mulf %add3A_299, %mul3A_304 : vector<16xf32>
      %select_n3A_306 = arith.select %ge3A_302, %add3A_299, %mul3A_305 : vector<16xi1>, vector<16xf32>
      %exp3A_307 = math.exp %select_n3A_306 : vector<16xf32>
      %swap3A_308 = arith.constant 32 : index
      %swap3A_309 = tpu.vector_load %arg18[%swap3A_308] {strides = array<i32>} : memref<96xf32, #tpu.memory_space<vmem>>, vector<16xf32>,
      tpu.vector_store %arg18[%swap3A_308], %exp3A_307 {strides = array<i32>} : memref<96xf32, #tpu.memory_space<vmem>>, vector<16xf32>,
      %get3A_310 = arith.constant 48 : index
      %get3A_311 = tpu.vector_load %arg12[%get3A_310] {strides = array<i32>} : memref<96xi32, #tpu.memory_space<vmem>>, vector<16xi32>,
      %get3A_312 = arith.constant 48 : index
      %get3A_313 = tpu.vector_load %arg14[%get3A_312] {strides = array<i32>} : memref<96xi32, #tpu.memory_space<vmem>>, vector<16xi32>,
      %swap3A_314 = arith.constant 48 : index
      %swap3A_315 = tpu.vector_load %arg16[%swap3A_314] {strides = array<i32>} : memref<96xi32, #tpu.memory_space<vmem>>, vector<16xi32>,
      tpu.vector_store %arg16[%swap3A_314], %get3A_313 {strides = array<i32>} : memref<96xi32, #tpu.memory_space<vmem>>, vector<16xi32>,
      %gather3A_316 = tpu.vector_load_idx %arg9[%get3A_311] : memref<10240xf32, #tpu.memory_space<vmem>>[vector<16xi32>], vector<16xf32>,
      %gather3A_317 = tpu.vector_load_idx %arg10[%get3A_313] : memref<10240xf32, #tpu.memory_space<vmem>>[vector<16xi32>], vector<16xf32>,
      %add3A_318 = arith.addf %gather3A_316, %gather3A_317 : vector<16xf32>
      %ge3A_319 = arith.constant 0.000000e+00 : f32
      %ge3A_320 = vector.broadcast %ge3A_319 : f32 to vector<16xf32>
      %ge3A_321 = arith.cmpf oge, %add3A_318, %ge3A_320 : vector<16xf32>
      %mul3A_322 = arith.constant 2.000000e-01 : f32
      %mul3A_323 = vector.broadcast %mul3A_322 : f32 to vector<16xf32>
      %mul3A_324 = arith.mulf %add3A_318, %mul3A_323 : vector<16xf32>
      %select_n3A_325 = arith.select %ge3A_321, %add3A_318, %mul3A_324 : vector<16xi1>, vector<16xf32>
      %exp3A_326 = math.exp %select_n3A_325 : vector<16xf32>
      %swap3A_327 = arith.constant 48 : index
      %swap3A_328 = tpu.vector_load %arg18[%swap3A_327] {strides = array<i32>} : memref<96xf32, #tpu.memory_space<vmem>>, vector<16xf32>,
      tpu.vector_store %arg18[%swap3A_327], %exp3A_326 {strides = array<i32>} : memref<96xf32, #tpu.memory_space<vmem>>, vector<16xf32>,
      %get3A_329 = arith.constant 64 : index
      %get3A_330 = tpu.vector_load %arg12[%get3A_329] {strides = array<i32>} : memref<96xi32, #tpu.memory_space<vmem>>, vector<16xi32>,
      %get3A_331 = arith.constant 64 : index
      %get3A_332 = tpu.vector_load %arg14[%get3A_331] {strides = array<i32>} : memref<96xi32, #tpu.memory_space<vmem>>, vector<16xi32>,
      %swap3A_333 = arith.constant 64 : index
      %swap3A_334 = tpu.vector_load %arg16[%swap3A_333] {strides = array<i32>} : memref<96xi32, #tpu.memory_space<vmem>>, vector<16xi32>,
      tpu.vector_store %arg16[%swap3A_333], %get3A_332 {strides = array<i32>} : memref<96xi32, #tpu.memory_space<vmem>>, vector<16xi32>,
      %gather3A_335 = tpu.vector_load_idx %arg9[%get3A_330] : memref<10240xf32, #tpu.memory_space<vmem>>[vector<16xi32>], vector<16xf32>,
      %gather3A_336 = tpu.vector_load_idx %arg10[%get3A_332] : memref<10240xf32, #tpu.memory_space<vmem>>[vector<16xi32>], vector<16xf32>,
      %add3A_337 = arith.addf %gather3A_335, %gather3A_336 : vector<16xf32>
      %ge3A_338 = arith.constant 0.000000e+00 : f32
      %ge3A_339 = vector.broadcast %ge3A_338 : f32 to vector<16xf32>
      %ge3A_340 = arith.cmpf oge, %add3A_337, %ge3A_339 : vector<16xf32>
      %mul3A_341 = arith.constant 2.000000e-01 : f32
      %mul3A_342 = vector.broadcast %mul3A_341 : f32 to vector<16xf32>
      %mul3A_343 = arith.mulf %add3A_337, %mul3A_342 : vector<16xf32>
      %select_n3A_344 = arith.select %ge3A_340, %add3A_337, %mul3A_343 : vector<16xi1>, vector<16xf32>
      %exp3A_345 = math.exp %select_n3A_344 : vector<16xf32>
      %swap3A_346 = arith.constant 64 : index
      %swap3A_347 = tpu.vector_load %arg18[%swap3A_346] {strides = array<i32>} : memref<96xf32, #tpu.memory_space<vmem>>, vector<16xf32>,
      tpu.vector_store %arg18[%swap3A_346], %exp3A_345 {strides = array<i32>} : memref<96xf32, #tpu.memory_space<vmem>>, vector<16xf32>,
      %get3A_348 = arith.constant 80 : index
      %get3A_349 = tpu.vector_load %arg12[%get3A_348] {strides = array<i32>} : memref<96xi32, #tpu.memory_space<vmem>>, vector<16xi32>,
      %get3A_350 = arith.constant 80 : index
      %get3A_351 = tpu.vector_load %arg14[%get3A_350] {strides = array<i32>} : memref<96xi32, #tpu.memory_space<vmem>>, vector<16xi32>,
      %swap3A_352 = arith.constant 80 : index
      %swap3A_353 = tpu.vector_load %arg16[%swap3A_352] {strides = array<i32>} : memref<96xi32, #tpu.memory_space<vmem>>, vector<16xi32>,
      tpu.vector_store %arg16[%swap3A_352], %get3A_351 {strides = array<i32>} : memref<96xi32, #tpu.memory_space<vmem>>, vector<16xi32>,
      %gather3A_354 = tpu.vector_load_idx %arg9[%get3A_349] : memref<10240xf32, #tpu.memory_space<vmem>>[vector<16xi32>], vector<16xf32>,
      %gather3A_355 = tpu.vector_load_idx %arg10[%get3A_351] : memref<10240xf32, #tpu.memory_space<vmem>>[vector<16xi32>], vector<16xf32>,
      %add3A_356 = arith.addf %gather3A_354, %gather3A_355 : vector<16xf32>
      %ge3A_357 = arith.constant 0.000000e+00 : f32
      %ge3A_358 = vector.broadcast %ge3A_357 : f32 to vector<16xf32>
      %ge3A_359 = arith.cmpf oge, %add3A_356, %ge3A_358 : vector<16xf32>
      %mul3A_360 = arith.constant 2.000000e-01 : f32
      %mul3A_361 = vector.broadcast %mul3A_360 : f32 to vector<16xf32>
      %mul3A_362 = arith.mulf %add3A_356, %mul3A_361 : vector<16xf32>
      %select_n3A_363 = arith.select %ge3A_359, %add3A_356, %mul3A_362 : vector<16xi1>, vector<16xf32>
      %exp3A_364 = math.exp %select_n3A_363 : vector<16xf32>
      %swap3A_365 = arith.constant 80 : index
      %swap3A_366 = tpu.vector_load %arg18[%swap3A_365] {strides = array<i32>} : memref<96xf32, #tpu.memory_space<vmem>>, vector<16xf32>,
      tpu.vector_store %arg18[%swap3A_365], %exp3A_364 {strides = array<i32>} : memref<96xf32, #tpu.memory_space<vmem>>, vector<16xf32>,
      %dma_start3A_367 = arith.constant 0 : i32
      %dma_start3A_368 = tpu.memref_slice %arg22[%dma_start3A_367] : memref<10240xf32, #tpu.memory_space<vmem_shared>> -> memref<10240xf32, #tpu.memory_space<vmem_shared>>
      tpu.enqueue_indirect_dma source(%arg18 : memref<96xf32, #tpu.memory_space<vmem>>) target(%dma_start3A_368 : memref<10240xf32, #tpu.memory_space<vmem_shared>>) offsets(%arg16 : memref<96xi32, #tpu.memory_space<vmem>>) semaphore(%arg29 : memref<!tpu.dma_semaphore, #tpu.memory_space<semaphore_mem>>) {add = true}
      %dma_wait3A_369 = arith.constant 0 : i32
      %dma_wait3A_370 = arith.constant 0 : i32
      %dma_wait3A_371 = tpu.memref_slice %arg2[%dma_wait3A_369, %dma_wait3A_370] : memref<10000x128xf32, #tpu.memory_space<hbm>> -> memref<10000x128xf32, #tpu.memory_space<hbm>>
      tpu.wait_indirect_dma semaphore(%arg25 : memref<!tpu.dma_semaphore, #tpu.memory_space<semaphore_mem>>) src(%dma_wait3A_371 : memref<10000x128xf32, #tpu.memory_space<hbm>>) dst(%arg20 : memref<96x128xf32, #tpu.memory_space<vmem>>)
      %add3A_372 = arith.constant 2 : i32
      %add3A_373 = arith.addi %add3A_240, %add3A_372 : i32
      %min3A_374 = arith.constant 107 : i32
      %min3A_375 = arith.minsi %add3A_373, %min3A_374 : i32
      %mul3A_376 = arith.constant 96 : i32
      %mul3A_377 = arith.muli %min3A_375, %mul3A_376 : i32
      %add3A_378 = arith.addi %mul3A_50, %mul3A_377 : i32
      %dma_start3A_379 = tpu.memref_slice %arg5[%add3A_378] : memref<331776xi32, #tpu.memory_space<hbm>> -> memref<96xi32, #tpu.memory_space<hbm>>
      %dma_start3A_380 = tpu.memref_slice %arg5[%add3A_378] : memref<331776xi32, #tpu.memory_space<hbm>> -> memref<96xi32, #tpu.memory_space<hbm>>
      tpu.enqueue_dma source(%dma_start3A_380 : memref<96xi32, #tpu.memory_space<hbm>>) target(%arg12 : memref<96xi32, #tpu.memory_space<vmem>>) target_semaphore(%arg27 : memref<!tpu.dma_semaphore, #tpu.memory_space<semaphore_mem>>)
      %add3A_381 = arith.constant 2 : i32
      %add3A_382 = arith.addi %add3A_240, %add3A_381 : i32
      %min3A_383 = arith.constant 107 : i32
      %min3A_384 = arith.minsi %add3A_382, %min3A_383 : i32
      %mul3A_385 = arith.constant 96 : i32
      %mul3A_386 = arith.muli %min3A_384, %mul3A_385 : i32
      %add3A_387 = arith.addi %mul3A_50, %mul3A_386 : i32
      %dma_start3A_388 = tpu.memref_slice %arg6[%add3A_387] : memref<331776xi32, #tpu.memory_space<hbm>> -> memref<96xi32, #tpu.memory_space<hbm>>
      %dma_start3A_389 = tpu.memref_slice %arg6[%add3A_387] : memref<331776xi32, #tpu.memory_space<hbm>> -> memref<96xi32, #tpu.memory_space<hbm>>
      tpu.enqueue_dma source(%dma_start3A_389 : memref<96xi32, #tpu.memory_space<hbm>>) target(%arg14 : memref<96xi32, #tpu.memory_space<vmem>>) target_semaphore(%arg27 : memref<!tpu.dma_semaphore, #tpu.memory_space<semaphore_mem>>)
      %parallel_loop3A_390 = arith.constant 0 : i32
      %parallel_loop3A_391 = arith.constant 96 : i32
      %parallel_loop3A_392 = arith.constant 1 : i32
      scf.for %parallel_loop3A_397 = %parallel_loop3A_390 to %parallel_loop3A_391 step %parallel_loop3A_392  : i32 {
        %parallel_loop3A_398 = vector.broadcast %parallel_loop3A_397 : i32 to vector<16xi32>
        %parallel_loop3A_399 = tpu.vector_load_idx %arg18[%parallel_loop3A_398] : memref<96xf32, #tpu.memory_space<vmem>>[vector<16xi32>], vector<16xf32>,
        %parallel_loop3A_400 = arith.index_cast %parallel_loop3A_397 : i32 to index
        %parallel_loop3A_401 = arith.constant 0 : index
        %parallel_loop3A_402 = tpu.vector_load %arg20[%parallel_loop3A_400, %parallel_loop3A_401] {strides = array<i32>} : memref<96x128xf32, #tpu.memory_space<vmem>>, vector<16xf32>,
        %parallel_loop3A_403 = arith.mulf %parallel_loop3A_402, %parallel_loop3A_399 : vector<16xf32>
        %parallel_loop3A_404 = arith.index_cast %parallel_loop3A_397 : i32 to index
        %parallel_loop3A_405 = arith.constant 0 : index
        %parallel_loop3A_406 = tpu.vector_load %arg20[%parallel_loop3A_404, %parallel_loop3A_405] {strides = array<i32>} : memref<96x128xf32, #tpu.memory_space<vmem>>, vector<16xf32>,
        tpu.vector_store %arg20[%parallel_loop3A_404, %parallel_loop3A_405], %parallel_loop3A_403 {strides = array<i32>} : memref<96x128xf32, #tpu.memory_space<vmem>>, vector<16xf32>,
        %parallel_loop3A_407 = arith.index_cast %parallel_loop3A_397 : i32 to index
        %parallel_loop3A_408 = arith.constant 16 : index
        %parallel_loop3A_409 = tpu.vector_load %arg20[%parallel_loop3A_407, %parallel_loop3A_408] {strides = array<i32>} : memref<96x128xf32, #tpu.memory_space<vmem>>, vector<16xf32>,
        %parallel_loop3A_410 = arith.mulf %parallel_loop3A_409, %parallel_loop3A_399 : vector<16xf32>
        %parallel_loop3A_411 = arith.index_cast %parallel_loop3A_397 : i32 to index
        %parallel_loop3A_412 = arith.constant 16 : index
        %parallel_loop3A_413 = tpu.vector_load %arg20[%parallel_loop3A_411, %parallel_loop3A_412] {strides = array<i32>} : memref<96x128xf32, #tpu.memory_space<vmem>>, vector<16xf32>,
        tpu.vector_store %arg20[%parallel_loop3A_411, %parallel_loop3A_412], %parallel_loop3A_410 {strides = array<i32>} : memref<96x128xf32, #tpu.memory_space<vmem>>, vector<16xf32>,
        %parallel_loop3A_414 = arith.index_cast %parallel_loop3A_397 : i32 to index
        %parallel_loop3A_415 = arith.constant 32 : index
        %parallel_loop3A_416 = tpu.vector_load %arg20[%parallel_loop3A_414, %parallel_loop3A_415] {strides = array<i32>} : memref<96x128xf32, #tpu.memory_space<vmem>>, vector<16xf32>,
        %parallel_loop3A_417 = arith.mulf %parallel_loop3A_416, %parallel_loop3A_399 : vector<16xf32>
        %parallel_loop3A_418 = arith.index_cast %parallel_loop3A_397 : i32 to index
        %parallel_loop3A_419 = arith.constant 32 : index
        %parallel_loop3A_420 = tpu.vector_load %arg20[%parallel_loop3A_418, %parallel_loop3A_419] {strides = array<i32>} : memref<96x128xf32, #tpu.memory_space<vmem>>, vector<16xf32>,
        tpu.vector_store %arg20[%parallel_loop3A_418, %parallel_loop3A_419], %parallel_loop3A_417 {strides = array<i32>} : memref<96x128xf32, #tpu.memory_space<vmem>>, vector<16xf32>,
        %parallel_loop3A_421 = arith.index_cast %parallel_loop3A_397 : i32 to index
        %parallel_loop3A_422 = arith.constant 48 : index
        %parallel_loop3A_423 = tpu.vector_load %arg20[%parallel_loop3A_421, %parallel_loop3A_422] {strides = array<i32>} : memref<96x128xf32, #tpu.memory_space<vmem>>, vector<16xf32>,
        %parallel_loop3A_424 = arith.mulf %parallel_loop3A_423, %parallel_loop3A_399 : vector<16xf32>
        %parallel_loop3A_425 = arith.index_cast %parallel_loop3A_397 : i32 to index
        %parallel_loop3A_426 = arith.constant 48 : index
        %parallel_loop3A_427 = tpu.vector_load %arg20[%parallel_loop3A_425, %parallel_loop3A_426] {strides = array<i32>} : memref<96x128xf32, #tpu.memory_space<vmem>>, vector<16xf32>,
        tpu.vector_store %arg20[%parallel_loop3A_425, %parallel_loop3A_426], %parallel_loop3A_424 {strides = array<i32>} : memref<96x128xf32, #tpu.memory_space<vmem>>, vector<16xf32>,
        %parallel_loop3A_428 = arith.index_cast %parallel_loop3A_397 : i32 to index
        %parallel_loop3A_429 = arith.constant 64 : index
        %parallel_loop3A_430 = tpu.vector_load %arg20[%parallel_loop3A_428, %parallel_loop3A_429] {strides = array<i32>} : memref<96x128xf32, #tpu.memory_space<vmem>>, vector<16xf32>,
        %parallel_loop3A_431 = arith.mulf %parallel_loop3A_430, %parallel_loop3A_399 : vector<16xf32>
        %parallel_loop3A_432 = arith.index_cast %parallel_loop3A_397 : i32 to index
        %parallel_loop3A_433 = arith.constant 64 : index
        %parallel_loop3A_434 = tpu.vector_load %arg20[%parallel_loop3A_432, %parallel_loop3A_433] {strides = array<i32>} : memref<96x128xf32, #tpu.memory_space<vmem>>, vector<16xf32>,
        tpu.vector_store %arg20[%parallel_loop3A_432, %parallel_loop3A_433], %parallel_loop3A_431 {strides = array<i32>} : memref<96x128xf32, #tpu.memory_space<vmem>>, vector<16xf32>,
        %parallel_loop3A_435 = arith.index_cast %parallel_loop3A_397 : i32 to index
        %parallel_loop3A_436 = arith.constant 80 : index
        %parallel_loop3A_437 = tpu.vector_load %arg20[%parallel_loop3A_435, %parallel_loop3A_436] {strides = array<i32>} : memref<96x128xf32, #tpu.memory_space<vmem>>, vector<16xf32>,
        %parallel_loop3A_438 = arith.mulf %parallel_loop3A_437, %parallel_loop3A_399 : vector<16xf32>
        %parallel_loop3A_439 = arith.index_cast %parallel_loop3A_397 : i32 to index
        %parallel_loop3A_440 = arith.constant 80 : index
        %parallel_loop3A_441 = tpu.vector_load %arg20[%parallel_loop3A_439, %parallel_loop3A_440] {strides = array<i32>} : memref<96x128xf32, #tpu.memory_space<vmem>>, vector<16xf32>,
        tpu.vector_store %arg20[%parallel_loop3A_439, %parallel_loop3A_440], %parallel_loop3A_438 {strides = array<i32>} : memref<96x128xf32, #tpu.memory_space<vmem>>, vector<16xf32>,
        %parallel_loop3A_442 = arith.index_cast %parallel_loop3A_397 : i32 to index
        %parallel_loop3A_443 = arith.constant 96 : index
        %parallel_loop3A_444 = tpu.vector_load %arg20[%parallel_loop3A_442, %parallel_loop3A_443] {strides = array<i32>} : memref<96x128xf32, #tpu.memory_space<vmem>>, vector<16xf32>,
        %parallel_loop3A_445 = arith.mulf %parallel_loop3A_444, %parallel_loop3A_399 : vector<16xf32>
        %parallel_loop3A_446 = arith.index_cast %parallel_loop3A_397 : i32 to index
        %parallel_loop3A_447 = arith.constant 96 : index
        %parallel_loop3A_448 = tpu.vector_load %arg20[%parallel_loop3A_446, %parallel_loop3A_447] {strides = array<i32>} : memref<96x128xf32, #tpu.memory_space<vmem>>, vector<16xf32>,
        tpu.vector_store %arg20[%parallel_loop3A_446, %parallel_loop3A_447], %parallel_loop3A_445 {strides = array<i32>} : memref<96x128xf32, #tpu.memory_space<vmem>>, vector<16xf32>,
        %parallel_loop3A_449 = arith.index_cast %parallel_loop3A_397 : i32 to index
        %parallel_loop3A_450 = arith.constant 112 : index
        %parallel_loop3A_451 = tpu.vector_load %arg20[%parallel_loop3A_449, %parallel_loop3A_450] {strides = array<i32>} : memref<96x128xf32, #tpu.memory_space<vmem>>, vector<16xf32>,
        %parallel_loop3A_452 = arith.mulf %parallel_loop3A_451, %parallel_loop3A_399 : vector<16xf32>
        %parallel_loop3A_453 = arith.index_cast %parallel_loop3A_397 : i32 to index
        %parallel_loop3A_454 = arith.constant 112 : index
        %parallel_loop3A_455 = tpu.vector_load %arg20[%parallel_loop3A_453, %parallel_loop3A_454] {strides = array<i32>} : memref<96x128xf32, #tpu.memory_space<vmem>>, vector<16xf32>,
        tpu.vector_store %arg20[%parallel_loop3A_453, %parallel_loop3A_454], %parallel_loop3A_452 {strides = array<i32>} : memref<96x128xf32, #tpu.memory_space<vmem>>, vector<16xf32>,
      } {sc.loop_unroll_factor = 8 : i64, sc.parallel_access}
      %dma_start3A_393 = arith.constant 0 : i32
      %dma_start3A_394 = arith.constant 0 : i32
      %dma_start3A_395 = tpu.memref_slice %arg21[%dma_start3A_393, %dma_start3A_394] : memref<10240x128xf32, #tpu.memory_space<vmem_shared>> -> memref<10240x128xf32, #tpu.memory_space<vmem_shared>>
      tpu.enqueue_indirect_dma source(%arg20 : memref<96x128xf32, #tpu.memory_space<vmem>>) target(%dma_start3A_395 : memref<10240x128xf32, #tpu.memory_space<vmem_shared>>) offsets(%arg16 : memref<96xi32, #tpu.memory_space<vmem>>) semaphore(%arg29 : memref<!tpu.dma_semaphore, #tpu.memory_space<semaphore_mem>>) {add = true}
      %scan3A_396 = arith.constant 0 : i32
      scf.yield %scan3A_396 : i32
    }
    %scan3A_67 = arith.constant 54 : i32
    %dma_wait3A = arith.constant 0 : i32
    %dma_wait3A_68 = arith.constant 0 : i32
    %dma_wait3A_69 = tpu.memref_slice %arg2[%dma_wait3A, %dma_wait3A_68] : memref<10000x128xf32, #tpu.memory_space<hbm>> -> memref<10000x128xf32, #tpu.memory_space<hbm>>
    tpu.wait_indirect_dma semaphore(%arg24 : memref<!tpu.dma_semaphore, #tpu.memory_space<semaphore_mem>>) src(%dma_wait3A_69 : memref<10000x128xf32, #tpu.memory_space<hbm>>) dst(%arg19 : memref<96x128xf32, #tpu.memory_space<vmem>>)
    %dma_wait3A_70 = tpu.memref_slice %arg5[%mul3A_50] : memref<331776xi32, #tpu.memory_space<hbm>> -> memref<96xi32, #tpu.memory_space<hbm>>
    %dma_wait3A_71 = tpu.memref_slice %arg5[%mul3A_50] : memref<331776xi32, #tpu.memory_space<hbm>> -> memref<96xi32, #tpu.memory_space<hbm>>
    tpu.wait_dma2 semaphore(%arg27 : memref<!tpu.dma_semaphore, #tpu.memory_space<semaphore_mem>>) src(%dma_wait3A_71 : memref<96xi32, #tpu.memory_space<hbm>>) dst(%arg12 : memref<96xi32, #tpu.memory_space<vmem>>)
    %dma_wait3A_72 = tpu.memref_slice %arg6[%mul3A_50] : memref<331776xi32, #tpu.memory_space<hbm>> -> memref<96xi32, #tpu.memory_space<hbm>>
    %dma_wait3A_73 = tpu.memref_slice %arg6[%mul3A_50] : memref<331776xi32, #tpu.memory_space<hbm>> -> memref<96xi32, #tpu.memory_space<hbm>>
    tpu.wait_dma2 semaphore(%arg27 : memref<!tpu.dma_semaphore, #tpu.memory_space<semaphore_mem>>) src(%dma_wait3A_73 : memref<96xi32, #tpu.memory_space<hbm>>) dst(%arg14 : memref<96xi32, #tpu.memory_space<vmem>>)
    %dma_wait3A_74 = arith.constant 0 : i32
    %dma_wait3A_75 = tpu.memref_slice %arg22[%dma_wait3A_74] : memref<10240xf32, #tpu.memory_space<vmem_shared>> -> memref<10240xf32, #tpu.memory_space<vmem_shared>>
    tpu.wait_indirect_dma semaphore(%arg29 : memref<!tpu.dma_semaphore, #tpu.memory_space<semaphore_mem>>) src(%arg18 : memref<96xf32, #tpu.memory_space<vmem>>) dst(%dma_wait3A_75 : memref<10240xf32, #tpu.memory_space<vmem_shared>>)
    %dma_wait3A_76 = arith.constant 0 : i32
    %dma_wait3A_77 = arith.constant 0 : i32
    %dma_wait3A_78 = tpu.memref_slice %arg21[%dma_wait3A_76, %dma_wait3A_77] : memref<10240x128xf32, #tpu.memory_space<vmem_shared>> -> memref<10240x128xf32, #tpu.memory_space<vmem_shared>>
    tpu.wait_indirect_dma semaphore(%arg29 : memref<!tpu.dma_semaphore, #tpu.memory_space<semaphore_mem>>) src(%arg20 : memref<96x128xf32, #tpu.memory_space<vmem>>) dst(%dma_wait3A_78 : memref<10240x128xf32, #tpu.memory_space<vmem_shared>>)
    %barrier3A_79 = arith.constant 0 : index
    tpu.barrier barrier_id(%barrier3A_79)
    %mul3A_80 = arith.constant 640 : i32
    %mul3A_81 = arith.muli %arg1, %mul3A_80 : i32
    %mul3A_82 = arith.constant 640 : i32
    %mul3A_83 = arith.muli %arg1, %mul3A_82 : i32
    "tpu.region"() ({
      %run_scoped3A = tpu.sem_alloc : memref<!tpu.dma_semaphore, #tpu.memory_space<semaphore_mem>>
      %dma_start3A_88 = arith.constant 0 : i32
      %dma_start3A_89 = tpu.memref_slice %arg7[%arg0, %mul3A_83, %dma_start3A_88] : memref<2x10240x128xf32, #tpu.memory_space<hbm>> -> memref<1x640x128xf32, #tpu.memory_space<hbm>>
      %dma_start3A_90 = tpu.memref_squeeze %dma_start3A_89 : memref<1x640x128xf32, #tpu.memory_space<hbm>> -> memref<640x128xf32, #tpu.memory_space<hbm>>
      %dma_start3A_91 = arith.constant 0 : i32
      %dma_start3A_92 = tpu.memref_slice %arg21[%mul3A_81, %dma_start3A_91] : memref<10240x128xf32, #tpu.memory_space<vmem_shared>> -> memref<640x128xf32, #tpu.memory_space<vmem_shared>>
      tpu.enqueue_dma source(%dma_start3A_92 : memref<640x128xf32, #tpu.memory_space<vmem_shared>>) target(%dma_start3A_90 : memref<640x128xf32, #tpu.memory_space<hbm>>) target_semaphore(%run_scoped3A : memref<!tpu.dma_semaphore, #tpu.memory_space<semaphore_mem>>)
      %dma_wait3A_93 = arith.constant 0 : i32
      %dma_wait3A_94 = tpu.memref_slice %arg7[%arg0, %mul3A_83, %dma_wait3A_93] : memref<2x10240x128xf32, #tpu.memory_space<hbm>> -> memref<1x640x128xf32, #tpu.memory_space<hbm>>
      %dma_wait3A_95 = tpu.memref_squeeze %dma_wait3A_94 : memref<1x640x128xf32, #tpu.memory_space<hbm>> -> memref<640x128xf32, #tpu.memory_space<hbm>>
      %dma_wait3A_96 = arith.constant 0 : i32
      %dma_wait3A_97 = tpu.memref_slice %arg21[%mul3A_81, %dma_wait3A_96] : memref<10240x128xf32, #tpu.memory_space<vmem_shared>> -> memref<640x128xf32, #tpu.memory_space<vmem_shared>>
      tpu.wait_dma2 semaphore(%run_scoped3A : memref<!tpu.dma_semaphore, #tpu.memory_space<semaphore_mem>>) src(%dma_wait3A_97 : memref<640x128xf32, #tpu.memory_space<vmem_shared>>) dst(%dma_wait3A_95 : memref<640x128xf32, #tpu.memory_space<hbm>>)
      tpu.yield
    }) : () -> ()
    %mul3A_84 = arith.constant 640 : i32
    %mul3A_85 = arith.muli %arg1, %mul3A_84 : i32
    %mul3A_86 = arith.constant 640 : i32
    %mul3A_87 = arith.muli %arg1, %mul3A_86 : i32
    "tpu.region"() ({
      %run_scoped3A = tpu.sem_alloc : memref<!tpu.dma_semaphore, #tpu.memory_space<semaphore_mem>>
      %dma_start3A_88 = tpu.memref_slice %arg8[%arg0, %mul3A_87] : memref<2x10240xf32, #tpu.memory_space<hbm>> -> memref<1x640xf32, #tpu.memory_space<hbm>>
      %dma_start3A_89 = tpu.memref_squeeze %dma_start3A_88 : memref<1x640xf32, #tpu.memory_space<hbm>> -> memref<640xf32, #tpu.memory_space<hbm>>
      %dma_start3A_90 = tpu.memref_slice %arg22[%mul3A_85] : memref<10240xf32, #tpu.memory_space<vmem_shared>> -> memref<640xf32, #tpu.memory_space<vmem_shared>>
      tpu.enqueue_dma source(%dma_start3A_90 : memref<640xf32, #tpu.memory_space<vmem_shared>>) target(%dma_start3A_89 : memref<640xf32, #tpu.memory_space<hbm>>) target_semaphore(%run_scoped3A : memref<!tpu.dma_semaphore, #tpu.memory_space<semaphore_mem>>)
      %dma_wait3A_91 = tpu.memref_slice %arg8[%arg0, %mul3A_87] : memref<2x10240xf32, #tpu.memory_space<hbm>> -> memref<1x640xf32, #tpu.memory_space<hbm>>
      %dma_wait3A_92 = tpu.memref_squeeze %dma_wait3A_91 : memref<1x640xf32, #tpu.memory_space<hbm>> -> memref<640xf32, #tpu.memory_space<hbm>>
      %dma_wait3A_93 = tpu.memref_slice %arg22[%mul3A_85] : memref<10240xf32, #tpu.memory_space<vmem_shared>> -> memref<640xf32, #tpu.memory_space<vmem_shared>>
      tpu.wait_dma2 semaphore(%run_scoped3A : memref<!tpu.dma_semaphore, #tpu.memory_space<semaphore_mem>>) src(%dma_wait3A_93 : memref<640xf32, #tpu.memory_space<vmem_shared>>) dst(%dma_wait3A_92 : memref<640xf32, #tpu.memory_space<hbm>>)
      tpu.yield
    }) : () -> ()
    return
  }
}

module attributes {stable_mosaic.version = 14 : i64} {
  func.func @body(%arg0: memref<10000x128xf32, #tpu.memory_space<vmem>>, %arg1: memref<128x128xf32, #tpu.memory_space<vmem>>, %arg2: memref<1x128xf32, #tpu.memory_space<vmem>>, %arg3: memref<128x128xf32, #tpu.memory_space<vmem>>, %arg4: memref<1x128xf32, #tpu.memory_space<vmem>>, %arg5: memref<128x1xf32, #tpu.memory_space<vmem>>, %arg6: memref<128x1xf32, #tpu.memory_space<vmem>>, %arg7: memref<1x1xf32, #tpu.memory_space<vmem>>, %arg8: memref<128x128xf32, #tpu.memory_space<vmem>>, %arg9: memref<128x1xf32, #tpu.memory_space<vmem>>, %arg10: memref<128x1xf32, #tpu.memory_space<vmem>>, %arg11: memref<10000x128xf32, #tpu.memory_space<vmem>>, %arg12: memref<10000x128xf32, #tpu.memory_space<vmem>>, %arg13: memref<10000x1xf32, #tpu.memory_space<vmem>>, %arg14: memref<10000x1xf32, #tpu.memory_space<vmem>>) attributes {dimension_semantics = [], scalar_prefetch = 0 : i64, scratch_operands = 0 : i64, tpu.core_type = #tpu.core_type<tc>} {
    %get3A = arith.constant 0 : index
    %get3A_0 = arith.constant 0 : index
    %get3A_1 = vector.load %arg0[%get3A, %get3A_0] : memref<10000x128xf32, #tpu.memory_space<vmem>>, vector<10000x128xf32>
    %get3A_2 = arith.constant 0 : index
    %get3A_3 = arith.constant 0 : index
    %get3A_4 = vector.load %arg1[%get3A_2, %get3A_3] : memref<128x128xf32, #tpu.memory_space<vmem>>, vector<128x128xf32>
    %dot_general3A = arith.constant dense<0.000000e+00> : vector<10000x128xf32>
    %dot_general3A_5 = tpu.matmul %get3A_1, %get3A_4, %dot_general3A {dimension_numbers = #tpu.dot_dimension_numbers<[1], [0], [0], [1], [0, 0, 1, 1], [], []>, transpose_lhs_hint = false} : vector<10000x128xf32>, vector<128x128xf32>, vector<10000x128xf32> -> vector<10000x128xf32>
    %get3A_6 = arith.constant 0 : index
    %get3A_7 = arith.constant 0 : index
    %get3A_8 = vector.load %arg2[%get3A_6, %get3A_7] : memref<1x128xf32, #tpu.memory_space<vmem>>, vector<1x128xf32>
    %add3A = vector.broadcast %get3A_8 : vector<1x128xf32> to vector<10000x128xf32>
    %add3A_9 = arith.addf %dot_general3A_5, %add3A : vector<10000x128xf32>
    %max3A = arith.constant 0.000000e+00 : f32
    %max3A_10 = vector.broadcast %max3A : f32 to vector<10000x128xf32>
    %max3A_11 = arith.maximumf %add3A_9, %max3A_10 : vector<10000x128xf32>
    %get3A_12 = arith.constant 0 : index
    %get3A_13 = arith.constant 0 : index
    %get3A_14 = vector.load %arg3[%get3A_12, %get3A_13] : memref<128x128xf32, #tpu.memory_space<vmem>>, vector<128x128xf32>
    %dot_general3A_15 = arith.constant dense<0.000000e+00> : vector<10000x128xf32>
    %dot_general3A_16 = tpu.matmul %get3A_1, %get3A_14, %dot_general3A_15 {dimension_numbers = #tpu.dot_dimension_numbers<[1], [0], [0], [1], [0, 0, 1, 1], [], []>, transpose_lhs_hint = false} : vector<10000x128xf32>, vector<128x128xf32>, vector<10000x128xf32> -> vector<10000x128xf32>
    %get3A_17 = arith.constant 0 : index
    %get3A_18 = arith.constant 0 : index
    %get3A_19 = vector.load %arg4[%get3A_17, %get3A_18] : memref<1x128xf32, #tpu.memory_space<vmem>>, vector<1x128xf32>
    %add3A_20 = vector.broadcast %get3A_19 : vector<1x128xf32> to vector<10000x128xf32>
    %add3A_21 = arith.addf %dot_general3A_16, %add3A_20 : vector<10000x128xf32>
    %max3A_22 = arith.constant 0.000000e+00 : f32
    %max3A_23 = vector.broadcast %max3A_22 : f32 to vector<10000x128xf32>
    %max3A_24 = arith.maximumf %add3A_21, %max3A_23 : vector<10000x128xf32>
    %get3A_25 = arith.constant 0 : index
    %get3A_26 = arith.constant 0 : index
    %get3A_27 = vector.load %arg5[%get3A_25, %get3A_26] : memref<128x1xf32, #tpu.memory_space<vmem>>, vector<128x1xf32>
    %dot_general3A_28 = arith.constant dense<0.000000e+00> : vector<10000x1xf32>
    %dot_general3A_29 = tpu.matmul %max3A_11, %get3A_27, %dot_general3A_28 {dimension_numbers = #tpu.dot_dimension_numbers<[1], [0], [0], [1], [0, 0, 1, 1], [], []>, transpose_lhs_hint = false} : vector<10000x128xf32>, vector<128x1xf32>, vector<10000x1xf32> -> vector<10000x1xf32>
    %get3A_30 = arith.constant 0 : index
    %get3A_31 = arith.constant 0 : index
    %get3A_32 = vector.load %arg6[%get3A_30, %get3A_31] : memref<128x1xf32, #tpu.memory_space<vmem>>, vector<128x1xf32>
    %dot_general3A_33 = arith.constant dense<0.000000e+00> : vector<10000x1xf32>
    %dot_general3A_34 = tpu.matmul %max3A_24, %get3A_32, %dot_general3A_33 {dimension_numbers = #tpu.dot_dimension_numbers<[1], [0], [0], [1], [0, 0, 1, 1], [], []>, transpose_lhs_hint = false} : vector<10000x128xf32>, vector<128x1xf32>, vector<10000x1xf32> -> vector<10000x1xf32>
    %add3A_35 = arith.addf %dot_general3A_29, %dot_general3A_34 : vector<10000x1xf32>
    %get3A_36 = arith.constant 0 : index
    %get3A_37 = arith.constant 0 : index
    %get3A_38 = vector.load %arg7[%get3A_36, %get3A_37] : memref<1x1xf32, #tpu.memory_space<vmem>>, vector<1x1xf32>
    %add3A_39 = vector.broadcast %get3A_38 : vector<1x1xf32> to vector<10000x1xf32>
    %add3A_40 = arith.addf %add3A_35, %add3A_39 : vector<10000x1xf32>
    %neg3A = arith.constant 0.000000e+00 : f32
    %neg3A_41 = vector.broadcast %neg3A : f32 to vector<10000x1xf32>
    %neg3A_42 = arith.subf %neg3A_41, %add3A_40 : vector<10000x1xf32>
    %exp3A = math.exp %neg3A_42 : vector<10000x1xf32>
    %add3A_43 = arith.constant 1.000000e+00 : f32
    %add3A_44 = vector.broadcast %add3A_43 : f32 to vector<10000x1xf32>
    %add3A_45 = arith.addf %add3A_44, %exp3A : vector<10000x1xf32>
    %div3A = arith.constant 1.000000e+00 : f32
    %div3A_46 = vector.broadcast %div3A : f32 to vector<10000x1xf32>
    %div3A_47 = arith.divf %div3A_46, %add3A_45 : vector<10000x1xf32>
    %mul3A = vector.broadcast %div3A_47 : vector<10000x1xf32> to vector<10000x128xf32>
    %mul3A_48 = arith.mulf %mul3A, %max3A_11 : vector<10000x128xf32>
    %sub3A = arith.constant 1.000000e+00 : f32
    %sub3A_49 = vector.broadcast %sub3A : f32 to vector<10000x1xf32>
    %sub3A_50 = arith.subf %sub3A_49, %div3A_47 : vector<10000x1xf32>
    %mul3A_51 = vector.broadcast %sub3A_50 : vector<10000x1xf32> to vector<10000x128xf32>
    %mul3A_52 = arith.mulf %mul3A_51, %max3A_24 : vector<10000x128xf32>
    %add3A_53 = arith.addf %mul3A_48, %mul3A_52 : vector<10000x128xf32>
    %get3A_54 = arith.constant 0 : index
    %get3A_55 = arith.constant 0 : index
    %get3A_56 = vector.load %arg8[%get3A_54, %get3A_55] : memref<128x128xf32, #tpu.memory_space<vmem>>, vector<128x128xf32>
    %dot_general3A_57 = arith.constant dense<0.000000e+00> : vector<10000x128xf32>
    %dot_general3A_58 = tpu.matmul %add3A_53, %get3A_56, %dot_general3A_57 {dimension_numbers = #tpu.dot_dimension_numbers<[1], [0], [0], [1], [0, 0, 1, 1], [], []>, transpose_lhs_hint = false} : vector<10000x128xf32>, vector<128x128xf32>, vector<10000x128xf32> -> vector<10000x128xf32>
    %swap3A = arith.constant 0 : index
    %swap3A_59 = arith.constant 0 : index
    %swap3A_60 = vector.load %arg11[%swap3A, %swap3A_59] : memref<10000x128xf32, #tpu.memory_space<vmem>>, vector<10000x128xf32>
    tpu.vector_store %arg11[%swap3A, %swap3A_59], %add3A_53 {strides = array<i32>} : memref<10000x128xf32, #tpu.memory_space<vmem>>, vector<10000x128xf32>,
    %swap3A_61 = arith.constant 0 : index
    %swap3A_62 = arith.constant 0 : index
    %swap3A_63 = vector.load %arg12[%swap3A_61, %swap3A_62] : memref<10000x128xf32, #tpu.memory_space<vmem>>, vector<10000x128xf32>
    tpu.vector_store %arg12[%swap3A_61, %swap3A_62], %dot_general3A_58 {strides = array<i32>} : memref<10000x128xf32, #tpu.memory_space<vmem>>, vector<10000x128xf32>,
    %get3A_64 = arith.constant 0 : index
    %get3A_65 = arith.constant 0 : index
    %get3A_66 = vector.load %arg9[%get3A_64, %get3A_65] : memref<128x1xf32, #tpu.memory_space<vmem>>, vector<128x1xf32>
    %dot_general3A_67 = arith.constant dense<0.000000e+00> : vector<10000x1xf32>
    %dot_general3A_68 = tpu.matmul %dot_general3A_58, %get3A_66, %dot_general3A_67 {dimension_numbers = #tpu.dot_dimension_numbers<[1], [0], [0], [1], [0, 0, 1, 1], [], []>, transpose_lhs_hint = false} : vector<10000x128xf32>, vector<128x1xf32>, vector<10000x1xf32> -> vector<10000x1xf32>
    %swap3A_69 = arith.constant 0 : index
    %swap3A_70 = arith.constant 0 : index
    %swap3A_71 = vector.load %arg13[%swap3A_69, %swap3A_70] : memref<10000x1xf32, #tpu.memory_space<vmem>>, vector<10000x1xf32>
    tpu.vector_store %arg13[%swap3A_69, %swap3A_70], %dot_general3A_68 {strides = array<i32>} : memref<10000x1xf32, #tpu.memory_space<vmem>>, vector<10000x1xf32>,
    %get3A_72 = arith.constant 0 : index
    %get3A_73 = arith.constant 0 : index
    %get3A_74 = vector.load %arg10[%get3A_72, %get3A_73] : memref<128x1xf32, #tpu.memory_space<vmem>>, vector<128x1xf32>
    %dot_general3A_75 = arith.constant dense<0.000000e+00> : vector<10000x1xf32>
    %dot_general3A_76 = tpu.matmul %dot_general3A_58, %get3A_74, %dot_general3A_75 {dimension_numbers = #tpu.dot_dimension_numbers<[1], [0], [0], [1], [0, 0, 1, 1], [], []>, transpose_lhs_hint = false} : vector<10000x128xf32>, vector<128x1xf32>, vector<10000x1xf32> -> vector<10000x1xf32>
    %swap3A_77 = arith.constant 0 : index
    %swap3A_78 = arith.constant 0 : index
    %swap3A_79 = vector.load %arg14[%swap3A_77, %swap3A_78] : memref<10000x1xf32, #tpu.memory_space<vmem>>, vector<10000x1xf32>
    tpu.vector_store %arg14[%swap3A_77, %swap3A_78], %dot_general3A_76 {strides = array<i32>} : memref<10000x1xf32, #tpu.memory_space<vmem>>, vector<10000x1xf32>,
    return
  }
}

module attributes {stable_mosaic.version = 14 : i64} {
  func.func @body(%arg0: memref<2x10240x128xf32, #tpu.memory_space<vmem>>, %arg1: memref<2x10240x1xf32, #tpu.memory_space<vmem>>, %arg2: memref<10000x128xf32, #tpu.memory_space<vmem>>, %arg3: memref<1x128xf32, #tpu.memory_space<vmem>>, %arg4: memref<1x128xf32, #tpu.memory_space<vmem>>, %arg5: memref<1x128xf32, #tpu.memory_space<vmem>>, %arg6: memref<128x128xf32, #tpu.memory_space<vmem>>, %arg7: memref<1x128xf32, #tpu.memory_space<vmem>>, %arg8: memref<128x64xf32, #tpu.memory_space<vmem>>, %arg9: memref<1x64xf32, #tpu.memory_space<vmem>>, %arg10: memref<10000x64xf32, #tpu.memory_space<vmem>>) attributes {dimension_semantics = [], scalar_prefetch = 0 : i64, scratch_operands = 0 : i64, tpu.core_type = #tpu.core_type<tc>} {
    %get3A = arith.constant 0 : index
    %get3A_0 = arith.constant 0 : index
    %get3A_1 = arith.constant 0 : index
    %get3A_2 = vector.load %arg0[%get3A, %get3A_0, %get3A_1] : memref<2x10240x128xf32, #tpu.memory_space<vmem>>, vector<1x10000x128xf32>
    %get3A_3 = vector.shape_cast %get3A_2 : vector<1x10000x128xf32> to vector<10000x128xf32>
    %get3A_4 = arith.constant 1 : index
    %get3A_5 = arith.constant 0 : index
    %get3A_6 = arith.constant 0 : index
    %get3A_7 = vector.load %arg0[%get3A_4, %get3A_5, %get3A_6] : memref<2x10240x128xf32, #tpu.memory_space<vmem>>, vector<1x10000x128xf32>
    %get3A_8 = vector.shape_cast %get3A_7 : vector<1x10000x128xf32> to vector<10000x128xf32>
    %add3A = arith.addf %get3A_3, %get3A_8 : vector<10000x128xf32>
    %get3A_9 = arith.constant 0 : index
    %get3A_10 = arith.constant 0 : index
    %get3A_11 = arith.constant 0 : index
    %get3A_12 = vector.load %arg1[%get3A_9, %get3A_10, %get3A_11] : memref<2x10240x1xf32, #tpu.memory_space<vmem>>, vector<1x10000x1xf32>
    %get3A_13 = vector.shape_cast %get3A_12 : vector<1x10000x1xf32> to vector<10000x1xf32>
    %get3A_14 = arith.constant 1 : index
    %get3A_15 = arith.constant 0 : index
    %get3A_16 = arith.constant 0 : index
    %get3A_17 = vector.load %arg1[%get3A_14, %get3A_15, %get3A_16] : memref<2x10240x1xf32, #tpu.memory_space<vmem>>, vector<1x10000x1xf32>
    %get3A_18 = vector.shape_cast %get3A_17 : vector<1x10000x1xf32> to vector<10000x1xf32>
    %add3A_19 = arith.addf %get3A_13, %get3A_18 : vector<10000x1xf32>
    %add3A_20 = arith.constant 1.000000e-16 : f32
    %add3A_21 = vector.broadcast %add3A_20 : f32 to vector<10000x1xf32>
    %add3A_22 = arith.addf %add3A_19, %add3A_21 : vector<10000x1xf32>
    %div3A = vector.broadcast %add3A_22 : vector<10000x1xf32> to vector<10000x128xf32>
    %div3A_23 = arith.divf %add3A, %div3A : vector<10000x128xf32>
    %get3A_24 = arith.constant 0 : index
    %get3A_25 = arith.constant 0 : index
    %get3A_26 = vector.load %arg3[%get3A_24, %get3A_25] : memref<1x128xf32, #tpu.memory_space<vmem>>, vector<1x128xf32>
    %add3A_27 = vector.broadcast %get3A_26 : vector<1x128xf32> to vector<10000x128xf32>
    %add3A_28 = arith.addf %div3A_23, %add3A_27 : vector<10000x128xf32>
    %reduce_sum3A = arith.constant dense<0.000000e+00> : vector<128xf32>
    %reduce_sum3A_29 = vector.multi_reduction <add>, %add3A_28, %reduce_sum3A [0] : vector<10000x128xf32> to vector<128xf32>
    %broadcast_in_dim3A = vector.shape_cast %reduce_sum3A_29 : vector<128xf32> to vector<1x128xf32>
    %div3A_30 = arith.constant 1.000000e+04 : f32
    %div3A_31 = vector.broadcast %div3A_30 : f32 to vector<1x128xf32>
    %div3A_32 = arith.divf %broadcast_in_dim3A, %div3A_31 : vector<1x128xf32>
    %sub3A = vector.broadcast %div3A_32 : vector<1x128xf32> to vector<10000x128xf32>
    %sub3A_33 = arith.subf %add3A_28, %sub3A : vector<10000x128xf32>
    %integer_pow3A = arith.mulf %sub3A_33, %sub3A_33 : vector<10000x128xf32>
    %reduce_sum3A_34 = arith.constant dense<0.000000e+00> : vector<128xf32>
    %reduce_sum3A_35 = vector.multi_reduction <add>, %integer_pow3A, %reduce_sum3A_34 [0] : vector<10000x128xf32> to vector<128xf32>
    %broadcast_in_dim3A_36 = vector.shape_cast %reduce_sum3A_35 : vector<128xf32> to vector<1x128xf32>
    %div3A_37 = arith.constant 1.000000e+04 : f32
    %div3A_38 = vector.broadcast %div3A_37 : f32 to vector<1x128xf32>
    %div3A_39 = arith.divf %broadcast_in_dim3A_36, %div3A_38 : vector<1x128xf32>
    %get3A_40 = arith.constant 0 : index
    %get3A_41 = arith.constant 0 : index
    %get3A_42 = vector.load %arg4[%get3A_40, %get3A_41] : memref<1x128xf32, #tpu.memory_space<vmem>>, vector<1x128xf32>
    %sub3A_43 = vector.broadcast %div3A_32 : vector<1x128xf32> to vector<10000x128xf32>
    %sub3A_44 = arith.subf %add3A_28, %sub3A_43 : vector<10000x128xf32>
    %mul3A = vector.broadcast %get3A_42 : vector<1x128xf32> to vector<10000x128xf32>
    %mul3A_45 = arith.mulf %mul3A, %sub3A_44 : vector<10000x128xf32>
    %add3A_46 = arith.constant 9.99999974E-6 : f32
    %add3A_47 = vector.broadcast %add3A_46 : f32 to vector<1x128xf32>
    %add3A_48 = arith.addf %div3A_39, %add3A_47 : vector<1x128xf32>
    %rsqrt3A = math.rsqrt %add3A_48 : vector<1x128xf32>
    %mul3A_49 = vector.broadcast %rsqrt3A : vector<1x128xf32> to vector<10000x128xf32>
    %mul3A_50 = arith.mulf %mul3A_45, %mul3A_49 : vector<10000x128xf32>
    %get3A_51 = arith.constant 0 : index
    %get3A_52 = arith.constant 0 : index
    %get3A_53 = vector.load %arg5[%get3A_51, %get3A_52] : memref<1x128xf32, #tpu.memory_space<vmem>>, vector<1x128xf32>
    %add3A_54 = vector.broadcast %get3A_53 : vector<1x128xf32> to vector<10000x128xf32>
    %add3A_55 = arith.addf %mul3A_50, %add3A_54 : vector<10000x128xf32>
    %max3A = arith.constant 0.000000e+00 : f32
    %max3A_56 = vector.broadcast %max3A : f32 to vector<10000x128xf32>
    %max3A_57 = arith.maximumf %add3A_55, %max3A_56 : vector<10000x128xf32>
    %get3A_58 = arith.constant 0 : index
    %get3A_59 = arith.constant 0 : index
    %get3A_60 = vector.load %arg2[%get3A_58, %get3A_59] : memref<10000x128xf32, #tpu.memory_space<vmem>>, vector<10000x128xf32>
    %add3A_61 = arith.addf %max3A_57, %get3A_60 : vector<10000x128xf32>
    %get3A_62 = arith.constant 0 : index
    %get3A_63 = arith.constant 0 : index
    %get3A_64 = vector.load %arg6[%get3A_62, %get3A_63] : memref<128x128xf32, #tpu.memory_space<vmem>>, vector<128x128xf32>
    %dot_general3A = arith.constant dense<0.000000e+00> : vector<10000x128xf32>
    %dot_general3A_65 = tpu.matmul %add3A_61, %get3A_64, %dot_general3A {dimension_numbers = #tpu.dot_dimension_numbers<[1], [0], [0], [1], [0, 0, 1, 1], [], []>, transpose_lhs_hint = false} : vector<10000x128xf32>, vector<128x128xf32>, vector<10000x128xf32> -> vector<10000x128xf32>
    %get3A_66 = arith.constant 0 : index
    %get3A_67 = arith.constant 0 : index
    %get3A_68 = vector.load %arg7[%get3A_66, %get3A_67] : memref<1x128xf32, #tpu.memory_space<vmem>>, vector<1x128xf32>
    %add3A_69 = vector.broadcast %get3A_68 : vector<1x128xf32> to vector<10000x128xf32>
    %add3A_70 = arith.addf %dot_general3A_65, %add3A_69 : vector<10000x128xf32>
    %max3A_71 = arith.constant 0.000000e+00 : f32
    %max3A_72 = vector.broadcast %max3A_71 : f32 to vector<10000x128xf32>
    %max3A_73 = arith.maximumf %add3A_70, %max3A_72 : vector<10000x128xf32>
    %get3A_74 = arith.constant 0 : index
    %get3A_75 = arith.constant 0 : index
    %get3A_76 = vector.load %arg8[%get3A_74, %get3A_75] : memref<128x64xf32, #tpu.memory_space<vmem>>, vector<128x64xf32>
    %dot_general3A_77 = arith.constant dense<0.000000e+00> : vector<10000x64xf32>
    %dot_general3A_78 = tpu.matmul %max3A_73, %get3A_76, %dot_general3A_77 {dimension_numbers = #tpu.dot_dimension_numbers<[1], [0], [0], [1], [0, 0, 1, 1], [], []>, transpose_lhs_hint = false} : vector<10000x128xf32>, vector<128x64xf32>, vector<10000x64xf32> -> vector<10000x64xf32>
    %get3A_79 = arith.constant 0 : index
    %get3A_80 = arith.constant 0 : index
    %get3A_81 = vector.load %arg9[%get3A_79, %get3A_80] : memref<1x64xf32, #tpu.memory_space<vmem>>, vector<1x64xf32>
    %add3A_82 = vector.broadcast %get3A_81 : vector<1x64xf32> to vector<10000x64xf32>
    %add3A_83 = arith.addf %dot_general3A_78, %add3A_82 : vector<10000x64xf32>
    %swap3A = arith.constant 0 : index
    %swap3A_84 = arith.constant 0 : index
    %swap3A_85 = vector.load %arg10[%swap3A, %swap3A_84] : memref<10000x64xf32, #tpu.memory_space<vmem>>, vector<10000x64xf32>
    tpu.vector_store %arg10[%swap3A, %swap3A_84], %add3A_83 {strides = array<i32>} : memref<10000x64xf32, #tpu.memory_space<vmem>>, vector<10000x64xf32>,
    return
  }
}

module attributes {stable_mosaic.version = 14 : i64} {
  func.func @body(%arg0: memref<2x10240x128xf32, #tpu.memory_space<vmem>>, %arg1: memref<2x10240x1xf32, #tpu.memory_space<vmem>>, %arg2: memref<10000x128xf32, #tpu.memory_space<vmem>>, %arg3: memref<1x128xf32, #tpu.memory_space<vmem>>, %arg4: memref<1x128xf32, #tpu.memory_space<vmem>>, %arg5: memref<1x128xf32, #tpu.memory_space<vmem>>, %arg6: memref<128x128xf32, #tpu.memory_space<vmem>>, %arg7: memref<128x1xf32, #tpu.memory_space<vmem>>, %arg8: memref<128x1xf32, #tpu.memory_space<vmem>>, %arg9: memref<10000x128xf32, #tpu.memory_space<vmem>>, %arg10: memref<10000x128xf32, #tpu.memory_space<vmem>>, %arg11: memref<10000x1xf32, #tpu.memory_space<vmem>>, %arg12: memref<10000x1xf32, #tpu.memory_space<vmem>>) attributes {dimension_semantics = [], scalar_prefetch = 0 : i64, scratch_operands = 0 : i64, tpu.core_type = #tpu.core_type<tc>} {
    %get3A = arith.constant 0 : index
    %get3A_0 = arith.constant 0 : index
    %get3A_1 = arith.constant 0 : index
    %get3A_2 = vector.load %arg0[%get3A, %get3A_0, %get3A_1] : memref<2x10240x128xf32, #tpu.memory_space<vmem>>, vector<1x10000x128xf32>
    %get3A_3 = vector.shape_cast %get3A_2 : vector<1x10000x128xf32> to vector<10000x128xf32>
    %get3A_4 = arith.constant 1 : index
    %get3A_5 = arith.constant 0 : index
    %get3A_6 = arith.constant 0 : index
    %get3A_7 = vector.load %arg0[%get3A_4, %get3A_5, %get3A_6] : memref<2x10240x128xf32, #tpu.memory_space<vmem>>, vector<1x10000x128xf32>
    %get3A_8 = vector.shape_cast %get3A_7 : vector<1x10000x128xf32> to vector<10000x128xf32>
    %add3A = arith.addf %get3A_3, %get3A_8 : vector<10000x128xf32>
    %get3A_9 = arith.constant 0 : index
    %get3A_10 = arith.constant 0 : index
    %get3A_11 = arith.constant 0 : index
    %get3A_12 = vector.load %arg1[%get3A_9, %get3A_10, %get3A_11] : memref<2x10240x1xf32, #tpu.memory_space<vmem>>, vector<1x10000x1xf32>
    %get3A_13 = vector.shape_cast %get3A_12 : vector<1x10000x1xf32> to vector<10000x1xf32>
    %get3A_14 = arith.constant 1 : index
    %get3A_15 = arith.constant 0 : index
    %get3A_16 = arith.constant 0 : index
    %get3A_17 = vector.load %arg1[%get3A_14, %get3A_15, %get3A_16] : memref<2x10240x1xf32, #tpu.memory_space<vmem>>, vector<1x10000x1xf32>
    %get3A_18 = vector.shape_cast %get3A_17 : vector<1x10000x1xf32> to vector<10000x1xf32>
    %add3A_19 = arith.addf %get3A_13, %get3A_18 : vector<10000x1xf32>
    %add3A_20 = arith.constant 1.000000e-16 : f32
    %add3A_21 = vector.broadcast %add3A_20 : f32 to vector<10000x1xf32>
    %add3A_22 = arith.addf %add3A_19, %add3A_21 : vector<10000x1xf32>
    %div3A = vector.broadcast %add3A_22 : vector<10000x1xf32> to vector<10000x128xf32>
    %div3A_23 = arith.divf %add3A, %div3A : vector<10000x128xf32>
    %get3A_24 = arith.constant 0 : index
    %get3A_25 = arith.constant 0 : index
    %get3A_26 = vector.load %arg3[%get3A_24, %get3A_25] : memref<1x128xf32, #tpu.memory_space<vmem>>, vector<1x128xf32>
    %add3A_27 = vector.broadcast %get3A_26 : vector<1x128xf32> to vector<10000x128xf32>
    %add3A_28 = arith.addf %div3A_23, %add3A_27 : vector<10000x128xf32>
    %reduce_sum3A = arith.constant dense<0.000000e+00> : vector<128xf32>
    %reduce_sum3A_29 = vector.multi_reduction <add>, %add3A_28, %reduce_sum3A [0] : vector<10000x128xf32> to vector<128xf32>
    %broadcast_in_dim3A = vector.shape_cast %reduce_sum3A_29 : vector<128xf32> to vector<1x128xf32>
    %div3A_30 = arith.constant 1.000000e+04 : f32
    %div3A_31 = vector.broadcast %div3A_30 : f32 to vector<1x128xf32>
    %div3A_32 = arith.divf %broadcast_in_dim3A, %div3A_31 : vector<1x128xf32>
    %sub3A = vector.broadcast %div3A_32 : vector<1x128xf32> to vector<10000x128xf32>
    %sub3A_33 = arith.subf %add3A_28, %sub3A : vector<10000x128xf32>
    %integer_pow3A = arith.mulf %sub3A_33, %sub3A_33 : vector<10000x128xf32>
    %reduce_sum3A_34 = arith.constant dense<0.000000e+00> : vector<128xf32>
    %reduce_sum3A_35 = vector.multi_reduction <add>, %integer_pow3A, %reduce_sum3A_34 [0] : vector<10000x128xf32> to vector<128xf32>
    %broadcast_in_dim3A_36 = vector.shape_cast %reduce_sum3A_35 : vector<128xf32> to vector<1x128xf32>
    %div3A_37 = arith.constant 1.000000e+04 : f32
    %div3A_38 = vector.broadcast %div3A_37 : f32 to vector<1x128xf32>
    %div3A_39 = arith.divf %broadcast_in_dim3A_36, %div3A_38 : vector<1x128xf32>
    %get3A_40 = arith.constant 0 : index
    %get3A_41 = arith.constant 0 : index
    %get3A_42 = vector.load %arg4[%get3A_40, %get3A_41] : memref<1x128xf32, #tpu.memory_space<vmem>>, vector<1x128xf32>
    %sub3A_43 = vector.broadcast %div3A_32 : vector<1x128xf32> to vector<10000x128xf32>
    %sub3A_44 = arith.subf %add3A_28, %sub3A_43 : vector<10000x128xf32>
    %mul3A = vector.broadcast %get3A_42 : vector<1x128xf32> to vector<10000x128xf32>
    %mul3A_45 = arith.mulf %mul3A, %sub3A_44 : vector<10000x128xf32>
    %add3A_46 = arith.constant 9.99999974E-6 : f32
    %add3A_47 = vector.broadcast %add3A_46 : f32 to vector<1x128xf32>
    %add3A_48 = arith.addf %div3A_39, %add3A_47 : vector<1x128xf32>
    %rsqrt3A = math.rsqrt %add3A_48 : vector<1x128xf32>
    %mul3A_49 = vector.broadcast %rsqrt3A : vector<1x128xf32> to vector<10000x128xf32>
    %mul3A_50 = arith.mulf %mul3A_45, %mul3A_49 : vector<10000x128xf32>
    %get3A_51 = arith.constant 0 : index
    %get3A_52 = arith.constant 0 : index
    %get3A_53 = vector.load %arg5[%get3A_51, %get3A_52] : memref<1x128xf32, #tpu.memory_space<vmem>>, vector<1x128xf32>
    %add3A_54 = vector.broadcast %get3A_53 : vector<1x128xf32> to vector<10000x128xf32>
    %add3A_55 = arith.addf %mul3A_50, %add3A_54 : vector<10000x128xf32>
    %max3A = arith.constant 0.000000e+00 : f32
    %max3A_56 = vector.broadcast %max3A : f32 to vector<10000x128xf32>
    %max3A_57 = arith.maximumf %add3A_55, %max3A_56 : vector<10000x128xf32>
    %get3A_58 = arith.constant 0 : index
    %get3A_59 = arith.constant 0 : index
    %get3A_60 = vector.load %arg2[%get3A_58, %get3A_59] : memref<10000x128xf32, #tpu.memory_space<vmem>>, vector<10000x128xf32>
    %add3A_61 = arith.addf %max3A_57, %get3A_60 : vector<10000x128xf32>
    %get3A_62 = arith.constant 0 : index
    %get3A_63 = arith.constant 0 : index
    %get3A_64 = vector.load %arg6[%get3A_62, %get3A_63] : memref<128x128xf32, #tpu.memory_space<vmem>>, vector<128x128xf32>
    %dot_general3A = arith.constant dense<0.000000e+00> : vector<10000x128xf32>
    %dot_general3A_65 = tpu.matmul %add3A_61, %get3A_64, %dot_general3A {dimension_numbers = #tpu.dot_dimension_numbers<[1], [0], [0], [1], [0, 0, 1, 1], [], []>, transpose_lhs_hint = false} : vector<10000x128xf32>, vector<128x128xf32>, vector<10000x128xf32> -> vector<10000x128xf32>
    %swap3A = arith.constant 0 : index
    %swap3A_66 = arith.constant 0 : index
    %swap3A_67 = vector.load %arg9[%swap3A, %swap3A_66] : memref<10000x128xf32, #tpu.memory_space<vmem>>, vector<10000x128xf32>
    tpu.vector_store %arg9[%swap3A, %swap3A_66], %add3A_61 {strides = array<i32>} : memref<10000x128xf32, #tpu.memory_space<vmem>>, vector<10000x128xf32>,
    %swap3A_68 = arith.constant 0 : index
    %swap3A_69 = arith.constant 0 : index
    %swap3A_70 = vector.load %arg10[%swap3A_68, %swap3A_69] : memref<10000x128xf32, #tpu.memory_space<vmem>>, vector<10000x128xf32>
    tpu.vector_store %arg10[%swap3A_68, %swap3A_69], %dot_general3A_65 {strides = array<i32>} : memref<10000x128xf32, #tpu.memory_space<vmem>>, vector<10000x128xf32>,
    %get3A_71 = arith.constant 0 : index
    %get3A_72 = arith.constant 0 : index
    %get3A_73 = vector.load %arg7[%get3A_71, %get3A_72] : memref<128x1xf32, #tpu.memory_space<vmem>>, vector<128x1xf32>
    %dot_general3A_74 = arith.constant dense<0.000000e+00> : vector<10000x1xf32>
    %dot_general3A_75 = tpu.matmul %dot_general3A_65, %get3A_73, %dot_general3A_74 {dimension_numbers = #tpu.dot_dimension_numbers<[1], [0], [0], [1], [0, 0, 1, 1], [], []>, transpose_lhs_hint = false} : vector<10000x128xf32>, vector<128x1xf32>, vector<10000x1xf32> -> vector<10000x1xf32>
    %swap3A_76 = arith.constant 0 : index
    %swap3A_77 = arith.constant 0 : index
    %swap3A_78 = vector.load %arg11[%swap3A_76, %swap3A_77] : memref<10000x1xf32, #tpu.memory_space<vmem>>, vector<10000x1xf32>
    tpu.vector_store %arg11[%swap3A_76, %swap3A_77], %dot_general3A_75 {strides = array<i32>} : memref<10000x1xf32, #tpu.memory_space<vmem>>, vector<10000x1xf32>,
    %get3A_79 = arith.constant 0 : index
    %get3A_80 = arith.constant 0 : index
    %get3A_81 = vector.load %arg8[%get3A_79, %get3A_80] : memref<128x1xf32, #tpu.memory_space<vmem>>, vector<128x1xf32>
    %dot_general3A_82 = arith.constant dense<0.000000e+00> : vector<10000x1xf32>
    %dot_general3A_83 = tpu.matmul %dot_general3A_65, %get3A_81, %dot_general3A_82 {dimension_numbers = #tpu.dot_dimension_numbers<[1], [0], [0], [1], [0, 0, 1, 1], [], []>, transpose_lhs_hint = false} : vector<10000x128xf32>, vector<128x1xf32>, vector<10000x1xf32> -> vector<10000x1xf32>
    %swap3A_84 = arith.constant 0 : index
    %swap3A_85 = arith.constant 0 : index
    %swap3A_86 = vector.load %arg12[%swap3A_84, %swap3A_85] : memref<10000x1xf32, #tpu.memory_space<vmem>>, vector<10000x1xf32>
    tpu.vector_store %arg12[%swap3A_84, %swap3A_85], %dot_general3A_83 {strides = array<i32>} : memref<10000x1xf32, #tpu.memory_space<vmem>>, vector<10000x1xf32>,
    return
  }
}

</mosaic_0001>

<sc_bundles>
// kernel: kernel.10.cloned.1.call-start
scs
__scs_entry_jumppad:
0x0: {  	(pc) =	sbr.rel $0x88, $3  }
0x1: {  	(tag) =	ssettag $0x0;
	lr =	simm.s32 $0x1  }
0x2: {  	[smem:$0x3F89] =	sst lr;
	_ =	strace $0xD0000000  }
0x3: {  	_ = 	snop  }
0x4: {  	_ = 	snop  }
0x5: {  	_ = 	snop  }
0x6: {  	_ = 	snop  }
0x7: {  	_ = 	snop  }
__scs_overlays_trampoline_lowered:
0x8: {  	[smem:$0x3F98] =	sst s0  }
0x9: {  	[smem:$0x3F99] =	sst s1  }
0xa: {  	[smem:$0x3F9A] =	sst s2  }
0xb: {  	[smem:$0x3F9B] =	sst s3  }
0xc: {  	[smem:$0x3F9C] =	sst s4  }
0xd: {  	[smem:$0x3F9D] =	sst s5  }
0xe: {  	[smem:$0x3F9E] =	sst s6  }
0xf: {  	[smem:$0x3F9F] =	sst s7  }
0x10: {  	[smem:$0x3FA0] =	sst s8  }
0x11: {  	[smem:$0x3FA1] =	sst s9;
	s0 =	simm.s32 @!p0 $0x0  }
0x12: {  	s1 =	sld [smem:$0x3F87];
	s0 =	simm.s32 @p0 $0x1  }
0x13: {  	[smem:$0x3FA2] =	sst s0;
	s0 =	simm.s32 @!p1 $0x0  }
0x14: {  	s2 =	sld [smem:$0x3F86];
	s0 =	simm.s32 @p1 $0x1  }
0x15: {  	[smem:$0x3FA3] =	sst s0;
	s0 =	simm.s32 @!p2 $0x0  }
0x16: {  	s3 =	sld [smem:$0x3FDB];
	s0 =	simm.s32 @p2 $0x1  }
0x17: {  	s4 =	simm.s32 $0x1BF5;
	[smem:$0x3FA5] =	sst s0  }
0x18: {  	s0 =	sld [smem:$0x3F88];
	_ =	swait.ge [sflag:s4], $0x0  }
0x19: {  	s7 =	sld [smem:$0x3F89]  }
0x1a: {  	s8 =	sadd.s32 $0xFFFFE003, lr  }
0x1b: {  	s9 =	sadd.s32 $0xFFFFFEF7, lr;
	s5 =	simm.s32 $0xFFFFFFFF;
	p2 =	slt.u32 s8, $0xFFFFF086  }
0x1c: {  	p1 =	slt.u32 s9, $0xF7A;
	s5 =	simm.s32 @!p2 $0x0  }
0x1d: {  	s5 =	simm.s32 @p1 $0x1;
	p0 =	seq.s32 s7, s2  }
0x1e: {  	s7 =	smul.u32 @!p0 $0xF7A, s2;
	p2 =	seq.s32 @!p0 s5, $0x0  }
0x1f: {  	s9 =	smul.u32 $0xF7A, s1;
	s8 =	simm.s32 @!p0 $0x1BF5;
	p2 =	por !p2, p0  }
0x20: {  	[sflag:s8] =	ssyncset.s32 @!p0 $0xFFFFF086;
	s6 =	sadd.s32 @!p0 s3, s7;
	s7 =	simm.s32 @!p0 $0x108  }
0x21: {  	s3 =	sadd.s32 s3, s9;
	s6 =	sadd.s32 @!p0 $0x88, s6;
	s7 =	simm.s32 @p2 $0x1082  }
0x22: {  	[simem:s7], [sflag:s8] =	dma.local @!p0 [hbm:s6], $0xF7A  }
0x23: {  	s9 =	sor.u32 $0xD0000000, s2;
	s6 =	simm.s32 $0x108;
	_ =	swait.ge @!p0 [sflag:s8], $0x0  }
0x24: {  	s3 =	sadd.s32 $0x88, s3;
	s6 =	simm.s32 @!p1 $0x1082;
	[sflag:s4] =	ssyncset.s32 $0xFFFFF086  }
0x25: {  	[simem:s6], [sflag:s4] =	dma.local [hbm:s3], $0xF7A  }
0x26: {  	[smem:$0x3F89] =	sst s1;
	(tag) =	ssettag s2;
	_ =	strace s9  }
0x27: {  	s1 =	sld [smem:$0x3F99]  }
0x28: {  	s2 =	sld [smem:$0x3F9A]  }
0x29: {  	s4 =	sld [smem:$0x3F9C]  }
0x2a: {  	p0 =	seq.s32 s5, $0x0;
	s5 =	sld [smem:$0x3F9D]  }
0x2b: {  	s6 =	sld [smem:$0x3F9E]  }
0x2c: {  	s7 =	sld [smem:$0x3F9F]  }
0x2d: {  	s3 =	simm.s32 $0x108;
	s8 =	sld [smem:$0x3FA0]  }
0x2e: {  	s3 =	simm.s32 @!p0 $0x1082;
	s9 =	sld [smem:$0x3FA1]  }
0x2f: {  	lr =	sadd.s32 s0, s3;
	s0 =	sld [smem:$0x3F98]  }
0x30: {  	s3 =	sld [smem:$0x3F9B]  }
0x31: {  	[smem:$0x3FA4] =	sst s10  }
0x32: {  	s10 =	sld [smem:$0x3FA2];
	_ =	sdelay $0x3  }
0x33: {  	p0 =	seq.s32 s10, $0x1;
	s10 =	sld [smem:$0x3FA4];
	_ =	sdelay $0x3  }
0x34: {  	[smem:$0x3FA4] =	sst s10  }
0x35: {  	s10 =	sld [smem:$0x3FA3];
	_ =	sdelay $0x3  }
0x36: {  	p1 =	seq.s32 s10, $0x1;
	s10 =	sld [smem:$0x3FA4];
	_ =	sdelay $0x3  }
0x37: {  	[smem:$0x3FA4] =	sst s10  }
0x38: {  	s10 =	sld [smem:$0x3FA5]  }
0x39: {  	_ = 	snop;
	(pc) =	sbr.ind lr, $3  }
0x3a: {  	_ = 	snop  }
0x3b: {  	_ = 	snop  }
0x3c: {  	p2 =	seq.s32 s10, $0x1;
	s10 =	sld [smem:$0x3FA4]  }
0x3d: {  	_ =	shalt  }
0x3e: {  	_ =	shalt  }
0x3f: {  	_ =	shalt  }
0x40: {  	_ =	shalt  }
0x41: {  	_ =	shalt  }
0x42: {  	_ =	shalt  }
0x43: {  	_ =	shalt  }
0x44: {  	_ =	shalt  }
0x45: {  	_ =	shalt  }
0x46: {  	_ =	shalt  }
0x47: {  	_ =	shalt  }
0x48: {  	_ =	shalt  }
0x49: {  	_ =	shalt  }
0x4a: {  	_ =	shalt  }
0x4b: {  	_ =	shalt  }
0x4c: {  	_ =	shalt  }
0x4d: {  	_ =	shalt  }
0x4e: {  	_ =	shalt  }
0x4f: {  	_ =	shalt  }
0x50: {  	_ =	shalt  }
0x51: {  	_ =	shalt  }
0x52: {  	_ =	shalt  }
0x53: {  	_ =	shalt  }
0x54: {  	_ =	shalt  }
0x55: {  	_ =	shalt  }
0x56: {  	_ =	shalt  }
0x57: {  	_ =	shalt  }
0x58: {  	_ =	shalt  }
0x59: {  	_ =	shalt  }
0x5a: {  	_ =	shalt  }
0x5b: {  	_ =	shalt  }
0x5c: {  	_ =	shalt  }
0x5d: {  	_ =	shalt  }
0x5e: {  	_ =	shalt  }
0x5f: {  	_ =	shalt  }
0x60: {  	_ =	shalt  }
0x61: {  	_ =	shalt  }
0x62: {  	_ =	shalt  }
0x63: {  	_ =	shalt  }
0x64: {  	_ =	shalt  }
0x65: {  	_ =	shalt  }
0x66: {  	_ =	shalt  }
0x67: {  	_ =	shalt  }
0x68: {  	_ =	shalt  }
0x69: {  	_ =	shalt  }
0x6a: {  	_ =	shalt  }
0x6b: {  	_ =	shalt  }
0x6c: {  	_ =	shalt  }
0x6d: {  	_ =	shalt  }
0x6e: {  	_ =	shalt  }
0x6f: {  	_ =	shalt  }
0x70: {  	_ =	shalt  }
0x71: {  	_ =	shalt  }
0x72: {  	_ =	shalt  }
0x73: {  	_ =	shalt  }
0x74: {  	_ =	shalt  }
0x75: {  	_ =	shalt  }
0x76: {  	_ =	shalt  }
0x77: {  	_ =	shalt  }
0x78: {  	_ =	shalt  }
0x79: {  	_ =	shalt  }
0x7a: {  	_ =	shalt  }
0x7b: {  	_ =	shalt  }
0x7c: {  	_ =	shalt  }
0x7d: {  	_ =	shalt  }
0x7e: {  	_ =	shalt  }
0x7f: {  	_ =	shalt  }
0x80: {  	_ =	shalt  }
0x81: {  	_ =	shalt  }
0x82: {  	_ =	shalt  }
0x83: {  	_ =	shalt  }
0x84: {  	_ =	shalt  }
0x85: {  	_ =	shalt  }
0x86: {  	_ =	shalt  }
0x87: {  	_ =	shalt  }
.Lfunc_end0:
.L_simem_size_0:
called_computation.1_lowered:
.L_overlay_start_0:
0x88: {  	s2 =	sld [smem:$0x3FD9]  }
0x89: {  	s3 =	sld [smem:$0x3FFE];
	_ =	sdelay $0x1  }
0x8a: {  	s1 =	srdreg.scid  }
0x8b: {  	s0 =	sand.u32 $0x1, s1  }
0x8c: {  	s17 =	sshll.u32 s0, $0xA;
	s2 =	sadd.s32 s3, s2  }
0x8d: {  	s2 =	sadd.s32 s2, s17  }
0x8e: {  	[smem:$0x3FB0] =	sst s2  }
0x8f: {  	_ = 	snop  }
0x90: {  	s2 =	sld [smem:$0x3FD0];
	(tm) =	ssettm $0x1  }
0x91: {  	s18 =	sld [smem:$0x3FFB];
	_ =	sdelay $0x3  }
0x92: {  	_ =	strace s18  }
0x93: {  	s3 =	sld [smem:$0x3FFC];
	_ =	sdelay $0x3  }
0x94: {  	_ =	strace s3  }
0x95: {  	s3 =	sld [smem:$0x3FFD];
	_ =	sdelay $0x3  }
0x96: {  	_ =	strace s3  }
0x97: {  	_ =	strace $0x8FFFFFFF  }
0x98: {  	s19 =	sld [smem:$0x3FDB];
	_ =	sdelay $0x1  }
0x99: {  	s4 =	simm.s32 $_scs_section_size  }
0x9a: {  	s5 =	simm.s32 $_size__tile_overlayer_lowered;
	s6 =	simm.s32 $_tile_overlayer_lowered  }
0x9b: {  	s22 =	simm.s32 $0x1BFF;
	s21 =	sshll.u32 s6, $0x1;
	s3 =	sadd.s32 s4, s19  }
0x9c: {  	s7 =	simm.s32 $0x0;
	s20 =	sshll.u32 s5, $0x1;
	s5 =	sadd.s32 s21, s3  }
0x9d: {  	[timem:s7], [sflag:s22] =	dma.local [hbm:s5], s20  }
0x9e: {  	_ =	swait.ge [sflag:s22], s20  }
0x9f: {  	s4 =	ssub.s32 $0x0, s20;
	[sflag:s22] =	ssyncset.done $0x0  }
0xa0: {  	[sflag:s22] =	ssyncadd.s32 s4;
	_ =	sdelay $0x1  }
0xa1: {  	s23 =	simm.s32 $0x1B8B  }
0xa2: {  	_ =	swait.ge [sflag:s23], $0x1  }
0xa3: {  	[sflag:s23] =	ssyncset.done $0x0  }
0xa4: {  	s25 =	simm.s32 $0x1B8E;
	s24 =	sld [smem:$0x3FFE];
	[sflag:s23] =	ssyncadd.s32 $0xFFFFFFFF  }
0xa5: {  	s26 =	simm.s32 $execute0_lowered;
	[smem:$0x3FD2] =	sst s25  }
0xa6: {  	s5 =	sshll.u32 s26, $0x1;
	_ =	strace $0x80000049;
	[dreg:$0x1] =	wrdreg $0xFFFFFFFF  }
0xa7: {  	s28 =	simm.s32 $_size_execute0_lowered;
	s3 =	sadd.s32 s3, s5;
	[dreg:$0x0] =	wrdreg $0x0  }
0xa8: {  	s5 =	sshll.u32 s28, $0x1;
	[dreg:$0x2] =	wrdreg s3  }
0xa9: {  	[dreg:$0x3] =	wrdreg s5  }
0xaa: {  	[dreg:$0x4] =	wrdreg $0xC0  }
0xab: {  	_ =	task [dreg:s7], $0x5FFFF  }
0xac: {  	[dreg:$0x1] =	wrdreg $0xFFFFFFFF  }
0xad: {  	[dreg:$0x0] =	wrdreg $0x60  }
0xae: {  	[dreg:$0x2] =	wrdreg s24  }
0xaf: {  	[dreg:$0x3] =	wrdreg s2  }
0xb0: {  	[dreg:$0x4] =	wrdreg $0xB4000  }
0xb1: {  	[dreg:$0x5] =	wrdreg $0x1F4000  }
0xb2: {  	[dreg:$0x6] =	wrdreg $0x9  }
0xb3: {  	_ =	task.clear_ibuf [dreg:s7], $0x7FFFF;
	_ =	strace $0x90000049  }
0xb4: {  	s29 =	simm.s32 $0x9;
	_ =	strace $0x8000004B  }
0xb5: {  	_ =	swait.ge [sflag:s29], $0x1  }
0xb6: {  	[sflag:s29] =	ssyncadd.s32 $0xFFFFFFFF  }
0xb7: {  	_ =	strace $0x9000004B  }
0xb8: {  	_ =	sfence  }
0xb9: {  	s30 =	sld [smem:$0x0];
	_ =	sdelay $0x2  }
0xba: {  	s31 =	sshll.u32 s1, $0xD;
	s1 =	sshrl.u32 s1, $0x2  }
0xbb: {  	s3 =	sand.u32 $0x4000, s31;
	s1 =	sadd.s32 s1, s30  }
0xbc: {  	s0 =	sor.u32 s3, s0;
	s1 =	sshll.u32 s1, $0x11  }
0xbd: {  	s0 =	sor.u32 s1, s0  }
0xbe: {  	s0 =	sadd.s32 $0x8F2B, s0  }
0xbf: {  	[sflag:s0] =	ssyncadd.remote.s32 $0x1  }
0xc0: {  	_ =	sfence.sel $0xFFFF  }
0xc1: {  	[dreg:$0x0] =	wrdreg $0xFFFFFFFF;
	(pc) =	sbr.abs _section_cstart, $3  }
0xc2: {  	[dreg:$0x1] =	wrdreg $0xFFFFFFFF  }
0xc3: {  	_ =	task.clear_ibuf [dreg:s7], $0x2FFFF;
	_ =	strace $0x9FFFFFFF  }
0xc4: {  	(tm) =	ssettm $0x7FFFFFFF  }
0xc5: {  	_ =	shalt  }
tec
execute0_lowered:
.L_overlay_start_1:
0x0: {  	(tag) =	ssettag $0x1  }
0x1: {  	s0 =	rddreg [dreg:$0x0]  }
0x2: {  	s1 =	rddreg [dreg:$0x1]  }
0x3: {  	s2 =	rddreg [dreg:$0x2]  }
0x4: {  	s3 =	rddreg [dreg:$0x3]  }
0x5: {  	s4 =	srdreg.scid;
	s16 =	simm.s32 $0x0;
	s11 =	stileid.u32  }
0x6: {  	s29 =	simm.s32 $0x5400;
	s30 =	simm.s32 $0x7;
	s31 =	simm.s32 $0x5000  }
0x7: {  	s4 =	sand.u32 $0x1, s4;
	[smem:$0x7FF] =	sst s16;
	s7 =	smul.u32 $0x14000, s11  }
0x8: {  	s6 =	sadd.s32 $0x2000, s0;
	s8 =	sadd.s32 $0x29200, s0;
	s24 =	smul.u32 $0x500, s11  }
0x9: {  	s25 =	sadd.s32 $0x29800, s0;
	s9 =	sadd.s32 $0x51000, s0;
	s10 =	smul.u32 $0x50000, s11  }
0xa: {  	s5 =	smul.u32 $0x140000, s4;
	_ =	strace $0x8000004A;
	[dreg:$0x6] =	wrdreg s8  }
0xb: {  	s26 =	sshll.u32 s4, $0x7;
	s28 =	ssub.s32 $0x2, s4;
	s4 =	sshll.u32 s4, $0x4  }
0xc: {  	[dreg:$0x7] =	wrdreg s25;
	s12 =	sshrl.u32 s28, $0x1;
	s4 =	sor.u32 s11, s4  }
0xd: {  	s10 =	sshrl.u32 s10, $0x2;
	s11 =	smul.u32 $0xA00, s11;
	s5 =	sadd.s32 s7, s5  }
0xe: {  	s7 =	sor.u32 s26, s24;
	s25 =	sadd.s32 s10, s2;
	s4 =	smul.u32 $0x2880, s4  }
0xf: {  	s5 =	sshrl.u32 s5, $0x3;
	s13 =	sadd.s32 $0x2800, s25;
	[dreg:$0x8] =	wrdreg s25  }
0x10: {  	s7 =	sshrl.u32 s7, $0x3;
	s14 =	sadd.s32 $0x5000, s25;
	[dreg:$0x9] =	wrdreg s13  }
0x11: {  	s15 =	sadd.s32 $0x7800, s25;
	s17 =	sadd.s32 $0xA000, s25;
	[dreg:$0xa] =	wrdreg s14  }
0x12: {  	s18 =	sshrl.u32 s11, $0x2;
	s20 =	sadd.s32 $0xC800, s25;
	[dreg:$0xb] =	wrdreg s15  }
0x13: {  	s26 =	sadd.s32 $0xF000, s25;
	s5 =	sadd.s32 s5, s0;
	[dreg:$0xc] =	wrdreg s17  }
0x14: {  	s0 =	sadd.s32 s7, s0;
	s7 =	ssub.s32 s28, s12;
	[dreg:$0xd] =	wrdreg s20  }
0x15: {  	s19 =	sshrl.u32 s4, $0x3;
	s11 =	sadd.s32 s18, s3;
	[dreg:$0x16] =	wrdreg s26  }
0x16: {  	s28 =	sadd.s32 $0x11800, s25;
	s13 =	simm.s32 $0x8400;
	s14 =	simm.s32 $0x5200  }
0x17: {  	s15 =	simm.s32 $0x5300;
	s17 =	simm.s32 $0x1;
	s18 =	simm.s32 $0x3  }
0x18: {  	s20 =	simm.s32 $0x5280;
	s21 =	sor.u32 $0xC, s19;
	[dreg:$0x17] =	wrdreg s28  }
0x19: {  	s12 =	sadd.s32 s1, s19;
	s10 =	sadd.s32 s9, s19;
	[dreg:$0xe] =	wrdreg s11  }
0x1a: {  	s23 =	sadd.s32 $0x5B200, s5;
	s0 =	sadd.s32 $0x29E00, s0;
	[dreg:$0xf] =	wrdreg s12  }
0x1b: {  	s24 =	smax.u32 s7, $0x1;
	s7 =	simm.s32 $0x60;
	[dreg:$0x10] =	wrdreg s10  }
0x1c: {  	s19 =	simm.s32 $0x5;
	s22 =	sadd.s32 s1, s21;
	[dreg:$0x13] =	wrdreg s23  }
0x1d: {  	s8 =	sadd.s32 s9, s21;
	s21 =	sadd.s32 $0xC0, s4;
	[dreg:$0x14] =	wrdreg s0  }
0x1e: {  	[dreg:$0x15] =	wrdreg s24;
	s0 =	simm.s32 $0x2800;
	s12 =	simm.s32 $0x4  }
0x1f: {  	s23 =	simm.s32 $0x5380;
	s24 =	simm.s32 $0x2;
	[dreg:$0x11] =	wrdreg s22  }
0x20: {  	v0 =	vimm.f32 $0.0e+00;
	[dreg:$0x12] =	wrdreg s8;
	s22 =	sadd.s32 $0x120, s4;
	s8 =	simm.s32 $0x5080  }
.LBB2_1:
0x21: {  	[dreg:$0x5] =	wrdreg s16;
	s10 =	simm.s32 $0x0;
	s16 =	simm.s32 $0x200  }
.LBB2_2:
0x22: {  	p0 =	sne.s32 s16, $0xBE00;
	[tilespmem:s10+$0x5470] =	vst v0  }
0x23: {  	[tilespmem:s10+$0x5400] =	vst v0  }
0x24: {  	[tilespmem:s10+$0x5410] =	vst v0  }
.Ltmp0:
0x25: {  	[tilespmem:s10+$0x5420] =	vst v0;
	(pc) =	sbr.rel @p0 .LBB2_2-.Ltmp0, $4  }
0x26: {  	[tilespmem:s10+$0x5430] =	vst v0  }
0x27: {  	[tilespmem:s10+$0x5440] =	vst v0  }
0x28: {  	[tilespmem:s10+$0x5450] =	vst v0  }
0x29: {  	[tilespmem:s10+$0x5460] =	vst v0;
	s10 =	sshra.s32 s16, $0x2;
	s16 =	sadd.s32 $0x200, s16  }
0x2a: {  	[tilespmem:s10+$0x5470] =	vst v0  }
0x2b: {  	[tilespmem:s10+$0x5400] =	vst v0  }
0x2c: {  	[tilespmem:s10+$0x5410] =	vst v0  }
0x2d: {  	[tilespmem:s10+$0x5420] =	vst v0  }
0x2e: {  	[tilespmem:s10+$0x5430] =	vst v0  }
0x2f: {  	[tilespmem:s10+$0x5440] =	vst v0  }
0x30: {  	[tilespmem:s10+$0x5450] =	vst v0  }
0x31: {  	[tilespmem:s10+$0x5460] =	vst v0  }
0x32: {  	[spmem:s25] =	stream.linear.scatter [tilespmem:s29], [sflag:$0x7], $0x2800, $0x38;
	[tilespmem:$0x1F900] =	vst v63  }
0x33: {  	_ =	swait.ge [sflag:s30], $0x2800  }
0x34: {  	[sflag:s30] =	ssyncset.done $0x0  }
0x35: {  	s4 =	rddreg [dreg:$0x9];
	[sflag:s30] =	ssyncadd.s32 $0xFFFFD800  }
0x36: {  	[spmem:s4] =	stream.linear.scatter [tilespmem:s29], [sflag:$0x7], $0x2800, $0x38;
	[tilespmem:$0x1F900] =	vst v63  }
0x37: {  	_ =	swait.ge [sflag:s30], $0x2800  }
0x38: {  	[sflag:s30] =	ssyncset.done $0x0  }
0x39: {  	s5 =	rddreg [dreg:$0xa];
	[sflag:s30] =	ssyncadd.s32 $0xFFFFD800  }
0x3a: {  	[spmem:s5] =	stream.linear.scatter [tilespmem:s29], [sflag:$0x7], $0x2800, $0x38;
	[tilespmem:$0x1F900] =	vst v63  }
0x3b: {  	_ =	swait.ge [sflag:s30], $0x2800  }
0x3c: {  	[sflag:s30] =	ssyncset.done $0x0  }
0x3d: {  	s10 =	rddreg [dreg:$0xb];
	[sflag:s30] =	ssyncadd.s32 $0xFFFFD800  }
0x3e: {  	[spmem:s10] =	stream.linear.scatter [tilespmem:s29], [sflag:$0x7], $0x2800, $0x38;
	[tilespmem:$0x1F900] =	vst v63  }
0x3f: {  	_ =	swait.ge [sflag:s30], $0x2800  }
0x40: {  	[sflag:s30] =	ssyncset.done $0x0  }
0x41: {  	s16 =	rddreg [dreg:$0xc];
	[sflag:s30] =	ssyncadd.s32 $0xFFFFD800  }
0x42: {  	[spmem:s16] =	stream.linear.scatter [tilespmem:s29], [sflag:$0x7], $0x2800, $0x38;
	[tilespmem:$0x1F900] =	vst v63  }
0x43: {  	_ =	swait.ge [sflag:s30], $0x2800  }
0x44: {  	[sflag:s30] =	ssyncset.done $0x0  }
0x45: {  	s25 =	rddreg [dreg:$0xd];
	[sflag:s30] =	ssyncadd.s32 $0xFFFFD800  }
0x46: {  	[spmem:s25] =	stream.linear.scatter [tilespmem:s29], [sflag:$0x7], $0x2800, $0x38;
	[tilespmem:$0x1F900] =	vst v63  }
0x47: {  	_ =	swait.ge [sflag:s30], $0x2800  }
0x48: {  	[sflag:s30] =	ssyncset.done $0x0  }
0x49: {  	s26 =	rddreg [dreg:$0x16];
	[sflag:s30] =	ssyncadd.s32 $0xFFFFD800  }
0x4a: {  	[spmem:s26] =	stream.linear.scatter [tilespmem:s29], [sflag:$0x7], $0x2800, $0x38;
	[tilespmem:$0x1F900] =	vst v63  }
0x4b: {  	_ =	swait.ge [sflag:s30], $0x2800  }
0x4c: {  	[sflag:s30] =	ssyncset.done $0x0  }
0x4d: {  	s5 =	rddreg [dreg:$0x17];
	[sflag:s30] =	ssyncadd.s32 $0xFFFFD800  }
0x4e: {  	[spmem:s5] =	stream.linear.scatter [tilespmem:s29], [sflag:$0x7], $0x2800, $0x38;
	[tilespmem:$0x1F900] =	vst v63  }
0x4f: {  	_ =	swait.ge [sflag:s30], $0x2800  }
0x50: {  	[sflag:s30] =	ssyncset.done $0x0  }
0x51: {  	[sflag:s30] =	ssyncadd.s32 $0xFFFFD800  }
0x52: {  	[tilespmem:$0x1F680] =	vst v0  }
0x53: {  	[tilespmem:$0x1F690] =	vst v0  }
0x54: {  	[tilespmem:$0x1F6A0] =	vst v0  }
0x55: {  	[tilespmem:$0x1F6B0] =	vst v0  }
0x56: {  	[tilespmem:$0x1F6C0] =	vst v0  }
0x57: {  	[tilespmem:$0x1F6D0] =	vst v0  }
0x58: {  	[tilespmem:$0x1F6E0] =	vst v0  }
0x59: {  	[tilespmem:$0x1F6F0] =	vst v0  }
0x5a: {  	[tilespmem:$0x1F700] =	vst v0  }
0x5b: {  	[tilespmem:$0x1F710] =	vst v0  }
0x5c: {  	[tilespmem:$0x1F720] =	vst v0  }
0x5d: {  	[tilespmem:$0x1F730] =	vst v0  }
0x5e: {  	[tilespmem:$0x1F740] =	vst v0  }
0x5f: {  	[tilespmem:$0x1F750] =	vst v0  }
0x60: {  	[tilespmem:$0x1F760] =	vst v0  }
0x61: {  	[tilespmem:$0x1F770] =	vst v0  }
0x62: {  	[tilespmem:$0x1F780] =	vst v0  }
0x63: {  	[tilespmem:$0x1F790] =	vst v0  }
0x64: {  	[tilespmem:$0x1F7A0] =	vst v0  }
0x65: {  	[tilespmem:$0x1F7B0] =	vst v0  }
0x66: {  	[tilespmem:$0x1F7C0] =	vst v0  }
0x67: {  	[tilespmem:$0x1F7D0] =	vst v0  }
0x68: {  	[tilespmem:$0x1F7E0] =	vst v0  }
0x69: {  	[tilespmem:$0x1F7F0] =	vst v0  }
0x6a: {  	[tilespmem:$0x1F800] =	vst v0  }
0x6b: {  	[tilespmem:$0x1F810] =	vst v0  }
0x6c: {  	[tilespmem:$0x1F820] =	vst v0  }
0x6d: {  	[tilespmem:$0x1F830] =	vst v0  }
0x6e: {  	[tilespmem:$0x1F840] =	vst v0  }
0x6f: {  	[tilespmem:$0x1F850] =	vst v0  }
0x70: {  	[tilespmem:$0x1F860] =	vst v0  }
0x71: {  	[tilespmem:$0x1F870] =	vst v0  }
0x72: {  	[tilespmem:$0x1F880] =	vst v0  }
0x73: {  	[tilespmem:$0x1F890] =	vst v0  }
0x74: {  	[tilespmem:$0x1F8A0] =	vst v0  }
0x75: {  	[tilespmem:$0x1F8B0] =	vst v0  }
0x76: {  	[tilespmem:$0x1F8C0] =	vst v0  }
0x77: {  	[tilespmem:$0x1F8D0] =	vst v0  }
0x78: {  	[tilespmem:$0x1F8E0] =	vst v0  }
0x79: {  	s10 =	simm.s32 $0x1F680;
	[tilespmem:$0x1F8F0] =	vst v0  }
0x7a: {  	[spmem:s11] =	stream.linear.scatter [tilespmem:s10], [sflag:$0x7], $0x280, $0x38;
	[tilespmem:$0x1F900] =	vst v63  }
0x7b: {  	_ =	swait.ge [sflag:s30], $0x280  }
0x7c: {  	[sflag:s30] =	ssyncset.done $0x0  }
0x7d: {  	s26 =	simm.s32 $0x0;
	s16 =	rddreg [dreg:$0x6];
	[sflag:s30] =	ssyncadd.s32 $0xFFFFFD80  }
0x7e: {  	[tilespmem:s26], [sflag:$0x7] =	stream.linear.gather [hbm4b:s16+s26], $0x2800, $0x38;
	[tilespmem:$0x1F900] =	vst v63  }
0x7f: {  	_ =	swait.ge [sflag:s30], $0x2800  }
0x80: {  	[sflag:s30] =	ssyncset.done $0x0  }
0x81: {  	s25 =	rddreg [dreg:$0x7];
	[sflag:s30] =	ssyncadd.s32 $0xFFFFD800  }
0x82: {  	[tilespmem:s0], [sflag:$0x7] =	stream.linear.gather [hbm4b:s25+s26], $0x2800, $0x38;
	[tilespmem:$0x1F900] =	vst v63  }
0x83: {  	_ =	swait.ge [sflag:s30], $0x2800  }
0x84: {  	[sflag:s30] =	ssyncset.done $0x0  }
0x85: {  	[sflag:s30] =	ssyncadd.s32 $0xFFFFD800  }
0x86: {  	[bflag:$0x0] =	sbarrier.arrive $0xFFFF  }
0x87: {  	s5 =	rddreg [dreg:$0xf]  }
0x88: {  	[tilespmem:s31], [sflag:$0x7] =	stream.linear.gather [hbm4b:s5+s26], $0x60, $0x38;
	[tilespmem:$0x1F900] =	vst v63  }
0x89: {  	_ =	swait.ge [sflag:s30], $0x60  }
0x8a: {  	[sflag:s30] =	ssyncset.done $0x0  }
0x8b: {  	s5 =	simm.s32 $0x5100;
	s10 =	rddreg [dreg:$0x10];
	[sflag:s30] =	ssyncadd.s32 $0xFFFFFFA0  }
0x8c: {  	[tilespmem:s5], [sflag:$0x7] =	stream.linear.gather [hbm4b:s10+s26], $0x60, $0x38;
	[tilespmem:$0x1F900] =	vst v63  }
0x8d: {  	_ =	swait.ge [sflag:s30], $0x60  }
0x8e: {  	[sflag:s30] =	ssyncset.done $0x0  }
0x8f: {  	[sflag:s30] =	ssyncadd.s32 $0xFFFFFFA0  }
0x90: {  	[tilespmem:s29], [sflag:$0x1] =	stream.indirect.gather [hbm4b:s6+s7], $0x80, s31, s7, $0xb8;
	[tilespmem:$0x1F900] =	vst v63  }
0x91: {  	s11 =	rddreg [dreg:$0x11]  }
0x92: {  	[tilespmem:s8], [sflag:$0x4] =	stream.linear.gather [hbm4b:s11+s26], $0x60, $0x38;
	[tilespmem:$0x1F900] =	vst v63  }
0x93: {  	s28 =	simm.s32 $0x0;
	s25 =	simm.s32 $0x5180;
	s16 =	rddreg [dreg:$0x12]  }
0x94: {  	[tilespmem:s25], [sflag:$0x4] =	stream.linear.gather [hbm4b:s16+s26], $0x60, $0x38;
	[tilespmem:$0x1F900] =	vst v63  }
.LBB2_4:
0x95: {  	_ =	swait.ge [sflag:s12], $0x60  }
0x96: {  	[sflag:s12] =	ssyncset.done $0x0  }
0x97: {  	[sflag:s12] =	ssyncadd.s32 $0xFFFFFFA0  }
0x98: {  	_ =	swait.ge [sflag:s12], $0x60  }
0x99: {  	p0 =	seq.s32 s28, $0x0;
	[sflag:s12] =	ssyncset.done $0x0  }
0x9a: {  	s5 =	simm.s32 @!p0 $0x6;
	[sflag:s12] =	ssyncadd.s32 $0xFFFFFFA0  }
0x9b: {  	_ =	swait.ge @!p0 [sflag:s5], $0x60  }
0x9c: {  	[sflag:s5] =	ssyncset.done @!p0 $0x0  }
0x9d: {  	[sflag:s5] =	ssyncadd.s32 @!p0 $0xFFFFFFA0  }
0x9e: {  	_ =	swait.ge @!p0 [sflag:s5], $0x3000  }
0x9f: {  	[sflag:s5] =	ssyncset.done @!p0 $0x0  }
0xa0: {  	[sflag:s5] =	ssyncadd.s32 @!p0 $0xFFFFD000  }
0xa1: {  	[tilespmem:s13], [sflag:$0x2] =	stream.indirect.gather [hbm4b:s6+s7], $0x80, s8, s7, $0xb8;
	[tilespmem:$0x1F900] =	vst v63  }
0xa2: {  	v1 =	vld [tilespmem:$0x5000]  }
0xa3: {  	v2 =	vld [tilespmem:$0x5100];
	_ =	sdelay $0x5  }
0xa4: {  	[tilespmem:$0x5200] =	vst v2  }
0xa5: {  	v1 =	vld.idx.msk [tilespmem:v1+s26+$0x0], $0xffff  }
0xa6: {  	v2 =	vld.idx.msk [tilespmem:v2+s0+$0x0], $0xffff;
	_ =	sdelay $0x4  }
0xa7: {  	v1 =	vadd.f32 v2, v1;
	_ =	sdelay $0x1  }
0xa8: {  	v2 =	vmul.f32 $2.000000030e-01, v1  }
0xa9: {  	vm0 =	vge.f32 v1, $0.0e+00  }
0xaa: {  	v1 =	vsel vm0, v1, v2  }
0xab: {  	v1 =	vmul.f32 $1.442695020e+00, v1;
	_ =	sdelay $0x1  }
0xac: {  	(erf) = vpow2.f32 v1;
	_ =	sdelay $0x2  }
0xad: {  	v1 =	vld [tilespmem:$0x5010]  }
0xae: {  	v2 =	vld [tilespmem:$0x5110];
	_ =	sdelay $0x4  }
0xaf: {  	[tilespmem:$0x5210] =	vst v2;
	v3 =	vpop (erf)  }
0xb0: {  	[tilespmem:$0x5300] =	vst v3  }
0xb1: {  	v1 =	vld.idx.msk [tilespmem:v1+s26+$0x0], $0xffff  }
0xb2: {  	v2 =	vld.idx.msk [tilespmem:v2+s0+$0x0], $0xffff;
	_ =	sdelay $0x4  }
0xb3: {  	v1 =	vadd.f32 v2, v1;
	_ =	sdelay $0x1  }
0xb4: {  	v2 =	vmul.f32 $2.000000030e-01, v1  }
0xb5: {  	vm11 =	vge.f32 v1, $0.0e+00  }
0xb6: {  	v1 =	vsel vm11, v1, v2  }
0xb7: {  	v1 =	vmul.f32 $1.442695020e+00, v1;
	_ =	sdelay $0x1  }
0xb8: {  	(erf) = vpow2.f32 v1;
	_ =	sdelay $0x2  }
0xb9: {  	v1 =	vld [tilespmem:$0x5020]  }
0xba: {  	v2 =	vld [tilespmem:$0x5120];
	_ =	sdelay $0x4  }
0xbb: {  	[tilespmem:$0x5220] =	vst v2;
	v3 =	vpop (erf)  }
0xbc: {  	[tilespmem:$0x5310] =	vst v3  }
0xbd: {  	v1 =	vld.idx.msk [tilespmem:v1+s26+$0x0], $0xffff  }
0xbe: {  	v2 =	vld.idx.msk [tilespmem:v2+s0+$0x0], $0xffff;
	_ =	sdelay $0x4  }
0xbf: {  	v1 =	vadd.f32 v2, v1;
	_ =	sdelay $0x1  }
0xc0: {  	v2 =	vmul.f32 $2.000000030e-01, v1  }
0xc1: {  	vm12 =	vge.f32 v1, $0.0e+00  }
0xc2: {  	v1 =	vsel vm12, v1, v2  }
0xc3: {  	v1 =	vmul.f32 $1.442695020e+00, v1;
	_ =	sdelay $0x1  }
0xc4: {  	(erf) = vpow2.f32 v1;
	_ =	sdelay $0x2  }
0xc5: {  	v1 =	vld [tilespmem:$0x5030]  }
0xc6: {  	v2 =	vld [tilespmem:$0x5130];
	_ =	sdelay $0x4  }
0xc7: {  	[tilespmem:$0x5230] =	vst v2;
	v3 =	vpop (erf)  }
0xc8: {  	[tilespmem:$0x5320] =	vst v3  }
0xc9: {  	v1 =	vld.idx.msk [tilespmem:v1+s26+$0x0], $0xffff  }
0xca: {  	v2 =	vld.idx.msk [tilespmem:v2+s0+$0x0], $0xffff;
	_ =	sdelay $0x4  }
0xcb: {  	v1 =	vadd.f32 v2, v1;
	_ =	sdelay $0x1  }
0xcc: {  	v2 =	vmul.f32 $2.000000030e-01, v1  }
0xcd: {  	vm13 =	vge.f32 v1, $0.0e+00  }
0xce: {  	v1 =	vsel vm13, v1, v2  }
0xcf: {  	v1 =	vmul.f32 $1.442695020e+00, v1;
	_ =	sdelay $0x1  }
0xd0: {  	(erf) = vpow2.f32 v1;
	_ =	sdelay $0x2  }
0xd1: {  	v1 =	vld [tilespmem:$0x5040]  }
0xd2: {  	v2 =	vld [tilespmem:$0x5140];
	_ =	sdelay $0x4  }
0xd3: {  	[tilespmem:$0x5240] =	vst v2;
	v3 =	vpop (erf)  }
0xd4: {  	[tilespmem:$0x5330] =	vst v3  }
0xd5: {  	v1 =	vld.idx.msk [tilespmem:v1+s26+$0x0], $0xffff  }
0xd6: {  	v2 =	vld.idx.msk [tilespmem:v2+s0+$0x0], $0xffff;
	_ =	sdelay $0x4  }
0xd7: {  	v1 =	vadd.f32 v2, v1;
	_ =	sdelay $0x1  }
0xd8: {  	v2 =	vmul.f32 $2.000000030e-01, v1  }
0xd9: {  	vm14 =	vge.f32 v1, $0.0e+00  }
0xda: {  	v1 =	vsel vm14, v1, v2  }
0xdb: {  	v1 =	vmul.f32 $1.442695020e+00, v1;
	_ =	sdelay $0x1  }
0xdc: {  	(erf) = vpow2.f32 v1;
	_ =	sdelay $0x2  }
0xdd: {  	v1 =	vld [tilespmem:$0x5050]  }
0xde: {  	v2 =	vld [tilespmem:$0x5150];
	_ =	sdelay $0x4  }
0xdf: {  	[tilespmem:$0x5250] =	vst v2;
	v3 =	vpop (erf)  }
0xe0: {  	[tilespmem:$0x5340] =	vst v3  }
0xe1: {  	v1 =	vld.idx.msk [tilespmem:v1+s26+$0x0], $0xffff  }
0xe2: {  	v2 =	vld.idx.msk [tilespmem:v2+s0+$0x0], $0xffff;
	_ =	sdelay $0x4  }
0xe3: {  	v1 =	vadd.f32 v2, v1;
	_ =	sdelay $0x1  }
0xe4: {  	v2 =	vmul.f32 $2.000000030e-01, v1  }
0xe5: {  	vm15 =	vge.f32 v1, $0.0e+00  }
0xe6: {  	v1 =	vsel vm15, v1, v2  }
0xe7: {  	v1 =	vmul.f32 $1.442695020e+00, v1;
	_ =	sdelay $0x1  }
0xe8: {  	(erf) = vpow2.f32 v1;
	_ =	sdelay $0x7  }
0xe9: {  	s16 =	sshll.u32 s28, $0x1  }
0xea: {  	s10 =	smin.u32 s16, $0x69;
	v1 =	vpop (erf)  }
0xeb: {  	s5 =	smul.u32 $0x60, s10;
	s10 =	simm.s32 $0x6;
	[tilespmem:$0x5350] =	vst v1;
	v1 =	vmov s26  }
0xec: {  	v2 =	vmov s10;
	[spmem:s3] =	stream.indirect.scatter.add.f32 [tilespmem:s15], [sflag:$0x5], $0x1, s14, s7, $0xb8;
	v1 =	vand.u32 $0xFFFFFFF8, v1;
	[tilespmem:$0x1F900] =	vst v63  }
0xed: {  	s5 =	sadd.s32 s5, s21;
	v2 =	vand.u32 $0xFFFFFFFE, v2;
	_ =	swait.ge [sflag:s17], $0x3000;
	v1 =	vbroadcast v1, $0x0  }
0xee: {  	s5 =	sshrl.u32 s5, $0x3;
	v2 =	vbroadcast v2, $0x0;
	[sflag:s17] =	ssyncset.done $0x0  }
0xef: {  	s11 =	sadd.s32 s1, s5;
	[sflag:s17] =	ssyncadd.s32 $0xFFFFD000  }
0xf0: {  	[tilespmem:s31], [sflag:$0x3] =	stream.linear.gather [hbm4b:s11+s26], $0x60, $0x38;
	[tilespmem:$0x1F900] =	vst v63  }
0xf1: {  	s4 =	simm.s32 $0x5100;
	s5 =	sadd.s32 s9, s5  }
0xf2: {  	[tilespmem:s4], [sflag:$0x3] =	stream.linear.gather [hbm4b:s5+s26], $0x60, $0x38;
	[tilespmem:$0x1F900] =	vst v63  }
0xf3: {  	v1 =	vld.idx.msk [tilespmem:v1+s15+$0x0], $0xffff  }
0xf4: {  	s25 =	simm.s32 $0x1;
	s10 =	simm.s32 $0x5600;
	v2 =	vld.idx.msk [tilespmem:v2+s15+$0x0], $0xffff  }
0xf5: {  	v3 =	vmov s25;
	v4 =	vld [tilespmem:s10+$0x170]  }
0xf6: {  	v3 =	vand.u32 $0xFFFFFFF9, v3;
	v5 =	vld [tilespmem:s10+$0xFFFFFE00]  }
0xf7: {  	v3 =	vbroadcast v3, $0x0;
	v6 =	vld [tilespmem:s10+$0xFFFFFE10]  }
0xf8: {  	v7 =	vld [tilespmem:s10+$0xFFFFFE20]  }
0xf9: {  	v8 =	vld [tilespmem:s10+$0xFFFFFE30]  }
0xfa: {  	v9 =	vld [tilespmem:s10+$0xFFFFFE40]  }
0xfb: {  	v10 =	vld [tilespmem:s10+$0xFFFFFE50]  }
0xfc: {  	v11 =	vld [tilespmem:s10+$0xFFFFFE60]  }
0xfd: {  	v3 =	vld.idx.msk [tilespmem:v3+s15+$0x0], $0xffff  }
0xfe: {  	v12 =	vld [tilespmem:s10+$0xFFFFFE70]  }
0xff: {  	v13 =	vld [tilespmem:s10+$0xFFFFFE80];
	v5 =	vmul.f32 v5, v1  }
0x100: {  	v14 =	vld [tilespmem:s10+$0xFFFFFE90];
	v4 =	vmul.f32 v4, v2  }
0x101: {  	v15 =	vld [tilespmem:s10+$0xFFFFFEA0];
	v6 =	vmul.f32 v6, v1;
	[tilespmem:s10+$0xFFFFFE00] =	vst v5  }
0x102: {  	s4 =	simm.s32 $0x2;
	v16 =	vld [tilespmem:s10+$0xFFFFFEB0];
	v8 =	vmul.f32 v8, v1;
	[tilespmem:s10+$0x170] =	vst v4  }
0x103: {  	v9 =	vmul.f32 v9, v1;
	v5 =	vmov s4;
	v4 =	vmul.f32 v7, v1;
	v7 =	vld [tilespmem:s10+$0xFFFFFEC0];
	[tilespmem:s10+$0xFFFFFE10] =	vst v6  }
0x104: {  	v6 =	vmul.f32 v13, v3;
	v13 =	vld [tilespmem:s10+$0xFFFFFED0];
	[tilespmem:s10+$0xFFFFFE30] =	vst v8;
	v5 =	vand.u32 $0xFFFFFFFA, v5  }
0x105: {  	v8 =	vmul.f32 v10, v1;
	v10 =	vld [tilespmem:s10+$0xFFFFFEF0];
	[tilespmem:s10+$0xFFFFFE40] =	vst v9;
	v5 =	vbroadcast v5, $0x0  }
0x106: {  	v9 =	vmul.f32 v11, v1;
	v11 =	vld [tilespmem:s10+$0xFFFFFF00];
	[tilespmem:s10+$0xFFFFFE20] =	vst v4  }
0x107: {  	v1 =	vmul.f32 v12, v1;
	v12 =	vld [tilespmem:s10+$0xFFFFFF20];
	[tilespmem:s10+$0xFFFFFE80] =	vst v6  }
0x108: {  	s11 =	simm.s32 $0x3;
	v4 =	vld [tilespmem:s10+$0xFFFFFEE0];
	[tilespmem:s10+$0xFFFFFE50] =	vst v8  }
0x109: {  	v6 =	vmov s11;
	v8 =	vld [tilespmem:s10+$0xFFFFFF10];
	[tilespmem:s10+$0xFFFFFE60] =	vst v9;
	v9 =	vmul.f32 v14, v3  }
0x10a: {  	[tilespmem:s10+$0xFFFFFE70] =	vst v1;
	v1 =	vmul.f32 v15, v3;
	v14 =	vld [tilespmem:s10+$0xFFFFFF30];
	v6 =	vand.u32 $0xFFFFFFFB, v6  }
0x10b: {  	v6 =	vbroadcast v6, $0x0;
	[tilespmem:s10+$0xFFFFFE90] =	vst v9;
	v9 =	vmul.f32 v16, v3;
	v5 =	vld.idx.msk [tilespmem:v5+s15+$0x0], $0xffff  }
0x10c: {  	v15 =	vld [tilespmem:s10+$0xFFFFFF40];
	[tilespmem:s10+$0xFFFFFEA0] =	vst v1;
	v7 =	vmul.f32 v7, v3  }
0x10d: {  	v13 =	vmul.f32 v13, v3;
	[tilespmem:s10+$0xFFFFFEB0] =	vst v9;
	v9 =	vld [tilespmem:s10+$0xFFFFFF60]  }
0x10e: {  	[tilespmem:s10+$0xFFFFFEC0] =	vst v7;
	v4 =	vmul.f32 v4, v3;
	v7 =	vld [tilespmem:s10+$0xFFFFFF70]  }
0x10f: {  	[tilespmem:s10+$0xFFFFFED0] =	vst v13;
	v3 =	vmul.f32 v10, v3;
	v10 =	vld [tilespmem:s10+$0xFFFFFF80]  }
0x110: {  	v13 =	vld [tilespmem:s10+$0xFFFFFFB0];
	[tilespmem:s10+$0xFFFFFEE0] =	vst v4;
	v1 =	vmul.f32 v11, v5  }
0x111: {  	[tilespmem:s10+$0xFFFFFEF0] =	vst v3;
	v6 =	vld.idx.msk [tilespmem:v6+s15+$0x0], $0xffff;
	v4 =	vmul.f32 v8, v5  }
0x112: {  	s25 =	simm.s32 $0x4;
	v11 =	vld [tilespmem:s10+$0xFFFFFF50];
	v3 =	vmul.f32 v12, v5;
	[tilespmem:s10+$0xFFFFFF00] =	vst v1  }
0x113: {  	v8 =	vld [tilespmem:s10+$0xFFFFFF90];
	v9 =	vmul.f32 v9, v5;
	v1 =	vmov s25;
	[tilespmem:s10+$0xFFFFFF10] =	vst v4  }
0x114: {  	v12 =	vld [tilespmem:s10+$0xFFFFFFA0];
	v4 =	vmul.f32 v14, v5;
	[tilespmem:s10+$0xFFFFFF20] =	vst v3;
	v1 =	vand.u32 $0xFFFFFFFC, v1  }
0x115: {  	v3 =	vmul.f32 v15, v5;
	v14 =	vld [tilespmem:s10+$0xFFFFFFC0];
	[tilespmem:s10+$0xFFFFFF60] =	vst v9;
	v1 =	vbroadcast v1, $0x0  }
0x116: {  	v9 =	vld [tilespmem:s10+$0x0];
	[tilespmem:s10+$0xFFFFFF30] =	vst v4;
	v4 =	vmul.f32 v10, v6  }
0x117: {  	s4 =	simm.s32 $0x5;
	v10 =	vld [tilespmem:s10+$0xFFFFFFD0];
	[tilespmem:s10+$0xFFFFFF40] =	vst v3;
	v11 =	vmul.f32 v11, v5  }
0x118: {  	v3 =	vld [tilespmem:s10+$0xFFFFFFE0];
	v5 =	vmul.f32 v7, v5;
	[tilespmem:s10+$0xFFFFFF80] =	vst v4;
	v4 =	vmov s4  }
0x119: {  	v7 =	vld [tilespmem:s10+$0xFFFFFFF0];
	v8 =	vmul.f32 v8, v6;
	[tilespmem:s10+$0xFFFFFF50] =	vst v11;
	v4 =	vand.u32 $0xFFFFFFFD, v4  }
0x11a: {  	[tilespmem:s10+$0xFFFFFF70] =	vst v5;
	v5 =	vmul.f32 v12, v6;
	v11 =	vld [tilespmem:s10+$0x10];
	v4 =	vbroadcast v4, $0x0  }
0x11b: {  	[tilespmem:s10+$0xFFFFFF90] =	vst v8;
	v8 =	vmul.f32 v13, v6;
	v1 =	vld.idx.msk [tilespmem:v1+s15+$0x0], $0xffff  }
0x11c: {  	v12 =	vld [tilespmem:s10+$0x20];
	[tilespmem:s10+$0xFFFFFFA0] =	vst v5;
	v5 =	vmul.f32 v14, v6  }
0x11d: {  	v13 =	vld [tilespmem:s10+$0x30];
	[tilespmem:s10+$0xFFFFFFB0] =	vst v8;
	v8 =	vmul.f32 v10, v6  }
0x11e: {  	v10 =	vld [tilespmem:s10+$0x40];
	v3 =	vmul.f32 v3, v6;
	[tilespmem:s10+$0xFFFFFFC0] =	vst v5  }
0x11f: {  	v6 =	vmul.f32 v7, v6;
	[tilespmem:s10+$0xFFFFFFD0] =	vst v8;
	v8 =	vld [tilespmem:s10+$0x60]  }
0x120: {  	[tilespmem:s10+$0xFFFFFFE0] =	vst v3;
	v4 =	vld.idx.msk [tilespmem:v4+s15+$0x0], $0xffff;
	v5 =	vmul.f32 v9, v1  }
0x121: {  	[tilespmem:s10+$0xFFFFFFF0] =	vst v6;
	v9 =	vld [tilespmem:s10+$0x50];
	v6 =	vmul.f32 v12, v1  }
0x122: {  	v3 =	vmul.f32 v11, v1;
	v11 =	vld [tilespmem:s10+$0x90];
	[tilespmem:s10+$0x0] =	vst v5  }
0x123: {  	v7 =	vld [tilespmem:s10+$0x80];
	[tilespmem:s10+$0x20] =	vst v6;
	v6 =	vmul.f32 v10, v1  }
0x124: {  	v5 =	vld [tilespmem:s10+$0x70];
	[tilespmem:s10+$0x10] =	vst v3;
	v3 =	vmul.f32 v13, v1  }
0x125: {  	v10 =	vld [tilespmem:s10+$0xA0];
	[tilespmem:s10+$0x40] =	vst v6;
	v6 =	vmul.f32 v8, v1  }
0x126: {  	[tilespmem:s10+$0x30] =	vst v3;
	v8 =	vld [tilespmem:s10+$0xC0];
	v3 =	vmul.f32 v9, v1  }
0x127: {  	v9 =	vld [tilespmem:s10+$0xB0];
	v11 =	vmul.f32 v11, v4;
	[tilespmem:s10+$0x60] =	vst v6  }
0x128: {  	v6 =	vld [tilespmem:s10+$0xE0];
	[tilespmem:s10+$0x50] =	vst v3;
	v3 =	vmul.f32 v7, v4  }
0x129: {  	v7 =	vld [tilespmem:s10+$0xD0];
	v5 =	vmul.f32 v5, v1;
	[tilespmem:s10+$0x90] =	vst v11  }
0x12a: {  	v11 =	vld [tilespmem:s10+$0x150];
	[tilespmem:s10+$0x80] =	vst v3  }
0x12b: {  	[tilespmem:s10+$0x70] =	vst v5;
	v3 =	vmul.f32 v10, v4;
	v5 =	vld [tilespmem:s10+$0xF0]  }
0x12c: {  	v10 =	vld [tilespmem:s10+$0x100];
	v9 =	vmul.f32 v9, v4  }
0x12d: {  	s11 =	simm.s32 $0x7;
	[tilespmem:s10+$0xA0] =	vst v3;
	v3 =	vmul.f32 v8, v4;
	v8 =	vld [tilespmem:s10+$0x110]  }
0x12e: {  	v14 =	vld [tilespmem:s10+$0x180];
	v12 =	vmov s11;
	[tilespmem:s10+$0xB0] =	vst v9;
	v7 =	vmul.f32 v7, v4  }
0x12f: {  	v9 =	vld [tilespmem:s10+$0x120];
	v11 =	vmul.f32 v11, v2;
	[tilespmem:s10+$0xC0] =	vst v3  }
0x130: {  	s11 =	simm.s32 $0xA;
	v3 =	vmul.f32 v6, v4;
	v6 =	vld [tilespmem:s10+$0x130];
	[tilespmem:s10+$0xD0] =	vst v7;
	v4 =	vmul.f32 v5, v4  }
0x131: {  	s25 =	simm.s32 $0x8;
	v13 =	vmov s11;
	v5 =	vld [tilespmem:s10+$0x140];
	[tilespmem:s10+$0x150] =	vst v11  }
0x132: {  	s4 =	simm.s32 $0xF;
	s11 =	simm.s32 $0xC;
	v7 =	vmov s25;
	v10 =	vmul.f32 v10, v2;
	[tilespmem:s10+$0xF0] =	vst v4;
	v4 =	vmul.f32 v8, v2;
	v8 =	vld [tilespmem:s10+$0x160]  }
0x133: {  	s5 =	simm.s32 $0xB;
	v15 =	vmov s11;
	v1 =	vld.idx.msk [tilespmem:v12+s15+$0x0], $0xffff;
	s25 =	simm.s32 $0x9;
	[tilespmem:s10+$0xE0] =	vst v3;
	v7 =	vand.u32 $0xFFFFFFF8, v7;
	v3 =	vmov s4  }
0x134: {  	v17 =	vld [tilespmem:s10+$0x190];
	v12 =	vmov s25;
	s25 =	simm.s32 $0xD;
	[tilespmem:s10+$0x100] =	vst v10;
	v10 =	vmov s5;
	v9 =	vmul.f32 v9, v2  }
0x135: {  	v18 =	vmov s25;
	[tilespmem:s10+$0x110] =	vst v4;
	v16 =	vmul.f32 v6, v2;
	v4 =	vbroadcast v7, $0x0;
	v6 =	vld [tilespmem:s10+$0x1A0]  }
0x136: {  	v7 =	vld [tilespmem:s10+$0x1B0];
	[tilespmem:s10+$0x120] =	vst v9;
	v9 =	vmul.f32 v5, v2;
	v5 =	vand.u32 $0xFFFFFFF9, v12;
	v12 =	vand.u32 $0xFFFFFFFA, v13  }
0x137: {  	v13 =	vand.u32 $0xFFFFFFFB, v10;
	[tilespmem:s10+$0x130] =	vst v16;
	v5 =	vbroadcast v5, $0x0;
	v16 =	vmul.f32 v8, v2;
	v8 =	vld [tilespmem:s10+$0x1C0]  }
0x138: {  	v10 =	vbroadcast v12, $0x0;
	[tilespmem:s10+$0x140] =	vst v9;
	v2 =	vand.u32 $0xFFFFFFFC, v15;
	v15 =	vmul.f32 v14, v1;
	v9 =	vld [tilespmem:s10+$0x1D0]  }
0x139: {  	v11 =	vld [tilespmem:s10+$0x1E0];
	s5 =	simm.s32 $0xE;
	s25 =	simm.s32 $0x10;
	v12 =	vbroadcast v13, $0x0;
	v13 =	vmul.f32 v17, v1;
	v14 =	vand.u32 $0xFFFFFFFD, v18;
	[tilespmem:s10+$0x160] =	vst v16  }
.LBB2_5:
0x13a: {  	p0 =	slt.u32 s25, $0x58;
	v2 =	vbroadcast v2, $0x0;
	v16 =	vmov s5;
	[tilespmem:s10+$0x180] =	vst v15;
	v6 =	vmul.f32 v6, v1;
	v15 =	vld [tilespmem:s10+$0x1F0]  }
0x13b: {  	v14 =	vbroadcast v14, $0x0;
	v16 =	vand.u32 $0xFFFFFFFE, v16;
	v17 =	vld.idx.msk [tilespmem:v3+s15+$0x0], $0xffff;
	[tilespmem:s10+$0x190] =	vst v13;
	v3 =	vmul.f32 v7, v1  }
0x13c: {  	v7 =	vld.idx.msk [tilespmem:v4+s15+$0x0], $0xffff;
	v13 =	vbroadcast v16, $0x0;
	[tilespmem:s10+$0x1A0] =	vst v6;
	v4 =	vmul.f32 v8, v1  }
0x13d: {  	v6 =	vld.idx.msk [tilespmem:v5+s15+$0x0], $0xffff;
	[tilespmem:s10+$0x1B0] =	vst v3;
	v3 =	vmul.f32 v9, v1  }
0x13e: {  	v8 =	vld.idx.msk [tilespmem:v10+s15+$0x0], $0xffff;
	[tilespmem:s10+$0x1C0] =	vst v4;
	v9 =	vmul.f32 v11, v1  }
0x13f: {  	v5 =	vld.idx.msk [tilespmem:v12+s15+$0x0], $0xffff;
	[tilespmem:s10+$0x1D0] =	vst v3;
	v10 =	vmul.f32 v15, v1  }
0x140: {  	v4 =	vld.idx.msk [tilespmem:v2+s15+$0x0], $0xffff;
	[tilespmem:s10+$0x1E0] =	vst v9  }
0x141: {  	v1 =	vmov v17;
	v3 =	vld.idx.msk [tilespmem:v14+s15+$0x0], $0xffff;
	[tilespmem:s10+$0x1F0] =	vst v10  }
0x142: {  	s10 =	sadd.s32 $0x400, s10;
	v2 =	vld.idx.msk [tilespmem:v13+s15+$0x0], $0xffff  }
0x143: {  	v9 =	vld [tilespmem:s10+$0x170]  }
0x144: {  	v10 =	vld [tilespmem:s10+$0xFFFFFE00]  }
0x145: {  	v11 =	vld [tilespmem:s10+$0xFFFFFE10]  }
0x146: {  	v12 =	vld [tilespmem:s10+$0xFFFFFE20]  }
0x147: {  	v13 =	vld [tilespmem:s10+$0xFFFFFE30]  }
0x148: {  	v14 =	vld [tilespmem:s10+$0xFFFFFE40];
	v9 =	vmul.f32 v9, v2  }
0x149: {  	v10 =	vmul.f32 v10, v7;
	v15 =	vld [tilespmem:s10+$0xFFFFFE50]  }
0x14a: {  	v11 =	vmul.f32 v11, v7;
	v16 =	vld [tilespmem:s10+$0xFFFFFE60];
	[tilespmem:s10+$0x170] =	vst v9  }
0x14b: {  	[tilespmem:s10+$0xFFFFFE00] =	vst v10;
	v9 =	vmul.f32 v12, v7;
	v10 =	vld [tilespmem:s10+$0xFFFFFE70]  }
0x14c: {  	[tilespmem:s10+$0xFFFFFE10] =	vst v11;
	v11 =	vmul.f32 v13, v7;
	v12 =	vld [tilespmem:s10+$0xFFFFFE80]  }
0x14d: {  	[tilespmem:s10+$0xFFFFFE20] =	vst v9;
	v9 =	vmul.f32 v14, v7;
	v13 =	vld [tilespmem:s10+$0xFFFFFE90]  }
0x14e: {  	[tilespmem:s10+$0xFFFFFE30] =	vst v11;
	v11 =	vmul.f32 v15, v7;
	v14 =	vld [tilespmem:s10+$0xFFFFFEA0]  }
0x14f: {  	[tilespmem:s10+$0xFFFFFE40] =	vst v9;
	v9 =	vmul.f32 v16, v7;
	v15 =	vld [tilespmem:s10+$0xFFFFFEB0]  }
0x150: {  	[tilespmem:s10+$0xFFFFFE50] =	vst v11;
	v7 =	vmul.f32 v10, v7;
	v10 =	vld [tilespmem:s10+$0xFFFFFEC0]  }
0x151: {  	[tilespmem:s10+$0xFFFFFE60] =	vst v9;
	v9 =	vmul.f32 v12, v6;
	v11 =	vld [tilespmem:s10+$0xFFFFFED0]  }
0x152: {  	[tilespmem:s10+$0xFFFFFE70] =	vst v7;
	v7 =	vmul.f32 v13, v6;
	v12 =	vld [tilespmem:s10+$0xFFFFFEE0]  }
0x153: {  	[tilespmem:s10+$0xFFFFFE80] =	vst v9;
	v9 =	vmul.f32 v14, v6;
	v13 =	vld [tilespmem:s10+$0xFFFFFEF0]  }
0x154: {  	[tilespmem:s10+$0xFFFFFE90] =	vst v7;
	v7 =	vmul.f32 v15, v6;
	v14 =	vld [tilespmem:s10+$0xFFFFFF00]  }
0x155: {  	[tilespmem:s10+$0xFFFFFEA0] =	vst v9;
	v9 =	vmul.f32 v10, v6;
	v10 =	vld [tilespmem:s10+$0xFFFFFF10]  }
0x156: {  	[tilespmem:s10+$0xFFFFFEB0] =	vst v7;
	v7 =	vmul.f32 v11, v6;
	v11 =	vld [tilespmem:s10+$0xFFFFFF20]  }
0x157: {  	[tilespmem:s10+$0xFFFFFEC0] =	vst v9;
	v9 =	vmul.f32 v12, v6;
	v12 =	vld [tilespmem:s10+$0xFFFFFF30]  }
0x158: {  	[tilespmem:s10+$0xFFFFFED0] =	vst v7;
	v6 =	vmul.f32 v13, v6;
	v7 =	vld [tilespmem:s10+$0xFFFFFF40]  }
0x159: {  	[tilespmem:s10+$0xFFFFFEE0] =	vst v9;
	v9 =	vmul.f32 v14, v8;
	v13 =	vld [tilespmem:s10+$0xFFFFFF50]  }
0x15a: {  	[tilespmem:s10+$0xFFFFFEF0] =	vst v6;
	v6 =	vmul.f32 v10, v8;
	v10 =	vld [tilespmem:s10+$0xFFFFFF60]  }
0x15b: {  	[tilespmem:s10+$0xFFFFFF00] =	vst v9;
	v9 =	vmul.f32 v11, v8;
	v11 =	vld [tilespmem:s10+$0xFFFFFF70]  }
0x15c: {  	[tilespmem:s10+$0xFFFFFF10] =	vst v6;
	v6 =	vmul.f32 v12, v8;
	v12 =	vld [tilespmem:s10+$0xFFFFFF80]  }
0x15d: {  	[tilespmem:s10+$0xFFFFFF20] =	vst v9;
	v7 =	vmul.f32 v7, v8;
	v9 =	vld [tilespmem:s10+$0xFFFFFF90]  }
0x15e: {  	[tilespmem:s10+$0xFFFFFF30] =	vst v6;
	v6 =	vmul.f32 v13, v8;
	v13 =	vld [tilespmem:s10+$0xFFFFFFA0]  }
0x15f: {  	[tilespmem:s10+$0xFFFFFF40] =	vst v7;
	v7 =	vmul.f32 v10, v8;
	v10 =	vld [tilespmem:s10+$0xFFFFFFB0]  }
0x160: {  	[tilespmem:s10+$0xFFFFFF50] =	vst v6;
	v6 =	vmul.f32 v11, v8;
	v8 =	vld [tilespmem:s10+$0xFFFFFFC0]  }
0x161: {  	[tilespmem:s10+$0xFFFFFF60] =	vst v7;
	v7 =	vmul.f32 v12, v5;
	v11 =	vld [tilespmem:s10+$0xFFFFFFD0]  }
0x162: {  	[tilespmem:s10+$0xFFFFFF70] =	vst v6;
	v6 =	vmul.f32 v9, v5;
	v9 =	vld [tilespmem:s10+$0xFFFFFFE0]  }
0x163: {  	[tilespmem:s10+$0xFFFFFF80] =	vst v7;
	v7 =	vmul.f32 v13, v5;
	v12 =	vld [tilespmem:s10+$0xFFFFFFF0]  }
0x164: {  	[tilespmem:s10+$0xFFFFFF90] =	vst v6;
	v6 =	vmul.f32 v10, v5;
	v10 =	vld [tilespmem:s10+$0x0]  }
0x165: {  	[tilespmem:s10+$0xFFFFFFA0] =	vst v7;
	v7 =	vmul.f32 v8, v5;
	v8 =	vld [tilespmem:s10+$0x10]  }
0x166: {  	[tilespmem:s10+$0xFFFFFFB0] =	vst v6;
	v6 =	vmul.f32 v11, v5;
	v11 =	vld [tilespmem:s10+$0x20]  }
0x167: {  	[tilespmem:s10+$0xFFFFFFC0] =	vst v7;
	v7 =	vmul.f32 v9, v5;
	v9 =	vld [tilespmem:s10+$0x30]  }
0x168: {  	[tilespmem:s10+$0xFFFFFFD0] =	vst v6;
	v5 =	vmul.f32 v12, v5;
	v6 =	vld [tilespmem:s10+$0x40]  }
0x169: {  	[tilespmem:s10+$0xFFFFFFE0] =	vst v7;
	v7 =	vmul.f32 v10, v4;
	v10 =	vld [tilespmem:s10+$0x50]  }
0x16a: {  	[tilespmem:s10+$0xFFFFFFF0] =	vst v5;
	v5 =	vmul.f32 v8, v4;
	v8 =	vld [tilespmem:s10+$0x60]  }
0x16b: {  	[tilespmem:s10+$0x0] =	vst v7;
	v7 =	vmul.f32 v11, v4;
	v11 =	vld [tilespmem:s10+$0x70]  }
0x16c: {  	[tilespmem:s10+$0x10] =	vst v5;
	v5 =	vmul.f32 v9, v4;
	v9 =	vld [tilespmem:s10+$0x80]  }
0x16d: {  	[tilespmem:s10+$0x20] =	vst v7;
	v6 =	vmul.f32 v6, v4;
	v7 =	vld [tilespmem:s10+$0x90]  }
0x16e: {  	[tilespmem:s10+$0x30] =	vst v5;
	v5 =	vmul.f32 v10, v4;
	v10 =	vld [tilespmem:s10+$0xA0]  }
0x16f: {  	[tilespmem:s10+$0x40] =	vst v6;
	v6 =	vmul.f32 v8, v4;
	v8 =	vld [tilespmem:s10+$0xB0]  }
0x170: {  	[tilespmem:s10+$0x50] =	vst v5;
	v4 =	vmul.f32 v11, v4;
	v5 =	vld [tilespmem:s10+$0xC0]  }
0x171: {  	[tilespmem:s10+$0x60] =	vst v6;
	v6 =	vmul.f32 v9, v3;
	v9 =	vld [tilespmem:s10+$0xD0]  }
0x172: {  	[tilespmem:s10+$0x70] =	vst v4;
	v4 =	vmul.f32 v7, v3;
	v7 =	vld [tilespmem:s10+$0xE0]  }
0x173: {  	[tilespmem:s10+$0x80] =	vst v6;
	v6 =	vmul.f32 v10, v3;
	v10 =	vld [tilespmem:s10+$0xF0]  }
0x174: {  	[tilespmem:s10+$0x90] =	vst v4;
	v4 =	vmul.f32 v8, v3;
	v8 =	vld [tilespmem:s10+$0x100]  }
0x175: {  	[tilespmem:s10+$0xA0] =	vst v6;
	v5 =	vmul.f32 v5, v3;
	v6 =	vld [tilespmem:s10+$0x110]  }
0x176: {  	[tilespmem:s10+$0xB0] =	vst v4;
	v4 =	vmul.f32 v9, v3;
	v9 =	vld [tilespmem:s10+$0x120]  }
0x177: {  	[tilespmem:s10+$0xC0] =	vst v5;
	v5 =	vmul.f32 v7, v3;
	v7 =	vld [tilespmem:s10+$0x130]  }
0x178: {  	[tilespmem:s10+$0xD0] =	vst v4;
	v4 =	vmul.f32 v10, v3;
	v10 =	vld [tilespmem:s10+$0x140]  }
0x179: {  	s4 =	sadd.s32 $0x7, s25;
	v3 =	vmov s25;
	[tilespmem:s10+$0xE0] =	vst v5;
	v5 =	vmul.f32 v8, v2;
	v8 =	vld [tilespmem:s10+$0x150]  }
0x17a: {  	s5 =	sadd.s32 $0x1, s25;
	s11 =	sadd.s32 $0x2, s25;
	v11 =	vand.u32 $0xFFFFFFF8, v3;
	v3 =	vmov s4;
	[tilespmem:s10+$0xF0] =	vst v4;
	v4 =	vmul.f32 v6, v2;
	v12 =	vld [tilespmem:s10+$0x160]  }
0x17b: {  	v14 =	vmov s11;
	v13 =	vmov s5;
	s5 =	sadd.s32 $0x4, s25;
	s4 =	sadd.s32 $0x3, s25;
	[tilespmem:s10+$0x100] =	vst v5;
	v5 =	vmul.f32 v9, v2;
	v9 =	vld [tilespmem:s10+$0x180]  }
0x17c: {  	v16 =	vmov s5;
	v15 =	vmov s4;
	s4 =	sadd.s32 $0x5, s25;
	[tilespmem:s10+$0x110] =	vst v4;
	v7 =	vmul.f32 v7, v2;
	v17 =	vld [tilespmem:s10+$0x190]  }
.Ltmp1:
0x17d: {  	v4 =	vbroadcast v11, $0x0;
	v11 =	vmov s4;
	[tilespmem:s10+$0x120] =	vst v5;
	v10 =	vmul.f32 v10, v2;
	v6 =	vld [tilespmem:s10+$0x1A0];
	(pc) =	sbr.rel @p0 .LBB2_5-.Ltmp1, $4  }
0x17e: {  	v5 =	vand.u32 $0xFFFFFFF9, v13;
	v13 =	vand.u32 $0xFFFFFFFA, v14;
	[tilespmem:s10+$0x130] =	vst v7;
	v14 =	vmul.f32 v8, v2;
	v7 =	vld [tilespmem:s10+$0x1B0]  }
0x17f: {  	v18 =	vand.u32 $0xFFFFFFFB, v15;
	v5 =	vbroadcast v5, $0x0;
	[tilespmem:s10+$0x140] =	vst v10;
	v19 =	vmul.f32 v12, v2;
	v8 =	vld [tilespmem:s10+$0x1C0]  }
0x180: {  	v10 =	vbroadcast v13, $0x0;
	v2 =	vand.u32 $0xFFFFFFFC, v16;
	[tilespmem:s10+$0x150] =	vst v14;
	v15 =	vmul.f32 v9, v1;
	v9 =	vld [tilespmem:s10+$0x1D0]  }
0x181: {  	s5 =	sadd.s32 $0x6, s25;
	s25 =	sadd.s32 $0x8, s25;
	v12 =	vbroadcast v18, $0x0;
	v14 =	vand.u32 $0xFFFFFFFD, v11;
	[tilespmem:s10+$0x160] =	vst v19;
	v13 =	vmul.f32 v17, v1;
	v11 =	vld [tilespmem:s10+$0x1E0]  }
0x182: {  	_ =	sdelay $0x2  }
0x183: {  	v16 =	vld [tilespmem:s10+$0x1F0]  }
0x184: {  	v18 =	vld.idx.msk [tilespmem:v4+s15+$0x0], $0xffff  }
0x185: {  	[tilespmem:s10+$0x180] =	vst v15;
	v15 =	vbroadcast v2, $0x0;
	v2 =	vmov s5;
	v10 =	vld.idx.msk [tilespmem:v10+s15+$0x0], $0xffff  }
0x186: {  	v17 =	vand.u32 $0xFFFFFFFE, v2;
	v2 =	vld.idx.msk [tilespmem:v3+s15+$0x0], $0xffff  }
0x187: {  	s25 =	sadd.s32 $0x400, s10;
	v12 =	vld.idx.msk [tilespmem:v12+s15+$0x0], $0xffff  }
0x188: {  	v14 =	vbroadcast v14, $0x0;
	v6 =	vmul.f32 v6, v1;
	[tilespmem:s10+$0x190] =	vst v13;
	v13 =	vld [tilespmem:s25+$0x170]  }
0x189: {  	v7 =	vmul.f32 v7, v1;
	v3 =	vbroadcast v17, $0x0;
	v17 =	vld.idx.msk [tilespmem:v5+s15+$0x0], $0xffff  }
0x18a: {  	[tilespmem:s10+$0x1A0] =	vst v6;
	v6 =	vmul.f32 v8, v1;
	v8 =	vld [tilespmem:s25+$0xFFFFFE00]  }
0x18b: {  	[tilespmem:s10+$0x1B0] =	vst v7;
	v7 =	vmul.f32 v9, v1;
	v9 =	vld [tilespmem:s25+$0xFFFFFE10]  }
0x18c: {  	[tilespmem:s10+$0x1C0] =	vst v6;
	v6 =	vmul.f32 v11, v1;
	v11 =	vld [tilespmem:s25+$0xFFFFFE20]  }
0x18d: {  	[tilespmem:s10+$0x1D0] =	vst v7;
	v7 =	vld [tilespmem:s25+$0xFFFFFE30]  }
0x18e: {  	v5 =	vld.idx.msk [tilespmem:v15+s15+$0x0], $0xffff  }
0x18f: {  	v1 =	vmul.f32 v16, v1;
	v4 =	vld.idx.msk [tilespmem:v14+s15+$0x0], $0xffff  }
0x190: {  	[tilespmem:s10+$0x1E0] =	vst v6;
	v6 =	vld [tilespmem:s25+$0xFFFFFE40]  }
0x191: {  	[tilespmem:s10+$0x1F0] =	vst v1;
	v1 =	vmul.f32 v8, v18;
	v3 =	vld.idx.msk [tilespmem:v3+s15+$0x0], $0xffff  }
0x192: {  	v8 =	vld [tilespmem:s25+$0xFFFFFE50];
	v9 =	vmul.f32 v9, v18  }
0x193: {  	v14 =	vld [tilespmem:s25+$0xFFFFFE60];
	[tilespmem:s25+$0xFFFFFE00] =	vst v1;
	v1 =	vmul.f32 v11, v18  }
0x194: {  	v11 =	vld [tilespmem:s25+$0xFFFFFE70];
	[tilespmem:s25+$0xFFFFFE10] =	vst v9;
	v7 =	vmul.f32 v7, v18  }
0x195: {  	v9 =	vld [tilespmem:s25+$0xFFFFFE80];
	[tilespmem:s25+$0xFFFFFE20] =	vst v1;
	v1 =	vmul.f32 v6, v18  }
0x196: {  	v6 =	vld [tilespmem:s25+$0xFFFFFE90];
	[tilespmem:s25+$0xFFFFFE30] =	vst v7;
	v13 =	vmul.f32 v13, v3  }
0x197: {  	v7 =	vmul.f32 v8, v18;
	v8 =	vld [tilespmem:s25+$0xFFFFFEA0];
	[tilespmem:s25+$0xFFFFFE40] =	vst v1  }
0x198: {  	v1 =	vmul.f32 v14, v18;
	[tilespmem:s25+$0x170] =	vst v13;
	v13 =	vld [tilespmem:s25+$0xFFFFFEB0]  }
0x199: {  	[tilespmem:s25+$0xFFFFFE50] =	vst v7;
	v7 =	vmul.f32 v11, v18;
	v11 =	vld [tilespmem:s25+$0xFFFFFEC0]  }
0x19a: {  	[tilespmem:s25+$0xFFFFFE60] =	vst v1;
	v1 =	vmul.f32 v9, v17;
	v9 =	vld [tilespmem:s25+$0xFFFFFED0]  }
0x19b: {  	[tilespmem:s25+$0xFFFFFE70] =	vst v7;
	v6 =	vmul.f32 v6, v17;
	v7 =	vld [tilespmem:s25+$0xFFFFFEE0]  }
0x19c: {  	[tilespmem:s25+$0xFFFFFE80] =	vst v1;
	v1 =	vmul.f32 v8, v17;
	v8 =	vld [tilespmem:s25+$0xFFFFFEF0]  }
0x19d: {  	[tilespmem:s25+$0xFFFFFE90] =	vst v6;
	v6 =	vmul.f32 v13, v17;
	v13 =	vld [tilespmem:s25+$0xFFFFFF00]  }
0x19e: {  	[tilespmem:s25+$0xFFFFFEA0] =	vst v1;
	v1 =	vmul.f32 v11, v17;
	v11 =	vld [tilespmem:s25+$0xFFFFFF10]  }
0x19f: {  	[tilespmem:s25+$0xFFFFFEB0] =	vst v6;
	v6 =	vmul.f32 v9, v17;
	v9 =	vld [tilespmem:s25+$0xFFFFFF20]  }
0x1a0: {  	[tilespmem:s25+$0xFFFFFEC0] =	vst v1;
	v1 =	vmul.f32 v7, v17;
	v7 =	vld [tilespmem:s25+$0xFFFFFF30]  }
0x1a1: {  	[tilespmem:s25+$0xFFFFFED0] =	vst v6;
	v6 =	vmul.f32 v8, v17;
	v8 =	vld [tilespmem:s25+$0xFFFFFF40]  }
0x1a2: {  	[tilespmem:s25+$0xFFFFFEE0] =	vst v1;
	v1 =	vmul.f32 v13, v10;
	v13 =	vld [tilespmem:s25+$0xFFFFFF50]  }
0x1a3: {  	[tilespmem:s25+$0xFFFFFEF0] =	vst v6;
	v6 =	vmul.f32 v11, v10;
	v11 =	vld [tilespmem:s25+$0xFFFFFF60]  }
0x1a4: {  	[tilespmem:s25+$0xFFFFFF00] =	vst v1;
	v1 =	vmul.f32 v9, v10;
	v9 =	vld [tilespmem:s25+$0xFFFFFF70]  }
0x1a5: {  	[tilespmem:s25+$0xFFFFFF10] =	vst v6;
	v6 =	vmul.f32 v7, v10;
	v7 =	vld [tilespmem:s25+$0xFFFFFF80]  }
0x1a6: {  	[tilespmem:s25+$0xFFFFFF20] =	vst v1;
	v1 =	vmul.f32 v8, v10;
	v8 =	vld [tilespmem:s25+$0xFFFFFF90]  }
0x1a7: {  	[tilespmem:s25+$0xFFFFFF30] =	vst v6;
	v6 =	vmul.f32 v13, v10;
	v13 =	vld [tilespmem:s25+$0xFFFFFFA0]  }
0x1a8: {  	[tilespmem:s25+$0xFFFFFF40] =	vst v1;
	v1 =	vmul.f32 v11, v10;
	v11 =	vld [tilespmem:s25+$0xFFFFFFB0]  }
0x1a9: {  	[tilespmem:s25+$0xFFFFFF50] =	vst v6;
	v6 =	vmul.f32 v9, v10;
	v9 =	vld [tilespmem:s25+$0xFFFFFFC0]  }
0x1aa: {  	[tilespmem:s25+$0xFFFFFF60] =	vst v1;
	v1 =	vmul.f32 v7, v12;
	v7 =	vld [tilespmem:s25+$0xFFFFFFD0]  }
0x1ab: {  	[tilespmem:s25+$0xFFFFFF70] =	vst v6;
	v6 =	vmul.f32 v8, v12;
	v8 =	vld [tilespmem:s25+$0xFFFFFFE0]  }
0x1ac: {  	v10 =	vld [tilespmem:s25+$0xFFFFFFF0];
	[tilespmem:s25+$0xFFFFFF80] =	vst v1;
	v1 =	vmul.f32 v13, v12  }
0x1ad: {  	[tilespmem:s25+$0xFFFFFF90] =	vst v6;
	v6 =	vmul.f32 v11, v12;
	v11 =	vld [tilespmem:s25+$0x0]  }
0x1ae: {  	[tilespmem:s25+$0xFFFFFFA0] =	vst v1;
	v1 =	vmul.f32 v9, v12;
	v9 =	vld [tilespmem:s25+$0x10]  }
0x1af: {  	[tilespmem:s25+$0xFFFFFFB0] =	vst v6;
	v6 =	vmul.f32 v7, v12;
	v7 =	vld [tilespmem:s25+$0x20]  }
0x1b0: {  	[tilespmem:s25+$0xFFFFFFC0] =	vst v1;
	v1 =	vmul.f32 v8, v12;
	v8 =	vld [tilespmem:s25+$0x30]  }
0x1b1: {  	[tilespmem:s25+$0xFFFFFFD0] =	vst v6;
	v6 =	vmul.f32 v10, v12;
	v10 =	vld [tilespmem:s25+$0x40]  }
0x1b2: {  	[tilespmem:s25+$0xFFFFFFE0] =	vst v1;
	v1 =	vmul.f32 v11, v5;
	v11 =	vld [tilespmem:s25+$0x50]  }
0x1b3: {  	[tilespmem:s25+$0xFFFFFFF0] =	vst v6;
	v6 =	vmul.f32 v9, v5;
	v9 =	vld [tilespmem:s25+$0x60]  }
0x1b4: {  	[tilespmem:s25+$0x0] =	vst v1;
	v1 =	vmul.f32 v7, v5;
	v7 =	vld [tilespmem:s25+$0x70]  }
0x1b5: {  	[tilespmem:s25+$0x10] =	vst v6;
	v6 =	vmul.f32 v8, v5;
	v8 =	vld [tilespmem:s25+$0x80]  }
0x1b6: {  	[tilespmem:s25+$0x20] =	vst v1;
	v1 =	vmul.f32 v10, v5;
	v10 =	vld [tilespmem:s25+$0x90]  }
0x1b7: {  	[tilespmem:s25+$0x30] =	vst v6;
	v6 =	vmul.f32 v11, v5;
	v11 =	vld [tilespmem:s25+$0xA0]  }
0x1b8: {  	[tilespmem:s25+$0x40] =	vst v1;
	v1 =	vmul.f32 v9, v5;
	v9 =	vld [tilespmem:s25+$0xB0]  }
0x1b9: {  	[tilespmem:s25+$0x50] =	vst v6;
	v5 =	vmul.f32 v7, v5;
	v6 =	vld [tilespmem:s25+$0xC0]  }
0x1ba: {  	v7 =	vld [tilespmem:s25+$0xD0];
	[tilespmem:s25+$0x60] =	vst v1;
	v1 =	vmul.f32 v8, v4  }
0x1bb: {  	v8 =	vld [tilespmem:s25+$0xE0];
	[tilespmem:s25+$0x70] =	vst v5;
	v5 =	vmul.f32 v10, v4  }
0x1bc: {  	v10 =	vld [tilespmem:s25+$0xF0];
	[tilespmem:s25+$0x80] =	vst v1;
	v1 =	vmul.f32 v11, v4  }
0x1bd: {  	[tilespmem:s25+$0x90] =	vst v5;
	v5 =	vmul.f32 v9, v4;
	v9 =	vld [tilespmem:s25+$0x100]  }
0x1be: {  	[tilespmem:s25+$0xA0] =	vst v1;
	v1 =	vmul.f32 v6, v4;
	v6 =	vld [tilespmem:s25+$0x110]  }
0x1bf: {  	[tilespmem:s25+$0xB0] =	vst v5;
	v5 =	vmul.f32 v7, v4;
	v7 =	vld [tilespmem:s25+$0x120]  }
0x1c0: {  	[tilespmem:s25+$0xC0] =	vst v1;
	v1 =	vmul.f32 v8, v4;
	v8 =	vld [tilespmem:s25+$0x130]  }
0x1c1: {  	v4 =	vmul.f32 v10, v4;
	[tilespmem:s25+$0xD0] =	vst v5;
	v5 =	vld [tilespmem:s25+$0x140]  }
0x1c2: {  	[tilespmem:s25+$0xE0] =	vst v1;
	v1 =	vmul.f32 v9, v3;
	v9 =	vld [tilespmem:s25+$0x150]  }
0x1c3: {  	[tilespmem:s25+$0xF0] =	vst v4;
	v4 =	vmul.f32 v6, v3;
	v6 =	vld [tilespmem:s25+$0x160]  }
0x1c4: {  	[tilespmem:s25+$0x100] =	vst v1;
	v1 =	vmul.f32 v7, v3;
	v7 =	vld [tilespmem:s25+$0x180]  }
0x1c5: {  	[tilespmem:s25+$0x110] =	vst v4;
	v4 =	vmul.f32 v8, v3;
	v8 =	vld [tilespmem:s25+$0x190]  }
0x1c6: {  	[tilespmem:s25+$0x120] =	vst v1;
	v1 =	vmul.f32 v5, v3;
	v5 =	vld [tilespmem:s25+$0x1A0]  }
0x1c7: {  	[tilespmem:s25+$0x130] =	vst v4;
	v4 =	vmul.f32 v9, v3;
	v9 =	vld [tilespmem:s25+$0x1B0]  }
0x1c8: {  	[tilespmem:s25+$0x140] =	vst v1;
	v1 =	vmul.f32 v6, v3;
	v3 =	vld [tilespmem:s25+$0x1C0]  }
0x1c9: {  	v6 =	vld [tilespmem:s25+$0x1D0];
	[tilespmem:s25+$0x150] =	vst v4;
	v4 =	vmul.f32 v7, v2  }
0x1ca: {  	v7 =	vld [tilespmem:s25+$0x1E0];
	[tilespmem:s25+$0x160] =	vst v1;
	v1 =	vmul.f32 v8, v2  }
0x1cb: {  	[tilespmem:s25+$0x180] =	vst v4;
	v4 =	vmul.f32 v5, v2;
	v5 =	vld [tilespmem:s25+$0x1F0]  }
0x1cc: {  	[tilespmem:s25+$0x190] =	vst v1;
	v1 =	vmul.f32 v9, v2  }
0x1cd: {  	[tilespmem:s25+$0x1A0] =	vst v4;
	v3 =	vmul.f32 v3, v2  }
0x1ce: {  	[tilespmem:s25+$0x1B0] =	vst v1;
	v1 =	vmul.f32 v6, v2  }
0x1cf: {  	[tilespmem:s25+$0x1C0] =	vst v3;
	v3 =	vmul.f32 v7, v2  }
0x1d0: {  	[tilespmem:s25+$0x1D0] =	vst v1;
	v1 =	vmul.f32 v5, v2  }
0x1d1: {  	[tilespmem:s25+$0x1E0] =	vst v3  }
0x1d2: {  	[tilespmem:s25+$0x1F0] =	vst v1  }
0x1d3: {  	[spmem:s2] =	stream.indirect.scatter.add.f32 [tilespmem:s29], [sflag:$0x5], $0x80, s14, s7, $0xb8;
	[tilespmem:$0x1F900] =	vst v63  }
0x1d4: {  	_ =	swait.ge [sflag:s18], $0x60  }
0x1d5: {  	[sflag:s18] =	ssyncset.done $0x0  }
0x1d6: {  	[sflag:s18] =	ssyncadd.s32 $0xFFFFFFA0  }
0x1d7: {  	_ =	swait.ge [sflag:s18], $0x60  }
0x1d8: {  	[sflag:s18] =	ssyncset.done $0x0  }
0x1d9: {  	[sflag:s18] =	ssyncadd.s32 $0xFFFFFFA0  }
0x1da: {  	_ =	swait.ge [sflag:s19], $0x60  }
0x1db: {  	[sflag:s19] =	ssyncset.done $0x0  }
0x1dc: {  	[sflag:s19] =	ssyncadd.s32 $0xFFFFFFA0  }
0x1dd: {  	_ =	swait.ge [sflag:s19], $0x3000  }
0x1de: {  	[sflag:s19] =	ssyncset.done $0x0  }
0x1df: {  	[sflag:s19] =	ssyncadd.s32 $0xFFFFD000  }
0x1e0: {  	[tilespmem:s29], [sflag:$0x1] =	stream.indirect.gather [hbm4b:s6+s7], $0x80, s31, s7, $0xb8;
	[tilespmem:$0x1F900] =	vst v63  }
0x1e1: {  	v1 =	vld [tilespmem:$0x5080]  }
0x1e2: {  	v2 =	vld [tilespmem:$0x5180];
	_ =	sdelay $0x5  }
0x1e3: {  	s10 =	simm.s32 $0x0;
	[tilespmem:$0x5280] =	vst v2  }
0x1e4: {  	v1 =	vld.idx.msk [tilespmem:v1+s10+$0x0], $0xffff  }
0x1e5: {  	v2 =	vld.idx.msk [tilespmem:v2+s0+$0x0], $0xffff;
	_ =	sdelay $0x4  }
0x1e6: {  	v1 =	vadd.f32 v2, v1;
	_ =	sdelay $0x1  }
0x1e7: {  	v2 =	vmul.f32 $2.000000030e-01, v1  }
0x1e8: {  	vm0 =	vge.f32 v1, $0.0e+00  }
0x1e9: {  	v1 =	vsel vm0, v1, v2  }
0x1ea: {  	v1 =	vmul.f32 $1.442695020e+00, v1;
	_ =	sdelay $0x1  }
0x1eb: {  	(erf) = vpow2.f32 v1;
	_ =	sdelay $0x2  }
0x1ec: {  	v1 =	vld [tilespmem:$0x5090]  }
0x1ed: {  	v2 =	vld [tilespmem:$0x5190];
	_ =	sdelay $0x4  }
0x1ee: {  	[tilespmem:$0x5290] =	vst v2;
	v3 =	vpop (erf)  }
0x1ef: {  	[tilespmem:$0x5380] =	vst v3  }
0x1f0: {  	v1 =	vld.idx.msk [tilespmem:v1+s10+$0x0], $0xffff  }
0x1f1: {  	v2 =	vld.idx.msk [tilespmem:v2+s0+$0x0], $0xffff;
	_ =	sdelay $0x4  }
0x1f2: {  	v1 =	vadd.f32 v2, v1;
	_ =	sdelay $0x1  }
0x1f3: {  	v2 =	vmul.f32 $2.000000030e-01, v1  }
0x1f4: {  	vm11 =	vge.f32 v1, $0.0e+00  }
0x1f5: {  	v1 =	vsel vm11, v1, v2  }
0x1f6: {  	v1 =	vmul.f32 $1.442695020e+00, v1;
	_ =	sdelay $0x1  }
0x1f7: {  	(erf) = vpow2.f32 v1;
	_ =	sdelay $0x2  }
0x1f8: {  	v1 =	vld [tilespmem:$0x50A0]  }
0x1f9: {  	v2 =	vld [tilespmem:$0x51A0];
	_ =	sdelay $0x4  }
0x1fa: {  	[tilespmem:$0x52A0] =	vst v2;
	v3 =	vpop (erf)  }
0x1fb: {  	[tilespmem:$0x5390] =	vst v3  }
0x1fc: {  	v1 =	vld.idx.msk [tilespmem:v1+s10+$0x0], $0xffff  }
0x1fd: {  	v2 =	vld.idx.msk [tilespmem:v2+s0+$0x0], $0xffff;
	_ =	sdelay $0x4  }
0x1fe: {  	v1 =	vadd.f32 v2, v1;
	_ =	sdelay $0x1  }
0x1ff: {  	v2 =	vmul.f32 $2.000000030e-01, v1  }
0x200: {  	vm12 =	vge.f32 v1, $0.0e+00  }
0x201: {  	v1 =	vsel vm12, v1, v2  }
0x202: {  	v1 =	vmul.f32 $1.442695020e+00, v1;
	_ =	sdelay $0x1  }
0x203: {  	(erf) = vpow2.f32 v1;
	_ =	sdelay $0x2  }
0x204: {  	v1 =	vld [tilespmem:$0x50B0]  }
0x205: {  	v2 =	vld [tilespmem:$0x51B0];
	_ =	sdelay $0x4  }
0x206: {  	[tilespmem:$0x52B0] =	vst v2;
	v3 =	vpop (erf)  }
0x207: {  	[tilespmem:$0x53A0] =	vst v3  }
0x208: {  	v1 =	vld.idx.msk [tilespmem:v1+s10+$0x0], $0xffff  }
0x209: {  	v2 =	vld.idx.msk [tilespmem:v2+s0+$0x0], $0xffff;
	_ =	sdelay $0x4  }
0x20a: {  	v1 =	vadd.f32 v2, v1;
	_ =	sdelay $0x1  }
0x20b: {  	v2 =	vmul.f32 $2.000000030e-01, v1  }
0x20c: {  	vm13 =	vge.f32 v1, $0.0e+00  }
0x20d: {  	v1 =	vsel vm13, v1, v2  }
0x20e: {  	v1 =	vmul.f32 $1.442695020e+00, v1;
	_ =	sdelay $0x1  }
0x20f: {  	(erf) = vpow2.f32 v1;
	_ =	sdelay $0x2  }
0x210: {  	v1 =	vld [tilespmem:$0x50C0]  }
0x211: {  	v2 =	vld [tilespmem:$0x51C0];
	_ =	sdelay $0x4  }
0x212: {  	[tilespmem:$0x52C0] =	vst v2;
	v3 =	vpop (erf)  }
0x213: {  	[tilespmem:$0x53B0] =	vst v3  }
0x214: {  	v1 =	vld.idx.msk [tilespmem:v1+s10+$0x0], $0xffff  }
0x215: {  	v2 =	vld.idx.msk [tilespmem:v2+s0+$0x0], $0xffff;
	_ =	sdelay $0x4  }
0x216: {  	v1 =	vadd.f32 v2, v1;
	_ =	sdelay $0x1  }
0x217: {  	v2 =	vmul.f32 $2.000000030e-01, v1  }
0x218: {  	vm14 =	vge.f32 v1, $0.0e+00  }
0x219: {  	v1 =	vsel vm14, v1, v2  }
0x21a: {  	v1 =	vmul.f32 $1.442695020e+00, v1;
	_ =	sdelay $0x1  }
0x21b: {  	(erf) = vpow2.f32 v1;
	_ =	sdelay $0x2  }
0x21c: {  	v1 =	vld [tilespmem:$0x50D0]  }
0x21d: {  	v2 =	vld [tilespmem:$0x51D0];
	_ =	sdelay $0x4  }
0x21e: {  	[tilespmem:$0x52D0] =	vst v2;
	v3 =	vpop (erf)  }
0x21f: {  	[tilespmem:$0x53C0] =	vst v3  }
0x220: {  	v1 =	vld.idx.msk [tilespmem:v1+s10+$0x0], $0xffff  }
0x221: {  	v2 =	vld.idx.msk [tilespmem:v2+s0+$0x0], $0xffff;
	_ =	sdelay $0x4  }
0x222: {  	v1 =	vadd.f32 v2, v1;
	_ =	sdelay $0x1  }
0x223: {  	v2 =	vmul.f32 $2.000000030e-01, v1  }
0x224: {  	vm15 =	vge.f32 v1, $0.0e+00  }
0x225: {  	v1 =	vsel vm15, v1, v2  }
0x226: {  	v1 =	vmul.f32 $1.442695020e+00, v1;
	_ =	sdelay $0x1  }
0x227: {  	(erf) = vpow2.f32 v1;
	_ =	sdelay $0x8  }
0x228: {  	s4 =	smin.u32 s16, $0x68;
	v1 =	vpop (erf)  }
0x229: {  	s4 =	smul.u32 $0x60, s4;
	s25 =	simm.s32 $0x6;
	[tilespmem:$0x53D0] =	vst v1;
	v1 =	vmov s10  }
0x22a: {  	v2 =	vmov s25;
	[spmem:s3] =	stream.indirect.scatter.add.f32 [tilespmem:s23], [sflag:$0x6], $0x1, s20, s7, $0xb8;
	v1 =	vand.u32 $0xFFFFFFF8, v1;
	[tilespmem:$0x1F900] =	vst v63  }
0x22b: {  	s4 =	sadd.s32 s4, s22;
	v2 =	vand.u32 $0xFFFFFFFE, v2;
	_ =	swait.ge [sflag:s24], $0x3000;
	v1 =	vbroadcast v1, $0x0  }
0x22c: {  	s4 =	sshrl.u32 s4, $0x3;
	v2 =	vbroadcast v2, $0x0;
	[sflag:s24] =	ssyncset.done $0x0  }
0x22d: {  	s11 =	sadd.s32 s1, s4;
	[sflag:s24] =	ssyncadd.s32 $0xFFFFD000  }
0x22e: {  	[tilespmem:s8], [sflag:$0x4] =	stream.linear.gather [hbm4b:s11+s10], $0x60, $0x38;
	[tilespmem:$0x1F900] =	vst v63  }
0x22f: {  	s16 =	simm.s32 $0x5180;
	s4 =	sadd.s32 s9, s4  }
0x230: {  	[tilespmem:s16], [sflag:$0x4] =	stream.linear.gather [hbm4b:s4+s10], $0x60, $0x38;
	[tilespmem:$0x1F900] =	vst v63  }
0x231: {  	v1 =	vld.idx.msk [tilespmem:v1+s23+$0x0], $0xffff  }
0x232: {  	s25 =	simm.s32 $0x1;
	s10 =	simm.s32 $0x8600;
	v2 =	vld.idx.msk [tilespmem:v2+s23+$0x0], $0xffff  }
0x233: {  	v3 =	vmov s25;
	v4 =	vld [tilespmem:s10+$0x170]  }
0x234: {  	v3 =	vand.u32 $0xFFFFFFF9, v3;
	v5 =	vld [tilespmem:s10+$0xFFFFFE00]  }
0x235: {  	v3 =	vbroadcast v3, $0x0;
	v6 =	vld [tilespmem:s10+$0xFFFFFE10]  }
0x236: {  	v7 =	vld [tilespmem:s10+$0xFFFFFE20]  }
0x237: {  	v8 =	vld [tilespmem:s10+$0xFFFFFE30]  }
0x238: {  	v9 =	vld [tilespmem:s10+$0xFFFFFE40]  }
0x239: {  	v10 =	vld [tilespmem:s10+$0xFFFFFE50]  }
0x23a: {  	v11 =	vld [tilespmem:s10+$0xFFFFFE60]  }
0x23b: {  	v3 =	vld.idx.msk [tilespmem:v3+s23+$0x0], $0xffff  }
0x23c: {  	v12 =	vld [tilespmem:s10+$0xFFFFFE70]  }
0x23d: {  	v13 =	vld [tilespmem:s10+$0xFFFFFE80];
	v5 =	vmul.f32 v5, v1  }
0x23e: {  	v14 =	vld [tilespmem:s10+$0xFFFFFE90];
	v4 =	vmul.f32 v4, v2  }
0x23f: {  	v15 =	vld [tilespmem:s10+$0xFFFFFEA0];
	v6 =	vmul.f32 v6, v1;
	[tilespmem:s10+$0xFFFFFE00] =	vst v5  }
0x240: {  	s5 =	simm.s32 $0x2;
	v16 =	vld [tilespmem:s10+$0xFFFFFEB0];
	v8 =	vmul.f32 v8, v1;
	[tilespmem:s10+$0x170] =	vst v4  }
0x241: {  	v9 =	vmul.f32 v9, v1;
	v5 =	vmov s5;
	v4 =	vmul.f32 v7, v1;
	v7 =	vld [tilespmem:s10+$0xFFFFFEC0];
	[tilespmem:s10+$0xFFFFFE10] =	vst v6  }
0x242: {  	v6 =	vmul.f32 v13, v3;
	v13 =	vld [tilespmem:s10+$0xFFFFFED0];
	[tilespmem:s10+$0xFFFFFE30] =	vst v8;
	v5 =	vand.u32 $0xFFFFFFFA, v5  }
0x243: {  	v8 =	vmul.f32 v10, v1;
	v10 =	vld [tilespmem:s10+$0xFFFFFEF0];
	[tilespmem:s10+$0xFFFFFE40] =	vst v9;
	v5 =	vbroadcast v5, $0x0  }
0x244: {  	v9 =	vmul.f32 v11, v1;
	v11 =	vld [tilespmem:s10+$0xFFFFFF00];
	[tilespmem:s10+$0xFFFFFE20] =	vst v4  }
0x245: {  	v1 =	vmul.f32 v12, v1;
	v12 =	vld [tilespmem:s10+$0xFFFFFF20];
	[tilespmem:s10+$0xFFFFFE80] =	vst v6  }
0x246: {  	s11 =	simm.s32 $0x3;
	v4 =	vld [tilespmem:s10+$0xFFFFFEE0];
	[tilespmem:s10+$0xFFFFFE50] =	vst v8  }
0x247: {  	v6 =	vmov s11;
	v8 =	vld [tilespmem:s10+$0xFFFFFF10];
	[tilespmem:s10+$0xFFFFFE60] =	vst v9;
	v9 =	vmul.f32 v14, v3  }
0x248: {  	[tilespmem:s10+$0xFFFFFE70] =	vst v1;
	v1 =	vmul.f32 v15, v3;
	v14 =	vld [tilespmem:s10+$0xFFFFFF30];
	v6 =	vand.u32 $0xFFFFFFFB, v6  }
0x249: {  	v6 =	vbroadcast v6, $0x0;
	[tilespmem:s10+$0xFFFFFE90] =	vst v9;
	v9 =	vmul.f32 v16, v3;
	v5 =	vld.idx.msk [tilespmem:v5+s23+$0x0], $0xffff  }
0x24a: {  	v15 =	vld [tilespmem:s10+$0xFFFFFF40];
	[tilespmem:s10+$0xFFFFFEA0] =	vst v1;
	v7 =	vmul.f32 v7, v3  }
0x24b: {  	v13 =	vmul.f32 v13, v3;
	[tilespmem:s10+$0xFFFFFEB0] =	vst v9;
	v9 =	vld [tilespmem:s10+$0xFFFFFF60]  }
0x24c: {  	[tilespmem:s10+$0xFFFFFEC0] =	vst v7;
	v4 =	vmul.f32 v4, v3;
	v7 =	vld [tilespmem:s10+$0xFFFFFF70]  }
0x24d: {  	[tilespmem:s10+$0xFFFFFED0] =	vst v13;
	v3 =	vmul.f32 v10, v3;
	v10 =	vld [tilespmem:s10+$0xFFFFFF80]  }
0x24e: {  	v13 =	vld [tilespmem:s10+$0xFFFFFFB0];
	[tilespmem:s10+$0xFFFFFEE0] =	vst v4;
	v1 =	vmul.f32 v11, v5  }
0x24f: {  	[tilespmem:s10+$0xFFFFFEF0] =	vst v3;
	v6 =	vld.idx.msk [tilespmem:v6+s23+$0x0], $0xffff;
	v4 =	vmul.f32 v8, v5  }
0x250: {  	s16 =	simm.s32 $0x4;
	v11 =	vld [tilespmem:s10+$0xFFFFFF50];
	v3 =	vmul.f32 v12, v5;
	[tilespmem:s10+$0xFFFFFF00] =	vst v1  }
0x251: {  	v8 =	vld [tilespmem:s10+$0xFFFFFF90];
	v9 =	vmul.f32 v9, v5;
	v1 =	vmov s16;
	[tilespmem:s10+$0xFFFFFF10] =	vst v4  }
0x252: {  	v12 =	vld [tilespmem:s10+$0xFFFFFFA0];
	v4 =	vmul.f32 v14, v5;
	[tilespmem:s10+$0xFFFFFF20] =	vst v3;
	v1 =	vand.u32 $0xFFFFFFFC, v1  }
0x253: {  	v3 =	vmul.f32 v15, v5;
	v14 =	vld [tilespmem:s10+$0xFFFFFFC0];
	[tilespmem:s10+$0xFFFFFF60] =	vst v9;
	v1 =	vbroadcast v1, $0x0  }
0x254: {  	v9 =	vld [tilespmem:s10+$0x0];
	[tilespmem:s10+$0xFFFFFF30] =	vst v4;
	v4 =	vmul.f32 v10, v6  }
0x255: {  	s25 =	simm.s32 $0x5;
	v10 =	vld [tilespmem:s10+$0xFFFFFFD0];
	[tilespmem:s10+$0xFFFFFF40] =	vst v3;
	v11 =	vmul.f32 v11, v5  }
0x256: {  	v3 =	vld [tilespmem:s10+$0xFFFFFFE0];
	v5 =	vmul.f32 v7, v5;
	[tilespmem:s10+$0xFFFFFF80] =	vst v4;
	v4 =	vmov s25  }
0x257: {  	v7 =	vld [tilespmem:s10+$0xFFFFFFF0];
	v8 =	vmul.f32 v8, v6;
	[tilespmem:s10+$0xFFFFFF50] =	vst v11;
	v4 =	vand.u32 $0xFFFFFFFD, v4  }
0x258: {  	[tilespmem:s10+$0xFFFFFF70] =	vst v5;
	v5 =	vmul.f32 v12, v6;
	v11 =	vld [tilespmem:s10+$0x10];
	v4 =	vbroadcast v4, $0x0  }
0x259: {  	[tilespmem:s10+$0xFFFFFF90] =	vst v8;
	v8 =	vmul.f32 v13, v6;
	v1 =	vld.idx.msk [tilespmem:v1+s23+$0x0], $0xffff  }
0x25a: {  	v12 =	vld [tilespmem:s10+$0x20];
	[tilespmem:s10+$0xFFFFFFA0] =	vst v5;
	v5 =	vmul.f32 v14, v6  }
0x25b: {  	v13 =	vld [tilespmem:s10+$0x30];
	[tilespmem:s10+$0xFFFFFFB0] =	vst v8;
	v8 =	vmul.f32 v10, v6  }
0x25c: {  	v10 =	vld [tilespmem:s10+$0x40];
	v3 =	vmul.f32 v3, v6;
	[tilespmem:s10+$0xFFFFFFC0] =	vst v5  }
0x25d: {  	v6 =	vmul.f32 v7, v6;
	[tilespmem:s10+$0xFFFFFFD0] =	vst v8;
	v8 =	vld [tilespmem:s10+$0x60]  }
0x25e: {  	[tilespmem:s10+$0xFFFFFFE0] =	vst v3;
	v4 =	vld.idx.msk [tilespmem:v4+s23+$0x0], $0xffff;
	v5 =	vmul.f32 v9, v1  }
0x25f: {  	[tilespmem:s10+$0xFFFFFFF0] =	vst v6;
	v9 =	vld [tilespmem:s10+$0x50];
	v6 =	vmul.f32 v12, v1  }
0x260: {  	v3 =	vmul.f32 v11, v1;
	v11 =	vld [tilespmem:s10+$0x90];
	[tilespmem:s10+$0x0] =	vst v5  }
0x261: {  	v7 =	vld [tilespmem:s10+$0x80];
	[tilespmem:s10+$0x20] =	vst v6;
	v6 =	vmul.f32 v10, v1  }
0x262: {  	v5 =	vld [tilespmem:s10+$0x70];
	[tilespmem:s10+$0x10] =	vst v3;
	v3 =	vmul.f32 v13, v1  }
0x263: {  	v10 =	vld [tilespmem:s10+$0xA0];
	[tilespmem:s10+$0x40] =	vst v6;
	v6 =	vmul.f32 v8, v1  }
0x264: {  	[tilespmem:s10+$0x30] =	vst v3;
	v8 =	vld [tilespmem:s10+$0xC0];
	v3 =	vmul.f32 v9, v1  }
0x265: {  	v9 =	vld [tilespmem:s10+$0xB0];
	v11 =	vmul.f32 v11, v4;
	[tilespmem:s10+$0x60] =	vst v6  }
0x266: {  	s5 =	simm.s32 $0x7;
	v6 =	vld [tilespmem:s10+$0xE0];
	[tilespmem:s10+$0x50] =	vst v3;
	v3 =	vmul.f32 v7, v4  }
0x267: {  	v12 =	vmov s5;
	v7 =	vld [tilespmem:s10+$0xD0];
	v5 =	vmul.f32 v5, v1;
	[tilespmem:s10+$0x90] =	vst v11  }
0x268: {  	v11 =	vld [tilespmem:s10+$0x150];
	[tilespmem:s10+$0x80] =	vst v3  }
0x269: {  	[tilespmem:s10+$0x70] =	vst v5;
	v3 =	vmul.f32 v10, v4;
	v5 =	vld [tilespmem:s10+$0xF0]  }
0x26a: {  	v10 =	vld [tilespmem:s10+$0x100];
	v9 =	vmul.f32 v9, v4  }
0x26b: {  	[tilespmem:s10+$0xA0] =	vst v3;
	v3 =	vmul.f32 v8, v4;
	v8 =	vld [tilespmem:s10+$0x110]  }
0x26c: {  	v1 =	vld.idx.msk [tilespmem:v12+s23+$0x0], $0xffff;
	[tilespmem:s10+$0xB0] =	vst v9;
	v7 =	vmul.f32 v7, v4  }
0x26d: {  	v9 =	vld [tilespmem:s10+$0x120];
	v11 =	vmul.f32 v11, v2;
	[tilespmem:s10+$0xC0] =	vst v3  }
0x26e: {  	s25 =	simm.s32 $0x9;
	v3 =	vmul.f32 v6, v4;
	v6 =	vld [tilespmem:s10+$0x130];
	[tilespmem:s10+$0xD0] =	vst v7;
	v4 =	vmul.f32 v5, v4  }
0x26f: {  	s11 =	simm.s32 $0x8;
	v12 =	vmov s25;
	v5 =	vld [tilespmem:s10+$0x140];
	[tilespmem:s10+$0x150] =	vst v11  }
0x270: {  	s25 =	simm.s32 $0xD;
	v7 =	vmov s11;
	v10 =	vmul.f32 v10, v2;
	s11 =	simm.s32 $0xA;
	[tilespmem:s10+$0xF0] =	vst v4;
	v4 =	vmul.f32 v8, v2;
	v8 =	vld [tilespmem:s10+$0x160]  }
0x271: {  	s16 =	simm.s32 $0xF;
	v14 =	vld [tilespmem:s10+$0x180];
	v63 =	vmov s25;
	[tilespmem:s10+$0xE0] =	vst v3;
	v7 =	vand.u32 $0xFFFFFFF8, v7;
	v13 =	vmov s11;
	s11 =	simm.s32 $0xB  }
0x272: {  	v17 =	vld [tilespmem:s10+$0x190];
	v3 =	vmov s16;
	s16 =	simm.s32 $0xC;
	[tilespmem:s10+$0x100] =	vst v10;
	v10 =	vmov s11;
	v9 =	vmul.f32 v9, v2  }
0x273: {  	v15 =	vmov s16;
	[tilespmem:s10+$0x110] =	vst v4;
	v16 =	vmul.f32 v6, v2;
	v4 =	vbroadcast v7, $0x0;
	v6 =	vld [tilespmem:s10+$0x1A0]  }
0x274: {  	v7 =	vld [tilespmem:s10+$0x1B0];
	[tilespmem:s10+$0x120] =	vst v9;
	v9 =	vmul.f32 v5, v2;
	v5 =	vand.u32 $0xFFFFFFF9, v12;
	v12 =	vand.u32 $0xFFFFFFFA, v13  }
0x275: {  	v13 =	vand.u32 $0xFFFFFFFB, v10;
	[tilespmem:s10+$0x130] =	vst v16;
	v5 =	vbroadcast v5, $0x0;
	v16 =	vmul.f32 v8, v2;
	v8 =	vld [tilespmem:s10+$0x1C0]  }
0x276: {  	v10 =	vbroadcast v12, $0x0;
	[tilespmem:s10+$0x140] =	vst v9;
	v2 =	vand.u32 $0xFFFFFFFC, v15;
	v15 =	vmul.f32 v14, v1;
	v9 =	vld [tilespmem:s10+$0x1D0]  }
0x277: {  	s5 =	simm.s32 $0xE;
	v11 =	vld [tilespmem:s10+$0x1E0];
	s16 =	simm.s32 $0x10;
	v12 =	vbroadcast v13, $0x0;
	v13 =	vmul.f32 v17, v1;
	v14 =	vand.u32 $0xFFFFFFFD, v63;
	[tilespmem:s10+$0x160] =	vst v16  }
.LBB2_7:
0x278: {  	p0 =	slt.u32 s16, $0x58;
	v2 =	vbroadcast v2, $0x0;
	v16 =	vmov s5;
	[tilespmem:s10+$0x180] =	vst v15;
	v6 =	vmul.f32 v6, v1;
	v15 =	vld [tilespmem:s10+$0x1F0]  }
0x279: {  	v14 =	vbroadcast v14, $0x0;
	v16 =	vand.u32 $0xFFFFFFFE, v16;
	v17 =	vld.idx.msk [tilespmem:v3+s23+$0x0], $0xffff;
	[tilespmem:s10+$0x190] =	vst v13;
	v3 =	vmul.f32 v7, v1  }
0x27a: {  	v7 =	vld.idx.msk [tilespmem:v4+s23+$0x0], $0xffff;
	v13 =	vbroadcast v16, $0x0;
	[tilespmem:s10+$0x1A0] =	vst v6;
	v4 =	vmul.f32 v8, v1  }
0x27b: {  	v6 =	vld.idx.msk [tilespmem:v5+s23+$0x0], $0xffff;
	[tilespmem:s10+$0x1B0] =	vst v3;
	v3 =	vmul.f32 v9, v1  }
0x27c: {  	v8 =	vld.idx.msk [tilespmem:v10+s23+$0x0], $0xffff;
	[tilespmem:s10+$0x1C0] =	vst v4;
	v9 =	vmul.f32 v11, v1  }
0x27d: {  	v5 =	vld.idx.msk [tilespmem:v12+s23+$0x0], $0xffff;
	[tilespmem:s10+$0x1D0] =	vst v3;
	v10 =	vmul.f32 v15, v1  }
0x27e: {  	v4 =	vld.idx.msk [tilespmem:v2+s23+$0x0], $0xffff;
	[tilespmem:s10+$0x1E0] =	vst v9  }
0x27f: {  	v1 =	vmov v17;
	v3 =	vld.idx.msk [tilespmem:v14+s23+$0x0], $0xffff;
	[tilespmem:s10+$0x1F0] =	vst v10  }
0x280: {  	s10 =	sadd.s32 $0x400, s10;
	v2 =	vld.idx.msk [tilespmem:v13+s23+$0x0], $0xffff  }
0x281: {  	v9 =	vld [tilespmem:s10+$0x170]  }
0x282: {  	v10 =	vld [tilespmem:s10+$0xFFFFFE00]  }
0x283: {  	v11 =	vld [tilespmem:s10+$0xFFFFFE10]  }
0x284: {  	v12 =	vld [tilespmem:s10+$0xFFFFFE20]  }
0x285: {  	v13 =	vld [tilespmem:s10+$0xFFFFFE30]  }
0x286: {  	v14 =	vld [tilespmem:s10+$0xFFFFFE40];
	v9 =	vmul.f32 v9, v2  }
0x287: {  	v10 =	vmul.f32 v10, v7;
	v15 =	vld [tilespmem:s10+$0xFFFFFE50]  }
0x288: {  	v11 =	vmul.f32 v11, v7;
	v16 =	vld [tilespmem:s10+$0xFFFFFE60];
	[tilespmem:s10+$0x170] =	vst v9  }
0x289: {  	[tilespmem:s10+$0xFFFFFE00] =	vst v10;
	v9 =	vmul.f32 v12, v7;
	v10 =	vld [tilespmem:s10+$0xFFFFFE70]  }
0x28a: {  	[tilespmem:s10+$0xFFFFFE10] =	vst v11;
	v11 =	vmul.f32 v13, v7;
	v12 =	vld [tilespmem:s10+$0xFFFFFE80]  }
0x28b: {  	[tilespmem:s10+$0xFFFFFE20] =	vst v9;
	v9 =	vmul.f32 v14, v7;
	v13 =	vld [tilespmem:s10+$0xFFFFFE90]  }
0x28c: {  	[tilespmem:s10+$0xFFFFFE30] =	vst v11;
	v11 =	vmul.f32 v15, v7;
	v14 =	vld [tilespmem:s10+$0xFFFFFEA0]  }
0x28d: {  	[tilespmem:s10+$0xFFFFFE40] =	vst v9;
	v9 =	vmul.f32 v16, v7;
	v15 =	vld [tilespmem:s10+$0xFFFFFEB0]  }
0x28e: {  	[tilespmem:s10+$0xFFFFFE50] =	vst v11;
	v7 =	vmul.f32 v10, v7;
	v10 =	vld [tilespmem:s10+$0xFFFFFEC0]  }
0x28f: {  	[tilespmem:s10+$0xFFFFFE60] =	vst v9;
	v9 =	vmul.f32 v12, v6;
	v11 =	vld [tilespmem:s10+$0xFFFFFED0]  }
0x290: {  	[tilespmem:s10+$0xFFFFFE70] =	vst v7;
	v7 =	vmul.f32 v13, v6;
	v12 =	vld [tilespmem:s10+$0xFFFFFEE0]  }
0x291: {  	[tilespmem:s10+$0xFFFFFE80] =	vst v9;
	v9 =	vmul.f32 v14, v6;
	v13 =	vld [tilespmem:s10+$0xFFFFFEF0]  }
0x292: {  	[tilespmem:s10+$0xFFFFFE90] =	vst v7;
	v7 =	vmul.f32 v15, v6;
	v14 =	vld [tilespmem:s10+$0xFFFFFF00]  }
0x293: {  	[tilespmem:s10+$0xFFFFFEA0] =	vst v9;
	v9 =	vmul.f32 v10, v6;
	v10 =	vld [tilespmem:s10+$0xFFFFFF10]  }
0x294: {  	[tilespmem:s10+$0xFFFFFEB0] =	vst v7;
	v7 =	vmul.f32 v11, v6;
	v11 =	vld [tilespmem:s10+$0xFFFFFF20]  }
0x295: {  	[tilespmem:s10+$0xFFFFFEC0] =	vst v9;
	v9 =	vmul.f32 v12, v6;
	v12 =	vld [tilespmem:s10+$0xFFFFFF30]  }
0x296: {  	[tilespmem:s10+$0xFFFFFED0] =	vst v7;
	v6 =	vmul.f32 v13, v6;
	v7 =	vld [tilespmem:s10+$0xFFFFFF40]  }
0x297: {  	[tilespmem:s10+$0xFFFFFEE0] =	vst v9;
	v9 =	vmul.f32 v14, v8;
	v13 =	vld [tilespmem:s10+$0xFFFFFF50]  }
0x298: {  	[tilespmem:s10+$0xFFFFFEF0] =	vst v6;
	v6 =	vmul.f32 v10, v8;
	v10 =	vld [tilespmem:s10+$0xFFFFFF60]  }
0x299: {  	[tilespmem:s10+$0xFFFFFF00] =	vst v9;
	v9 =	vmul.f32 v11, v8;
	v11 =	vld [tilespmem:s10+$0xFFFFFF70]  }
0x29a: {  	[tilespmem:s10+$0xFFFFFF10] =	vst v6;
	v6 =	vmul.f32 v12, v8;
	v12 =	vld [tilespmem:s10+$0xFFFFFF80]  }
0x29b: {  	[tilespmem:s10+$0xFFFFFF20] =	vst v9;
	v7 =	vmul.f32 v7, v8;
	v9 =	vld [tilespmem:s10+$0xFFFFFF90]  }
0x29c: {  	[tilespmem:s10+$0xFFFFFF30] =	vst v6;
	v6 =	vmul.f32 v13, v8;
	v13 =	vld [tilespmem:s10+$0xFFFFFFA0]  }
0x29d: {  	[tilespmem:s10+$0xFFFFFF40] =	vst v7;
	v7 =	vmul.f32 v10, v8;
	v10 =	vld [tilespmem:s10+$0xFFFFFFB0]  }
0x29e: {  	[tilespmem:s10+$0xFFFFFF50] =	vst v6;
	v6 =	vmul.f32 v11, v8;
	v8 =	vld [tilespmem:s10+$0xFFFFFFC0]  }
0x29f: {  	[tilespmem:s10+$0xFFFFFF60] =	vst v7;
	v7 =	vmul.f32 v12, v5;
	v11 =	vld [tilespmem:s10+$0xFFFFFFD0]  }
0x2a0: {  	[tilespmem:s10+$0xFFFFFF70] =	vst v6;
	v6 =	vmul.f32 v9, v5;
	v9 =	vld [tilespmem:s10+$0xFFFFFFE0]  }
0x2a1: {  	[tilespmem:s10+$0xFFFFFF80] =	vst v7;
	v7 =	vmul.f32 v13, v5;
	v12 =	vld [tilespmem:s10+$0xFFFFFFF0]  }
0x2a2: {  	[tilespmem:s10+$0xFFFFFF90] =	vst v6;
	v6 =	vmul.f32 v10, v5;
	v10 =	vld [tilespmem:s10+$0x0]  }
0x2a3: {  	[tilespmem:s10+$0xFFFFFFA0] =	vst v7;
	v7 =	vmul.f32 v8, v5;
	v8 =	vld [tilespmem:s10+$0x10]  }
0x2a4: {  	[tilespmem:s10+$0xFFFFFFB0] =	vst v6;
	v6 =	vmul.f32 v11, v5;
	v11 =	vld [tilespmem:s10+$0x20]  }
0x2a5: {  	[tilespmem:s10+$0xFFFFFFC0] =	vst v7;
	v7 =	vmul.f32 v9, v5;
	v9 =	vld [tilespmem:s10+$0x30]  }
0x2a6: {  	[tilespmem:s10+$0xFFFFFFD0] =	vst v6;
	v5 =	vmul.f32 v12, v5;
	v6 =	vld [tilespmem:s10+$0x40]  }
0x2a7: {  	[tilespmem:s10+$0xFFFFFFE0] =	vst v7;
	v7 =	vmul.f32 v10, v4;
	v10 =	vld [tilespmem:s10+$0x50]  }
0x2a8: {  	[tilespmem:s10+$0xFFFFFFF0] =	vst v5;
	v5 =	vmul.f32 v8, v4;
	v8 =	vld [tilespmem:s10+$0x60]  }
0x2a9: {  	[tilespmem:s10+$0x0] =	vst v7;
	v7 =	vmul.f32 v11, v4;
	v11 =	vld [tilespmem:s10+$0x70]  }
0x2aa: {  	[tilespmem:s10+$0x10] =	vst v5;
	v5 =	vmul.f32 v9, v4;
	v9 =	vld [tilespmem:s10+$0x80]  }
0x2ab: {  	[tilespmem:s10+$0x20] =	vst v7;
	v6 =	vmul.f32 v6, v4;
	v7 =	vld [tilespmem:s10+$0x90]  }
0x2ac: {  	[tilespmem:s10+$0x30] =	vst v5;
	v5 =	vmul.f32 v10, v4;
	v10 =	vld [tilespmem:s10+$0xA0]  }
0x2ad: {  	[tilespmem:s10+$0x40] =	vst v6;
	v6 =	vmul.f32 v8, v4;
	v8 =	vld [tilespmem:s10+$0xB0]  }
0x2ae: {  	[tilespmem:s10+$0x50] =	vst v5;
	v4 =	vmul.f32 v11, v4;
	v5 =	vld [tilespmem:s10+$0xC0]  }
0x2af: {  	[tilespmem:s10+$0x60] =	vst v6;
	v6 =	vmul.f32 v9, v3;
	v9 =	vld [tilespmem:s10+$0xD0]  }
0x2b0: {  	[tilespmem:s10+$0x70] =	vst v4;
	v4 =	vmul.f32 v7, v3;
	v7 =	vld [tilespmem:s10+$0xE0]  }
0x2b1: {  	[tilespmem:s10+$0x80] =	vst v6;
	v6 =	vmul.f32 v10, v3;
	v10 =	vld [tilespmem:s10+$0xF0]  }
0x2b2: {  	[tilespmem:s10+$0x90] =	vst v4;
	v4 =	vmul.f32 v8, v3;
	v8 =	vld [tilespmem:s10+$0x100]  }
0x2b3: {  	[tilespmem:s10+$0xA0] =	vst v6;
	v5 =	vmul.f32 v5, v3;
	v6 =	vld [tilespmem:s10+$0x110]  }
0x2b4: {  	[tilespmem:s10+$0xB0] =	vst v4;
	v4 =	vmul.f32 v9, v3;
	v9 =	vld [tilespmem:s10+$0x120]  }
0x2b5: {  	[tilespmem:s10+$0xC0] =	vst v5;
	v5 =	vmul.f32 v7, v3;
	v7 =	vld [tilespmem:s10+$0x130]  }
0x2b6: {  	[tilespmem:s10+$0xD0] =	vst v4;
	v4 =	vmul.f32 v10, v3;
	v10 =	vld [tilespmem:s10+$0x140]  }
0x2b7: {  	s4 =	sadd.s32 $0x7, s16;
	v3 =	vmov s16;
	[tilespmem:s10+$0xE0] =	vst v5;
	v5 =	vmul.f32 v8, v2;
	v8 =	vld [tilespmem:s10+$0x150]  }
0x2b8: {  	s5 =	sadd.s32 $0x1, s16;
	s11 =	sadd.s32 $0x2, s16;
	v11 =	vand.u32 $0xFFFFFFF8, v3;
	v3 =	vmov s4;
	[tilespmem:s10+$0xF0] =	vst v4;
	v4 =	vmul.f32 v6, v2;
	v12 =	vld [tilespmem:s10+$0x160]  }
0x2b9: {  	v14 =	vmov s11;
	v13 =	vmov s5;
	s5 =	sadd.s32 $0x4, s16;
	s4 =	sadd.s32 $0x3, s16;
	[tilespmem:s10+$0x100] =	vst v5;
	v5 =	vmul.f32 v9, v2;
	v9 =	vld [tilespmem:s10+$0x180]  }
0x2ba: {  	v16 =	vmov s5;
	v15 =	vmov s4;
	s4 =	sadd.s32 $0x5, s16;
	[tilespmem:s10+$0x110] =	vst v4;
	v7 =	vmul.f32 v7, v2;
	v17 =	vld [tilespmem:s10+$0x190]  }
.Ltmp2:
0x2bb: {  	v4 =	vbroadcast v11, $0x0;
	v11 =	vmov s4;
	[tilespmem:s10+$0x120] =	vst v5;
	v10 =	vmul.f32 v10, v2;
	v6 =	vld [tilespmem:s10+$0x1A0];
	(pc) =	sbr.rel @p0 .LBB2_7-.Ltmp2, $4  }
0x2bc: {  	v5 =	vand.u32 $0xFFFFFFF9, v13;
	v13 =	vand.u32 $0xFFFFFFFA, v14;
	[tilespmem:s10+$0x130] =	vst v7;
	v14 =	vmul.f32 v8, v2;
	v7 =	vld [tilespmem:s10+$0x1B0]  }
0x2bd: {  	v18 =	vand.u32 $0xFFFFFFFB, v15;
	v5 =	vbroadcast v5, $0x0;
	[tilespmem:s10+$0x140] =	vst v10;
	v19 =	vmul.f32 v12, v2;
	v8 =	vld [tilespmem:s10+$0x1C0]  }
0x2be: {  	v10 =	vbroadcast v13, $0x0;
	v2 =	vand.u32 $0xFFFFFFFC, v16;
	[tilespmem:s10+$0x150] =	vst v14;
	v15 =	vmul.f32 v9, v1;
	v9 =	vld [tilespmem:s10+$0x1D0]  }
0x2bf: {  	s5 =	sadd.s32 $0x6, s16;
	s16 =	sadd.s32 $0x8, s16;
	v12 =	vbroadcast v18, $0x0;
	v14 =	vand.u32 $0xFFFFFFFD, v11;
	[tilespmem:s10+$0x160] =	vst v19;
	v13 =	vmul.f32 v17, v1;
	v11 =	vld [tilespmem:s10+$0x1E0]  }
0x2c0: {  	_ =	sdelay $0x2  }
0x2c1: {  	v16 =	vld [tilespmem:s10+$0x1F0]  }
0x2c2: {  	v18 =	vld.idx.msk [tilespmem:v4+s23+$0x0], $0xffff  }
0x2c3: {  	v23 =	vld.idx.msk [tilespmem:v5+s23+$0x0], $0xffff  }
0x2c4: {  	v22 =	vbroadcast v2, $0x0;
	v2 =	vmov s5;
	v10 =	vld.idx.msk [tilespmem:v10+s23+$0x0], $0xffff  }
0x2c5: {  	v17 =	vand.u32 $0xFFFFFFFE, v2;
	v2 =	vld.idx.msk [tilespmem:v3+s23+$0x0], $0xffff  }
0x2c6: {  	s16 =	sadd.s32 $0x400, s10;
	v12 =	vld.idx.msk [tilespmem:v12+s23+$0x0], $0xffff  }
0x2c7: {  	v24 =	vld [tilespmem:s16+$0x170]  }
0x2c8: {  	v26 =	vld [tilespmem:s16+$0xFFFFFE00]  }
0x2c9: {  	v28 =	vld [tilespmem:s16+$0xFFFFFE10]  }
0x2ca: {  	[tilespmem:s10+$0x180] =	vst v15;
	v6 =	vmul.f32 v6, v1;
	v30 =	vld [tilespmem:s16+$0xFFFFFE20]  }
0x2cb: {  	[tilespmem:s10+$0x190] =	vst v13;
	v7 =	vmul.f32 v7, v1;
	v31 =	vld [tilespmem:s16+$0xFFFFFE30]  }
0x2cc: {  	v32 =	vld [tilespmem:s16+$0xFFFFFE40];
	[tilespmem:s10+$0x1A0] =	vst v6;
	v25 =	vmul.f32 v8, v1  }
0x2cd: {  	v33 =	vld [tilespmem:s16+$0xFFFFFE50];
	[tilespmem:s10+$0x1B0] =	vst v7;
	v27 =	vmul.f32 v9, v1  }
0x2ce: {  	v34 =	vld [tilespmem:s16+$0xFFFFFE60];
	[tilespmem:s10+$0x1C0] =	vst v25;
	v29 =	vmul.f32 v11, v1  }
0x2cf: {  	v35 =	vld [tilespmem:s16+$0xFFFFFE70];
	[tilespmem:s10+$0x1D0] =	vst v27;
	v1 =	vmul.f32 v16, v1  }
0x2d0: {  	v36 =	vld [tilespmem:s16+$0xFFFFFE80];
	[tilespmem:s10+$0x1E0] =	vst v29;
	v9 =	vmul.f32 v28, v18  }
0x2d1: {  	v37 =	vld [tilespmem:s16+$0xFFFFFE90];
	[tilespmem:s10+$0x1F0] =	vst v1;
	v1 =	vmul.f32 v26, v18  }
0x2d2: {  	v39 =	vld [tilespmem:s16+$0xFFFFFEA0];
	v7 =	vmul.f32 v31, v18;
	[tilespmem:s16+$0xFFFFFE10] =	vst v9  }
0x2d3: {  	v40 =	vld [tilespmem:s16+$0xFFFFFEB0];
	[tilespmem:s16+$0xFFFFFE00] =	vst v1;
	v1 =	vmul.f32 v30, v18  }
0x2d4: {  	v42 =	vld [tilespmem:s16+$0xFFFFFEC0];
	v38 =	vmul.f32 v33, v18;
	[tilespmem:s16+$0xFFFFFE30] =	vst v7  }
0x2d5: {  	v43 =	vld [tilespmem:s16+$0xFFFFFED0];
	[tilespmem:s16+$0xFFFFFE20] =	vst v1;
	v1 =	vmul.f32 v32, v18  }
0x2d6: {  	v44 =	vld [tilespmem:s16+$0xFFFFFEE0];
	v41 =	vmul.f32 v35, v18;
	[tilespmem:s16+$0xFFFFFE50] =	vst v38  }
0x2d7: {  	v45 =	vld [tilespmem:s16+$0xFFFFFEF0];
	[tilespmem:s16+$0xFFFFFE40] =	vst v1;
	v1 =	vmul.f32 v34, v18  }
0x2d8: {  	v47 =	vld [tilespmem:s16+$0xFFFFFF00];
	v6 =	vmul.f32 v37, v23;
	[tilespmem:s16+$0xFFFFFE70] =	vst v41  }
0x2d9: {  	v48 =	vld [tilespmem:s16+$0xFFFFFF10];
	[tilespmem:s16+$0xFFFFFE60] =	vst v1;
	v1 =	vmul.f32 v36, v23  }
0x2da: {  	v50 =	vld [tilespmem:s16+$0xFFFFFF20];
	v46 =	vmul.f32 v40, v23;
	[tilespmem:s16+$0xFFFFFE90] =	vst v6  }
0x2db: {  	v51 =	vld [tilespmem:s16+$0xFFFFFF30];
	[tilespmem:s16+$0xFFFFFE80] =	vst v1;
	v1 =	vmul.f32 v39, v23  }
0x2dc: {  	v53 =	vld [tilespmem:s16+$0xFFFFFF40];
	v49 =	vmul.f32 v43, v23;
	[tilespmem:s16+$0xFFFFFEB0] =	vst v46  }
0x2dd: {  	v54 =	vld [tilespmem:s16+$0xFFFFFF50];
	[tilespmem:s16+$0xFFFFFEA0] =	vst v1;
	v1 =	vmul.f32 v42, v23  }
0x2de: {  	v56 =	vld [tilespmem:s16+$0xFFFFFF60];
	v52 =	vmul.f32 v45, v23;
	[tilespmem:s16+$0xFFFFFED0] =	vst v49  }
0x2df: {  	v57 =	vld [tilespmem:s16+$0xFFFFFF70];
	[tilespmem:s16+$0xFFFFFEC0] =	vst v1;
	v1 =	vmul.f32 v44, v23  }
0x2e0: {  	v14 =	vbroadcast v14, $0x0;
	v59 =	vld [tilespmem:s16+$0xFFFFFF80];
	v55 =	vmul.f32 v48, v10;
	[tilespmem:s16+$0xFFFFFEF0] =	vst v52  }
0x2e1: {  	v60 =	vld [tilespmem:s16+$0xFFFFFF90];
	[tilespmem:s16+$0xFFFFFEE0] =	vst v1;
	v1 =	vmul.f32 v47, v10  }
0x2e2: {  	v62 =	vld [tilespmem:s16+$0xFFFFFFA0];
	v58 =	vmul.f32 v51, v10;
	[tilespmem:s16+$0xFFFFFF10] =	vst v55  }
0x2e3: {  	v63 =	vld [tilespmem:s16+$0xFFFFFFB0];
	v3 =	vbroadcast v17, $0x0;
	[tilespmem:s16+$0xFFFFFF00] =	vst v1;
	v1 =	vmul.f32 v50, v10  }
0x2e4: {  	v15 =	vld [tilespmem:s16+$0xFFFFFFC0];
	v61 =	vmul.f32 v54, v10;
	[tilespmem:s16+$0xFFFFFF30] =	vst v58  }
0x2e5: {  	v19 =	vld [tilespmem:s16+$0xFFFFFFF0];
	[tilespmem:s16+$0xFFFFFF20] =	vst v1;
	v1 =	vmul.f32 v53, v10  }
0x2e6: {  	v4 =	vld.idx.msk [tilespmem:v14+s23+$0x0], $0xffff;
	v14 =	vmul.f32 v57, v10;
	[tilespmem:s16+$0xFFFFFF50] =	vst v61  }
0x2e7: {  	v5 =	vld.idx.msk [tilespmem:v22+s23+$0x0], $0xffff;
	[tilespmem:s16+$0xFFFFFF40] =	vst v1;
	v1 =	vmul.f32 v56, v10  }
0x2e8: {  	v17 =	vmul.f32 v60, v12;
	v22 =	vld [tilespmem:s16+$0x10];
	[tilespmem:s16+$0xFFFFFF70] =	vst v14  }
0x2e9: {  	v3 =	vld.idx.msk [tilespmem:v3+s23+$0x0], $0xffff;
	[tilespmem:s16+$0xFFFFFF60] =	vst v1;
	v1 =	vmul.f32 v59, v12  }
0x2ea: {  	v20 =	vmul.f32 v63, v12;
	[tilespmem:s16+$0xFFFFFF90] =	vst v17;
	v18 =	vld [tilespmem:s16+$0xFFFFFFE0]  }
0x2eb: {  	v25 =	vld [tilespmem:s16+$0x30];
	[tilespmem:s16+$0xFFFFFF80] =	vst v1;
	v1 =	vmul.f32 v62, v12  }
0x2ec: {  	v21 =	vld [tilespmem:s16+$0x0];
	v26 =	vmul.f32 v19, v12;
	[tilespmem:s16+$0xFFFFFFB0] =	vst v20  }
0x2ed: {  	v28 =	vld [tilespmem:s16+$0x50];
	[tilespmem:s16+$0xFFFFFFA0] =	vst v1;
	v1 =	vmul.f32 v15, v12  }
0x2ee: {  	[tilespmem:s16+$0xFFFFFFF0] =	vst v26;
	v29 =	vmul.f32 v22, v5;
	v13 =	vmul.f32 v24, v3;
	v24 =	vld [tilespmem:s16+$0x20]  }
0x2ef: {  	v37 =	vld [tilespmem:s16+$0xB0];
	[tilespmem:s16+$0xFFFFFFC0] =	vst v1;
	v1 =	vmul.f32 v18, v12  }
0x2f0: {  	v27 =	vld [tilespmem:s16+$0x40];
	v32 =	vmul.f32 v25, v5;
	[tilespmem:s16+$0x10] =	vst v29  }
0x2f1: {  	[tilespmem:s16+$0xFFFFFFE0] =	vst v1;
	v1 =	vmul.f32 v21, v5  }
0x2f2: {  	v30 =	vld [tilespmem:s16+$0x60];
	v35 =	vmul.f32 v28, v5;
	[tilespmem:s16+$0x30] =	vst v32  }
0x2f3: {  	v45 =	vld [tilespmem:s16+$0x110];
	[tilespmem:s16+$0x0] =	vst v1;
	v1 =	vmul.f32 v24, v5  }
0x2f4: {  	v33 =	vld [tilespmem:s16+$0x80];
	v43 =	vmul.f32 v37, v4;
	[tilespmem:s16+$0x50] =	vst v35  }
0x2f5: {  	v48 =	vld [tilespmem:s16+$0x130];
	[tilespmem:s16+$0x20] =	vst v1;
	v1 =	vmul.f32 v27, v5  }
0x2f6: {  	[tilespmem:s16+$0xB0] =	vst v43;
	v36 =	vld [tilespmem:s16+$0xA0]  }
0x2f7: {  	v34 =	vld [tilespmem:s16+$0x90];
	[tilespmem:s16+$0x40] =	vst v1;
	v1 =	vmul.f32 v30, v5  }
0x2f8: {  	v38 =	vld [tilespmem:s16+$0xC0];
	v51 =	vmul.f32 v45, v3;
	[tilespmem:s16+$0x170] =	vst v13  }
0x2f9: {  	v16 =	vld [tilespmem:s16+$0xFFFFFFD0];
	[tilespmem:s16+$0x60] =	vst v1;
	v1 =	vmul.f32 v33, v4  }
0x2fa: {  	v41 =	vld [tilespmem:s16+$0xE0];
	v54 =	vmul.f32 v48, v3;
	[tilespmem:s16+$0x110] =	vst v51  }
0x2fb: {  	v39 =	vld [tilespmem:s16+$0xD0];
	[tilespmem:s16+$0x80] =	vst v1;
	v1 =	vmul.f32 v36, v4  }
0x2fc: {  	[tilespmem:s16+$0x130] =	vst v54;
	v40 =	vmul.f32 v34, v4;
	v44 =	vld [tilespmem:s16+$0x100]  }
0x2fd: {  	v50 =	vld [tilespmem:s16+$0x150];
	[tilespmem:s16+$0xA0] =	vst v1;
	v1 =	vmul.f32 v38, v4  }
0x2fe: {  	[tilespmem:s16+$0x90] =	vst v40;
	v23 =	vmul.f32 v16, v12;
	v47 =	vld [tilespmem:s16+$0x120]  }
0x2ff: {  	v53 =	vld [tilespmem:s16+$0x180];
	[tilespmem:s16+$0xC0] =	vst v1;
	v1 =	vmul.f32 v41, v4  }
0x300: {  	v49 =	vld [tilespmem:s16+$0x140];
	v46 =	vmul.f32 v39, v4;
	[tilespmem:s16+$0xFFFFFFD0] =	vst v23  }
0x301: {  	v56 =	vld [tilespmem:s16+$0x1A0];
	[tilespmem:s16+$0xE0] =	vst v1;
	v1 =	vmul.f32 v44, v3  }
0x302: {  	v52 =	vld [tilespmem:s16+$0x160];
	[tilespmem:s16+$0xD0] =	vst v46;
	v57 =	vmul.f32 v50, v3  }
0x303: {  	v31 =	vld [tilespmem:s16+$0x70];
	[tilespmem:s16+$0x100] =	vst v1;
	v1 =	vmul.f32 v47, v3  }
0x304: {  	v55 =	vld [tilespmem:s16+$0x190];
	[tilespmem:s16+$0x150] =	vst v57;
	v59 =	vmul.f32 v53, v2  }
0x305: {  	v42 =	vld [tilespmem:s16+$0xF0];
	[tilespmem:s16+$0x120] =	vst v1;
	v1 =	vmul.f32 v49, v3  }
0x306: {  	v58 =	vld [tilespmem:s16+$0x1B0];
	[tilespmem:s16+$0x180] =	vst v59;
	v62 =	vmul.f32 v56, v2  }
0x307: {  	[tilespmem:s16+$0x140] =	vst v1;
	v1 =	vmul.f32 v52, v3;
	v3 =	vld [tilespmem:s16+$0x1C0]  }
0x308: {  	v60 =	vld [tilespmem:s16+$0x1D0];
	[tilespmem:s16+$0x1A0] =	vst v62;
	v5 =	vmul.f32 v31, v5  }
0x309: {  	v61 =	vld [tilespmem:s16+$0x1E0];
	[tilespmem:s16+$0x160] =	vst v1;
	v1 =	vmul.f32 v55, v2  }
0x30a: {  	v63 =	vld [tilespmem:s16+$0x1F0];
	[tilespmem:s16+$0x70] =	vst v5;
	v4 =	vmul.f32 v42, v4  }
0x30b: {  	[tilespmem:s16+$0x190] =	vst v1;
	v1 =	vmul.f32 v58, v2  }
0x30c: {  	s28 =	sadd.s32 $0x1, s28;
	[tilespmem:s16+$0xF0] =	vst v4;
	v3 =	vmul.f32 v3, v2  }
0x30d: {  	p0 =	sne.s32 s28, $0x36;
	[tilespmem:s16+$0x1B0] =	vst v1;
	v1 =	vmul.f32 v60, v2  }
.Ltmp3:
0x30e: {  	[tilespmem:s16+$0x1C0] =	vst v3;
	v3 =	vmul.f32 v61, v2;
	(pc) =	sbr.rel @p0 .LBB2_4-.Ltmp3, $4  }
0x30f: {  	[tilespmem:s16+$0x1D0] =	vst v1;
	v1 =	vmul.f32 v63, v2  }
0x310: {  	[tilespmem:s16+$0x1E0] =	vst v3  }
0x311: {  	[tilespmem:s16+$0x1F0] =	vst v1  }
0x312: {  	[spmem:s2] =	stream.indirect.scatter.add.f32 [tilespmem:s13], [sflag:$0x6], $0x80, s20, s7, $0xb8;
	[tilespmem:$0x1F900] =	vst v63  }
0x313: {  	_ =	swait.ge [sflag:s17], $0x3000  }
0x314: {  	[sflag:s17] =	ssyncset.done $0x0  }
0x315: {  	[sflag:s17] =	ssyncadd.s32 $0xFFFFD000  }
0x316: {  	_ =	swait.ge [sflag:s12], $0x60  }
0x317: {  	[sflag:s12] =	ssyncset.done $0x0  }
0x318: {  	[sflag:s12] =	ssyncadd.s32 $0xFFFFFFA0  }
0x319: {  	_ =	swait.ge [sflag:s12], $0x60  }
0x31a: {  	[sflag:s12] =	ssyncset.done $0x0  }
0x31b: {  	s4 =	simm.s32 $0x6;
	[sflag:s12] =	ssyncadd.s32 $0xFFFFFFA0  }
0x31c: {  	_ =	swait.ge [sflag:s4], $0x60  }
0x31d: {  	[sflag:s4] =	ssyncset.done $0x0  }
0x31e: {  	[sflag:s4] =	ssyncadd.s32 $0xFFFFFFA0  }
0x31f: {  	_ =	swait.ge [sflag:s4], $0x3000  }
0x320: {  	[sflag:s4] =	ssyncset.done $0x0  }
0x321: {  	[sflag:s4] =	ssyncadd.s32 $0xFFFFD000  }
0x322: {  	s5 =	stileid.u32;
	[bflag:$0x0] =	sbarrier.arrive $0xFFFF  }
0x323: {  	s4 =	sshll.u32 s5, $0x6;
	s25 =	rddreg [dreg:$0x8]  }
0x324: {  	s4 =	sor.u32 $0x1C07, s4;
	s10 =	rddreg [dreg:$0x13];
	s5 =	sshrl.u32 s25, $0x3  }
0x325: {  	[hbm:s10], [sflag:s4] =	dma.local [spmem:s5], $0x2800  }
0x326: {  	s16 =	simm.s32 $0x20;
	_ =	swait.ge [sflag:s30], $0x2800  }
0x327: {  	s26 =	simm.s32 $0x10;
	[sflag:s30] =	ssyncset.done $0x0;
	s11 =	rddreg [dreg:$0xe]  }
0x328: {  	s28 =	rddreg [dreg:$0x14];
	[sflag:s30] =	ssyncadd.s32 $0xFFFFD800;
	s10 =	sshrl.u32 s11, $0x3  }
0x329: {  	[hbm:s28@s16], [sflag:s4] =	dma.strided [spmem:s10@s26], $0x50, s17, $0x10   }
0x32a: {  	_ =	swait.ge [sflag:s30], $0x50  }
0x32b: {  	s26 =	rddreg [dreg:$0x5]  }
0x32c: {  	s28 =	rddreg [dreg:$0x15];
	s16 =	sadd.s32 $0x1, s26  }
0x32d: {  	p0 =	sne.s32 s16, s28  }
.Ltmp4:
0x32e: {  	_ = 	snop;
	(pc) =	sbr.rel @p0 .LBB2_1-.Ltmp4, $3  }
0x32f: {  	_ =	sdelay $0x1  }
0x330: {  	[sflag:s30] =	ssyncset.done $0x0  }
0x331: {  	[sflag:s30] =	ssyncadd.s32 $0xFFFFFFB0  }
0x332: {  	_ =	sfence.sel $0x180000  }
0x333: {  	[bflag:$0x0] =	sbarrier.arrive $0xFFFF  }
0x334: {  	_ =	strace $0x9000004A  }
0x335: {  	s0 =	stileid.u32;
	[bflag:$0x2] =	sbarrier.arrive $0xFFFF  }
0x336: {  	p0 =	sne.s32 s0, $0x0;
	s0 =	rddreg [dreg:$0x4]  }
0x337: {  	s0 =	sadd.s32 @!p0 $0x100000, s0  }
0x338: {  	[sflag:s0] =	ssyncadd.tile.s32 @!p0 $0x1;
	_ =	shalt  }
.Lfunc_end2:
_tile_overlayer_lowered:
.L_overlay_start_2:
0x339: {  	(tag) =	ssettag $0x2  }
0x33a: {  	s0 =	rddreg [dreg:$0x0];
	s2 =	stileid.u32  }
0x33b: {  	s1 =	rddreg [dreg:$0x1];
	p0 =	sne.s32 s2, $0x0  }
0x33c: {  	s3 =	rddreg [dreg:$0x2];
	[bflag:$0x3] =	sbarrier.arrive $0xFFFF;
	s2 =	simm.s32 @!p0 $0x1C07  }
0x33d: {  	[timem:s3], [sflag:s2] =	dma.local @!p0 [hbm:s0], s1  }
0x33e: {  	s0 =	simm.s32 @!p0 $0x7  }
0x33f: {  	_ =	swait.ge @!p0 [sflag:s0], s1  }
0x340: {  	s1 =	ssub.s32 @!p0 $0x0, s1;
	[sflag:s0] =	ssyncset.done @!p0 $0x0  }
0x341: {  	[sflag:s0] =	ssyncadd.s32 @!p0 s1  }
0x342: {  	[bflag:$0x3] =	sbarrier.arrive $0xFFFF  }
0x343: {  	_ =	shalt  }

// kernel: kernel.7.cloned.1.call-start
scs
__scs_entry_jumppad:
0x0: {  	(pc) =	sbr.rel $0x88, $3  }
0x1: {  	(tag) =	ssettag $0x0;
	lr =	simm.s32 $0x1  }
0x2: {  	[smem:$0x3F89] =	sst lr;
	_ =	strace $0xD0000000  }
0x3: {  	_ = 	snop  }
0x4: {  	_ = 	snop  }
0x5: {  	_ = 	snop  }
0x6: {  	_ = 	snop  }
0x7: {  	_ = 	snop  }
__scs_overlays_trampoline_lowered:
0x8: {  	[smem:$0x3F98] =	sst s0  }
0x9: {  	[smem:$0x3F99] =	sst s1  }
0xa: {  	[smem:$0x3F9A] =	sst s2  }
0xb: {  	[smem:$0x3F9B] =	sst s3  }
0xc: {  	[smem:$0x3F9C] =	sst s4  }
0xd: {  	[smem:$0x3F9D] =	sst s5  }
0xe: {  	[smem:$0x3F9E] =	sst s6  }
0xf: {  	[smem:$0x3F9F] =	sst s7  }
0x10: {  	[smem:$0x3FA0] =	sst s8  }
0x11: {  	[smem:$0x3FA1] =	sst s9;
	s0 =	simm.s32 @!p0 $0x0  }
0x12: {  	s1 =	sld [smem:$0x3F87];
	s0 =	simm.s32 @p0 $0x1  }
0x13: {  	[smem:$0x3FA2] =	sst s0;
	s0 =	simm.s32 @!p1 $0x0  }
0x14: {  	s2 =	sld [smem:$0x3F86];
	s0 =	simm.s32 @p1 $0x1  }
0x15: {  	[smem:$0x3FA3] =	sst s0;
	s0 =	simm.s32 @!p2 $0x0  }
0x16: {  	s3 =	sld [smem:$0x3FDB];
	s0 =	simm.s32 @p2 $0x1  }
0x17: {  	s4 =	simm.s32 $0x1BF5;
	[smem:$0x3FA5] =	sst s0  }
0x18: {  	s0 =	sld [smem:$0x3F88];
	_ =	swait.ge [sflag:s4], $0x0  }
0x19: {  	s7 =	sld [smem:$0x3F89]  }
0x1a: {  	s8 =	sadd.s32 $0xFFFFE003, lr  }
0x1b: {  	s9 =	sadd.s32 $0xFFFFFEF7, lr;
	s5 =	simm.s32 $0xFFFFFFFF;
	p2 =	slt.u32 s8, $0xFFFFF086  }
0x1c: {  	p1 =	slt.u32 s9, $0xF7A;
	s5 =	simm.s32 @!p2 $0x0  }
0x1d: {  	s5 =	simm.s32 @p1 $0x1;
	p0 =	seq.s32 s7, s2  }
0x1e: {  	s7 =	smul.u32 @!p0 $0xF7A, s2;
	p2 =	seq.s32 @!p0 s5, $0x0  }
0x1f: {  	s9 =	smul.u32 $0xF7A, s1;
	s8 =	simm.s32 @!p0 $0x1BF5;
	p2 =	por !p2, p0  }
0x20: {  	[sflag:s8] =	ssyncset.s32 @!p0 $0xFFFFF086;
	s6 =	sadd.s32 @!p0 s3, s7;
	s7 =	simm.s32 @!p0 $0x108  }
0x21: {  	s3 =	sadd.s32 s3, s9;
	s6 =	sadd.s32 @!p0 $0x88, s6;
	s7 =	simm.s32 @p2 $0x1082  }
0x22: {  	[simem:s7], [sflag:s8] =	dma.local @!p0 [hbm:s6], $0xF7A  }
0x23: {  	s9 =	sor.u32 $0xD0000000, s2;
	s6 =	simm.s32 $0x108;
	_ =	swait.ge @!p0 [sflag:s8], $0x0  }
0x24: {  	s3 =	sadd.s32 $0x88, s3;
	s6 =	simm.s32 @!p1 $0x1082;
	[sflag:s4] =	ssyncset.s32 $0xFFFFF086  }
0x25: {  	[simem:s6], [sflag:s4] =	dma.local [hbm:s3], $0xF7A  }
0x26: {  	[smem:$0x3F89] =	sst s1;
	(tag) =	ssettag s2;
	_ =	strace s9  }
0x27: {  	s1 =	sld [smem:$0x3F99]  }
0x28: {  	s2 =	sld [smem:$0x3F9A]  }
0x29: {  	s4 =	sld [smem:$0x3F9C]  }
0x2a: {  	p0 =	seq.s32 s5, $0x0;
	s5 =	sld [smem:$0x3F9D]  }
0x2b: {  	s6 =	sld [smem:$0x3F9E]  }
0x2c: {  	s7 =	sld [smem:$0x3F9F]  }
0x2d: {  	s3 =	simm.s32 $0x108;
	s8 =	sld [smem:$0x3FA0]  }
0x2e: {  	s3 =	simm.s32 @!p0 $0x1082;
	s9 =	sld [smem:$0x3FA1]  }
0x2f: {  	lr =	sadd.s32 s0, s3;
	s0 =	sld [smem:$0x3F98]  }
0x30: {  	s3 =	sld [smem:$0x3F9B]  }
0x31: {  	[smem:$0x3FA4] =	sst s10  }
0x32: {  	s10 =	sld [smem:$0x3FA2];
	_ =	sdelay $0x3  }
0x33: {  	p0 =	seq.s32 s10, $0x1;
	s10 =	sld [smem:$0x3FA4];
	_ =	sdelay $0x3  }
0x34: {  	[smem:$0x3FA4] =	sst s10  }
0x35: {  	s10 =	sld [smem:$0x3FA3];
	_ =	sdelay $0x3  }
0x36: {  	p1 =	seq.s32 s10, $0x1;
	s10 =	sld [smem:$0x3FA4];
	_ =	sdelay $0x3  }
0x37: {  	[smem:$0x3FA4] =	sst s10  }
0x38: {  	s10 =	sld [smem:$0x3FA5]  }
0x39: {  	_ = 	snop;
	(pc) =	sbr.ind lr, $3  }
0x3a: {  	_ = 	snop  }
0x3b: {  	_ = 	snop  }
0x3c: {  	p2 =	seq.s32 s10, $0x1;
	s10 =	sld [smem:$0x3FA4]  }
0x3d: {  	_ =	shalt  }
0x3e: {  	_ =	shalt  }
0x3f: {  	_ =	shalt  }
0x40: {  	_ =	shalt  }
0x41: {  	_ =	shalt  }
0x42: {  	_ =	shalt  }
0x43: {  	_ =	shalt  }
0x44: {  	_ =	shalt  }
0x45: {  	_ =	shalt  }
0x46: {  	_ =	shalt  }
0x47: {  	_ =	shalt  }
0x48: {  	_ =	shalt  }
0x49: {  	_ =	shalt  }
0x4a: {  	_ =	shalt  }
0x4b: {  	_ =	shalt  }
0x4c: {  	_ =	shalt  }
0x4d: {  	_ =	shalt  }
0x4e: {  	_ =	shalt  }
0x4f: {  	_ =	shalt  }
0x50: {  	_ =	shalt  }
0x51: {  	_ =	shalt  }
0x52: {  	_ =	shalt  }
0x53: {  	_ =	shalt  }
0x54: {  	_ =	shalt  }
0x55: {  	_ =	shalt  }
0x56: {  	_ =	shalt  }
0x57: {  	_ =	shalt  }
0x58: {  	_ =	shalt  }
0x59: {  	_ =	shalt  }
0x5a: {  	_ =	shalt  }
0x5b: {  	_ =	shalt  }
0x5c: {  	_ =	shalt  }
0x5d: {  	_ =	shalt  }
0x5e: {  	_ =	shalt  }
0x5f: {  	_ =	shalt  }
0x60: {  	_ =	shalt  }
0x61: {  	_ =	shalt  }
0x62: {  	_ =	shalt  }
0x63: {  	_ =	shalt  }
0x64: {  	_ =	shalt  }
0x65: {  	_ =	shalt  }
0x66: {  	_ =	shalt  }
0x67: {  	_ =	shalt  }
0x68: {  	_ =	shalt  }
0x69: {  	_ =	shalt  }
0x6a: {  	_ =	shalt  }
0x6b: {  	_ =	shalt  }
0x6c: {  	_ =	shalt  }
0x6d: {  	_ =	shalt  }
0x6e: {  	_ =	shalt  }
0x6f: {  	_ =	shalt  }
0x70: {  	_ =	shalt  }
0x71: {  	_ =	shalt  }
0x72: {  	_ =	shalt  }
0x73: {  	_ =	shalt  }
0x74: {  	_ =	shalt  }
0x75: {  	_ =	shalt  }
0x76: {  	_ =	shalt  }
0x77: {  	_ =	shalt  }
0x78: {  	_ =	shalt  }
0x79: {  	_ =	shalt  }
0x7a: {  	_ =	shalt  }
0x7b: {  	_ =	shalt  }
0x7c: {  	_ =	shalt  }
0x7d: {  	_ =	shalt  }
0x7e: {  	_ =	shalt  }
0x7f: {  	_ =	shalt  }
0x80: {  	_ =	shalt  }
0x81: {  	_ =	shalt  }
0x82: {  	_ =	shalt  }
0x83: {  	_ =	shalt  }
0x84: {  	_ =	shalt  }
0x85: {  	_ =	shalt  }
0x86: {  	_ =	shalt  }
0x87: {  	_ =	shalt  }
.Lfunc_end0:
.L_simem_size_0:
called_computation_lowered:
.L_overlay_start_0:
0x88: {  	s2 =	sld [smem:$0x3FD9]  }
0x89: {  	s3 =	sld [smem:$0x3FFE];
	_ =	sdelay $0x1  }
0x8a: {  	s1 =	srdreg.scid  }
0x8b: {  	s0 =	sand.u32 $0x1, s1  }
0x8c: {  	s17 =	sshll.u32 s0, $0xA;
	s2 =	sadd.s32 s3, s2  }
0x8d: {  	s2 =	sadd.s32 s2, s17  }
0x8e: {  	[smem:$0x3FB0] =	sst s2  }
0x8f: {  	_ = 	snop  }
0x90: {  	s2 =	sld [smem:$0x3FD0];
	(tm) =	ssettm $0x1  }
0x91: {  	s18 =	sld [smem:$0x3FFB];
	_ =	sdelay $0x3  }
0x92: {  	_ =	strace s18  }
0x93: {  	s3 =	sld [smem:$0x3FFC];
	_ =	sdelay $0x3  }
0x94: {  	_ =	strace s3  }
0x95: {  	s3 =	sld [smem:$0x3FFD];
	_ =	sdelay $0x3  }
0x96: {  	_ =	strace s3  }
0x97: {  	_ =	strace $0x8FFFFFFF  }
0x98: {  	s19 =	sld [smem:$0x3FDB];
	_ =	sdelay $0x1  }
0x99: {  	s4 =	simm.s32 $_scs_section_size  }
0x9a: {  	s5 =	simm.s32 $_size__tile_overlayer_lowered;
	s6 =	simm.s32 $_tile_overlayer_lowered  }
0x9b: {  	s22 =	simm.s32 $0x1BFF;
	s21 =	sshll.u32 s6, $0x1;
	s3 =	sadd.s32 s4, s19  }
0x9c: {  	s7 =	simm.s32 $0x0;
	s20 =	sshll.u32 s5, $0x1;
	s5 =	sadd.s32 s21, s3  }
0x9d: {  	[timem:s7], [sflag:s22] =	dma.local [hbm:s5], s20  }
0x9e: {  	_ =	swait.ge [sflag:s22], s20  }
0x9f: {  	s4 =	ssub.s32 $0x0, s20;
	[sflag:s22] =	ssyncset.done $0x0  }
0xa0: {  	[sflag:s22] =	ssyncadd.s32 s4;
	_ =	sdelay $0x1  }
0xa1: {  	s23 =	simm.s32 $0x1B8B  }
0xa2: {  	_ =	swait.ge [sflag:s23], $0x1  }
0xa3: {  	[sflag:s23] =	ssyncset.done $0x0  }
0xa4: {  	s25 =	simm.s32 $0x1B8E;
	s24 =	sld [smem:$0x3FFE];
	[sflag:s23] =	ssyncadd.s32 $0xFFFFFFFF  }
0xa5: {  	s26 =	simm.s32 $execute0_lowered;
	[smem:$0x3FD2] =	sst s25  }
0xa6: {  	s5 =	sshll.u32 s26, $0x1;
	_ =	strace $0x80000046;
	[dreg:$0x1] =	wrdreg $0xFFFFFFFF  }
0xa7: {  	s28 =	simm.s32 $_size_execute0_lowered;
	s3 =	sadd.s32 s3, s5;
	[dreg:$0x0] =	wrdreg $0x0  }
0xa8: {  	s5 =	sshll.u32 s28, $0x1;
	[dreg:$0x2] =	wrdreg s3  }
0xa9: {  	[dreg:$0x3] =	wrdreg s5  }
0xaa: {  	[dreg:$0x4] =	wrdreg $0xC0  }
0xab: {  	_ =	task [dreg:s7], $0x5FFFF  }
0xac: {  	[dreg:$0x1] =	wrdreg $0xFFFFFFFF  }
0xad: {  	[dreg:$0x0] =	wrdreg $0x60  }
0xae: {  	[dreg:$0x2] =	wrdreg s24  }
0xaf: {  	[dreg:$0x3] =	wrdreg s2  }
0xb0: {  	[dreg:$0x4] =	wrdreg $0xB4000  }
0xb1: {  	[dreg:$0x5] =	wrdreg $0x1F4000  }
0xb2: {  	[dreg:$0x6] =	wrdreg $0x9  }
0xb3: {  	_ =	task.clear_ibuf [dreg:s7], $0x7FFFF;
	_ =	strace $0x90000046  }
0xb4: {  	s29 =	simm.s32 $0x9;
	_ =	strace $0x80000048  }
0xb5: {  	_ =	swait.ge [sflag:s29], $0x1  }
0xb6: {  	[sflag:s29] =	ssyncadd.s32 $0xFFFFFFFF  }
0xb7: {  	_ =	strace $0x90000048  }
0xb8: {  	_ =	sfence  }
0xb9: {  	s30 =	sld [smem:$0x0];
	_ =	sdelay $0x2  }
0xba: {  	s31 =	sshll.u32 s1, $0xD;
	s1 =	sshrl.u32 s1, $0x2  }
0xbb: {  	s3 =	sand.u32 $0x4000, s31;
	s1 =	sadd.s32 s1, s30  }
0xbc: {  	s0 =	sor.u32 s3, s0;
	s1 =	sshll.u32 s1, $0x11  }
0xbd: {  	s0 =	sor.u32 s1, s0  }
0xbe: {  	s0 =	sadd.s32 $0x8F2B, s0  }
0xbf: {  	[sflag:s0] =	ssyncadd.remote.s32 $0x1  }
0xc0: {  	_ =	sfence.sel $0xFFFF  }
0xc1: {  	[dreg:$0x0] =	wrdreg $0xFFFFFFFF;
	(pc) =	sbr.abs _section_cstart, $3  }
0xc2: {  	[dreg:$0x1] =	wrdreg $0xFFFFFFFF  }
0xc3: {  	_ =	task.clear_ibuf [dreg:s7], $0x2FFFF;
	_ =	strace $0x9FFFFFFF  }
0xc4: {  	(tm) =	ssettm $0x7FFFFFFF  }
0xc5: {  	_ =	shalt  }
tec
execute0_lowered:
.L_overlay_start_1:
0x0: {  	(tag) =	ssettag $0x1  }
0x1: {  	s0 =	rddreg [dreg:$0x0]  }
0x2: {  	s1 =	rddreg [dreg:$0x1]  }
0x3: {  	s2 =	rddreg [dreg:$0x2]  }
0x4: {  	s3 =	rddreg [dreg:$0x3]  }
0x5: {  	s4 =	srdreg.scid;
	s16 =	simm.s32 $0x0;
	s11 =	stileid.u32  }
0x6: {  	s29 =	simm.s32 $0x5400;
	s30 =	simm.s32 $0x7;
	s31 =	simm.s32 $0x5000  }
0x7: {  	s4 =	sand.u32 $0x1, s4;
	[smem:$0x7FF] =	sst s16;
	s7 =	smul.u32 $0x14000, s11  }
0x8: {  	s6 =	sadd.s32 $0x2000, s0;
	s8 =	sadd.s32 $0x50400, s0;
	s24 =	smul.u32 $0x500, s11  }
0x9: {  	s25 =	sadd.s32 $0x50A00, s0;
	s9 =	sadd.s32 $0x51000, s0;
	s10 =	smul.u32 $0x50000, s11  }
0xa: {  	s5 =	smul.u32 $0x140000, s4;
	_ =	strace $0x80000047;
	[dreg:$0x6] =	wrdreg s8  }
0xb: {  	s26 =	sshll.u32 s4, $0x7;
	s28 =	ssub.s32 $0x2, s4;
	s4 =	sshll.u32 s4, $0x4  }
0xc: {  	[dreg:$0x7] =	wrdreg s25;
	s12 =	sshrl.u32 s28, $0x1;
	s4 =	sor.u32 s11, s4  }
0xd: {  	s10 =	sshrl.u32 s10, $0x2;
	s11 =	smul.u32 $0xA00, s11;
	s5 =	sadd.s32 s7, s5  }
0xe: {  	s7 =	sor.u32 s26, s24;
	s25 =	sadd.s32 s10, s2;
	s4 =	smul.u32 $0x2880, s4  }
0xf: {  	s5 =	sshrl.u32 s5, $0x3;
	s13 =	sadd.s32 $0x2800, s25;
	[dreg:$0x8] =	wrdreg s25  }
0x10: {  	s7 =	sshrl.u32 s7, $0x3;
	s14 =	sadd.s32 $0x5000, s25;
	[dreg:$0x9] =	wrdreg s13  }
0x11: {  	s15 =	sadd.s32 $0x7800, s25;
	s17 =	sadd.s32 $0xA000, s25;
	[dreg:$0xa] =	wrdreg s14  }
0x12: {  	s18 =	sshrl.u32 s11, $0x2;
	s20 =	sadd.s32 $0xC800, s25;
	[dreg:$0xb] =	wrdreg s15  }
0x13: {  	s26 =	sadd.s32 $0xF000, s25;
	s5 =	sadd.s32 s5, s0;
	[dreg:$0xc] =	wrdreg s17  }
0x14: {  	s0 =	sadd.s32 s7, s0;
	s7 =	ssub.s32 s28, s12;
	[dreg:$0xd] =	wrdreg s20  }
0x15: {  	s19 =	sshrl.u32 s4, $0x3;
	s11 =	sadd.s32 s18, s3;
	[dreg:$0x16] =	wrdreg s26  }
0x16: {  	s28 =	sadd.s32 $0x11800, s25;
	s13 =	simm.s32 $0x8400;
	s14 =	simm.s32 $0x5200  }
0x17: {  	s15 =	simm.s32 $0x5300;
	s17 =	simm.s32 $0x1;
	s18 =	simm.s32 $0x3  }
0x18: {  	s20 =	simm.s32 $0x5280;
	s21 =	sor.u32 $0xC, s19;
	[dreg:$0x17] =	wrdreg s28  }
0x19: {  	s12 =	sadd.s32 s1, s19;
	s10 =	sadd.s32 s9, s19;
	[dreg:$0xe] =	wrdreg s11  }
0x1a: {  	s23 =	sadd.s32 $0x5BC00, s5;
	s0 =	sadd.s32 $0x5B200, s0;
	[dreg:$0xf] =	wrdreg s12  }
0x1b: {  	s24 =	smax.u32 s7, $0x1;
	s7 =	simm.s32 $0x60;
	[dreg:$0x10] =	wrdreg s10  }
0x1c: {  	s19 =	simm.s32 $0x5;
	s22 =	sadd.s32 s1, s21;
	[dreg:$0x13] =	wrdreg s23  }
0x1d: {  	s8 =	sadd.s32 s9, s21;
	s21 =	sadd.s32 $0xC0, s4;
	[dreg:$0x14] =	wrdreg s0  }
0x1e: {  	[dreg:$0x15] =	wrdreg s24;
	s0 =	simm.s32 $0x2800;
	s12 =	simm.s32 $0x4  }
0x1f: {  	s23 =	simm.s32 $0x5380;
	s24 =	simm.s32 $0x2;
	[dreg:$0x11] =	wrdreg s22  }
0x20: {  	v0 =	vimm.f32 $0.0e+00;
	[dreg:$0x12] =	wrdreg s8;
	s22 =	sadd.s32 $0x120, s4;
	s8 =	simm.s32 $0x5080  }
.LBB2_1:
0x21: {  	[dreg:$0x5] =	wrdreg s16;
	s10 =	simm.s32 $0x0;
	s16 =	simm.s32 $0x200  }
.LBB2_2:
0x22: {  	p0 =	sne.s32 s16, $0xBE00;
	[tilespmem:s10+$0x5470] =	vst v0  }
0x23: {  	[tilespmem:s10+$0x5400] =	vst v0  }
0x24: {  	[tilespmem:s10+$0x5410] =	vst v0  }
.Ltmp0:
0x25: {  	[tilespmem:s10+$0x5420] =	vst v0;
	(pc) =	sbr.rel @p0 .LBB2_2-.Ltmp0, $4  }
0x26: {  	[tilespmem:s10+$0x5430] =	vst v0  }
0x27: {  	[tilespmem:s10+$0x5440] =	vst v0  }
0x28: {  	[tilespmem:s10+$0x5450] =	vst v0  }
0x29: {  	[tilespmem:s10+$0x5460] =	vst v0;
	s10 =	sshra.s32 s16, $0x2;
	s16 =	sadd.s32 $0x200, s16  }
0x2a: {  	[tilespmem:s10+$0x5470] =	vst v0  }
0x2b: {  	[tilespmem:s10+$0x5400] =	vst v0  }
0x2c: {  	[tilespmem:s10+$0x5410] =	vst v0  }
0x2d: {  	[tilespmem:s10+$0x5420] =	vst v0  }
0x2e: {  	[tilespmem:s10+$0x5430] =	vst v0  }
0x2f: {  	[tilespmem:s10+$0x5440] =	vst v0  }
0x30: {  	[tilespmem:s10+$0x5450] =	vst v0  }
0x31: {  	[tilespmem:s10+$0x5460] =	vst v0  }
0x32: {  	[spmem:s25] =	stream.linear.scatter [tilespmem:s29], [sflag:$0x7], $0x2800, $0x38;
	[tilespmem:$0x1F900] =	vst v63  }
0x33: {  	_ =	swait.ge [sflag:s30], $0x2800  }
0x34: {  	[sflag:s30] =	ssyncset.done $0x0  }
0x35: {  	s4 =	rddreg [dreg:$0x9];
	[sflag:s30] =	ssyncadd.s32 $0xFFFFD800  }
0x36: {  	[spmem:s4] =	stream.linear.scatter [tilespmem:s29], [sflag:$0x7], $0x2800, $0x38;
	[tilespmem:$0x1F900] =	vst v63  }
0x37: {  	_ =	swait.ge [sflag:s30], $0x2800  }
0x38: {  	[sflag:s30] =	ssyncset.done $0x0  }
0x39: {  	s5 =	rddreg [dreg:$0xa];
	[sflag:s30] =	ssyncadd.s32 $0xFFFFD800  }
0x3a: {  	[spmem:s5] =	stream.linear.scatter [tilespmem:s29], [sflag:$0x7], $0x2800, $0x38;
	[tilespmem:$0x1F900] =	vst v63  }
0x3b: {  	_ =	swait.ge [sflag:s30], $0x2800  }
0x3c: {  	[sflag:s30] =	ssyncset.done $0x0  }
0x3d: {  	s10 =	rddreg [dreg:$0xb];
	[sflag:s30] =	ssyncadd.s32 $0xFFFFD800  }
0x3e: {  	[spmem:s10] =	stream.linear.scatter [tilespmem:s29], [sflag:$0x7], $0x2800, $0x38;
	[tilespmem:$0x1F900] =	vst v63  }
0x3f: {  	_ =	swait.ge [sflag:s30], $0x2800  }
0x40: {  	[sflag:s30] =	ssyncset.done $0x0  }
0x41: {  	s16 =	rddreg [dreg:$0xc];
	[sflag:s30] =	ssyncadd.s32 $0xFFFFD800  }
0x42: {  	[spmem:s16] =	stream.linear.scatter [tilespmem:s29], [sflag:$0x7], $0x2800, $0x38;
	[tilespmem:$0x1F900] =	vst v63  }
0x43: {  	_ =	swait.ge [sflag:s30], $0x2800  }
0x44: {  	[sflag:s30] =	ssyncset.done $0x0  }
0x45: {  	s25 =	rddreg [dreg:$0xd];
	[sflag:s30] =	ssyncadd.s32 $0xFFFFD800  }
0x46: {  	[spmem:s25] =	stream.linear.scatter [tilespmem:s29], [sflag:$0x7], $0x2800, $0x38;
	[tilespmem:$0x1F900] =	vst v63  }
0x47: {  	_ =	swait.ge [sflag:s30], $0x2800  }
0x48: {  	[sflag:s30] =	ssyncset.done $0x0  }
0x49: {  	s26 =	rddreg [dreg:$0x16];
	[sflag:s30] =	ssyncadd.s32 $0xFFFFD800  }
0x4a: {  	[spmem:s26] =	stream.linear.scatter [tilespmem:s29], [sflag:$0x7], $0x2800, $0x38;
	[tilespmem:$0x1F900] =	vst v63  }
0x4b: {  	_ =	swait.ge [sflag:s30], $0x2800  }
0x4c: {  	[sflag:s30] =	ssyncset.done $0x0  }
0x4d: {  	s5 =	rddreg [dreg:$0x17];
	[sflag:s30] =	ssyncadd.s32 $0xFFFFD800  }
0x4e: {  	[spmem:s5] =	stream.linear.scatter [tilespmem:s29], [sflag:$0x7], $0x2800, $0x38;
	[tilespmem:$0x1F900] =	vst v63  }
0x4f: {  	_ =	swait.ge [sflag:s30], $0x2800  }
0x50: {  	[sflag:s30] =	ssyncset.done $0x0  }
0x51: {  	[sflag:s30] =	ssyncadd.s32 $0xFFFFD800  }
0x52: {  	[tilespmem:$0x1F680] =	vst v0  }
0x53: {  	[tilespmem:$0x1F690] =	vst v0  }
0x54: {  	[tilespmem:$0x1F6A0] =	vst v0  }
0x55: {  	[tilespmem:$0x1F6B0] =	vst v0  }
0x56: {  	[tilespmem:$0x1F6C0] =	vst v0  }
0x57: {  	[tilespmem:$0x1F6D0] =	vst v0  }
0x58: {  	[tilespmem:$0x1F6E0] =	vst v0  }
0x59: {  	[tilespmem:$0x1F6F0] =	vst v0  }
0x5a: {  	[tilespmem:$0x1F700] =	vst v0  }
0x5b: {  	[tilespmem:$0x1F710] =	vst v0  }
0x5c: {  	[tilespmem:$0x1F720] =	vst v0  }
0x5d: {  	[tilespmem:$0x1F730] =	vst v0  }
0x5e: {  	[tilespmem:$0x1F740] =	vst v0  }
0x5f: {  	[tilespmem:$0x1F750] =	vst v0  }
0x60: {  	[tilespmem:$0x1F760] =	vst v0  }
0x61: {  	[tilespmem:$0x1F770] =	vst v0  }
0x62: {  	[tilespmem:$0x1F780] =	vst v0  }
0x63: {  	[tilespmem:$0x1F790] =	vst v0  }
0x64: {  	[tilespmem:$0x1F7A0] =	vst v0  }
0x65: {  	[tilespmem:$0x1F7B0] =	vst v0  }
0x66: {  	[tilespmem:$0x1F7C0] =	vst v0  }
0x67: {  	[tilespmem:$0x1F7D0] =	vst v0  }
0x68: {  	[tilespmem:$0x1F7E0] =	vst v0  }
0x69: {  	[tilespmem:$0x1F7F0] =	vst v0  }
0x6a: {  	[tilespmem:$0x1F800] =	vst v0  }
0x6b: {  	[tilespmem:$0x1F810] =	vst v0  }
0x6c: {  	[tilespmem:$0x1F820] =	vst v0  }
0x6d: {  	[tilespmem:$0x1F830] =	vst v0  }
0x6e: {  	[tilespmem:$0x1F840] =	vst v0  }
0x6f: {  	[tilespmem:$0x1F850] =	vst v0  }
0x70: {  	[tilespmem:$0x1F860] =	vst v0  }
0x71: {  	[tilespmem:$0x1F870] =	vst v0  }
0x72: {  	[tilespmem:$0x1F880] =	vst v0  }
0x73: {  	[tilespmem:$0x1F890] =	vst v0  }
0x74: {  	[tilespmem:$0x1F8A0] =	vst v0  }
0x75: {  	[tilespmem:$0x1F8B0] =	vst v0  }
0x76: {  	[tilespmem:$0x1F8C0] =	vst v0  }
0x77: {  	[tilespmem:$0x1F8D0] =	vst v0  }
0x78: {  	[tilespmem:$0x1F8E0] =	vst v0  }
0x79: {  	s10 =	simm.s32 $0x1F680;
	[tilespmem:$0x1F8F0] =	vst v0  }
0x7a: {  	[spmem:s11] =	stream.linear.scatter [tilespmem:s10], [sflag:$0x7], $0x280, $0x38;
	[tilespmem:$0x1F900] =	vst v63  }
0x7b: {  	_ =	swait.ge [sflag:s30], $0x280  }
0x7c: {  	[sflag:s30] =	ssyncset.done $0x0  }
0x7d: {  	s26 =	simm.s32 $0x0;
	s16 =	rddreg [dreg:$0x6];
	[sflag:s30] =	ssyncadd.s32 $0xFFFFFD80  }
0x7e: {  	[tilespmem:s26], [sflag:$0x7] =	stream.linear.gather [hbm4b:s16+s26], $0x2800, $0x38;
	[tilespmem:$0x1F900] =	vst v63  }
0x7f: {  	_ =	swait.ge [sflag:s30], $0x2800  }
0x80: {  	[sflag:s30] =	ssyncset.done $0x0  }
0x81: {  	s25 =	rddreg [dreg:$0x7];
	[sflag:s30] =	ssyncadd.s32 $0xFFFFD800  }
0x82: {  	[tilespmem:s0], [sflag:$0x7] =	stream.linear.gather [hbm4b:s25+s26], $0x2800, $0x38;
	[tilespmem:$0x1F900] =	vst v63  }
0x83: {  	_ =	swait.ge [sflag:s30], $0x2800  }
0x84: {  	[sflag:s30] =	ssyncset.done $0x0  }
0x85: {  	[sflag:s30] =	ssyncadd.s32 $0xFFFFD800  }
0x86: {  	[bflag:$0x0] =	sbarrier.arrive $0xFFFF  }
0x87: {  	s5 =	rddreg [dreg:$0xf]  }
0x88: {  	[tilespmem:s31], [sflag:$0x7] =	stream.linear.gather [hbm4b:s5+s26], $0x60, $0x38;
	[tilespmem:$0x1F900] =	vst v63  }
0x89: {  	_ =	swait.ge [sflag:s30], $0x60  }
0x8a: {  	[sflag:s30] =	ssyncset.done $0x0  }
0x8b: {  	s5 =	simm.s32 $0x5100;
	s10 =	rddreg [dreg:$0x10];
	[sflag:s30] =	ssyncadd.s32 $0xFFFFFFA0  }
0x8c: {  	[tilespmem:s5], [sflag:$0x7] =	stream.linear.gather [hbm4b:s10+s26], $0x60, $0x38;
	[tilespmem:$0x1F900] =	vst v63  }
0x8d: {  	_ =	swait.ge [sflag:s30], $0x60  }
0x8e: {  	[sflag:s30] =	ssyncset.done $0x0  }
0x8f: {  	[sflag:s30] =	ssyncadd.s32 $0xFFFFFFA0  }
0x90: {  	[tilespmem:s29], [sflag:$0x1] =	stream.indirect.gather [hbm4b:s6+s7], $0x80, s31, s7, $0xb8;
	[tilespmem:$0x1F900] =	vst v63  }
0x91: {  	s11 =	rddreg [dreg:$0x11]  }
0x92: {  	[tilespmem:s8], [sflag:$0x4] =	stream.linear.gather [hbm4b:s11+s26], $0x60, $0x38;
	[tilespmem:$0x1F900] =	vst v63  }
0x93: {  	s28 =	simm.s32 $0x0;
	s25 =	simm.s32 $0x5180;
	s16 =	rddreg [dreg:$0x12]  }
0x94: {  	[tilespmem:s25], [sflag:$0x4] =	stream.linear.gather [hbm4b:s16+s26], $0x60, $0x38;
	[tilespmem:$0x1F900] =	vst v63  }
.LBB2_4:
0x95: {  	_ =	swait.ge [sflag:s12], $0x60  }
0x96: {  	[sflag:s12] =	ssyncset.done $0x0  }
0x97: {  	[sflag:s12] =	ssyncadd.s32 $0xFFFFFFA0  }
0x98: {  	_ =	swait.ge [sflag:s12], $0x60  }
0x99: {  	p0 =	seq.s32 s28, $0x0;
	[sflag:s12] =	ssyncset.done $0x0  }
0x9a: {  	s5 =	simm.s32 @!p0 $0x6;
	[sflag:s12] =	ssyncadd.s32 $0xFFFFFFA0  }
0x9b: {  	_ =	swait.ge @!p0 [sflag:s5], $0x60  }
0x9c: {  	[sflag:s5] =	ssyncset.done @!p0 $0x0  }
0x9d: {  	[sflag:s5] =	ssyncadd.s32 @!p0 $0xFFFFFFA0  }
0x9e: {  	_ =	swait.ge @!p0 [sflag:s5], $0x3000  }
0x9f: {  	[sflag:s5] =	ssyncset.done @!p0 $0x0  }
0xa0: {  	[sflag:s5] =	ssyncadd.s32 @!p0 $0xFFFFD000  }
0xa1: {  	[tilespmem:s13], [sflag:$0x2] =	stream.indirect.gather [hbm4b:s6+s7], $0x80, s8, s7, $0xb8;
	[tilespmem:$0x1F900] =	vst v63  }
0xa2: {  	v1 =	vld [tilespmem:$0x5000]  }
0xa3: {  	v2 =	vld [tilespmem:$0x5100];
	_ =	sdelay $0x5  }
0xa4: {  	[tilespmem:$0x5200] =	vst v2  }
0xa5: {  	v1 =	vld.idx.msk [tilespmem:v1+s26+$0x0], $0xffff  }
0xa6: {  	v2 =	vld.idx.msk [tilespmem:v2+s0+$0x0], $0xffff;
	_ =	sdelay $0x4  }
0xa7: {  	v1 =	vadd.f32 v2, v1;
	_ =	sdelay $0x1  }
0xa8: {  	v2 =	vmul.f32 $2.000000030e-01, v1  }
0xa9: {  	vm0 =	vge.f32 v1, $0.0e+00  }
0xaa: {  	v1 =	vsel vm0, v1, v2  }
0xab: {  	v1 =	vmul.f32 $1.442695020e+00, v1;
	_ =	sdelay $0x1  }
0xac: {  	(erf) = vpow2.f32 v1;
	_ =	sdelay $0x2  }
0xad: {  	v1 =	vld [tilespmem:$0x5010]  }
0xae: {  	v2 =	vld [tilespmem:$0x5110];
	_ =	sdelay $0x4  }
0xaf: {  	[tilespmem:$0x5210] =	vst v2;
	v3 =	vpop (erf)  }
0xb0: {  	[tilespmem:$0x5300] =	vst v3  }
0xb1: {  	v1 =	vld.idx.msk [tilespmem:v1+s26+$0x0], $0xffff  }
0xb2: {  	v2 =	vld.idx.msk [tilespmem:v2+s0+$0x0], $0xffff;
	_ =	sdelay $0x4  }
0xb3: {  	v1 =	vadd.f32 v2, v1;
	_ =	sdelay $0x1  }
0xb4: {  	v2 =	vmul.f32 $2.000000030e-01, v1  }
0xb5: {  	vm11 =	vge.f32 v1, $0.0e+00  }
0xb6: {  	v1 =	vsel vm11, v1, v2  }
0xb7: {  	v1 =	vmul.f32 $1.442695020e+00, v1;
	_ =	sdelay $0x1  }
0xb8: {  	(erf) = vpow2.f32 v1;
	_ =	sdelay $0x2  }
0xb9: {  	v1 =	vld [tilespmem:$0x5020]  }
0xba: {  	v2 =	vld [tilespmem:$0x5120];
	_ =	sdelay $0x4  }
0xbb: {  	[tilespmem:$0x5220] =	vst v2;
	v3 =	vpop (erf)  }
0xbc: {  	[tilespmem:$0x5310] =	vst v3  }
0xbd: {  	v1 =	vld.idx.msk [tilespmem:v1+s26+$0x0], $0xffff  }
0xbe: {  	v2 =	vld.idx.msk [tilespmem:v2+s0+$0x0], $0xffff;
	_ =	sdelay $0x4  }
0xbf: {  	v1 =	vadd.f32 v2, v1;
	_ =	sdelay $0x1  }
0xc0: {  	v2 =	vmul.f32 $2.000000030e-01, v1  }
0xc1: {  	vm12 =	vge.f32 v1, $0.0e+00  }
0xc2: {  	v1 =	vsel vm12, v1, v2  }
0xc3: {  	v1 =	vmul.f32 $1.442695020e+00, v1;
	_ =	sdelay $0x1  }
0xc4: {  	(erf) = vpow2.f32 v1;
	_ =	sdelay $0x2  }
0xc5: {  	v1 =	vld [tilespmem:$0x5030]  }
0xc6: {  	v2 =	vld [tilespmem:$0x5130];
	_ =	sdelay $0x4  }
0xc7: {  	[tilespmem:$0x5230] =	vst v2;
	v3 =	vpop (erf)  }
0xc8: {  	[tilespmem:$0x5320] =	vst v3  }
0xc9: {  	v1 =	vld.idx.msk [tilespmem:v1+s26+$0x0], $0xffff  }
0xca: {  	v2 =	vld.idx.msk [tilespmem:v2+s0+$0x0], $0xffff;
	_ =	sdelay $0x4  }
0xcb: {  	v1 =	vadd.f32 v2, v1;
	_ =	sdelay $0x1  }
0xcc: {  	v2 =	vmul.f32 $2.000000030e-01, v1  }
0xcd: {  	vm13 =	vge.f32 v1, $0.0e+00  }
0xce: {  	v1 =	vsel vm13, v1, v2  }
0xcf: {  	v1 =	vmul.f32 $1.442695020e+00, v1;
	_ =	sdelay $0x1  }
0xd0: {  	(erf) = vpow2.f32 v1;
	_ =	sdelay $0x2  }
0xd1: {  	v1 =	vld [tilespmem:$0x5040]  }
0xd2: {  	v2 =	vld [tilespmem:$0x5140];
	_ =	sdelay $0x4  }
0xd3: {  	[tilespmem:$0x5240] =	vst v2;
	v3 =	vpop (erf)  }
0xd4: {  	[tilespmem:$0x5330] =	vst v3  }
0xd5: {  	v1 =	vld.idx.msk [tilespmem:v1+s26+$0x0], $0xffff  }
0xd6: {  	v2 =	vld.idx.msk [tilespmem:v2+s0+$0x0], $0xffff;
	_ =	sdelay $0x4  }
0xd7: {  	v1 =	vadd.f32 v2, v1;
	_ =	sdelay $0x1  }
0xd8: {  	v2 =	vmul.f32 $2.000000030e-01, v1  }
0xd9: {  	vm14 =	vge.f32 v1, $0.0e+00  }
0xda: {  	v1 =	vsel vm14, v1, v2  }
0xdb: {  	v1 =	vmul.f32 $1.442695020e+00, v1;
	_ =	sdelay $0x1  }
0xdc: {  	(erf) = vpow2.f32 v1;
	_ =	sdelay $0x2  }
0xdd: {  	v1 =	vld [tilespmem:$0x5050]  }
0xde: {  	v2 =	vld [tilespmem:$0x5150];
	_ =	sdelay $0x4  }
0xdf: {  	[tilespmem:$0x5250] =	vst v2;
	v3 =	vpop (erf)  }
0xe0: {  	[tilespmem:$0x5340] =	vst v3  }
0xe1: {  	v1 =	vld.idx.msk [tilespmem:v1+s26+$0x0], $0xffff  }
0xe2: {  	v2 =	vld.idx.msk [tilespmem:v2+s0+$0x0], $0xffff;
	_ =	sdelay $0x4  }
0xe3: {  	v1 =	vadd.f32 v2, v1;
	_ =	sdelay $0x1  }
0xe4: {  	v2 =	vmul.f32 $2.000000030e-01, v1  }
0xe5: {  	vm15 =	vge.f32 v1, $0.0e+00  }
0xe6: {  	v1 =	vsel vm15, v1, v2  }
0xe7: {  	v1 =	vmul.f32 $1.442695020e+00, v1;
	_ =	sdelay $0x1  }
0xe8: {  	(erf) = vpow2.f32 v1;
	_ =	sdelay $0x7  }
0xe9: {  	s16 =	sshll.u32 s28, $0x1  }
0xea: {  	s10 =	smin.u32 s16, $0x69;
	v1 =	vpop (erf)  }
0xeb: {  	s5 =	smul.u32 $0x60, s10;
	s10 =	simm.s32 $0x6;
	[tilespmem:$0x5350] =	vst v1;
	v1 =	vmov s26  }
0xec: {  	v2 =	vmov s10;
	[spmem:s3] =	stream.indirect.scatter.add.f32 [tilespmem:s15], [sflag:$0x5], $0x1, s14, s7, $0xb8;
	v1 =	vand.u32 $0xFFFFFFF8, v1;
	[tilespmem:$0x1F900] =	vst v63  }
0xed: {  	s5 =	sadd.s32 s5, s21;
	v2 =	vand.u32 $0xFFFFFFFE, v2;
	_ =	swait.ge [sflag:s17], $0x3000;
	v1 =	vbroadcast v1, $0x0  }
0xee: {  	s5 =	sshrl.u32 s5, $0x3;
	v2 =	vbroadcast v2, $0x0;
	[sflag:s17] =	ssyncset.done $0x0  }
0xef: {  	s11 =	sadd.s32 s1, s5;
	[sflag:s17] =	ssyncadd.s32 $0xFFFFD000  }
0xf0: {  	[tilespmem:s31], [sflag:$0x3] =	stream.linear.gather [hbm4b:s11+s26], $0x60, $0x38;
	[tilespmem:$0x1F900] =	vst v63  }
0xf1: {  	s4 =	simm.s32 $0x5100;
	s5 =	sadd.s32 s9, s5  }
0xf2: {  	[tilespmem:s4], [sflag:$0x3] =	stream.linear.gather [hbm4b:s5+s26], $0x60, $0x38;
	[tilespmem:$0x1F900] =	vst v63  }
0xf3: {  	v1 =	vld.idx.msk [tilespmem:v1+s15+$0x0], $0xffff  }
0xf4: {  	s25 =	simm.s32 $0x1;
	s10 =	simm.s32 $0x5600;
	v2 =	vld.idx.msk [tilespmem:v2+s15+$0x0], $0xffff  }
0xf5: {  	v3 =	vmov s25;
	v4 =	vld [tilespmem:s10+$0x170]  }
0xf6: {  	v3 =	vand.u32 $0xFFFFFFF9, v3;
	v5 =	vld [tilespmem:s10+$0xFFFFFE00]  }
0xf7: {  	v3 =	vbroadcast v3, $0x0;
	v6 =	vld [tilespmem:s10+$0xFFFFFE10]  }
0xf8: {  	v7 =	vld [tilespmem:s10+$0xFFFFFE20]  }
0xf9: {  	v8 =	vld [tilespmem:s10+$0xFFFFFE30]  }
0xfa: {  	v9 =	vld [tilespmem:s10+$0xFFFFFE40]  }
0xfb: {  	v10 =	vld [tilespmem:s10+$0xFFFFFE50]  }
0xfc: {  	v11 =	vld [tilespmem:s10+$0xFFFFFE60]  }
0xfd: {  	v3 =	vld.idx.msk [tilespmem:v3+s15+$0x0], $0xffff  }
0xfe: {  	v12 =	vld [tilespmem:s10+$0xFFFFFE70]  }
0xff: {  	v13 =	vld [tilespmem:s10+$0xFFFFFE80];
	v5 =	vmul.f32 v5, v1  }
0x100: {  	v14 =	vld [tilespmem:s10+$0xFFFFFE90];
	v4 =	vmul.f32 v4, v2  }
0x101: {  	v15 =	vld [tilespmem:s10+$0xFFFFFEA0];
	v6 =	vmul.f32 v6, v1;
	[tilespmem:s10+$0xFFFFFE00] =	vst v5  }
0x102: {  	s4 =	simm.s32 $0x2;
	v16 =	vld [tilespmem:s10+$0xFFFFFEB0];
	v8 =	vmul.f32 v8, v1;
	[tilespmem:s10+$0x170] =	vst v4  }
0x103: {  	v9 =	vmul.f32 v9, v1;
	v5 =	vmov s4;
	v4 =	vmul.f32 v7, v1;
	v7 =	vld [tilespmem:s10+$0xFFFFFEC0];
	[tilespmem:s10+$0xFFFFFE10] =	vst v6  }
0x104: {  	v6 =	vmul.f32 v13, v3;
	v13 =	vld [tilespmem:s10+$0xFFFFFED0];
	[tilespmem:s10+$0xFFFFFE30] =	vst v8;
	v5 =	vand.u32 $0xFFFFFFFA, v5  }
0x105: {  	v8 =	vmul.f32 v10, v1;
	v10 =	vld [tilespmem:s10+$0xFFFFFEF0];
	[tilespmem:s10+$0xFFFFFE40] =	vst v9;
	v5 =	vbroadcast v5, $0x0  }
0x106: {  	v9 =	vmul.f32 v11, v1;
	v11 =	vld [tilespmem:s10+$0xFFFFFF00];
	[tilespmem:s10+$0xFFFFFE20] =	vst v4  }
0x107: {  	v1 =	vmul.f32 v12, v1;
	v12 =	vld [tilespmem:s10+$0xFFFFFF20];
	[tilespmem:s10+$0xFFFFFE80] =	vst v6  }
0x108: {  	s11 =	simm.s32 $0x3;
	v4 =	vld [tilespmem:s10+$0xFFFFFEE0];
	[tilespmem:s10+$0xFFFFFE50] =	vst v8  }
0x109: {  	v6 =	vmov s11;
	v8 =	vld [tilespmem:s10+$0xFFFFFF10];
	[tilespmem:s10+$0xFFFFFE60] =	vst v9;
	v9 =	vmul.f32 v14, v3  }
0x10a: {  	[tilespmem:s10+$0xFFFFFE70] =	vst v1;
	v1 =	vmul.f32 v15, v3;
	v14 =	vld [tilespmem:s10+$0xFFFFFF30];
	v6 =	vand.u32 $0xFFFFFFFB, v6  }
0x10b: {  	v6 =	vbroadcast v6, $0x0;
	[tilespmem:s10+$0xFFFFFE90] =	vst v9;
	v9 =	vmul.f32 v16, v3;
	v5 =	vld.idx.msk [tilespmem:v5+s15+$0x0], $0xffff  }
0x10c: {  	v15 =	vld [tilespmem:s10+$0xFFFFFF40];
	[tilespmem:s10+$0xFFFFFEA0] =	vst v1;
	v7 =	vmul.f32 v7, v3  }
0x10d: {  	v13 =	vmul.f32 v13, v3;
	[tilespmem:s10+$0xFFFFFEB0] =	vst v9;
	v9 =	vld [tilespmem:s10+$0xFFFFFF60]  }
0x10e: {  	[tilespmem:s10+$0xFFFFFEC0] =	vst v7;
	v4 =	vmul.f32 v4, v3;
	v7 =	vld [tilespmem:s10+$0xFFFFFF70]  }
0x10f: {  	[tilespmem:s10+$0xFFFFFED0] =	vst v13;
	v3 =	vmul.f32 v10, v3;
	v10 =	vld [tilespmem:s10+$0xFFFFFF80]  }
0x110: {  	v13 =	vld [tilespmem:s10+$0xFFFFFFB0];
	[tilespmem:s10+$0xFFFFFEE0] =	vst v4;
	v1 =	vmul.f32 v11, v5  }
0x111: {  	[tilespmem:s10+$0xFFFFFEF0] =	vst v3;
	v6 =	vld.idx.msk [tilespmem:v6+s15+$0x0], $0xffff;
	v4 =	vmul.f32 v8, v5  }
0x112: {  	s25 =	simm.s32 $0x4;
	v11 =	vld [tilespmem:s10+$0xFFFFFF50];
	v3 =	vmul.f32 v12, v5;
	[tilespmem:s10+$0xFFFFFF00] =	vst v1  }
0x113: {  	v8 =	vld [tilespmem:s10+$0xFFFFFF90];
	v9 =	vmul.f32 v9, v5;
	v1 =	vmov s25;
	[tilespmem:s10+$0xFFFFFF10] =	vst v4  }
0x114: {  	v12 =	vld [tilespmem:s10+$0xFFFFFFA0];
	v4 =	vmul.f32 v14, v5;
	[tilespmem:s10+$0xFFFFFF20] =	vst v3;
	v1 =	vand.u32 $0xFFFFFFFC, v1  }
0x115: {  	v3 =	vmul.f32 v15, v5;
	v14 =	vld [tilespmem:s10+$0xFFFFFFC0];
	[tilespmem:s10+$0xFFFFFF60] =	vst v9;
	v1 =	vbroadcast v1, $0x0  }
0x116: {  	v9 =	vld [tilespmem:s10+$0x0];
	[tilespmem:s10+$0xFFFFFF30] =	vst v4;
	v4 =	vmul.f32 v10, v6  }
0x117: {  	s4 =	simm.s32 $0x5;
	v10 =	vld [tilespmem:s10+$0xFFFFFFD0];
	[tilespmem:s10+$0xFFFFFF40] =	vst v3;
	v11 =	vmul.f32 v11, v5  }
0x118: {  	v3 =	vld [tilespmem:s10+$0xFFFFFFE0];
	v5 =	vmul.f32 v7, v5;
	[tilespmem:s10+$0xFFFFFF80] =	vst v4;
	v4 =	vmov s4  }
0x119: {  	v7 =	vld [tilespmem:s10+$0xFFFFFFF0];
	v8 =	vmul.f32 v8, v6;
	[tilespmem:s10+$0xFFFFFF50] =	vst v11;
	v4 =	vand.u32 $0xFFFFFFFD, v4  }
0x11a: {  	[tilespmem:s10+$0xFFFFFF70] =	vst v5;
	v5 =	vmul.f32 v12, v6;
	v11 =	vld [tilespmem:s10+$0x10];
	v4 =	vbroadcast v4, $0x0  }
0x11b: {  	[tilespmem:s10+$0xFFFFFF90] =	vst v8;
	v8 =	vmul.f32 v13, v6;
	v1 =	vld.idx.msk [tilespmem:v1+s15+$0x0], $0xffff  }
0x11c: {  	v12 =	vld [tilespmem:s10+$0x20];
	[tilespmem:s10+$0xFFFFFFA0] =	vst v5;
	v5 =	vmul.f32 v14, v6  }
0x11d: {  	v13 =	vld [tilespmem:s10+$0x30];
	[tilespmem:s10+$0xFFFFFFB0] =	vst v8;
	v8 =	vmul.f32 v10, v6  }
0x11e: {  	v10 =	vld [tilespmem:s10+$0x40];
	v3 =	vmul.f32 v3, v6;
	[tilespmem:s10+$0xFFFFFFC0] =	vst v5  }
0x11f: {  	v6 =	vmul.f32 v7, v6;
	[tilespmem:s10+$0xFFFFFFD0] =	vst v8;
	v8 =	vld [tilespmem:s10+$0x60]  }
0x120: {  	[tilespmem:s10+$0xFFFFFFE0] =	vst v3;
	v4 =	vld.idx.msk [tilespmem:v4+s15+$0x0], $0xffff;
	v5 =	vmul.f32 v9, v1  }
0x121: {  	[tilespmem:s10+$0xFFFFFFF0] =	vst v6;
	v9 =	vld [tilespmem:s10+$0x50];
	v6 =	vmul.f32 v12, v1  }
0x122: {  	v3 =	vmul.f32 v11, v1;
	v11 =	vld [tilespmem:s10+$0x90];
	[tilespmem:s10+$0x0] =	vst v5  }
0x123: {  	v7 =	vld [tilespmem:s10+$0x80];
	[tilespmem:s10+$0x20] =	vst v6;
	v6 =	vmul.f32 v10, v1  }
0x124: {  	v5 =	vld [tilespmem:s10+$0x70];
	[tilespmem:s10+$0x10] =	vst v3;
	v3 =	vmul.f32 v13, v1  }
0x125: {  	v10 =	vld [tilespmem:s10+$0xA0];
	[tilespmem:s10+$0x40] =	vst v6;
	v6 =	vmul.f32 v8, v1  }
0x126: {  	[tilespmem:s10+$0x30] =	vst v3;
	v8 =	vld [tilespmem:s10+$0xC0];
	v3 =	vmul.f32 v9, v1  }
0x127: {  	v9 =	vld [tilespmem:s10+$0xB0];
	v11 =	vmul.f32 v11, v4;
	[tilespmem:s10+$0x60] =	vst v6  }
0x128: {  	v6 =	vld [tilespmem:s10+$0xE0];
	[tilespmem:s10+$0x50] =	vst v3;
	v3 =	vmul.f32 v7, v4  }
0x129: {  	v7 =	vld [tilespmem:s10+$0xD0];
	v5 =	vmul.f32 v5, v1;
	[tilespmem:s10+$0x90] =	vst v11  }
0x12a: {  	v11 =	vld [tilespmem:s10+$0x150];
	[tilespmem:s10+$0x80] =	vst v3  }
0x12b: {  	[tilespmem:s10+$0x70] =	vst v5;
	v3 =	vmul.f32 v10, v4;
	v5 =	vld [tilespmem:s10+$0xF0]  }
0x12c: {  	v10 =	vld [tilespmem:s10+$0x100];
	v9 =	vmul.f32 v9, v4  }
0x12d: {  	s11 =	simm.s32 $0x7;
	[tilespmem:s10+$0xA0] =	vst v3;
	v3 =	vmul.f32 v8, v4;
	v8 =	vld [tilespmem:s10+$0x110]  }
0x12e: {  	v14 =	vld [tilespmem:s10+$0x180];
	v12 =	vmov s11;
	[tilespmem:s10+$0xB0] =	vst v9;
	v7 =	vmul.f32 v7, v4  }
0x12f: {  	v9 =	vld [tilespmem:s10+$0x120];
	v11 =	vmul.f32 v11, v2;
	[tilespmem:s10+$0xC0] =	vst v3  }
0x130: {  	s11 =	simm.s32 $0xA;
	v3 =	vmul.f32 v6, v4;
	v6 =	vld [tilespmem:s10+$0x130];
	[tilespmem:s10+$0xD0] =	vst v7;
	v4 =	vmul.f32 v5, v4  }
0x131: {  	s25 =	simm.s32 $0x8;
	v13 =	vmov s11;
	v5 =	vld [tilespmem:s10+$0x140];
	[tilespmem:s10+$0x150] =	vst v11  }
0x132: {  	s4 =	simm.s32 $0xF;
	s11 =	simm.s32 $0xC;
	v7 =	vmov s25;
	v10 =	vmul.f32 v10, v2;
	[tilespmem:s10+$0xF0] =	vst v4;
	v4 =	vmul.f32 v8, v2;
	v8 =	vld [tilespmem:s10+$0x160]  }
0x133: {  	s5 =	simm.s32 $0xB;
	v15 =	vmov s11;
	v1 =	vld.idx.msk [tilespmem:v12+s15+$0x0], $0xffff;
	s25 =	simm.s32 $0x9;
	[tilespmem:s10+$0xE0] =	vst v3;
	v7 =	vand.u32 $0xFFFFFFF8, v7;
	v3 =	vmov s4  }
0x134: {  	v17 =	vld [tilespmem:s10+$0x190];
	v12 =	vmov s25;
	s25 =	simm.s32 $0xD;
	[tilespmem:s10+$0x100] =	vst v10;
	v10 =	vmov s5;
	v9 =	vmul.f32 v9, v2  }
0x135: {  	v18 =	vmov s25;
	[tilespmem:s10+$0x110] =	vst v4;
	v16 =	vmul.f32 v6, v2;
	v4 =	vbroadcast v7, $0x0;
	v6 =	vld [tilespmem:s10+$0x1A0]  }
0x136: {  	v7 =	vld [tilespmem:s10+$0x1B0];
	[tilespmem:s10+$0x120] =	vst v9;
	v9 =	vmul.f32 v5, v2;
	v5 =	vand.u32 $0xFFFFFFF9, v12;
	v12 =	vand.u32 $0xFFFFFFFA, v13  }
0x137: {  	v13 =	vand.u32 $0xFFFFFFFB, v10;
	[tilespmem:s10+$0x130] =	vst v16;
	v5 =	vbroadcast v5, $0x0;
	v16 =	vmul.f32 v8, v2;
	v8 =	vld [tilespmem:s10+$0x1C0]  }
0x138: {  	v10 =	vbroadcast v12, $0x0;
	[tilespmem:s10+$0x140] =	vst v9;
	v2 =	vand.u32 $0xFFFFFFFC, v15;
	v15 =	vmul.f32 v14, v1;
	v9 =	vld [tilespmem:s10+$0x1D0]  }
0x139: {  	v11 =	vld [tilespmem:s10+$0x1E0];
	s5 =	simm.s32 $0xE;
	s25 =	simm.s32 $0x10;
	v12 =	vbroadcast v13, $0x0;
	v13 =	vmul.f32 v17, v1;
	v14 =	vand.u32 $0xFFFFFFFD, v18;
	[tilespmem:s10+$0x160] =	vst v16  }
.LBB2_5:
0x13a: {  	p0 =	slt.u32 s25, $0x58;
	v2 =	vbroadcast v2, $0x0;
	v16 =	vmov s5;
	[tilespmem:s10+$0x180] =	vst v15;
	v6 =	vmul.f32 v6, v1;
	v15 =	vld [tilespmem:s10+$0x1F0]  }
0x13b: {  	v14 =	vbroadcast v14, $0x0;
	v16 =	vand.u32 $0xFFFFFFFE, v16;
	v17 =	vld.idx.msk [tilespmem:v3+s15+$0x0], $0xffff;
	[tilespmem:s10+$0x190] =	vst v13;
	v3 =	vmul.f32 v7, v1  }
0x13c: {  	v7 =	vld.idx.msk [tilespmem:v4+s15+$0x0], $0xffff;
	v13 =	vbroadcast v16, $0x0;
	[tilespmem:s10+$0x1A0] =	vst v6;
	v4 =	vmul.f32 v8, v1  }
0x13d: {  	v6 =	vld.idx.msk [tilespmem:v5+s15+$0x0], $0xffff;
	[tilespmem:s10+$0x1B0] =	vst v3;
	v3 =	vmul.f32 v9, v1  }
0x13e: {  	v8 =	vld.idx.msk [tilespmem:v10+s15+$0x0], $0xffff;
	[tilespmem:s10+$0x1C0] =	vst v4;
	v9 =	vmul.f32 v11, v1  }
0x13f: {  	v5 =	vld.idx.msk [tilespmem:v12+s15+$0x0], $0xffff;
	[tilespmem:s10+$0x1D0] =	vst v3;
	v10 =	vmul.f32 v15, v1  }
0x140: {  	v4 =	vld.idx.msk [tilespmem:v2+s15+$0x0], $0xffff;
	[tilespmem:s10+$0x1E0] =	vst v9  }
0x141: {  	v1 =	vmov v17;
	v3 =	vld.idx.msk [tilespmem:v14+s15+$0x0], $0xffff;
	[tilespmem:s10+$0x1F0] =	vst v10  }
0x142: {  	s10 =	sadd.s32 $0x400, s10;
	v2 =	vld.idx.msk [tilespmem:v13+s15+$0x0], $0xffff  }
0x143: {  	v9 =	vld [tilespmem:s10+$0x170]  }
0x144: {  	v10 =	vld [tilespmem:s10+$0xFFFFFE00]  }
0x145: {  	v11 =	vld [tilespmem:s10+$0xFFFFFE10]  }
0x146: {  	v12 =	vld [tilespmem:s10+$0xFFFFFE20]  }
0x147: {  	v13 =	vld [tilespmem:s10+$0xFFFFFE30]  }
0x148: {  	v14 =	vld [tilespmem:s10+$0xFFFFFE40];
	v9 =	vmul.f32 v9, v2  }
0x149: {  	v10 =	vmul.f32 v10, v7;
	v15 =	vld [tilespmem:s10+$0xFFFFFE50]  }
0x14a: {  	v11 =	vmul.f32 v11, v7;
	v16 =	vld [tilespmem:s10+$0xFFFFFE60];
	[tilespmem:s10+$0x170] =	vst v9  }
0x14b: {  	[tilespmem:s10+$0xFFFFFE00] =	vst v10;
	v9 =	vmul.f32 v12, v7;
	v10 =	vld [tilespmem:s10+$0xFFFFFE70]  }
0x14c: {  	[tilespmem:s10+$0xFFFFFE10] =	vst v11;
	v11 =	vmul.f32 v13, v7;
	v12 =	vld [tilespmem:s10+$0xFFFFFE80]  }
0x14d: {  	[tilespmem:s10+$0xFFFFFE20] =	vst v9;
	v9 =	vmul.f32 v14, v7;
	v13 =	vld [tilespmem:s10+$0xFFFFFE90]  }
0x14e: {  	[tilespmem:s10+$0xFFFFFE30] =	vst v11;
	v11 =	vmul.f32 v15, v7;
	v14 =	vld [tilespmem:s10+$0xFFFFFEA0]  }
0x14f: {  	[tilespmem:s10+$0xFFFFFE40] =	vst v9;
	v9 =	vmul.f32 v16, v7;
	v15 =	vld [tilespmem:s10+$0xFFFFFEB0]  }
0x150: {  	[tilespmem:s10+$0xFFFFFE50] =	vst v11;
	v7 =	vmul.f32 v10, v7;
	v10 =	vld [tilespmem:s10+$0xFFFFFEC0]  }
0x151: {  	[tilespmem:s10+$0xFFFFFE60] =	vst v9;
	v9 =	vmul.f32 v12, v6;
	v11 =	vld [tilespmem:s10+$0xFFFFFED0]  }
0x152: {  	[tilespmem:s10+$0xFFFFFE70] =	vst v7;
	v7 =	vmul.f32 v13, v6;
	v12 =	vld [tilespmem:s10+$0xFFFFFEE0]  }
0x153: {  	[tilespmem:s10+$0xFFFFFE80] =	vst v9;
	v9 =	vmul.f32 v14, v6;
	v13 =	vld [tilespmem:s10+$0xFFFFFEF0]  }
0x154: {  	[tilespmem:s10+$0xFFFFFE90] =	vst v7;
	v7 =	vmul.f32 v15, v6;
	v14 =	vld [tilespmem:s10+$0xFFFFFF00]  }
0x155: {  	[tilespmem:s10+$0xFFFFFEA0] =	vst v9;
	v9 =	vmul.f32 v10, v6;
	v10 =	vld [tilespmem:s10+$0xFFFFFF10]  }
0x156: {  	[tilespmem:s10+$0xFFFFFEB0] =	vst v7;
	v7 =	vmul.f32 v11, v6;
	v11 =	vld [tilespmem:s10+$0xFFFFFF20]  }
0x157: {  	[tilespmem:s10+$0xFFFFFEC0] =	vst v9;
	v9 =	vmul.f32 v12, v6;
	v12 =	vld [tilespmem:s10+$0xFFFFFF30]  }
0x158: {  	[tilespmem:s10+$0xFFFFFED0] =	vst v7;
	v6 =	vmul.f32 v13, v6;
	v7 =	vld [tilespmem:s10+$0xFFFFFF40]  }
0x159: {  	[tilespmem:s10+$0xFFFFFEE0] =	vst v9;
	v9 =	vmul.f32 v14, v8;
	v13 =	vld [tilespmem:s10+$0xFFFFFF50]  }
0x15a: {  	[tilespmem:s10+$0xFFFFFEF0] =	vst v6;
	v6 =	vmul.f32 v10, v8;
	v10 =	vld [tilespmem:s10+$0xFFFFFF60]  }
0x15b: {  	[tilespmem:s10+$0xFFFFFF00] =	vst v9;
	v9 =	vmul.f32 v11, v8;
	v11 =	vld [tilespmem:s10+$0xFFFFFF70]  }
0x15c: {  	[tilespmem:s10+$0xFFFFFF10] =	vst v6;
	v6 =	vmul.f32 v12, v8;
	v12 =	vld [tilespmem:s10+$0xFFFFFF80]  }
0x15d: {  	[tilespmem:s10+$0xFFFFFF20] =	vst v9;
	v7 =	vmul.f32 v7, v8;
	v9 =	vld [tilespmem:s10+$0xFFFFFF90]  }
0x15e: {  	[tilespmem:s10+$0xFFFFFF30] =	vst v6;
	v6 =	vmul.f32 v13, v8;
	v13 =	vld [tilespmem:s10+$0xFFFFFFA0]  }
0x15f: {  	[tilespmem:s10+$0xFFFFFF40] =	vst v7;
	v7 =	vmul.f32 v10, v8;
	v10 =	vld [tilespmem:s10+$0xFFFFFFB0]  }
0x160: {  	[tilespmem:s10+$0xFFFFFF50] =	vst v6;
	v6 =	vmul.f32 v11, v8;
	v8 =	vld [tilespmem:s10+$0xFFFFFFC0]  }
0x161: {  	[tilespmem:s10+$0xFFFFFF60] =	vst v7;
	v7 =	vmul.f32 v12, v5;
	v11 =	vld [tilespmem:s10+$0xFFFFFFD0]  }
0x162: {  	[tilespmem:s10+$0xFFFFFF70] =	vst v6;
	v6 =	vmul.f32 v9, v5;
	v9 =	vld [tilespmem:s10+$0xFFFFFFE0]  }
0x163: {  	[tilespmem:s10+$0xFFFFFF80] =	vst v7;
	v7 =	vmul.f32 v13, v5;
	v12 =	vld [tilespmem:s10+$0xFFFFFFF0]  }
0x164: {  	[tilespmem:s10+$0xFFFFFF90] =	vst v6;
	v6 =	vmul.f32 v10, v5;
	v10 =	vld [tilespmem:s10+$0x0]  }
0x165: {  	[tilespmem:s10+$0xFFFFFFA0] =	vst v7;
	v7 =	vmul.f32 v8, v5;
	v8 =	vld [tilespmem:s10+$0x10]  }
0x166: {  	[tilespmem:s10+$0xFFFFFFB0] =	vst v6;
	v6 =	vmul.f32 v11, v5;
	v11 =	vld [tilespmem:s10+$0x20]  }
0x167: {  	[tilespmem:s10+$0xFFFFFFC0] =	vst v7;
	v7 =	vmul.f32 v9, v5;
	v9 =	vld [tilespmem:s10+$0x30]  }
0x168: {  	[tilespmem:s10+$0xFFFFFFD0] =	vst v6;
	v5 =	vmul.f32 v12, v5;
	v6 =	vld [tilespmem:s10+$0x40]  }
0x169: {  	[tilespmem:s10+$0xFFFFFFE0] =	vst v7;
	v7 =	vmul.f32 v10, v4;
	v10 =	vld [tilespmem:s10+$0x50]  }
0x16a: {  	[tilespmem:s10+$0xFFFFFFF0] =	vst v5;
	v5 =	vmul.f32 v8, v4;
	v8 =	vld [tilespmem:s10+$0x60]  }
0x16b: {  	[tilespmem:s10+$0x0] =	vst v7;
	v7 =	vmul.f32 v11, v4;
	v11 =	vld [tilespmem:s10+$0x70]  }
0x16c: {  	[tilespmem:s10+$0x10] =	vst v5;
	v5 =	vmul.f32 v9, v4;
	v9 =	vld [tilespmem:s10+$0x80]  }
0x16d: {  	[tilespmem:s10+$0x20] =	vst v7;
	v6 =	vmul.f32 v6, v4;
	v7 =	vld [tilespmem:s10+$0x90]  }
0x16e: {  	[tilespmem:s10+$0x30] =	vst v5;
	v5 =	vmul.f32 v10, v4;
	v10 =	vld [tilespmem:s10+$0xA0]  }
0x16f: {  	[tilespmem:s10+$0x40] =	vst v6;
	v6 =	vmul.f32 v8, v4;
	v8 =	vld [tilespmem:s10+$0xB0]  }
0x170: {  	[tilespmem:s10+$0x50] =	vst v5;
	v4 =	vmul.f32 v11, v4;
	v5 =	vld [tilespmem:s10+$0xC0]  }
0x171: {  	[tilespmem:s10+$0x60] =	vst v6;
	v6 =	vmul.f32 v9, v3;
	v9 =	vld [tilespmem:s10+$0xD0]  }
0x172: {  	[tilespmem:s10+$0x70] =	vst v4;
	v4 =	vmul.f32 v7, v3;
	v7 =	vld [tilespmem:s10+$0xE0]  }
0x173: {  	[tilespmem:s10+$0x80] =	vst v6;
	v6 =	vmul.f32 v10, v3;
	v10 =	vld [tilespmem:s10+$0xF0]  }
0x174: {  	[tilespmem:s10+$0x90] =	vst v4;
	v4 =	vmul.f32 v8, v3;
	v8 =	vld [tilespmem:s10+$0x100]  }
0x175: {  	[tilespmem:s10+$0xA0] =	vst v6;
	v5 =	vmul.f32 v5, v3;
	v6 =	vld [tilespmem:s10+$0x110]  }
0x176: {  	[tilespmem:s10+$0xB0] =	vst v4;
	v4 =	vmul.f32 v9, v3;
	v9 =	vld [tilespmem:s10+$0x120]  }
0x177: {  	[tilespmem:s10+$0xC0] =	vst v5;
	v5 =	vmul.f32 v7, v3;
	v7 =	vld [tilespmem:s10+$0x130]  }
0x178: {  	[tilespmem:s10+$0xD0] =	vst v4;
	v4 =	vmul.f32 v10, v3;
	v10 =	vld [tilespmem:s10+$0x140]  }
0x179: {  	s4 =	sadd.s32 $0x7, s25;
	v3 =	vmov s25;
	[tilespmem:s10+$0xE0] =	vst v5;
	v5 =	vmul.f32 v8, v2;
	v8 =	vld [tilespmem:s10+$0x150]  }
0x17a: {  	s5 =	sadd.s32 $0x1, s25;
	s11 =	sadd.s32 $0x2, s25;
	v11 =	vand.u32 $0xFFFFFFF8, v3;
	v3 =	vmov s4;
	[tilespmem:s10+$0xF0] =	vst v4;
	v4 =	vmul.f32 v6, v2;
	v12 =	vld [tilespmem:s10+$0x160]  }
0x17b: {  	v14 =	vmov s11;
	v13 =	vmov s5;
	s5 =	sadd.s32 $0x4, s25;
	s4 =	sadd.s32 $0x3, s25;
	[tilespmem:s10+$0x100] =	vst v5;
	v5 =	vmul.f32 v9, v2;
	v9 =	vld [tilespmem:s10+$0x180]  }
0x17c: {  	v16 =	vmov s5;
	v15 =	vmov s4;
	s4 =	sadd.s32 $0x5, s25;
	[tilespmem:s10+$0x110] =	vst v4;
	v7 =	vmul.f32 v7, v2;
	v17 =	vld [tilespmem:s10+$0x190]  }
.Ltmp1:
0x17d: {  	v4 =	vbroadcast v11, $0x0;
	v11 =	vmov s4;
	[tilespmem:s10+$0x120] =	vst v5;
	v10 =	vmul.f32 v10, v2;
	v6 =	vld [tilespmem:s10+$0x1A0];
	(pc) =	sbr.rel @p0 .LBB2_5-.Ltmp1, $4  }
0x17e: {  	v5 =	vand.u32 $0xFFFFFFF9, v13;
	v13 =	vand.u32 $0xFFFFFFFA, v14;
	[tilespmem:s10+$0x130] =	vst v7;
	v14 =	vmul.f32 v8, v2;
	v7 =	vld [tilespmem:s10+$0x1B0]  }
0x17f: {  	v18 =	vand.u32 $0xFFFFFFFB, v15;
	v5 =	vbroadcast v5, $0x0;
	[tilespmem:s10+$0x140] =	vst v10;
	v19 =	vmul.f32 v12, v2;
	v8 =	vld [tilespmem:s10+$0x1C0]  }
0x180: {  	v10 =	vbroadcast v13, $0x0;
	v2 =	vand.u32 $0xFFFFFFFC, v16;
	[tilespmem:s10+$0x150] =	vst v14;
	v15 =	vmul.f32 v9, v1;
	v9 =	vld [tilespmem:s10+$0x1D0]  }
0x181: {  	s5 =	sadd.s32 $0x6, s25;
	s25 =	sadd.s32 $0x8, s25;
	v12 =	vbroadcast v18, $0x0;
	v14 =	vand.u32 $0xFFFFFFFD, v11;
	[tilespmem:s10+$0x160] =	vst v19;
	v13 =	vmul.f32 v17, v1;
	v11 =	vld [tilespmem:s10+$0x1E0]  }
0x182: {  	_ =	sdelay $0x2  }
0x183: {  	v16 =	vld [tilespmem:s10+$0x1F0]  }
0x184: {  	v18 =	vld.idx.msk [tilespmem:v4+s15+$0x0], $0xffff  }
0x185: {  	[tilespmem:s10+$0x180] =	vst v15;
	v15 =	vbroadcast v2, $0x0;
	v2 =	vmov s5;
	v10 =	vld.idx.msk [tilespmem:v10+s15+$0x0], $0xffff  }
0x186: {  	v17 =	vand.u32 $0xFFFFFFFE, v2;
	v2 =	vld.idx.msk [tilespmem:v3+s15+$0x0], $0xffff  }
0x187: {  	s25 =	sadd.s32 $0x400, s10;
	v12 =	vld.idx.msk [tilespmem:v12+s15+$0x0], $0xffff  }
0x188: {  	v14 =	vbroadcast v14, $0x0;
	v6 =	vmul.f32 v6, v1;
	[tilespmem:s10+$0x190] =	vst v13;
	v13 =	vld [tilespmem:s25+$0x170]  }
0x189: {  	v7 =	vmul.f32 v7, v1;
	v3 =	vbroadcast v17, $0x0;
	v17 =	vld.idx.msk [tilespmem:v5+s15+$0x0], $0xffff  }
0x18a: {  	[tilespmem:s10+$0x1A0] =	vst v6;
	v6 =	vmul.f32 v8, v1;
	v8 =	vld [tilespmem:s25+$0xFFFFFE00]  }
0x18b: {  	[tilespmem:s10+$0x1B0] =	vst v7;
	v7 =	vmul.f32 v9, v1;
	v9 =	vld [tilespmem:s25+$0xFFFFFE10]  }
0x18c: {  	[tilespmem:s10+$0x1C0] =	vst v6;
	v6 =	vmul.f32 v11, v1;
	v11 =	vld [tilespmem:s25+$0xFFFFFE20]  }
0x18d: {  	[tilespmem:s10+$0x1D0] =	vst v7;
	v7 =	vld [tilespmem:s25+$0xFFFFFE30]  }
0x18e: {  	v5 =	vld.idx.msk [tilespmem:v15+s15+$0x0], $0xffff  }
0x18f: {  	v1 =	vmul.f32 v16, v1;
	v4 =	vld.idx.msk [tilespmem:v14+s15+$0x0], $0xffff  }
0x190: {  	[tilespmem:s10+$0x1E0] =	vst v6;
	v6 =	vld [tilespmem:s25+$0xFFFFFE40]  }
0x191: {  	[tilespmem:s10+$0x1F0] =	vst v1;
	v1 =	vmul.f32 v8, v18;
	v3 =	vld.idx.msk [tilespmem:v3+s15+$0x0], $0xffff  }
0x192: {  	v8 =	vld [tilespmem:s25+$0xFFFFFE50];
	v9 =	vmul.f32 v9, v18  }
0x193: {  	v14 =	vld [tilespmem:s25+$0xFFFFFE60];
	[tilespmem:s25+$0xFFFFFE00] =	vst v1;
	v1 =	vmul.f32 v11, v18  }
0x194: {  	v11 =	vld [tilespmem:s25+$0xFFFFFE70];
	[tilespmem:s25+$0xFFFFFE10] =	vst v9;
	v7 =	vmul.f32 v7, v18  }
0x195: {  	v9 =	vld [tilespmem:s25+$0xFFFFFE80];
	[tilespmem:s25+$0xFFFFFE20] =	vst v1;
	v1 =	vmul.f32 v6, v18  }
0x196: {  	v6 =	vld [tilespmem:s25+$0xFFFFFE90];
	[tilespmem:s25+$0xFFFFFE30] =	vst v7;
	v13 =	vmul.f32 v13, v3  }
0x197: {  	v7 =	vmul.f32 v8, v18;
	v8 =	vld [tilespmem:s25+$0xFFFFFEA0];
	[tilespmem:s25+$0xFFFFFE40] =	vst v1  }
0x198: {  	v1 =	vmul.f32 v14, v18;
	[tilespmem:s25+$0x170] =	vst v13;
	v13 =	vld [tilespmem:s25+$0xFFFFFEB0]  }
0x199: {  	[tilespmem:s25+$0xFFFFFE50] =	vst v7;
	v7 =	vmul.f32 v11, v18;
	v11 =	vld [tilespmem:s25+$0xFFFFFEC0]  }
0x19a: {  	[tilespmem:s25+$0xFFFFFE60] =	vst v1;
	v1 =	vmul.f32 v9, v17;
	v9 =	vld [tilespmem:s25+$0xFFFFFED0]  }
0x19b: {  	[tilespmem:s25+$0xFFFFFE70] =	vst v7;
	v6 =	vmul.f32 v6, v17;
	v7 =	vld [tilespmem:s25+$0xFFFFFEE0]  }
0x19c: {  	[tilespmem:s25+$0xFFFFFE80] =	vst v1;
	v1 =	vmul.f32 v8, v17;
	v8 =	vld [tilespmem:s25+$0xFFFFFEF0]  }
0x19d: {  	[tilespmem:s25+$0xFFFFFE90] =	vst v6;
	v6 =	vmul.f32 v13, v17;
	v13 =	vld [tilespmem:s25+$0xFFFFFF00]  }
0x19e: {  	[tilespmem:s25+$0xFFFFFEA0] =	vst v1;
	v1 =	vmul.f32 v11, v17;
	v11 =	vld [tilespmem:s25+$0xFFFFFF10]  }
0x19f: {  	[tilespmem:s25+$0xFFFFFEB0] =	vst v6;
	v6 =	vmul.f32 v9, v17;
	v9 =	vld [tilespmem:s25+$0xFFFFFF20]  }
0x1a0: {  	[tilespmem:s25+$0xFFFFFEC0] =	vst v1;
	v1 =	vmul.f32 v7, v17;
	v7 =	vld [tilespmem:s25+$0xFFFFFF30]  }
0x1a1: {  	[tilespmem:s25+$0xFFFFFED0] =	vst v6;
	v6 =	vmul.f32 v8, v17;
	v8 =	vld [tilespmem:s25+$0xFFFFFF40]  }
0x1a2: {  	[tilespmem:s25+$0xFFFFFEE0] =	vst v1;
	v1 =	vmul.f32 v13, v10;
	v13 =	vld [tilespmem:s25+$0xFFFFFF50]  }
0x1a3: {  	[tilespmem:s25+$0xFFFFFEF0] =	vst v6;
	v6 =	vmul.f32 v11, v10;
	v11 =	vld [tilespmem:s25+$0xFFFFFF60]  }
0x1a4: {  	[tilespmem:s25+$0xFFFFFF00] =	vst v1;
	v1 =	vmul.f32 v9, v10;
	v9 =	vld [tilespmem:s25+$0xFFFFFF70]  }
0x1a5: {  	[tilespmem:s25+$0xFFFFFF10] =	vst v6;
	v6 =	vmul.f32 v7, v10;
	v7 =	vld [tilespmem:s25+$0xFFFFFF80]  }
0x1a6: {  	[tilespmem:s25+$0xFFFFFF20] =	vst v1;
	v1 =	vmul.f32 v8, v10;
	v8 =	vld [tilespmem:s25+$0xFFFFFF90]  }
0x1a7: {  	[tilespmem:s25+$0xFFFFFF30] =	vst v6;
	v6 =	vmul.f32 v13, v10;
	v13 =	vld [tilespmem:s25+$0xFFFFFFA0]  }
0x1a8: {  	[tilespmem:s25+$0xFFFFFF40] =	vst v1;
	v1 =	vmul.f32 v11, v10;
	v11 =	vld [tilespmem:s25+$0xFFFFFFB0]  }
0x1a9: {  	[tilespmem:s25+$0xFFFFFF50] =	vst v6;
	v6 =	vmul.f32 v9, v10;
	v9 =	vld [tilespmem:s25+$0xFFFFFFC0]  }
0x1aa: {  	[tilespmem:s25+$0xFFFFFF60] =	vst v1;
	v1 =	vmul.f32 v7, v12;
	v7 =	vld [tilespmem:s25+$0xFFFFFFD0]  }
0x1ab: {  	[tilespmem:s25+$0xFFFFFF70] =	vst v6;
	v6 =	vmul.f32 v8, v12;
	v8 =	vld [tilespmem:s25+$0xFFFFFFE0]  }
0x1ac: {  	v10 =	vld [tilespmem:s25+$0xFFFFFFF0];
	[tilespmem:s25+$0xFFFFFF80] =	vst v1;
	v1 =	vmul.f32 v13, v12  }
0x1ad: {  	[tilespmem:s25+$0xFFFFFF90] =	vst v6;
	v6 =	vmul.f32 v11, v12;
	v11 =	vld [tilespmem:s25+$0x0]  }
0x1ae: {  	[tilespmem:s25+$0xFFFFFFA0] =	vst v1;
	v1 =	vmul.f32 v9, v12;
	v9 =	vld [tilespmem:s25+$0x10]  }
0x1af: {  	[tilespmem:s25+$0xFFFFFFB0] =	vst v6;
	v6 =	vmul.f32 v7, v12;
	v7 =	vld [tilespmem:s25+$0x20]  }
0x1b0: {  	[tilespmem:s25+$0xFFFFFFC0] =	vst v1;
	v1 =	vmul.f32 v8, v12;
	v8 =	vld [tilespmem:s25+$0x30]  }
0x1b1: {  	[tilespmem:s25+$0xFFFFFFD0] =	vst v6;
	v6 =	vmul.f32 v10, v12;
	v10 =	vld [tilespmem:s25+$0x40]  }
0x1b2: {  	[tilespmem:s25+$0xFFFFFFE0] =	vst v1;
	v1 =	vmul.f32 v11, v5;
	v11 =	vld [tilespmem:s25+$0x50]  }
0x1b3: {  	[tilespmem:s25+$0xFFFFFFF0] =	vst v6;
	v6 =	vmul.f32 v9, v5;
	v9 =	vld [tilespmem:s25+$0x60]  }
0x1b4: {  	[tilespmem:s25+$0x0] =	vst v1;
	v1 =	vmul.f32 v7, v5;
	v7 =	vld [tilespmem:s25+$0x70]  }
0x1b5: {  	[tilespmem:s25+$0x10] =	vst v6;
	v6 =	vmul.f32 v8, v5;
	v8 =	vld [tilespmem:s25+$0x80]  }
0x1b6: {  	[tilespmem:s25+$0x20] =	vst v1;
	v1 =	vmul.f32 v10, v5;
	v10 =	vld [tilespmem:s25+$0x90]  }
0x1b7: {  	[tilespmem:s25+$0x30] =	vst v6;
	v6 =	vmul.f32 v11, v5;
	v11 =	vld [tilespmem:s25+$0xA0]  }
0x1b8: {  	[tilespmem:s25+$0x40] =	vst v1;
	v1 =	vmul.f32 v9, v5;
	v9 =	vld [tilespmem:s25+$0xB0]  }
0x1b9: {  	[tilespmem:s25+$0x50] =	vst v6;
	v5 =	vmul.f32 v7, v5;
	v6 =	vld [tilespmem:s25+$0xC0]  }
0x1ba: {  	v7 =	vld [tilespmem:s25+$0xD0];
	[tilespmem:s25+$0x60] =	vst v1;
	v1 =	vmul.f32 v8, v4  }
0x1bb: {  	v8 =	vld [tilespmem:s25+$0xE0];
	[tilespmem:s25+$0x70] =	vst v5;
	v5 =	vmul.f32 v10, v4  }
0x1bc: {  	v10 =	vld [tilespmem:s25+$0xF0];
	[tilespmem:s25+$0x80] =	vst v1;
	v1 =	vmul.f32 v11, v4  }
0x1bd: {  	[tilespmem:s25+$0x90] =	vst v5;
	v5 =	vmul.f32 v9, v4;
	v9 =	vld [tilespmem:s25+$0x100]  }
0x1be: {  	[tilespmem:s25+$0xA0] =	vst v1;
	v1 =	vmul.f32 v6, v4;
	v6 =	vld [tilespmem:s25+$0x110]  }
0x1bf: {  	[tilespmem:s25+$0xB0] =	vst v5;
	v5 =	vmul.f32 v7, v4;
	v7 =	vld [tilespmem:s25+$0x120]  }
0x1c0: {  	[tilespmem:s25+$0xC0] =	vst v1;
	v1 =	vmul.f32 v8, v4;
	v8 =	vld [tilespmem:s25+$0x130]  }
0x1c1: {  	v4 =	vmul.f32 v10, v4;
	[tilespmem:s25+$0xD0] =	vst v5;
	v5 =	vld [tilespmem:s25+$0x140]  }
0x1c2: {  	[tilespmem:s25+$0xE0] =	vst v1;
	v1 =	vmul.f32 v9, v3;
	v9 =	vld [tilespmem:s25+$0x150]  }
0x1c3: {  	[tilespmem:s25+$0xF0] =	vst v4;
	v4 =	vmul.f32 v6, v3;
	v6 =	vld [tilespmem:s25+$0x160]  }
0x1c4: {  	[tilespmem:s25+$0x100] =	vst v1;
	v1 =	vmul.f32 v7, v3;
	v7 =	vld [tilespmem:s25+$0x180]  }
0x1c5: {  	[tilespmem:s25+$0x110] =	vst v4;
	v4 =	vmul.f32 v8, v3;
	v8 =	vld [tilespmem:s25+$0x190]  }
0x1c6: {  	[tilespmem:s25+$0x120] =	vst v1;
	v1 =	vmul.f32 v5, v3;
	v5 =	vld [tilespmem:s25+$0x1A0]  }
0x1c7: {  	[tilespmem:s25+$0x130] =	vst v4;
	v4 =	vmul.f32 v9, v3;
	v9 =	vld [tilespmem:s25+$0x1B0]  }
0x1c8: {  	[tilespmem:s25+$0x140] =	vst v1;
	v1 =	vmul.f32 v6, v3;
	v3 =	vld [tilespmem:s25+$0x1C0]  }
0x1c9: {  	v6 =	vld [tilespmem:s25+$0x1D0];
	[tilespmem:s25+$0x150] =	vst v4;
	v4 =	vmul.f32 v7, v2  }
0x1ca: {  	v7 =	vld [tilespmem:s25+$0x1E0];
	[tilespmem:s25+$0x160] =	vst v1;
	v1 =	vmul.f32 v8, v2  }
0x1cb: {  	[tilespmem:s25+$0x180] =	vst v4;
	v4 =	vmul.f32 v5, v2;
	v5 =	vld [tilespmem:s25+$0x1F0]  }
0x1cc: {  	[tilespmem:s25+$0x190] =	vst v1;
	v1 =	vmul.f32 v9, v2  }
0x1cd: {  	[tilespmem:s25+$0x1A0] =	vst v4;
	v3 =	vmul.f32 v3, v2  }
0x1ce: {  	[tilespmem:s25+$0x1B0] =	vst v1;
	v1 =	vmul.f32 v6, v2  }
0x1cf: {  	[tilespmem:s25+$0x1C0] =	vst v3;
	v3 =	vmul.f32 v7, v2  }
0x1d0: {  	[tilespmem:s25+$0x1D0] =	vst v1;
	v1 =	vmul.f32 v5, v2  }
0x1d1: {  	[tilespmem:s25+$0x1E0] =	vst v3  }
0x1d2: {  	[tilespmem:s25+$0x1F0] =	vst v1  }
0x1d3: {  	[spmem:s2] =	stream.indirect.scatter.add.f32 [tilespmem:s29], [sflag:$0x5], $0x80, s14, s7, $0xb8;
	[tilespmem:$0x1F900] =	vst v63  }
0x1d4: {  	_ =	swait.ge [sflag:s18], $0x60  }
0x1d5: {  	[sflag:s18] =	ssyncset.done $0x0  }
0x1d6: {  	[sflag:s18] =	ssyncadd.s32 $0xFFFFFFA0  }
0x1d7: {  	_ =	swait.ge [sflag:s18], $0x60  }
0x1d8: {  	[sflag:s18] =	ssyncset.done $0x0  }
0x1d9: {  	[sflag:s18] =	ssyncadd.s32 $0xFFFFFFA0  }
0x1da: {  	_ =	swait.ge [sflag:s19], $0x60  }
0x1db: {  	[sflag:s19] =	ssyncset.done $0x0  }
0x1dc: {  	[sflag:s19] =	ssyncadd.s32 $0xFFFFFFA0  }
0x1dd: {  	_ =	swait.ge [sflag:s19], $0x3000  }
0x1de: {  	[sflag:s19] =	ssyncset.done $0x0  }
0x1df: {  	[sflag:s19] =	ssyncadd.s32 $0xFFFFD000  }
0x1e0: {  	[tilespmem:s29], [sflag:$0x1] =	stream.indirect.gather [hbm4b:s6+s7], $0x80, s31, s7, $0xb8;
	[tilespmem:$0x1F900] =	vst v63  }
0x1e1: {  	v1 =	vld [tilespmem:$0x5080]  }
0x1e2: {  	v2 =	vld [tilespmem:$0x5180];
	_ =	sdelay $0x5  }
0x1e3: {  	s10 =	simm.s32 $0x0;
	[tilespmem:$0x5280] =	vst v2  }
0x1e4: {  	v1 =	vld.idx.msk [tilespmem:v1+s10+$0x0], $0xffff  }
0x1e5: {  	v2 =	vld.idx.msk [tilespmem:v2+s0+$0x0], $0xffff;
	_ =	sdelay $0x4  }
0x1e6: {  	v1 =	vadd.f32 v2, v1;
	_ =	sdelay $0x1  }
0x1e7: {  	v2 =	vmul.f32 $2.000000030e-01, v1  }
0x1e8: {  	vm0 =	vge.f32 v1, $0.0e+00  }
0x1e9: {  	v1 =	vsel vm0, v1, v2  }
0x1ea: {  	v1 =	vmul.f32 $1.442695020e+00, v1;
	_ =	sdelay $0x1  }
0x1eb: {  	(erf) = vpow2.f32 v1;
	_ =	sdelay $0x2  }
0x1ec: {  	v1 =	vld [tilespmem:$0x5090]  }
0x1ed: {  	v2 =	vld [tilespmem:$0x5190];
	_ =	sdelay $0x4  }
0x1ee: {  	[tilespmem:$0x5290] =	vst v2;
	v3 =	vpop (erf)  }
0x1ef: {  	[tilespmem:$0x5380] =	vst v3  }
0x1f0: {  	v1 =	vld.idx.msk [tilespmem:v1+s10+$0x0], $0xffff  }
0x1f1: {  	v2 =	vld.idx.msk [tilespmem:v2+s0+$0x0], $0xffff;
	_ =	sdelay $0x4  }
0x1f2: {  	v1 =	vadd.f32 v2, v1;
	_ =	sdelay $0x1  }
0x1f3: {  	v2 =	vmul.f32 $2.000000030e-01, v1  }
0x1f4: {  	vm11 =	vge.f32 v1, $0.0e+00  }
0x1f5: {  	v1 =	vsel vm11, v1, v2  }
0x1f6: {  	v1 =	vmul.f32 $1.442695020e+00, v1;
	_ =	sdelay $0x1  }
0x1f7: {  	(erf) = vpow2.f32 v1;
	_ =	sdelay $0x2  }
0x1f8: {  	v1 =	vld [tilespmem:$0x50A0]  }
0x1f9: {  	v2 =	vld [tilespmem:$0x51A0];
	_ =	sdelay $0x4  }
0x1fa: {  	[tilespmem:$0x52A0] =	vst v2;
	v3 =	vpop (erf)  }
0x1fb: {  	[tilespmem:$0x5390] =	vst v3  }
0x1fc: {  	v1 =	vld.idx.msk [tilespmem:v1+s10+$0x0], $0xffff  }
0x1fd: {  	v2 =	vld.idx.msk [tilespmem:v2+s0+$0x0], $0xffff;
	_ =	sdelay $0x4  }
0x1fe: {  	v1 =	vadd.f32 v2, v1;
	_ =	sdelay $0x1  }
0x1ff: {  	v2 =	vmul.f32 $2.000000030e-01, v1  }
0x200: {  	vm12 =	vge.f32 v1, $0.0e+00  }
0x201: {  	v1 =	vsel vm12, v1, v2  }
0x202: {  	v1 =	vmul.f32 $1.442695020e+00, v1;
	_ =	sdelay $0x1  }
0x203: {  	(erf) = vpow2.f32 v1;
	_ =	sdelay $0x2  }
0x204: {  	v1 =	vld [tilespmem:$0x50B0]  }
0x205: {  	v2 =	vld [tilespmem:$0x51B0];
	_ =	sdelay $0x4  }
0x206: {  	[tilespmem:$0x52B0] =	vst v2;
	v3 =	vpop (erf)  }
0x207: {  	[tilespmem:$0x53A0] =	vst v3  }
0x208: {  	v1 =	vld.idx.msk [tilespmem:v1+s10+$0x0], $0xffff  }
0x209: {  	v2 =	vld.idx.msk [tilespmem:v2+s0+$0x0], $0xffff;
	_ =	sdelay $0x4  }
0x20a: {  	v1 =	vadd.f32 v2, v1;
	_ =	sdelay $0x1  }
0x20b: {  	v2 =	vmul.f32 $2.000000030e-01, v1  }
0x20c: {  	vm13 =	vge.f32 v1, $0.0e+00  }
0x20d: {  	v1 =	vsel vm13, v1, v2  }
0x20e: {  	v1 =	vmul.f32 $1.442695020e+00, v1;
	_ =	sdelay $0x1  }
0x20f: {  	(erf) = vpow2.f32 v1;
	_ =	sdelay $0x2  }
0x210: {  	v1 =	vld [tilespmem:$0x50C0]  }
0x211: {  	v2 =	vld [tilespmem:$0x51C0];
	_ =	sdelay $0x4  }
0x212: {  	[tilespmem:$0x52C0] =	vst v2;
	v3 =	vpop (erf)  }
0x213: {  	[tilespmem:$0x53B0] =	vst v3  }
0x214: {  	v1 =	vld.idx.msk [tilespmem:v1+s10+$0x0], $0xffff  }
0x215: {  	v2 =	vld.idx.msk [tilespmem:v2+s0+$0x0], $0xffff;
	_ =	sdelay $0x4  }
0x216: {  	v1 =	vadd.f32 v2, v1;
	_ =	sdelay $0x1  }
0x217: {  	v2 =	vmul.f32 $2.000000030e-01, v1  }
0x218: {  	vm14 =	vge.f32 v1, $0.0e+00  }
0x219: {  	v1 =	vsel vm14, v1, v2  }
0x21a: {  	v1 =	vmul.f32 $1.442695020e+00, v1;
	_ =	sdelay $0x1  }
0x21b: {  	(erf) = vpow2.f32 v1;
	_ =	sdelay $0x2  }
0x21c: {  	v1 =	vld [tilespmem:$0x50D0]  }
0x21d: {  	v2 =	vld [tilespmem:$0x51D0];
	_ =	sdelay $0x4  }
0x21e: {  	[tilespmem:$0x52D0] =	vst v2;
	v3 =	vpop (erf)  }
0x21f: {  	[tilespmem:$0x53C0] =	vst v3  }
0x220: {  	v1 =	vld.idx.msk [tilespmem:v1+s10+$0x0], $0xffff  }
0x221: {  	v2 =	vld.idx.msk [tilespmem:v2+s0+$0x0], $0xffff;
	_ =	sdelay $0x4  }
0x222: {  	v1 =	vadd.f32 v2, v1;
	_ =	sdelay $0x1  }
0x223: {  	v2 =	vmul.f32 $2.000000030e-01, v1  }
0x224: {  	vm15 =	vge.f32 v1, $0.0e+00  }
0x225: {  	v1 =	vsel vm15, v1, v2  }
0x226: {  	v1 =	vmul.f32 $1.442695020e+00, v1;
	_ =	sdelay $0x1  }
0x227: {  	(erf) = vpow2.f32 v1;
	_ =	sdelay $0x8  }
0x228: {  	s4 =	smin.u32 s16, $0x68;
	v1 =	vpop (erf)  }
0x229: {  	s4 =	smul.u32 $0x60, s4;
	s25 =	simm.s32 $0x6;
	[tilespmem:$0x53D0] =	vst v1;
	v1 =	vmov s10  }
0x22a: {  	v2 =	vmov s25;
	[spmem:s3] =	stream.indirect.scatter.add.f32 [tilespmem:s23], [sflag:$0x6], $0x1, s20, s7, $0xb8;
	v1 =	vand.u32 $0xFFFFFFF8, v1;
	[tilespmem:$0x1F900] =	vst v63  }
0x22b: {  	s4 =	sadd.s32 s4, s22;
	v2 =	vand.u32 $0xFFFFFFFE, v2;
	_ =	swait.ge [sflag:s24], $0x3000;
	v1 =	vbroadcast v1, $0x0  }
0x22c: {  	s4 =	sshrl.u32 s4, $0x3;
	v2 =	vbroadcast v2, $0x0;
	[sflag:s24] =	ssyncset.done $0x0  }
0x22d: {  	s11 =	sadd.s32 s1, s4;
	[sflag:s24] =	ssyncadd.s32 $0xFFFFD000  }
0x22e: {  	[tilespmem:s8], [sflag:$0x4] =	stream.linear.gather [hbm4b:s11+s10], $0x60, $0x38;
	[tilespmem:$0x1F900] =	vst v63  }
0x22f: {  	s16 =	simm.s32 $0x5180;
	s4 =	sadd.s32 s9, s4  }
0x230: {  	[tilespmem:s16], [sflag:$0x4] =	stream.linear.gather [hbm4b:s4+s10], $0x60, $0x38;
	[tilespmem:$0x1F900] =	vst v63  }
0x231: {  	v1 =	vld.idx.msk [tilespmem:v1+s23+$0x0], $0xffff  }
0x232: {  	s25 =	simm.s32 $0x1;
	s10 =	simm.s32 $0x8600;
	v2 =	vld.idx.msk [tilespmem:v2+s23+$0x0], $0xffff  }
0x233: {  	v3 =	vmov s25;
	v4 =	vld [tilespmem:s10+$0x170]  }
0x234: {  	v3 =	vand.u32 $0xFFFFFFF9, v3;
	v5 =	vld [tilespmem:s10+$0xFFFFFE00]  }
0x235: {  	v3 =	vbroadcast v3, $0x0;
	v6 =	vld [tilespmem:s10+$0xFFFFFE10]  }
0x236: {  	v7 =	vld [tilespmem:s10+$0xFFFFFE20]  }
0x237: {  	v8 =	vld [tilespmem:s10+$0xFFFFFE30]  }
0x238: {  	v9 =	vld [tilespmem:s10+$0xFFFFFE40]  }
0x239: {  	v10 =	vld [tilespmem:s10+$0xFFFFFE50]  }
0x23a: {  	v11 =	vld [tilespmem:s10+$0xFFFFFE60]  }
0x23b: {  	v3 =	vld.idx.msk [tilespmem:v3+s23+$0x0], $0xffff  }
0x23c: {  	v12 =	vld [tilespmem:s10+$0xFFFFFE70]  }
0x23d: {  	v13 =	vld [tilespmem:s10+$0xFFFFFE80];
	v5 =	vmul.f32 v5, v1  }
0x23e: {  	v14 =	vld [tilespmem:s10+$0xFFFFFE90];
	v4 =	vmul.f32 v4, v2  }
0x23f: {  	v15 =	vld [tilespmem:s10+$0xFFFFFEA0];
	v6 =	vmul.f32 v6, v1;
	[tilespmem:s10+$0xFFFFFE00] =	vst v5  }
0x240: {  	s5 =	simm.s32 $0x2;
	v16 =	vld [tilespmem:s10+$0xFFFFFEB0];
	v8 =	vmul.f32 v8, v1;
	[tilespmem:s10+$0x170] =	vst v4  }
0x241: {  	v9 =	vmul.f32 v9, v1;
	v5 =	vmov s5;
	v4 =	vmul.f32 v7, v1;
	v7 =	vld [tilespmem:s10+$0xFFFFFEC0];
	[tilespmem:s10+$0xFFFFFE10] =	vst v6  }
0x242: {  	v6 =	vmul.f32 v13, v3;
	v13 =	vld [tilespmem:s10+$0xFFFFFED0];
	[tilespmem:s10+$0xFFFFFE30] =	vst v8;
	v5 =	vand.u32 $0xFFFFFFFA, v5  }
0x243: {  	v8 =	vmul.f32 v10, v1;
	v10 =	vld [tilespmem:s10+$0xFFFFFEF0];
	[tilespmem:s10+$0xFFFFFE40] =	vst v9;
	v5 =	vbroadcast v5, $0x0  }
0x244: {  	v9 =	vmul.f32 v11, v1;
	v11 =	vld [tilespmem:s10+$0xFFFFFF00];
	[tilespmem:s10+$0xFFFFFE20] =	vst v4  }
0x245: {  	v1 =	vmul.f32 v12, v1;
	v12 =	vld [tilespmem:s10+$0xFFFFFF20];
	[tilespmem:s10+$0xFFFFFE80] =	vst v6  }
0x246: {  	s11 =	simm.s32 $0x3;
	v4 =	vld [tilespmem:s10+$0xFFFFFEE0];
	[tilespmem:s10+$0xFFFFFE50] =	vst v8  }
0x247: {  	v6 =	vmov s11;
	v8 =	vld [tilespmem:s10+$0xFFFFFF10];
	[tilespmem:s10+$0xFFFFFE60] =	vst v9;
	v9 =	vmul.f32 v14, v3  }
0x248: {  	[tilespmem:s10+$0xFFFFFE70] =	vst v1;
	v1 =	vmul.f32 v15, v3;
	v14 =	vld [tilespmem:s10+$0xFFFFFF30];
	v6 =	vand.u32 $0xFFFFFFFB, v6  }
0x249: {  	v6 =	vbroadcast v6, $0x0;
	[tilespmem:s10+$0xFFFFFE90] =	vst v9;
	v9 =	vmul.f32 v16, v3;
	v5 =	vld.idx.msk [tilespmem:v5+s23+$0x0], $0xffff  }
0x24a: {  	v15 =	vld [tilespmem:s10+$0xFFFFFF40];
	[tilespmem:s10+$0xFFFFFEA0] =	vst v1;
	v7 =	vmul.f32 v7, v3  }
0x24b: {  	v13 =	vmul.f32 v13, v3;
	[tilespmem:s10+$0xFFFFFEB0] =	vst v9;
	v9 =	vld [tilespmem:s10+$0xFFFFFF60]  }
0x24c: {  	[tilespmem:s10+$0xFFFFFEC0] =	vst v7;
	v4 =	vmul.f32 v4, v3;
	v7 =	vld [tilespmem:s10+$0xFFFFFF70]  }
0x24d: {  	[tilespmem:s10+$0xFFFFFED0] =	vst v13;
	v3 =	vmul.f32 v10, v3;
	v10 =	vld [tilespmem:s10+$0xFFFFFF80]  }
0x24e: {  	v13 =	vld [tilespmem:s10+$0xFFFFFFB0];
	[tilespmem:s10+$0xFFFFFEE0] =	vst v4;
	v1 =	vmul.f32 v11, v5  }
0x24f: {  	[tilespmem:s10+$0xFFFFFEF0] =	vst v3;
	v6 =	vld.idx.msk [tilespmem:v6+s23+$0x0], $0xffff;
	v4 =	vmul.f32 v8, v5  }
0x250: {  	s16 =	simm.s32 $0x4;
	v11 =	vld [tilespmem:s10+$0xFFFFFF50];
	v3 =	vmul.f32 v12, v5;
	[tilespmem:s10+$0xFFFFFF00] =	vst v1  }
0x251: {  	v8 =	vld [tilespmem:s10+$0xFFFFFF90];
	v9 =	vmul.f32 v9, v5;
	v1 =	vmov s16;
	[tilespmem:s10+$0xFFFFFF10] =	vst v4  }
0x252: {  	v12 =	vld [tilespmem:s10+$0xFFFFFFA0];
	v4 =	vmul.f32 v14, v5;
	[tilespmem:s10+$0xFFFFFF20] =	vst v3;
	v1 =	vand.u32 $0xFFFFFFFC, v1  }
0x253: {  	v3 =	vmul.f32 v15, v5;
	v14 =	vld [tilespmem:s10+$0xFFFFFFC0];
	[tilespmem:s10+$0xFFFFFF60] =	vst v9;
	v1 =	vbroadcast v1, $0x0  }
0x254: {  	v9 =	vld [tilespmem:s10+$0x0];
	[tilespmem:s10+$0xFFFFFF30] =	vst v4;
	v4 =	vmul.f32 v10, v6  }
0x255: {  	s25 =	simm.s32 $0x5;
	v10 =	vld [tilespmem:s10+$0xFFFFFFD0];
	[tilespmem:s10+$0xFFFFFF40] =	vst v3;
	v11 =	vmul.f32 v11, v5  }
0x256: {  	v3 =	vld [tilespmem:s10+$0xFFFFFFE0];
	v5 =	vmul.f32 v7, v5;
	[tilespmem:s10+$0xFFFFFF80] =	vst v4;
	v4 =	vmov s25  }
0x257: {  	v7 =	vld [tilespmem:s10+$0xFFFFFFF0];
	v8 =	vmul.f32 v8, v6;
	[tilespmem:s10+$0xFFFFFF50] =	vst v11;
	v4 =	vand.u32 $0xFFFFFFFD, v4  }
0x258: {  	[tilespmem:s10+$0xFFFFFF70] =	vst v5;
	v5 =	vmul.f32 v12, v6;
	v11 =	vld [tilespmem:s10+$0x10];
	v4 =	vbroadcast v4, $0x0  }
0x259: {  	[tilespmem:s10+$0xFFFFFF90] =	vst v8;
	v8 =	vmul.f32 v13, v6;
	v1 =	vld.idx.msk [tilespmem:v1+s23+$0x0], $0xffff  }
0x25a: {  	v12 =	vld [tilespmem:s10+$0x20];
	[tilespmem:s10+$0xFFFFFFA0] =	vst v5;
	v5 =	vmul.f32 v14, v6  }
0x25b: {  	v13 =	vld [tilespmem:s10+$0x30];
	[tilespmem:s10+$0xFFFFFFB0] =	vst v8;
	v8 =	vmul.f32 v10, v6  }
0x25c: {  	v10 =	vld [tilespmem:s10+$0x40];
	v3 =	vmul.f32 v3, v6;
	[tilespmem:s10+$0xFFFFFFC0] =	vst v5  }
0x25d: {  	v6 =	vmul.f32 v7, v6;
	[tilespmem:s10+$0xFFFFFFD0] =	vst v8;
	v8 =	vld [tilespmem:s10+$0x60]  }
0x25e: {  	[tilespmem:s10+$0xFFFFFFE0] =	vst v3;
	v4 =	vld.idx.msk [tilespmem:v4+s23+$0x0], $0xffff;
	v5 =	vmul.f32 v9, v1  }
0x25f: {  	[tilespmem:s10+$0xFFFFFFF0] =	vst v6;
	v9 =	vld [tilespmem:s10+$0x50];
	v6 =	vmul.f32 v12, v1  }
0x260: {  	v3 =	vmul.f32 v11, v1;
	v11 =	vld [tilespmem:s10+$0x90];
	[tilespmem:s10+$0x0] =	vst v5  }
0x261: {  	v7 =	vld [tilespmem:s10+$0x80];
	[tilespmem:s10+$0x20] =	vst v6;
	v6 =	vmul.f32 v10, v1  }
0x262: {  	v5 =	vld [tilespmem:s10+$0x70];
	[tilespmem:s10+$0x10] =	vst v3;
	v3 =	vmul.f32 v13, v1  }
0x263: {  	v10 =	vld [tilespmem:s10+$0xA0];
	[tilespmem:s10+$0x40] =	vst v6;
	v6 =	vmul.f32 v8, v1  }
0x264: {  	[tilespmem:s10+$0x30] =	vst v3;
	v8 =	vld [tilespmem:s10+$0xC0];
	v3 =	vmul.f32 v9, v1  }
0x265: {  	v9 =	vld [tilespmem:s10+$0xB0];
	v11 =	vmul.f32 v11, v4;
	[tilespmem:s10+$0x60] =	vst v6  }
0x266: {  	s5 =	simm.s32 $0x7;
	v6 =	vld [tilespmem:s10+$0xE0];
	[tilespmem:s10+$0x50] =	vst v3;
	v3 =	vmul.f32 v7, v4  }
0x267: {  	v12 =	vmov s5;
	v7 =	vld [tilespmem:s10+$0xD0];
	v5 =	vmul.f32 v5, v1;
	[tilespmem:s10+$0x90] =	vst v11  }
0x268: {  	v11 =	vld [tilespmem:s10+$0x150];
	[tilespmem:s10+$0x80] =	vst v3  }
0x269: {  	[tilespmem:s10+$0x70] =	vst v5;
	v3 =	vmul.f32 v10, v4;
	v5 =	vld [tilespmem:s10+$0xF0]  }
0x26a: {  	v10 =	vld [tilespmem:s10+$0x100];
	v9 =	vmul.f32 v9, v4  }
0x26b: {  	[tilespmem:s10+$0xA0] =	vst v3;
	v3 =	vmul.f32 v8, v4;
	v8 =	vld [tilespmem:s10+$0x110]  }
0x26c: {  	v1 =	vld.idx.msk [tilespmem:v12+s23+$0x0], $0xffff;
	[tilespmem:s10+$0xB0] =	vst v9;
	v7 =	vmul.f32 v7, v4  }
0x26d: {  	v9 =	vld [tilespmem:s10+$0x120];
	v11 =	vmul.f32 v11, v2;
	[tilespmem:s10+$0xC0] =	vst v3  }
0x26e: {  	s25 =	simm.s32 $0x9;
	v3 =	vmul.f32 v6, v4;
	v6 =	vld [tilespmem:s10+$0x130];
	[tilespmem:s10+$0xD0] =	vst v7;
	v4 =	vmul.f32 v5, v4  }
0x26f: {  	s11 =	simm.s32 $0x8;
	v12 =	vmov s25;
	v5 =	vld [tilespmem:s10+$0x140];
	[tilespmem:s10+$0x150] =	vst v11  }
0x270: {  	s25 =	simm.s32 $0xD;
	v7 =	vmov s11;
	v10 =	vmul.f32 v10, v2;
	s11 =	simm.s32 $0xA;
	[tilespmem:s10+$0xF0] =	vst v4;
	v4 =	vmul.f32 v8, v2;
	v8 =	vld [tilespmem:s10+$0x160]  }
0x271: {  	s16 =	simm.s32 $0xF;
	v14 =	vld [tilespmem:s10+$0x180];
	v63 =	vmov s25;
	[tilespmem:s10+$0xE0] =	vst v3;
	v7 =	vand.u32 $0xFFFFFFF8, v7;
	v13 =	vmov s11;
	s11 =	simm.s32 $0xB  }
0x272: {  	v17 =	vld [tilespmem:s10+$0x190];
	v3 =	vmov s16;
	s16 =	simm.s32 $0xC;
	[tilespmem:s10+$0x100] =	vst v10;
	v10 =	vmov s11;
	v9 =	vmul.f32 v9, v2  }
0x273: {  	v15 =	vmov s16;
	[tilespmem:s10+$0x110] =	vst v4;
	v16 =	vmul.f32 v6, v2;
	v4 =	vbroadcast v7, $0x0;
	v6 =	vld [tilespmem:s10+$0x1A0]  }
0x274: {  	v7 =	vld [tilespmem:s10+$0x1B0];
	[tilespmem:s10+$0x120] =	vst v9;
	v9 =	vmul.f32 v5, v2;
	v5 =	vand.u32 $0xFFFFFFF9, v12;
	v12 =	vand.u32 $0xFFFFFFFA, v13  }
0x275: {  	v13 =	vand.u32 $0xFFFFFFFB, v10;
	[tilespmem:s10+$0x130] =	vst v16;
	v5 =	vbroadcast v5, $0x0;
	v16 =	vmul.f32 v8, v2;
	v8 =	vld [tilespmem:s10+$0x1C0]  }
0x276: {  	v10 =	vbroadcast v12, $0x0;
	[tilespmem:s10+$0x140] =	vst v9;
	v2 =	vand.u32 $0xFFFFFFFC, v15;
	v15 =	vmul.f32 v14, v1;
	v9 =	vld [tilespmem:s10+$0x1D0]  }
0x277: {  	s5 =	simm.s32 $0xE;
	v11 =	vld [tilespmem:s10+$0x1E0];
	s16 =	simm.s32 $0x10;
	v12 =	vbroadcast v13, $0x0;
	v13 =	vmul.f32 v17, v1;
	v14 =	vand.u32 $0xFFFFFFFD, v63;
	[tilespmem:s10+$0x160] =	vst v16  }
.LBB2_7:
0x278: {  	p0 =	slt.u32 s16, $0x58;
	v2 =	vbroadcast v2, $0x0;
	v16 =	vmov s5;
	[tilespmem:s10+$0x180] =	vst v15;
	v6 =	vmul.f32 v6, v1;
	v15 =	vld [tilespmem:s10+$0x1F0]  }
0x279: {  	v14 =	vbroadcast v14, $0x0;
	v16 =	vand.u32 $0xFFFFFFFE, v16;
	v17 =	vld.idx.msk [tilespmem:v3+s23+$0x0], $0xffff;
	[tilespmem:s10+$0x190] =	vst v13;
	v3 =	vmul.f32 v7, v1  }
0x27a: {  	v7 =	vld.idx.msk [tilespmem:v4+s23+$0x0], $0xffff;
	v13 =	vbroadcast v16, $0x0;
	[tilespmem:s10+$0x1A0] =	vst v6;
	v4 =	vmul.f32 v8, v1  }
0x27b: {  	v6 =	vld.idx.msk [tilespmem:v5+s23+$0x0], $0xffff;
	[tilespmem:s10+$0x1B0] =	vst v3;
	v3 =	vmul.f32 v9, v1  }
0x27c: {  	v8 =	vld.idx.msk [tilespmem:v10+s23+$0x0], $0xffff;
	[tilespmem:s10+$0x1C0] =	vst v4;
	v9 =	vmul.f32 v11, v1  }
0x27d: {  	v5 =	vld.idx.msk [tilespmem:v12+s23+$0x0], $0xffff;
	[tilespmem:s10+$0x1D0] =	vst v3;
	v10 =	vmul.f32 v15, v1  }
0x27e: {  	v4 =	vld.idx.msk [tilespmem:v2+s23+$0x0], $0xffff;
	[tilespmem:s10+$0x1E0] =	vst v9  }
0x27f: {  	v1 =	vmov v17;
	v3 =	vld.idx.msk [tilespmem:v14+s23+$0x0], $0xffff;
	[tilespmem:s10+$0x1F0] =	vst v10  }
0x280: {  	s10 =	sadd.s32 $0x400, s10;
	v2 =	vld.idx.msk [tilespmem:v13+s23+$0x0], $0xffff  }
0x281: {  	v9 =	vld [tilespmem:s10+$0x170]  }
0x282: {  	v10 =	vld [tilespmem:s10+$0xFFFFFE00]  }
0x283: {  	v11 =	vld [tilespmem:s10+$0xFFFFFE10]  }
0x284: {  	v12 =	vld [tilespmem:s10+$0xFFFFFE20]  }
0x285: {  	v13 =	vld [tilespmem:s10+$0xFFFFFE30]  }
0x286: {  	v14 =	vld [tilespmem:s10+$0xFFFFFE40];
	v9 =	vmul.f32 v9, v2  }
0x287: {  	v10 =	vmul.f32 v10, v7;
	v15 =	vld [tilespmem:s10+$0xFFFFFE50]  }
0x288: {  	v11 =	vmul.f32 v11, v7;
	v16 =	vld [tilespmem:s10+$0xFFFFFE60];
	[tilespmem:s10+$0x170] =	vst v9  }
0x289: {  	[tilespmem:s10+$0xFFFFFE00] =	vst v10;
	v9 =	vmul.f32 v12, v7;
	v10 =	vld [tilespmem:s10+$0xFFFFFE70]  }
0x28a: {  	[tilespmem:s10+$0xFFFFFE10] =	vst v11;
	v11 =	vmul.f32 v13, v7;
	v12 =	vld [tilespmem:s10+$0xFFFFFE80]  }
0x28b: {  	[tilespmem:s10+$0xFFFFFE20] =	vst v9;
	v9 =	vmul.f32 v14, v7;
	v13 =	vld [tilespmem:s10+$0xFFFFFE90]  }
0x28c: {  	[tilespmem:s10+$0xFFFFFE30] =	vst v11;
	v11 =	vmul.f32 v15, v7;
	v14 =	vld [tilespmem:s10+$0xFFFFFEA0]  }
0x28d: {  	[tilespmem:s10+$0xFFFFFE40] =	vst v9;
	v9 =	vmul.f32 v16, v7;
	v15 =	vld [tilespmem:s10+$0xFFFFFEB0]  }
0x28e: {  	[tilespmem:s10+$0xFFFFFE50] =	vst v11;
	v7 =	vmul.f32 v10, v7;
	v10 =	vld [tilespmem:s10+$0xFFFFFEC0]  }
0x28f: {  	[tilespmem:s10+$0xFFFFFE60] =	vst v9;
	v9 =	vmul.f32 v12, v6;
	v11 =	vld [tilespmem:s10+$0xFFFFFED0]  }
0x290: {  	[tilespmem:s10+$0xFFFFFE70] =	vst v7;
	v7 =	vmul.f32 v13, v6;
	v12 =	vld [tilespmem:s10+$0xFFFFFEE0]  }
0x291: {  	[tilespmem:s10+$0xFFFFFE80] =	vst v9;
	v9 =	vmul.f32 v14, v6;
	v13 =	vld [tilespmem:s10+$0xFFFFFEF0]  }
0x292: {  	[tilespmem:s10+$0xFFFFFE90] =	vst v7;
	v7 =	vmul.f32 v15, v6;
	v14 =	vld [tilespmem:s10+$0xFFFFFF00]  }
0x293: {  	[tilespmem:s10+$0xFFFFFEA0] =	vst v9;
	v9 =	vmul.f32 v10, v6;
	v10 =	vld [tilespmem:s10+$0xFFFFFF10]  }
0x294: {  	[tilespmem:s10+$0xFFFFFEB0] =	vst v7;
	v7 =	vmul.f32 v11, v6;
	v11 =	vld [tilespmem:s10+$0xFFFFFF20]  }
0x295: {  	[tilespmem:s10+$0xFFFFFEC0] =	vst v9;
	v9 =	vmul.f32 v12, v6;
	v12 =	vld [tilespmem:s10+$0xFFFFFF30]  }
0x296: {  	[tilespmem:s10+$0xFFFFFED0] =	vst v7;
	v6 =	vmul.f32 v13, v6;
	v7 =	vld [tilespmem:s10+$0xFFFFFF40]  }
0x297: {  	[tilespmem:s10+$0xFFFFFEE0] =	vst v9;
	v9 =	vmul.f32 v14, v8;
	v13 =	vld [tilespmem:s10+$0xFFFFFF50]  }
0x298: {  	[tilespmem:s10+$0xFFFFFEF0] =	vst v6;
	v6 =	vmul.f32 v10, v8;
	v10 =	vld [tilespmem:s10+$0xFFFFFF60]  }
0x299: {  	[tilespmem:s10+$0xFFFFFF00] =	vst v9;
	v9 =	vmul.f32 v11, v8;
	v11 =	vld [tilespmem:s10+$0xFFFFFF70]  }
0x29a: {  	[tilespmem:s10+$0xFFFFFF10] =	vst v6;
	v6 =	vmul.f32 v12, v8;
	v12 =	vld [tilespmem:s10+$0xFFFFFF80]  }
0x29b: {  	[tilespmem:s10+$0xFFFFFF20] =	vst v9;
	v7 =	vmul.f32 v7, v8;
	v9 =	vld [tilespmem:s10+$0xFFFFFF90]  }
0x29c: {  	[tilespmem:s10+$0xFFFFFF30] =	vst v6;
	v6 =	vmul.f32 v13, v8;
	v13 =	vld [tilespmem:s10+$0xFFFFFFA0]  }
0x29d: {  	[tilespmem:s10+$0xFFFFFF40] =	vst v7;
	v7 =	vmul.f32 v10, v8;
	v10 =	vld [tilespmem:s10+$0xFFFFFFB0]  }
0x29e: {  	[tilespmem:s10+$0xFFFFFF50] =	vst v6;
	v6 =	vmul.f32 v11, v8;
	v8 =	vld [tilespmem:s10+$0xFFFFFFC0]  }
0x29f: {  	[tilespmem:s10+$0xFFFFFF60] =	vst v7;
	v7 =	vmul.f32 v12, v5;
	v11 =	vld [tilespmem:s10+$0xFFFFFFD0]  }
0x2a0: {  	[tilespmem:s10+$0xFFFFFF70] =	vst v6;
	v6 =	vmul.f32 v9, v5;
	v9 =	vld [tilespmem:s10+$0xFFFFFFE0]  }
0x2a1: {  	[tilespmem:s10+$0xFFFFFF80] =	vst v7;
	v7 =	vmul.f32 v13, v5;
	v12 =	vld [tilespmem:s10+$0xFFFFFFF0]  }
0x2a2: {  	[tilespmem:s10+$0xFFFFFF90] =	vst v6;
	v6 =	vmul.f32 v10, v5;
	v10 =	vld [tilespmem:s10+$0x0]  }
0x2a3: {  	[tilespmem:s10+$0xFFFFFFA0] =	vst v7;
	v7 =	vmul.f32 v8, v5;
	v8 =	vld [tilespmem:s10+$0x10]  }
0x2a4: {  	[tilespmem:s10+$0xFFFFFFB0] =	vst v6;
	v6 =	vmul.f32 v11, v5;
	v11 =	vld [tilespmem:s10+$0x20]  }
0x2a5: {  	[tilespmem:s10+$0xFFFFFFC0] =	vst v7;
	v7 =	vmul.f32 v9, v5;
	v9 =	vld [tilespmem:s10+$0x30]  }
0x2a6: {  	[tilespmem:s10+$0xFFFFFFD0] =	vst v6;
	v5 =	vmul.f32 v12, v5;
	v6 =	vld [tilespmem:s10+$0x40]  }
0x2a7: {  	[tilespmem:s10+$0xFFFFFFE0] =	vst v7;
	v7 =	vmul.f32 v10, v4;
	v10 =	vld [tilespmem:s10+$0x50]  }
0x2a8: {  	[tilespmem:s10+$0xFFFFFFF0] =	vst v5;
	v5 =	vmul.f32 v8, v4;
	v8 =	vld [tilespmem:s10+$0x60]  }
0x2a9: {  	[tilespmem:s10+$0x0] =	vst v7;
	v7 =	vmul.f32 v11, v4;
	v11 =	vld [tilespmem:s10+$0x70]  }
0x2aa: {  	[tilespmem:s10+$0x10] =	vst v5;
	v5 =	vmul.f32 v9, v4;
	v9 =	vld [tilespmem:s10+$0x80]  }
0x2ab: {  	[tilespmem:s10+$0x20] =	vst v7;
	v6 =	vmul.f32 v6, v4;
	v7 =	vld [tilespmem:s10+$0x90]  }
0x2ac: {  	[tilespmem:s10+$0x30] =	vst v5;
	v5 =	vmul.f32 v10, v4;
	v10 =	vld [tilespmem:s10+$0xA0]  }
0x2ad: {  	[tilespmem:s10+$0x40] =	vst v6;
	v6 =	vmul.f32 v8, v4;
	v8 =	vld [tilespmem:s10+$0xB0]  }
0x2ae: {  	[tilespmem:s10+$0x50] =	vst v5;
	v4 =	vmul.f32 v11, v4;
	v5 =	vld [tilespmem:s10+$0xC0]  }
0x2af: {  	[tilespmem:s10+$0x60] =	vst v6;
	v6 =	vmul.f32 v9, v3;
	v9 =	vld [tilespmem:s10+$0xD0]  }
0x2b0: {  	[tilespmem:s10+$0x70] =	vst v4;
	v4 =	vmul.f32 v7, v3;
	v7 =	vld [tilespmem:s10+$0xE0]  }
0x2b1: {  	[tilespmem:s10+$0x80] =	vst v6;
	v6 =	vmul.f32 v10, v3;
	v10 =	vld [tilespmem:s10+$0xF0]  }
0x2b2: {  	[tilespmem:s10+$0x90] =	vst v4;
	v4 =	vmul.f32 v8, v3;
	v8 =	vld [tilespmem:s10+$0x100]  }
0x2b3: {  	[tilespmem:s10+$0xA0] =	vst v6;
	v5 =	vmul.f32 v5, v3;
	v6 =	vld [tilespmem:s10+$0x110]  }
0x2b4: {  	[tilespmem:s10+$0xB0] =	vst v4;
	v4 =	vmul.f32 v9, v3;
	v9 =	vld [tilespmem:s10+$0x120]  }
0x2b5: {  	[tilespmem:s10+$0xC0] =	vst v5;
	v5 =	vmul.f32 v7, v3;
	v7 =	vld [tilespmem:s10+$0x130]  }
0x2b6: {  	[tilespmem:s10+$0xD0] =	vst v4;
	v4 =	vmul.f32 v10, v3;
	v10 =	vld [tilespmem:s10+$0x140]  }
0x2b7: {  	s4 =	sadd.s32 $0x7, s16;
	v3 =	vmov s16;
	[tilespmem:s10+$0xE0] =	vst v5;
	v5 =	vmul.f32 v8, v2;
	v8 =	vld [tilespmem:s10+$0x150]  }
0x2b8: {  	s5 =	sadd.s32 $0x1, s16;
	s11 =	sadd.s32 $0x2, s16;
	v11 =	vand.u32 $0xFFFFFFF8, v3;
	v3 =	vmov s4;
	[tilespmem:s10+$0xF0] =	vst v4;
	v4 =	vmul.f32 v6, v2;
	v12 =	vld [tilespmem:s10+$0x160]  }
0x2b9: {  	v14 =	vmov s11;
	v13 =	vmov s5;
	s5 =	sadd.s32 $0x4, s16;
	s4 =	sadd.s32 $0x3, s16;
	[tilespmem:s10+$0x100] =	vst v5;
	v5 =	vmul.f32 v9, v2;
	v9 =	vld [tilespmem:s10+$0x180]  }
0x2ba: {  	v16 =	vmov s5;
	v15 =	vmov s4;
	s4 =	sadd.s32 $0x5, s16;
	[tilespmem:s10+$0x110] =	vst v4;
	v7 =	vmul.f32 v7, v2;
	v17 =	vld [tilespmem:s10+$0x190]  }
.Ltmp2:
0x2bb: {  	v4 =	vbroadcast v11, $0x0;
	v11 =	vmov s4;
	[tilespmem:s10+$0x120] =	vst v5;
	v10 =	vmul.f32 v10, v2;
	v6 =	vld [tilespmem:s10+$0x1A0];
	(pc) =	sbr.rel @p0 .LBB2_7-.Ltmp2, $4  }
0x2bc: {  	v5 =	vand.u32 $0xFFFFFFF9, v13;
	v13 =	vand.u32 $0xFFFFFFFA, v14;
	[tilespmem:s10+$0x130] =	vst v7;
	v14 =	vmul.f32 v8, v2;
	v7 =	vld [tilespmem:s10+$0x1B0]  }
0x2bd: {  	v18 =	vand.u32 $0xFFFFFFFB, v15;
	v5 =	vbroadcast v5, $0x0;
	[tilespmem:s10+$0x140] =	vst v10;
	v19 =	vmul.f32 v12, v2;
	v8 =	vld [tilespmem:s10+$0x1C0]  }
0x2be: {  	v10 =	vbroadcast v13, $0x0;
	v2 =	vand.u32 $0xFFFFFFFC, v16;
	[tilespmem:s10+$0x150] =	vst v14;
	v15 =	vmul.f32 v9, v1;
	v9 =	vld [tilespmem:s10+$0x1D0]  }
0x2bf: {  	s5 =	sadd.s32 $0x6, s16;
	s16 =	sadd.s32 $0x8, s16;
	v12 =	vbroadcast v18, $0x0;
	v14 =	vand.u32 $0xFFFFFFFD, v11;
	[tilespmem:s10+$0x160] =	vst v19;
	v13 =	vmul.f32 v17, v1;
	v11 =	vld [tilespmem:s10+$0x1E0]  }
0x2c0: {  	_ =	sdelay $0x2  }
0x2c1: {  	v16 =	vld [tilespmem:s10+$0x1F0]  }
0x2c2: {  	v18 =	vld.idx.msk [tilespmem:v4+s23+$0x0], $0xffff  }
0x2c3: {  	v23 =	vld.idx.msk [tilespmem:v5+s23+$0x0], $0xffff  }
0x2c4: {  	v22 =	vbroadcast v2, $0x0;
	v2 =	vmov s5;
	v10 =	vld.idx.msk [tilespmem:v10+s23+$0x0], $0xffff  }
0x2c5: {  	v17 =	vand.u32 $0xFFFFFFFE, v2;
	v2 =	vld.idx.msk [tilespmem:v3+s23+$0x0], $0xffff  }
0x2c6: {  	s16 =	sadd.s32 $0x400, s10;
	v12 =	vld.idx.msk [tilespmem:v12+s23+$0x0], $0xffff  }
0x2c7: {  	v24 =	vld [tilespmem:s16+$0x170]  }
0x2c8: {  	v26 =	vld [tilespmem:s16+$0xFFFFFE00]  }
0x2c9: {  	v28 =	vld [tilespmem:s16+$0xFFFFFE10]  }
0x2ca: {  	[tilespmem:s10+$0x180] =	vst v15;
	v6 =	vmul.f32 v6, v1;
	v30 =	vld [tilespmem:s16+$0xFFFFFE20]  }
0x2cb: {  	[tilespmem:s10+$0x190] =	vst v13;
	v7 =	vmul.f32 v7, v1;
	v31 =	vld [tilespmem:s16+$0xFFFFFE30]  }
0x2cc: {  	v32 =	vld [tilespmem:s16+$0xFFFFFE40];
	[tilespmem:s10+$0x1A0] =	vst v6;
	v25 =	vmul.f32 v8, v1  }
0x2cd: {  	v33 =	vld [tilespmem:s16+$0xFFFFFE50];
	[tilespmem:s10+$0x1B0] =	vst v7;
	v27 =	vmul.f32 v9, v1  }
0x2ce: {  	v34 =	vld [tilespmem:s16+$0xFFFFFE60];
	[tilespmem:s10+$0x1C0] =	vst v25;
	v29 =	vmul.f32 v11, v1  }
0x2cf: {  	v35 =	vld [tilespmem:s16+$0xFFFFFE70];
	[tilespmem:s10+$0x1D0] =	vst v27;
	v1 =	vmul.f32 v16, v1  }
0x2d0: {  	v36 =	vld [tilespmem:s16+$0xFFFFFE80];
	[tilespmem:s10+$0x1E0] =	vst v29;
	v9 =	vmul.f32 v28, v18  }
0x2d1: {  	v37 =	vld [tilespmem:s16+$0xFFFFFE90];
	[tilespmem:s10+$0x1F0] =	vst v1;
	v1 =	vmul.f32 v26, v18  }
0x2d2: {  	v39 =	vld [tilespmem:s16+$0xFFFFFEA0];
	v7 =	vmul.f32 v31, v18;
	[tilespmem:s16+$0xFFFFFE10] =	vst v9  }
0x2d3: {  	v40 =	vld [tilespmem:s16+$0xFFFFFEB0];
	[tilespmem:s16+$0xFFFFFE00] =	vst v1;
	v1 =	vmul.f32 v30, v18  }
0x2d4: {  	v42 =	vld [tilespmem:s16+$0xFFFFFEC0];
	v38 =	vmul.f32 v33, v18;
	[tilespmem:s16+$0xFFFFFE30] =	vst v7  }
0x2d5: {  	v43 =	vld [tilespmem:s16+$0xFFFFFED0];
	[tilespmem:s16+$0xFFFFFE20] =	vst v1;
	v1 =	vmul.f32 v32, v18  }
0x2d6: {  	v44 =	vld [tilespmem:s16+$0xFFFFFEE0];
	v41 =	vmul.f32 v35, v18;
	[tilespmem:s16+$0xFFFFFE50] =	vst v38  }
0x2d7: {  	v45 =	vld [tilespmem:s16+$0xFFFFFEF0];
	[tilespmem:s16+$0xFFFFFE40] =	vst v1;
	v1 =	vmul.f32 v34, v18  }
0x2d8: {  	v47 =	vld [tilespmem:s16+$0xFFFFFF00];
	v6 =	vmul.f32 v37, v23;
	[tilespmem:s16+$0xFFFFFE70] =	vst v41  }
0x2d9: {  	v48 =	vld [tilespmem:s16+$0xFFFFFF10];
	[tilespmem:s16+$0xFFFFFE60] =	vst v1;
	v1 =	vmul.f32 v36, v23  }
0x2da: {  	v50 =	vld [tilespmem:s16+$0xFFFFFF20];
	v46 =	vmul.f32 v40, v23;
	[tilespmem:s16+$0xFFFFFE90] =	vst v6  }
0x2db: {  	v51 =	vld [tilespmem:s16+$0xFFFFFF30];
	[tilespmem:s16+$0xFFFFFE80] =	vst v1;
	v1 =	vmul.f32 v39, v23  }
0x2dc: {  	v53 =	vld [tilespmem:s16+$0xFFFFFF40];
	v49 =	vmul.f32 v43, v23;
	[tilespmem:s16+$0xFFFFFEB0] =	vst v46  }
0x2dd: {  	v54 =	vld [tilespmem:s16+$0xFFFFFF50];
	[tilespmem:s16+$0xFFFFFEA0] =	vst v1;
	v1 =	vmul.f32 v42, v23  }
0x2de: {  	v56 =	vld [tilespmem:s16+$0xFFFFFF60];
	v52 =	vmul.f32 v45, v23;
	[tilespmem:s16+$0xFFFFFED0] =	vst v49  }
0x2df: {  	v57 =	vld [tilespmem:s16+$0xFFFFFF70];
	[tilespmem:s16+$0xFFFFFEC0] =	vst v1;
	v1 =	vmul.f32 v44, v23  }
0x2e0: {  	v14 =	vbroadcast v14, $0x0;
	v59 =	vld [tilespmem:s16+$0xFFFFFF80];
	v55 =	vmul.f32 v48, v10;
	[tilespmem:s16+$0xFFFFFEF0] =	vst v52  }
0x2e1: {  	v60 =	vld [tilespmem:s16+$0xFFFFFF90];
	[tilespmem:s16+$0xFFFFFEE0] =	vst v1;
	v1 =	vmul.f32 v47, v10  }
0x2e2: {  	v62 =	vld [tilespmem:s16+$0xFFFFFFA0];
	v58 =	vmul.f32 v51, v10;
	[tilespmem:s16+$0xFFFFFF10] =	vst v55  }
0x2e3: {  	v63 =	vld [tilespmem:s16+$0xFFFFFFB0];
	v3 =	vbroadcast v17, $0x0;
	[tilespmem:s16+$0xFFFFFF00] =	vst v1;
	v1 =	vmul.f32 v50, v10  }
0x2e4: {  	v15 =	vld [tilespmem:s16+$0xFFFFFFC0];
	v61 =	vmul.f32 v54, v10;
	[tilespmem:s16+$0xFFFFFF30] =	vst v58  }
0x2e5: {  	v19 =	vld [tilespmem:s16+$0xFFFFFFF0];
	[tilespmem:s16+$0xFFFFFF20] =	vst v1;
	v1 =	vmul.f32 v53, v10  }
0x2e6: {  	v4 =	vld.idx.msk [tilespmem:v14+s23+$0x0], $0xffff;
	v14 =	vmul.f32 v57, v10;
	[tilespmem:s16+$0xFFFFFF50] =	vst v61  }
0x2e7: {  	v5 =	vld.idx.msk [tilespmem:v22+s23+$0x0], $0xffff;
	[tilespmem:s16+$0xFFFFFF40] =	vst v1;
	v1 =	vmul.f32 v56, v10  }
0x2e8: {  	v17 =	vmul.f32 v60, v12;
	v22 =	vld [tilespmem:s16+$0x10];
	[tilespmem:s16+$0xFFFFFF70] =	vst v14  }
0x2e9: {  	v3 =	vld.idx.msk [tilespmem:v3+s23+$0x0], $0xffff;
	[tilespmem:s16+$0xFFFFFF60] =	vst v1;
	v1 =	vmul.f32 v59, v12  }
0x2ea: {  	v20 =	vmul.f32 v63, v12;
	[tilespmem:s16+$0xFFFFFF90] =	vst v17;
	v18 =	vld [tilespmem:s16+$0xFFFFFFE0]  }
0x2eb: {  	v25 =	vld [tilespmem:s16+$0x30];
	[tilespmem:s16+$0xFFFFFF80] =	vst v1;
	v1 =	vmul.f32 v62, v12  }
0x2ec: {  	v21 =	vld [tilespmem:s16+$0x0];
	v26 =	vmul.f32 v19, v12;
	[tilespmem:s16+$0xFFFFFFB0] =	vst v20  }
0x2ed: {  	v28 =	vld [tilespmem:s16+$0x50];
	[tilespmem:s16+$0xFFFFFFA0] =	vst v1;
	v1 =	vmul.f32 v15, v12  }
0x2ee: {  	[tilespmem:s16+$0xFFFFFFF0] =	vst v26;
	v29 =	vmul.f32 v22, v5;
	v13 =	vmul.f32 v24, v3;
	v24 =	vld [tilespmem:s16+$0x20]  }
0x2ef: {  	v37 =	vld [tilespmem:s16+$0xB0];
	[tilespmem:s16+$0xFFFFFFC0] =	vst v1;
	v1 =	vmul.f32 v18, v12  }
0x2f0: {  	v27 =	vld [tilespmem:s16+$0x40];
	v32 =	vmul.f32 v25, v5;
	[tilespmem:s16+$0x10] =	vst v29  }
0x2f1: {  	[tilespmem:s16+$0xFFFFFFE0] =	vst v1;
	v1 =	vmul.f32 v21, v5  }
0x2f2: {  	v30 =	vld [tilespmem:s16+$0x60];
	v35 =	vmul.f32 v28, v5;
	[tilespmem:s16+$0x30] =	vst v32  }
0x2f3: {  	v45 =	vld [tilespmem:s16+$0x110];
	[tilespmem:s16+$0x0] =	vst v1;
	v1 =	vmul.f32 v24, v5  }
0x2f4: {  	v33 =	vld [tilespmem:s16+$0x80];
	v43 =	vmul.f32 v37, v4;
	[tilespmem:s16+$0x50] =	vst v35  }
0x2f5: {  	v48 =	vld [tilespmem:s16+$0x130];
	[tilespmem:s16+$0x20] =	vst v1;
	v1 =	vmul.f32 v27, v5  }
0x2f6: {  	[tilespmem:s16+$0xB0] =	vst v43;
	v36 =	vld [tilespmem:s16+$0xA0]  }
0x2f7: {  	v34 =	vld [tilespmem:s16+$0x90];
	[tilespmem:s16+$0x40] =	vst v1;
	v1 =	vmul.f32 v30, v5  }
0x2f8: {  	v38 =	vld [tilespmem:s16+$0xC0];
	v51 =	vmul.f32 v45, v3;
	[tilespmem:s16+$0x170] =	vst v13  }
0x2f9: {  	v16 =	vld [tilespmem:s16+$0xFFFFFFD0];
	[tilespmem:s16+$0x60] =	vst v1;
	v1 =	vmul.f32 v33, v4  }
0x2fa: {  	v41 =	vld [tilespmem:s16+$0xE0];
	v54 =	vmul.f32 v48, v3;
	[tilespmem:s16+$0x110] =	vst v51  }
0x2fb: {  	v39 =	vld [tilespmem:s16+$0xD0];
	[tilespmem:s16+$0x80] =	vst v1;
	v1 =	vmul.f32 v36, v4  }
0x2fc: {  	[tilespmem:s16+$0x130] =	vst v54;
	v40 =	vmul.f32 v34, v4;
	v44 =	vld [tilespmem:s16+$0x100]  }
0x2fd: {  	v50 =	vld [tilespmem:s16+$0x150];
	[tilespmem:s16+$0xA0] =	vst v1;
	v1 =	vmul.f32 v38, v4  }
0x2fe: {  	[tilespmem:s16+$0x90] =	vst v40;
	v23 =	vmul.f32 v16, v12;
	v47 =	vld [tilespmem:s16+$0x120]  }
0x2ff: {  	v53 =	vld [tilespmem:s16+$0x180];
	[tilespmem:s16+$0xC0] =	vst v1;
	v1 =	vmul.f32 v41, v4  }
0x300: {  	v49 =	vld [tilespmem:s16+$0x140];
	v46 =	vmul.f32 v39, v4;
	[tilespmem:s16+$0xFFFFFFD0] =	vst v23  }
0x301: {  	v56 =	vld [tilespmem:s16+$0x1A0];
	[tilespmem:s16+$0xE0] =	vst v1;
	v1 =	vmul.f32 v44, v3  }
0x302: {  	v52 =	vld [tilespmem:s16+$0x160];
	[tilespmem:s16+$0xD0] =	vst v46;
	v57 =	vmul.f32 v50, v3  }
0x303: {  	v31 =	vld [tilespmem:s16+$0x70];
	[tilespmem:s16+$0x100] =	vst v1;
	v1 =	vmul.f32 v47, v3  }
0x304: {  	v55 =	vld [tilespmem:s16+$0x190];
	[tilespmem:s16+$0x150] =	vst v57;
	v59 =	vmul.f32 v53, v2  }
0x305: {  	v42 =	vld [tilespmem:s16+$0xF0];
	[tilespmem:s16+$0x120] =	vst v1;
	v1 =	vmul.f32 v49, v3  }
0x306: {  	v58 =	vld [tilespmem:s16+$0x1B0];
	[tilespmem:s16+$0x180] =	vst v59;
	v62 =	vmul.f32 v56, v2  }
0x307: {  	[tilespmem:s16+$0x140] =	vst v1;
	v1 =	vmul.f32 v52, v3;
	v3 =	vld [tilespmem:s16+$0x1C0]  }
0x308: {  	v60 =	vld [tilespmem:s16+$0x1D0];
	[tilespmem:s16+$0x1A0] =	vst v62;
	v5 =	vmul.f32 v31, v5  }
0x309: {  	v61 =	vld [tilespmem:s16+$0x1E0];
	[tilespmem:s16+$0x160] =	vst v1;
	v1 =	vmul.f32 v55, v2  }
0x30a: {  	v63 =	vld [tilespmem:s16+$0x1F0];
	[tilespmem:s16+$0x70] =	vst v5;
	v4 =	vmul.f32 v42, v4  }
0x30b: {  	[tilespmem:s16+$0x190] =	vst v1;
	v1 =	vmul.f32 v58, v2  }
0x30c: {  	s28 =	sadd.s32 $0x1, s28;
	[tilespmem:s16+$0xF0] =	vst v4;
	v3 =	vmul.f32 v3, v2  }
0x30d: {  	p0 =	sne.s32 s28, $0x36;
	[tilespmem:s16+$0x1B0] =	vst v1;
	v1 =	vmul.f32 v60, v2  }
.Ltmp3:
0x30e: {  	[tilespmem:s16+$0x1C0] =	vst v3;
	v3 =	vmul.f32 v61, v2;
	(pc) =	sbr.rel @p0 .LBB2_4-.Ltmp3, $4  }
0x30f: {  	[tilespmem:s16+$0x1D0] =	vst v1;
	v1 =	vmul.f32 v63, v2  }
0x310: {  	[tilespmem:s16+$0x1E0] =	vst v3  }
0x311: {  	[tilespmem:s16+$0x1F0] =	vst v1  }
0x312: {  	[spmem:s2] =	stream.indirect.scatter.add.f32 [tilespmem:s13], [sflag:$0x6], $0x80, s20, s7, $0xb8;
	[tilespmem:$0x1F900] =	vst v63  }
0x313: {  	_ =	swait.ge [sflag:s17], $0x3000  }
0x314: {  	[sflag:s17] =	ssyncset.done $0x0  }
0x315: {  	[sflag:s17] =	ssyncadd.s32 $0xFFFFD000  }
0x316: {  	_ =	swait.ge [sflag:s12], $0x60  }
0x317: {  	[sflag:s12] =	ssyncset.done $0x0  }
0x318: {  	[sflag:s12] =	ssyncadd.s32 $0xFFFFFFA0  }
0x319: {  	_ =	swait.ge [sflag:s12], $0x60  }
0x31a: {  	[sflag:s12] =	ssyncset.done $0x0  }
0x31b: {  	s4 =	simm.s32 $0x6;
	[sflag:s12] =	ssyncadd.s32 $0xFFFFFFA0  }
0x31c: {  	_ =	swait.ge [sflag:s4], $0x60  }
0x31d: {  	[sflag:s4] =	ssyncset.done $0x0  }
0x31e: {  	[sflag:s4] =	ssyncadd.s32 $0xFFFFFFA0  }
0x31f: {  	_ =	swait.ge [sflag:s4], $0x3000  }
0x320: {  	[sflag:s4] =	ssyncset.done $0x0  }
0x321: {  	[sflag:s4] =	ssyncadd.s32 $0xFFFFD000  }
0x322: {  	s5 =	stileid.u32;
	[bflag:$0x0] =	sbarrier.arrive $0xFFFF  }
0x323: {  	s4 =	sshll.u32 s5, $0x6;
	s25 =	rddreg [dreg:$0x8]  }
0x324: {  	s4 =	sor.u32 $0x1C07, s4;
	s10 =	rddreg [dreg:$0x13];
	s5 =	sshrl.u32 s25, $0x3  }
0x325: {  	[hbm:s10], [sflag:s4] =	dma.local [spmem:s5], $0x2800  }
0x326: {  	s16 =	simm.s32 $0x20;
	_ =	swait.ge [sflag:s30], $0x2800  }
0x327: {  	s26 =	simm.s32 $0x10;
	[sflag:s30] =	ssyncset.done $0x0;
	s11 =	rddreg [dreg:$0xe]  }
0x328: {  	s28 =	rddreg [dreg:$0x14];
	[sflag:s30] =	ssyncadd.s32 $0xFFFFD800;
	s10 =	sshrl.u32 s11, $0x3  }
0x329: {  	[hbm:s28@s16], [sflag:s4] =	dma.strided [spmem:s10@s26], $0x50, s17, $0x10   }
0x32a: {  	_ =	swait.ge [sflag:s30], $0x50  }
0x32b: {  	s26 =	rddreg [dreg:$0x5]  }
0x32c: {  	s28 =	rddreg [dreg:$0x15];
	s16 =	sadd.s32 $0x1, s26  }
0x32d: {  	p0 =	sne.s32 s16, s28  }
.Ltmp4:
0x32e: {  	_ = 	snop;
	(pc) =	sbr.rel @p0 .LBB2_1-.Ltmp4, $3  }
0x32f: {  	_ =	sdelay $0x1  }
0x330: {  	[sflag:s30] =	ssyncset.done $0x0  }
0x331: {  	[sflag:s30] =	ssyncadd.s32 $0xFFFFFFB0  }
0x332: {  	_ =	sfence.sel $0x180000  }
0x333: {  	[bflag:$0x0] =	sbarrier.arrive $0xFFFF  }
0x334: {  	_ =	strace $0x90000047  }
0x335: {  	s0 =	stileid.u32;
	[bflag:$0x2] =	sbarrier.arrive $0xFFFF  }
0x336: {  	p0 =	sne.s32 s0, $0x0;
	s0 =	rddreg [dreg:$0x4]  }
0x337: {  	s0 =	sadd.s32 @!p0 $0x100000, s0  }
0x338: {  	[sflag:s0] =	ssyncadd.tile.s32 @!p0 $0x1;
	_ =	shalt  }
.Lfunc_end2:
_tile_overlayer_lowered:
.L_overlay_start_2:
0x339: {  	(tag) =	ssettag $0x2  }
0x33a: {  	s0 =	rddreg [dreg:$0x0];
	s2 =	stileid.u32  }
0x33b: {  	s1 =	rddreg [dreg:$0x1];
	p0 =	sne.s32 s2, $0x0  }
0x33c: {  	s3 =	rddreg [dreg:$0x2];
	[bflag:$0x3] =	sbarrier.arrive $0xFFFF;
	s2 =	simm.s32 @!p0 $0x1C07  }
0x33d: {  	[timem:s3], [sflag:s2] =	dma.local @!p0 [hbm:s0], s1  }
0x33e: {  	s0 =	simm.s32 @!p0 $0x7  }
0x33f: {  	_ =	swait.ge @!p0 [sflag:s0], s1  }
0x340: {  	s1 =	ssub.s32 @!p0 $0x0, s1;
	[sflag:s0] =	ssyncset.done @!p0 $0x0  }
0x341: {  	[sflag:s0] =	ssyncadd.s32 @!p0 s1  }
0x342: {  	[bflag:$0x3] =	sbarrier.arrive $0xFFFF  }
0x343: {  	_ =	shalt  }

</sc_bundles>
